<compile_context>
chip_gen: v7x
topology: tpu7x:2x2x1
jax: 0.10.2.dev20260603
libtpu: 0.0.44.dev20260713+nightly
codegen_flags: <defaults>
</compile_context>

<pallas_src>
import jax
import jax.numpy as jnp
from jax import lax
from jax.experimental import pallas as pl
from jax.experimental.pallas import tpu as pltpu
from jax.experimental.pallas import tpu_sc as plsc

N = 10000
HEADS = 8
HID = 16
D = HEADS * HID
HD = D // 2
E = 320000
NEG = 0.2

NC = 2
NS = 16
NW = NC * NS
EPT = E // NW
CH = 80
NCH = EPT // CH
NPAD = 10240
RPT = NPAD // NS
RZ = 128


def _pre_body(xa, xp, wfa, bfa, wfp, bfp,
              ws_ap, as_ap, ad_ap,
              ws_pa, as_pa, ad_pa,
              ws_pp, as_pp, ad_pp,
              hl_ap, hh_ap, acs_ap, acd_ap,
              hl_pa, hh_pa, acs_pa, acd_pa,
              hl_pp, hh_pp, acs_pp, acd_pp):
    f32 = jnp.float32
    ha = jnp.dot(xa[...], wfa[...], preferred_element_type=f32) + bfa[0]
    hp = jnp.dot(xp[...], wfp[...], preferred_element_type=f32) + bfp[0]

    def et(hsrc, hdst, ws, a_s, a_d, hl_o, hh_o, acs_o, acd_o):
        hs = jnp.dot(hsrc, ws[...], preferred_element_type=f32)
        hl_o[...] = hs[:, :HD]
        hh_o[...] = hs[:, HD:]
        acs_o[...] = jnp.dot(hsrc, a_s[...], preferred_element_type=f32)
        acd_o[...] = jnp.dot(hdst, a_d[...], preferred_element_type=f32)

    et(ha, hp, ws_ap, as_ap, ad_ap, hl_ap, hh_ap, acs_ap, acd_ap)
    et(hp, ha, ws_pa, as_pa, ad_pa, hl_pa, hh_pa, acs_pa, acd_pa)
    et(hp, hp, ws_pp, as_pp, ad_pp, hl_pp, hh_pp, acs_pp, acd_pp)


def _sc_body(hl_ap, hh_ap, acs_ap, acd_ap, se_ap, de_ap,
             hl_pa, hh_pa, acs_pa, acd_pa, se_pa, de_pa,
             hl_pp, hh_pp, acs_pp, acd_pp, se_pp, de_pp,
             ol_ap, oh_ap, dp_ap, ol_pa, oh_pa, dp_pa, ol_pp, oh_pp, dp_pp,
             idx_s, idx_d, arow_s, arow_d, w_buf, rows, msg,
             zb_o, zb_d, out_sh, den_sh, gsem, ssem):
    c = lax.axis_index("c")
    s = lax.axis_index("s")
    wid = c * NS + s
    f32 = jnp.float32
    zv = jnp.zeros((16,), f32)

    def zrow_o(r, carry):
        for h in range(HD // 16):
            zb_o[r, pl.ds(h * 16, 16)] = zv
        return carry
    lax.fori_loop(0, RZ, zrow_o, 0)

    def zrow_d(r, carry):
        zb_d[r] = zv
        return carry
    lax.fori_loop(0, RZ, zrow_d, 0)

    for (hs_hs, acs_h, acd_h, se_h, de_h, op_hs, dp_h) in (
            ((hl_ap, hh_ap), acs_ap, acd_ap, se_ap, de_ap,
             (ol_ap, oh_ap), dp_ap),
            ((hl_pa, hh_pa), acs_pa, acd_pa, se_pa, de_pa,
             (ol_pa, oh_pa), dp_pa),
            ((hl_pp, hh_pp), acs_pp, acd_pp, se_pp, de_pp,
             (ol_pp, oh_pp), dp_pp)):
        pltpu.sync_copy(se_h.at[wid], idx_s)
        pltpu.sync_copy(de_h.at[wid], idx_d)

        for half in (0, 1):
            hs_h = hs_hs[half]
            op_h = op_hs[half]
            for jz in range(RPT // RZ):
                base = s * RPT + jz * RZ
                pltpu.sync_copy(zb_o, out_sh.at[pl.ds(base, RZ)])
                if half == 0:
                    pltpu.sync_copy(zb_d, den_sh.at[pl.ds(base, RZ)])
            plsc.subcore_barrier()

            def zmsg(e, carry):
                for h in range(HD // HID):
                    msg[e, pl.ds(h * HID, HID)] = zv
                return carry
            lax.fori_loop(0, CH, zmsg, 0)
            pltpu.async_copy(msg, out_sh.at[idx_d.at[0]], ssem, add=True)

            def chunk(j, carry):
                si = idx_s.at[j]
                di = idx_d.at[j]
                c1 = pltpu.async_copy(acs_h.at[si], arow_s, gsem)
                c2 = pltpu.async_copy(acd_h.at[di], arow_d, gsem)
                c3 = pltpu.async_copy(hs_h.at[si], rows, gsem)
                c1.wait()
                c2.wait()

                def wcomp(e, cy):
                    x = arow_s[e] + arow_d[e]
                    w_buf[e] = jnp.exp(jnp.maximum(x, NEG * x))
                    return cy
                lax.fori_loop(0, CH, wcomp, 0)
                c3.wait()
                pltpu.make_async_copy(msg, out_sh.at[di], ssem).wait()

                if half == 0:
                    c4 = pltpu.async_copy(w_buf, den_sh.at[di], gsem,
                                          add=True)

                def mcomp(e, cy):
                    wrow = w_buf[e]
                    for h in range(HD // HID):
                        msg[e, pl.ds(h * HID, HID)] = (
                            rows[e, pl.ds(h * HID, HID)]
                            * wrow[half * (HD // HID) + h])
                    return cy
                lax.fori_loop(0, CH, mcomp, 0)

                pltpu.async_copy(msg, out_sh.at[di], ssem, add=True)
                if half == 0:
                    c4.wait()
                return carry
            lax.fori_loop(0, NCH, chunk, 0)

            pltpu.make_async_copy(msg, out_sh.at[idx_d.at[0]], ssem).wait()

            plsc.subcore_barrier()
            pltpu.sync_copy(out_sh.at[pl.ds(s * RPT, RPT)],
                            op_h.at[c, pl.ds(s * RPT, RPT)])
            if half == 0:
                pltpu.sync_copy(den_sh.at[pl.ds(s * RPT, RPT)],
                                dp_h.at[c, pl.ds(s * RPT, RPT)])
            plsc.subcore_barrier()


_sc_mesh = plsc.VectorSubcoreMesh(
    core_axis_name="c", subcore_axis_name="s", num_cores=NC, num_subcores=NS)

_sc_fn = pl.kernel(
    _sc_body,
    out_type=[
        jax.ShapeDtypeStruct((NC, NPAD, HD), jnp.float32),
        jax.ShapeDtypeStruct((NC, NPAD, HD), jnp.float32),
        jax.ShapeDtypeStruct((NC, NPAD, 16), jnp.float32),
        jax.ShapeDtypeStruct((NC, NPAD, HD), jnp.float32),
        jax.ShapeDtypeStruct((NC, NPAD, HD), jnp.float32),
        jax.ShapeDtypeStruct((NC, NPAD, 16), jnp.float32),
        jax.ShapeDtypeStruct((NC, NPAD, HD), jnp.float32),
        jax.ShapeDtypeStruct((NC, NPAD, HD), jnp.float32),
        jax.ShapeDtypeStruct((NC, NPAD, 16), jnp.float32),
    ],
    mesh=_sc_mesh,
    compiler_params=pltpu.CompilerParams(use_tc_tiling_on_sc=False),
    scratch_types=[
        pltpu.VMEM((NCH, CH), jnp.int32),
        pltpu.VMEM((NCH, CH), jnp.int32),
        pltpu.VMEM((CH, 16), jnp.float32),
        pltpu.VMEM((CH, 16), jnp.float32),
        pltpu.VMEM((CH, 16), jnp.float32),
        pltpu.VMEM((CH, HD), jnp.float32),
        pltpu.VMEM((CH, HD), jnp.float32),
        pltpu.VMEM((RZ, HD), jnp.float32),
        pltpu.VMEM((RZ, 16), jnp.float32),
        pltpu.VMEM_SHARED((NPAD, HD), jnp.float32),
        pltpu.VMEM_SHARED((NPAD, 16), jnp.float32),
        pltpu.SemaphoreType.DMA,
        pltpu.SemaphoreType.DMA,
    ],
)


_BLK = 1280


def _post_body(ol_ap, oh_ap, dp_ap, ol_pa, oh_pa, dp_pa, ol_pp, oh_pp, dp_pp,
               b_ap, b_pa, b_pp, wk, bk,
               oa_ref, gap_ref, gpp_ref, ks_ref):
    i = pl.program_id(0)
    f32 = jnp.float32

    def gat(ol, oh, dp, b):
        o = jnp.concatenate([ol[0] + ol[1], oh[0] + oh[1]], axis=1)
        d = (dp[0] + dp[1])[:, :HEADS]
        rj = lax.broadcasted_iota(jnp.int32, (HEADS, D), 0)
        rl = lax.broadcasted_iota(jnp.int32, (HEADS, D), 1)
        p = (rl // HID == rj).astype(f32)
        dex = jnp.dot(d, p, preferred_element_type=f32)
        return o / jnp.maximum(dex, 1e-16) + b[0]

    g_pa = gat(ol_pa, oh_pa, dp_pa, b_pa)
    oa_ref[...] = g_pa
    g_ap = gat(ol_ap, oh_ap, dp_ap, b_ap)
    gap_ref[...] = g_ap
    g_pp = gat(ol_pp, oh_pp, dp_pp, b_pp)
    gpp_ref[...] = g_pp

    row = (i * _BLK
           + lax.broadcasted_iota(jnp.int32, (_BLK, 1), 0))
    valid = (row < N).astype(f32)
    k_ap = jnp.sum(valid * jnp.tanh(
        jnp.dot(g_ap, wk[...], preferred_element_type=f32) + bk[0]),
        axis=0, keepdims=True)
    k_pp = jnp.sum(valid * jnp.tanh(
        jnp.dot(g_pp, wk[...], preferred_element_type=f32) + bk[0]),
        axis=0, keepdims=True)
    kb = jnp.concatenate([k_ap, k_pp], axis=0)

    @pl.when(i == 0)
    def _():
        ks_ref[...] = kb

    @pl.when(i != 0)
    def _():
        ks_ref[...] = ks_ref[...] + kb


def _fin_body(gap, gpp, ks, q, op_ref):
    kq = ks[...] * q[...]
    a0 = jnp.sum(kq[0]) / N
    a1 = jnp.sum(kq[1]) / N
    m = jnp.maximum(a0, a1)
    e0 = jnp.exp(a0 - m)
    e1 = jnp.exp(a1 - m)
    s0 = e0 / (e0 + e1)
    s1 = e1 / (e0 + e1)
    op_ref[...] = s0 * gap[...] + s1 * gpp[...]


def kernel(x_author, x_paper, edge_ap, edge_pa, edge_pp,
           W_fc_author, b_fc_author, W_fc_paper, b_fc_paper,
           W_src_ap, W_dst_ap, att_src_ap, att_dst_ap, bias_ap,
           W_src_pa, W_dst_pa, att_src_pa, att_dst_pa, bias_pa,
           W_src_pp, W_dst_pp, att_src_pp, att_dst_pp, bias_pp,
           q, W_k, b_k):
    f32 = jnp.float32

    def fold(w_src, att_src, w_dst, att_dst):
        a_s = (w_src.reshape(HID, HEADS, HID)
               * att_src.reshape(1, HEADS, HID)).sum(-1)
        a_d = (w_dst.reshape(HID, HEADS, HID)
               * att_dst.reshape(1, HEADS, HID)).sum(-1)
        z = jnp.zeros((HID, HEADS), f32)
        return (jnp.concatenate([a_s, z], axis=1),
                jnp.concatenate([a_d, z], axis=1))

    as_ap, ad_ap = fold(W_src_ap, att_src_ap, W_dst_ap, att_dst_ap)
    as_pa, ad_pa = fold(W_src_pa, att_src_pa, W_dst_pa, att_dst_pa)
    as_pp, ad_pp = fold(W_src_pp, att_src_pp, W_dst_pp, att_dst_pp)

    pb = 2000
    pre_out = pl.pallas_call(
        _pre_body,
        grid=(N // pb,),
        in_specs=[
            pl.BlockSpec((pb, D), lambda i: (i, 0)),
            pl.BlockSpec((pb, D), lambda i: (i, 0)),
            pl.BlockSpec((D, HID), lambda i: (0, 0)),
            pl.BlockSpec((1, HID), lambda i: (0, 0)),
            pl.BlockSpec((D, HID), lambda i: (0, 0)),
            pl.BlockSpec((1, HID), lambda i: (0, 0)),
        ] + [
            pl.BlockSpec((HID, D), lambda i: (0, 0)),
            pl.BlockSpec((HID, HID), lambda i: (0, 0)),
            pl.BlockSpec((HID, HID), lambda i: (0, 0)),
        ] * 3,
        out_specs=[
            pl.BlockSpec((pb, HD), lambda i: (i, 0)),
            pl.BlockSpec((pb, HD), lambda i: (i, 0)),
            pl.BlockSpec((pb, 16), lambda i: (i, 0)),
            pl.BlockSpec((pb, 16), lambda i: (i, 0)),
        ] * 3,
        out_shape=[
            jax.ShapeDtypeStruct((N, HD), f32),
            jax.ShapeDtypeStruct((N, HD), f32),
            jax.ShapeDtypeStruct((N, 16), f32),
            jax.ShapeDtypeStruct((N, 16), f32),
        ] * 3,
    )(x_author, x_paper,
      W_fc_author, b_fc_author.reshape(1, HID),
      W_fc_paper, b_fc_paper.reshape(1, HID),
      W_src_ap, as_ap, ad_ap,
      W_src_pa, as_pa, ad_pa,
      W_src_pp, as_pp, ad_pp)
    (hl_ap, hh_ap, acs_ap, acd_ap,
     hl_pa, hh_pa, acs_pa, acd_pa,
     hl_pp, hh_pp, acs_pp, acd_pp) = pre_out

    se_ap = edge_ap[0].reshape(NW, NCH, CH)
    de_ap = edge_ap[1].reshape(NW, NCH, CH)
    se_pa = edge_pa[0].reshape(NW, NCH, CH)
    de_pa = edge_pa[1].reshape(NW, NCH, CH)
    se_pp = edge_pp[0].reshape(NW, NCH, CH)
    de_pp = edge_pp[1].reshape(NW, NCH, CH)

    (ol_ap, oh_ap, dp_ap, ol_pa, oh_pa, dp_pa,
     ol_pp, oh_pp, dp_pp) = _sc_fn(
        hl_ap, hh_ap, acs_ap, acd_ap, se_ap, de_ap,
        hl_pa, hh_pa, acs_pa, acd_pa, se_pa, de_pa,
        hl_pp, hh_pp, acs_pp, acd_pp, se_pp, de_pp)

    grid = NPAD // _BLK
    oa, gap, gpp, ks = pl.pallas_call(
        _post_body,
        grid=(grid,),
        in_specs=[
            pl.BlockSpec((NC, _BLK, HD), lambda i: (0, i, 0)),
            pl.BlockSpec((NC, _BLK, HD), lambda i: (0, i, 0)),
            pl.BlockSpec((NC, _BLK, 16), lambda i: (0, i, 0)),
            pl.BlockSpec((NC, _BLK, HD), lambda i: (0, i, 0)),
            pl.BlockSpec((NC, _BLK, HD), lambda i: (0, i, 0)),
            pl.BlockSpec((NC, _BLK, 16), lambda i: (0, i, 0)),
            pl.BlockSpec((NC, _BLK, HD), lambda i: (0, i, 0)),
            pl.BlockSpec((NC, _BLK, HD), lambda i: (0, i, 0)),
            pl.BlockSpec((NC, _BLK, 16), lambda i: (0, i, 0)),
            pl.BlockSpec((1, D), lambda i: (0, 0)),
            pl.BlockSpec((1, D), lambda i: (0, 0)),
            pl.BlockSpec((1, D), lambda i: (0, 0)),
            pl.BlockSpec((D, D), lambda i: (0, 0)),
            pl.BlockSpec((1, D), lambda i: (0, 0)),
        ],
        out_specs=[
            pl.BlockSpec((_BLK, D), lambda i: (i, 0)),
            pl.BlockSpec((_BLK, D), lambda i: (i, 0)),
            pl.BlockSpec((_BLK, D), lambda i: (i, 0)),
            pl.BlockSpec((2, D), lambda i: (0, 0)),
        ],
        out_shape=[
            jax.ShapeDtypeStruct((N, D), f32),
            jax.ShapeDtypeStruct((N, D), f32),
            jax.ShapeDtypeStruct((N, D), f32),
            jax.ShapeDtypeStruct((2, D), f32),
        ],
    )(ol_ap, oh_ap, dp_ap, ol_pa, oh_pa, dp_pa, ol_pp, oh_pp, dp_pp,
      bias_ap.reshape(1, D), bias_pa.reshape(1, D), bias_pp.reshape(1, D),
      W_k, b_k.reshape(1, D))

    out_paper = pl.pallas_call(
        _fin_body,
        grid=(grid,),
        in_specs=[
            pl.BlockSpec((_BLK, D), lambda i: (i, 0)),
            pl.BlockSpec((_BLK, D), lambda i: (i, 0)),
            pl.BlockSpec((2, D), lambda i: (0, 0)),
            pl.BlockSpec((1, D), lambda i: (0, 0)),
        ],
        out_specs=pl.BlockSpec((_BLK, D), lambda i: (i, 0)),
        out_shape=jax.ShapeDtypeStruct((N, D), f32),
    )(gap, gpp, ks, q)

    return (oa, out_paper)

# --- scband reference (transcript-rebuilt; emitter-appended) ---
"""Pipeline reference for scband-hanconv-61830349193884 (READ-ONLY COPY).

The authoritative reference and input builder live on the scoring server;
editing this copy changes nothing except your own understanding.
"""

import jax, jax.numpy as jnp
import numpy as np

N = 10000
D_IN = 128
D_OUT = 128
HEADS = 8
HID = D_OUT // HEADS
E = 320000
NEG_SLOPE = 0.2


def setup_inputs(seed: int = 0):
    key = jax.random.key(seed)
    ks = jax.random.split(key, 32)
    inp = {}
    inp['x_author'] = jax.random.normal(ks[0], (N, D_IN), dtype=jnp.float32)
    inp['x_paper'] = jax.random.normal(ks[1], (N, D_IN), dtype=jnp.float32)
    inp['edge_ap'] = jax.random.randint(ks[2], (2, E), 0, N, dtype=jnp.int32)
    inp['edge_pa'] = jax.random.randint(ks[3], (2, E), 0, N, dtype=jnp.int32)
    inp['edge_pp'] = jax.random.randint(ks[4], (2, E), 0, N, dtype=jnp.int32)
    s = 0.1
    inp['W_fc_author'] = jax.random.normal(ks[5], (D_IN, HID)) * s
    inp['b_fc_author'] = jnp.zeros((HID,), jnp.float32)
    inp['W_fc_paper'] = jax.random.normal(ks[6], (D_IN, HID)) * s
    inp['b_fc_paper'] = jnp.zeros((HID,), jnp.float32)
    i = 7
    for et in ['ap', 'pa', 'pp']:
        inp['W_src_' + et] = jax.random.normal(ks[i], (HID, HEADS * HID)) * s; i += 1
        inp['W_dst_' + et] = jax.random.normal(ks[i], (HID, HEADS * HID)) * s; i += 1
        inp['att_src_' + et] = jax.random.normal(ks[i], (1, HEADS, HID)) * s; i += 1
        inp['att_dst_' + et] = jax.random.normal(ks[i], (1, HEADS, HID)) * s; i += 1
        inp['bias_' + et] = jnp.zeros((HEADS * HID,), jnp.float32)
    inp['q'] = jax.random.normal(ks[i], (1, D_OUT)) * s; i += 1
    inp['W_k'] = jax.random.normal(ks[i], (D_OUT, D_OUT)) * s; i += 1
    inp['b_k'] = jnp.zeros((D_OUT,), jnp.float32)
    return inp


def _gat(h_src, h_dst, edge_index, W_src, W_dst, att_src, att_dst, bias):
    src = edge_index[0]
    dst = edge_index[1]
    n_dst = h_dst.shape[0]
    hs = (h_src @ W_src).reshape(-1, HEADS, HID)
    hd = (h_dst @ W_dst).reshape(-1, HEADS, HID)
    a_src = (hs * att_src).sum(-1)
    a_dst = (hd * att_dst).sum(-1)
    alpha = a_src[src] + a_dst[dst]
    alpha = jax.nn.leaky_relu(alpha, NEG_SLOPE)
    amax = jax.ops.segment_max(alpha, dst, num_segments=n_dst)
    amax = jnp.where(jnp.isfinite(amax), amax, 0.0)
    alpha = jnp.exp(alpha - amax[dst])
    denom = jax.ops.segment_sum(alpha, dst, num_segments=n_dst)
    alpha = alpha / jnp.maximum(denom[dst], 1e-16)
    out = jax.ops.segment_sum(hs[src] * alpha[:, :, None], dst, num_segments=n_dst)
    return out.reshape(n_dst, HEADS * HID) + bias


def _semantic(xs, q, W_k, b_k):
    x = jnp.stack(xs, axis=0)
    key = jnp.tanh(x @ W_k + b_k).mean(axis=1)
    attn = (q * key).sum(-1)
    score = jax.nn.softmax(attn, axis=0)
    out = (x * score[:, None, None]).sum(0)
    return out, score


def reference(x_author, x_paper, edge_ap, edge_pa, edge_pp, W_fc_author, b_fc_author, W_fc_paper, b_fc_paper, W_src_ap, W_dst_ap, att_src_ap, att_dst_ap, bias_ap, W_src_pa, W_dst_pa, att_src_pa, att_dst_pa, bias_pa, W_src_pp, W_dst_pp, att_src_pp, att_dst_pp, bias_pp, q, W_k, b_k):
    h_a = x_author @ W_fc_author + b_fc_author
    h_p = x_paper @ W_fc_paper + b_fc_paper
    out_ap = _gat(h_a, h_p, edge_ap, W_src_ap, W_dst_ap, att_src_ap, att_dst_ap, bias_ap)
    out_pa = _gat(h_p, h_a, edge_pa, W_src_pa, W_dst_pa, att_src_pa, att_dst_pa, bias_pa)
    out_pp = _gat(h_p, h_p, edge_pp, W_src_pp, W_dst_pp, att_src_pp, att_dst_pp, bias_pp)
    out_author, _ = _semantic([out_pa], q, W_k, b_k)
    out_paper, _ = _semantic([out_ap, out_pp], q, W_k, b_k)
    return (out_author, out_paper)

if __name__ == "__main__":
    import jax
    _d = setup_inputs()
    print(jax.jit(kernel)(*tuple(_d.values())))

</pallas_src>

<mosaic_0001>
#map = affine_map<(d0, d1) -> (0, 0)>
#map1 = affine_map<(d0, d1) -> (0, 0, 0)>
module attributes {stable_mosaic.version = 14 : i64} {
  func.func @_sc_body(%arg0: i32, %arg1: i32, %arg2: memref<10000x64xf32, #tpu.memory_space<hbm>>, %arg3: memref<10000x64xf32, #tpu.memory_space<hbm>>, %arg4: memref<10000x16xf32, #tpu.memory_space<hbm>>, %arg5: memref<10000x16xf32, #tpu.memory_space<hbm>>, %arg6: memref<32x125x80xi32, #tpu.memory_space<hbm>>, %arg7: memref<32x125x80xi32, #tpu.memory_space<hbm>>, %arg8: memref<10000x64xf32, #tpu.memory_space<hbm>>, %arg9: memref<10000x64xf32, #tpu.memory_space<hbm>>, %arg10: memref<10000x16xf32, #tpu.memory_space<hbm>>, %arg11: memref<10000x16xf32, #tpu.memory_space<hbm>>, %arg12: memref<32x125x80xi32, #tpu.memory_space<hbm>>, %arg13: memref<32x125x80xi32, #tpu.memory_space<hbm>>, %arg14: memref<10000x64xf32, #tpu.memory_space<hbm>>, %arg15: memref<10000x64xf32, #tpu.memory_space<hbm>>, %arg16: memref<10000x16xf32, #tpu.memory_space<hbm>>, %arg17: memref<10000x16xf32, #tpu.memory_space<hbm>>, %arg18: memref<32x125x80xi32, #tpu.memory_space<hbm>>, %arg19: memref<32x125x80xi32, #tpu.memory_space<hbm>>, %arg20: memref<2x10240x64xf32, #tpu.memory_space<hbm>>, %arg21: memref<2x10240x64xf32, #tpu.memory_space<hbm>>, %arg22: memref<2x10240x16xf32, #tpu.memory_space<hbm>>, %arg23: memref<2x10240x64xf32, #tpu.memory_space<hbm>>, %arg24: memref<2x10240x64xf32, #tpu.memory_space<hbm>>, %arg25: memref<2x10240x16xf32, #tpu.memory_space<hbm>>, %arg26: memref<2x10240x64xf32, #tpu.memory_space<hbm>>, %arg27: memref<2x10240x64xf32, #tpu.memory_space<hbm>>, %arg28: memref<2x10240x16xf32, #tpu.memory_space<hbm>>, %arg29: memref<125x80xi32, #tpu.memory_space<vmem>>, %arg30: memref<125x80xi32, #tpu.memory_space<vmem>>, %arg31: memref<80x16xf32, #tpu.memory_space<vmem>>, %arg32: memref<80x16xf32, #tpu.memory_space<vmem>>, %arg33: memref<80x16xf32, #tpu.memory_space<vmem>>, %arg34: memref<80x64xf32, #tpu.memory_space<vmem>>, %arg35: memref<80x64xf32, #tpu.memory_space<vmem>>, %arg36: memref<128x64xf32, #tpu.memory_space<vmem>>, %arg37: memref<128x16xf32, #tpu.memory_space<vmem>>, %arg38: memref<10240x64xf32, #tpu.memory_space<vmem_shared>>, %arg39: memref<10240x16xf32, #tpu.memory_space<vmem_shared>>, %arg40: memref<!tpu.dma_semaphore, #tpu.memory_space<semaphore_mem>>, %arg41: memref<!tpu.dma_semaphore, #tpu.memory_space<semaphore_mem>>) attributes {dimension_semantics = [#tpu.dimension_semantics<core_parallel>, #tpu.dimension_semantics<subcore_parallel>], iteration_bounds = array<i64: 2, 16>, scalar_prefetch = 0 : i64, scratch_operands = 13 : i64, tpu.core_type = #tpu.core_type<sc_vector_subcore>, window_params = [{transform_indices = #map}, {transform_indices = #map}, {transform_indices = #map}, {transform_indices = #map}, {transform_indices = #map1}, {transform_indices = #map1}, {transform_indices = #map}, {transform_indices = #map}, {transform_indices = #map}, {transform_indices = #map}, {transform_indices = #map1}, {transform_indices = #map1}, {transform_indices = #map}, {transform_indices = #map}, {transform_indices = #map}, {transform_indices = #map}, {transform_indices = #map1}, {transform_indices = #map1}, {transform_indices = #map1}, {transform_indices = #map1}, {transform_indices = #map1}, {transform_indices = #map1}, {transform_indices = #map1}, {transform_indices = #map1}, {transform_indices = #map1}, {transform_indices = #map1}, {transform_indices = #map1}]} {
    %mul3A = arith.constant 16 : i32
    %mul3A_0 = arith.muli %arg0, %mul3A : i32
    %add3A = arith.addi %mul3A_0, %arg1 : i32
    %broadcast_in_dim3A = arith.constant 0.000000e+00 : f32
    %broadcast_in_dim3A_1 = vector.broadcast %broadcast_in_dim3A : f32 to vector<16xf32>
    %scan3A = arith.constant 0 : i32
    %scan3A_2 = arith.constant 0 : i32
    %scan3A_3 = arith.constant 128 : i32
    %scan3A_4 = arith.addi %scan3A_2, %scan3A_3 : i32
    %scan3A_5 = arith.constant 1 : i32
    scf.for %scan3A_340 = %scan3A_2 to %scan3A_4 step %scan3A_5  : i32 {
      %swap3A = arith.index_cast %scan3A_340 : i32 to index
      %swap3A_341 = arith.constant 0 : index
      %swap3A_342 = tpu.vector_load %arg36[%swap3A, %swap3A_341] {strides = array<i32>} : memref<128x64xf32, #tpu.memory_space<vmem>>, vector<1x16xf32>,
      %swap3A_343 = vector.shape_cast %swap3A_342 : vector<1x16xf32> to vector<16xf32>
      %swap3A_344 = vector.shape_cast %broadcast_in_dim3A_1 : vector<16xf32> to vector<1x16xf32>
      tpu.vector_store %arg36[%swap3A, %swap3A_341], %swap3A_344 {strides = array<i32>} : memref<128x64xf32, #tpu.memory_space<vmem>>, vector<1x16xf32>,
      %swap3A_345 = arith.index_cast %scan3A_340 : i32 to index
      %swap3A_346 = arith.constant 16 : index
      %swap3A_347 = tpu.vector_load %arg36[%swap3A_345, %swap3A_346] {strides = array<i32>} : memref<128x64xf32, #tpu.memory_space<vmem>>, vector<1x16xf32>,
      %swap3A_348 = vector.shape_cast %swap3A_347 : vector<1x16xf32> to vector<16xf32>
      %swap3A_349 = vector.shape_cast %broadcast_in_dim3A_1 : vector<16xf32> to vector<1x16xf32>
      tpu.vector_store %arg36[%swap3A_345, %swap3A_346], %swap3A_349 {strides = array<i32>} : memref<128x64xf32, #tpu.memory_space<vmem>>, vector<1x16xf32>,
      %swap3A_350 = arith.index_cast %scan3A_340 : i32 to index
      %swap3A_351 = arith.constant 32 : index
      %swap3A_352 = tpu.vector_load %arg36[%swap3A_350, %swap3A_351] {strides = array<i32>} : memref<128x64xf32, #tpu.memory_space<vmem>>, vector<1x16xf32>,
      %swap3A_353 = vector.shape_cast %swap3A_352 : vector<1x16xf32> to vector<16xf32>
      %swap3A_354 = vector.shape_cast %broadcast_in_dim3A_1 : vector<16xf32> to vector<1x16xf32>
      tpu.vector_store %arg36[%swap3A_350, %swap3A_351], %swap3A_354 {strides = array<i32>} : memref<128x64xf32, #tpu.memory_space<vmem>>, vector<1x16xf32>,
      %swap3A_355 = arith.index_cast %scan3A_340 : i32 to index
      %swap3A_356 = arith.constant 48 : index
      %swap3A_357 = tpu.vector_load %arg36[%swap3A_355, %swap3A_356] {strides = array<i32>} : memref<128x64xf32, #tpu.memory_space<vmem>>, vector<1x16xf32>,
      %swap3A_358 = vector.shape_cast %swap3A_357 : vector<1x16xf32> to vector<16xf32>
      %swap3A_359 = vector.shape_cast %broadcast_in_dim3A_1 : vector<16xf32> to vector<1x16xf32>
      tpu.vector_store %arg36[%swap3A_355, %swap3A_356], %swap3A_359 {strides = array<i32>} : memref<128x64xf32, #tpu.memory_space<vmem>>, vector<1x16xf32>,
    }
    %scan3A_6 = arith.constant 128 : i32
    %scan3A_7 = arith.constant 0 : i32
    %scan3A_8 = arith.constant 0 : i32
    %scan3A_9 = arith.constant 128 : i32
    %scan3A_10 = arith.addi %scan3A_8, %scan3A_9 : i32
    %scan3A_11 = arith.constant 1 : i32
    scf.for %scan3A_340 = %scan3A_8 to %scan3A_10 step %scan3A_11  : i32 {
      %swap3A = arith.index_cast %scan3A_340 : i32 to index
      %swap3A_341 = arith.constant 0 : index
      %swap3A_342 = tpu.vector_load %arg37[%swap3A, %swap3A_341] {strides = array<i32>} : memref<128x16xf32, #tpu.memory_space<vmem>>, vector<1x16xf32>,
      %swap3A_343 = vector.shape_cast %swap3A_342 : vector<1x16xf32> to vector<16xf32>
      %swap3A_344 = vector.shape_cast %broadcast_in_dim3A_1 : vector<16xf32> to vector<1x16xf32>
      tpu.vector_store %arg37[%swap3A, %swap3A_341], %swap3A_344 {strides = array<i32>} : memref<128x16xf32, #tpu.memory_space<vmem>>, vector<1x16xf32>,
    }
    %scan3A_12 = arith.constant 128 : i32
    "tpu.region"() ({
      %run_scoped3A = tpu.sem_alloc : memref<!tpu.dma_semaphore, #tpu.memory_space<semaphore_mem>>
      %dma_start3A_340 = arith.constant 0 : i32
      %dma_start3A_341 = arith.constant 0 : i32
      %dma_start3A_342 = tpu.memref_slice %arg6[%add3A, %dma_start3A_340, %dma_start3A_341] : memref<32x125x80xi32, #tpu.memory_space<hbm>> -> memref<1x125x80xi32, #tpu.memory_space<hbm>>
      %dma_start3A_343 = tpu.memref_squeeze %dma_start3A_342 : memref<1x125x80xi32, #tpu.memory_space<hbm>> -> memref<125x80xi32, #tpu.memory_space<hbm>>
      %dma_start3A_344 = arith.constant 0 : i32
      %dma_start3A_345 = arith.constant 0 : i32
      %dma_start3A_346 = tpu.memref_slice %arg6[%add3A, %dma_start3A_344, %dma_start3A_345] : memref<32x125x80xi32, #tpu.memory_space<hbm>> -> memref<1x125x80xi32, #tpu.memory_space<hbm>>
      %dma_start3A_347 = tpu.memref_squeeze %dma_start3A_346 : memref<1x125x80xi32, #tpu.memory_space<hbm>> -> memref<125x80xi32, #tpu.memory_space<hbm>>
      tpu.enqueue_dma source(%dma_start3A_347 : memref<125x80xi32, #tpu.memory_space<hbm>>) target(%arg29 : memref<125x80xi32, #tpu.memory_space<vmem>>) target_semaphore(%run_scoped3A : memref<!tpu.dma_semaphore, #tpu.memory_space<semaphore_mem>>)
      %dma_wait3A_348 = arith.constant 0 : i32
      %dma_wait3A_349 = arith.constant 0 : i32
      %dma_wait3A_350 = tpu.memref_slice %arg6[%add3A, %dma_wait3A_348, %dma_wait3A_349] : memref<32x125x80xi32, #tpu.memory_space<hbm>> -> memref<1x125x80xi32, #tpu.memory_space<hbm>>
      %dma_wait3A_351 = tpu.memref_squeeze %dma_wait3A_350 : memref<1x125x80xi32, #tpu.memory_space<hbm>> -> memref<125x80xi32, #tpu.memory_space<hbm>>
      %dma_wait3A_352 = arith.constant 0 : i32
      %dma_wait3A_353 = arith.constant 0 : i32
      %dma_wait3A_354 = tpu.memref_slice %arg6[%add3A, %dma_wait3A_352, %dma_wait3A_353] : memref<32x125x80xi32, #tpu.memory_space<hbm>> -> memref<1x125x80xi32, #tpu.memory_space<hbm>>
      %dma_wait3A_355 = tpu.memref_squeeze %dma_wait3A_354 : memref<1x125x80xi32, #tpu.memory_space<hbm>> -> memref<125x80xi32, #tpu.memory_space<hbm>>
      tpu.wait_dma2 semaphore(%run_scoped3A : memref<!tpu.dma_semaphore, #tpu.memory_space<semaphore_mem>>) src(%dma_wait3A_355 : memref<125x80xi32, #tpu.memory_space<hbm>>) dst(%arg29 : memref<125x80xi32, #tpu.memory_space<vmem>>)
      tpu.yield
    }) : () -> ()
    "tpu.region"() ({
      %run_scoped3A = tpu.sem_alloc : memref<!tpu.dma_semaphore, #tpu.memory_space<semaphore_mem>>
      %dma_start3A_340 = arith.constant 0 : i32
      %dma_start3A_341 = arith.constant 0 : i32
      %dma_start3A_342 = tpu.memref_slice %arg7[%add3A, %dma_start3A_340, %dma_start3A_341] : memref<32x125x80xi32, #tpu.memory_space<hbm>> -> memref<1x125x80xi32, #tpu.memory_space<hbm>>
      %dma_start3A_343 = tpu.memref_squeeze %dma_start3A_342 : memref<1x125x80xi32, #tpu.memory_space<hbm>> -> memref<125x80xi32, #tpu.memory_space<hbm>>
      %dma_start3A_344 = arith.constant 0 : i32
      %dma_start3A_345 = arith.constant 0 : i32
      %dma_start3A_346 = tpu.memref_slice %arg7[%add3A, %dma_start3A_344, %dma_start3A_345] : memref<32x125x80xi32, #tpu.memory_space<hbm>> -> memref<1x125x80xi32, #tpu.memory_space<hbm>>
      %dma_start3A_347 = tpu.memref_squeeze %dma_start3A_346 : memref<1x125x80xi32, #tpu.memory_space<hbm>> -> memref<125x80xi32, #tpu.memory_space<hbm>>
      tpu.enqueue_dma source(%dma_start3A_347 : memref<125x80xi32, #tpu.memory_space<hbm>>) target(%arg30 : memref<125x80xi32, #tpu.memory_space<vmem>>) target_semaphore(%run_scoped3A : memref<!tpu.dma_semaphore, #tpu.memory_space<semaphore_mem>>)
      %dma_wait3A_348 = arith.constant 0 : i32
      %dma_wait3A_349 = arith.constant 0 : i32
      %dma_wait3A_350 = tpu.memref_slice %arg7[%add3A, %dma_wait3A_348, %dma_wait3A_349] : memref<32x125x80xi32, #tpu.memory_space<hbm>> -> memref<1x125x80xi32, #tpu.memory_space<hbm>>
      %dma_wait3A_351 = tpu.memref_squeeze %dma_wait3A_350 : memref<1x125x80xi32, #tpu.memory_space<hbm>> -> memref<125x80xi32, #tpu.memory_space<hbm>>
      %dma_wait3A_352 = arith.constant 0 : i32
      %dma_wait3A_353 = arith.constant 0 : i32
      %dma_wait3A_354 = tpu.memref_slice %arg7[%add3A, %dma_wait3A_352, %dma_wait3A_353] : memref<32x125x80xi32, #tpu.memory_space<hbm>> -> memref<1x125x80xi32, #tpu.memory_space<hbm>>
      %dma_wait3A_355 = tpu.memref_squeeze %dma_wait3A_354 : memref<1x125x80xi32, #tpu.memory_space<hbm>> -> memref<125x80xi32, #tpu.memory_space<hbm>>
      tpu.wait_dma2 semaphore(%run_scoped3A : memref<!tpu.dma_semaphore, #tpu.memory_space<semaphore_mem>>) src(%dma_wait3A_355 : memref<125x80xi32, #tpu.memory_space<hbm>>) dst(%arg30 : memref<125x80xi32, #tpu.memory_space<vmem>>)
      tpu.yield
    }) : () -> ()
    %mul3A_13 = arith.constant 640 : i32
    %mul3A_14 = arith.muli %arg1, %mul3A_13 : i32
    %add3A_15 = arith.constant 0 : i32
    %add3A_16 = arith.addi %mul3A_14, %add3A_15 : i32
    "tpu.region"() ({
      %run_scoped3A = tpu.sem_alloc : memref<!tpu.dma_semaphore, #tpu.memory_space<semaphore_mem>>
      %dma_start3A_340 = arith.constant 0 : i32
      %dma_start3A_341 = tpu.memref_slice %arg38[%add3A_16, %dma_start3A_340] : memref<10240x64xf32, #tpu.memory_space<vmem_shared>> -> memref<128x64xf32, #tpu.memory_space<vmem_shared>>
      %dma_start3A_342 = arith.constant 0 : i32
      %dma_start3A_343 = tpu.memref_slice %arg38[%add3A_16, %dma_start3A_342] : memref<10240x64xf32, #tpu.memory_space<vmem_shared>> -> memref<128x64xf32, #tpu.memory_space<vmem_shared>>
      tpu.enqueue_dma source(%arg36 : memref<128x64xf32, #tpu.memory_space<vmem>>) target(%dma_start3A_343 : memref<128x64xf32, #tpu.memory_space<vmem_shared>>) target_semaphore(%run_scoped3A : memref<!tpu.dma_semaphore, #tpu.memory_space<semaphore_mem>>)
      %dma_wait3A_344 = arith.constant 0 : i32
      %dma_wait3A_345 = tpu.memref_slice %arg38[%add3A_16, %dma_wait3A_344] : memref<10240x64xf32, #tpu.memory_space<vmem_shared>> -> memref<128x64xf32, #tpu.memory_space<vmem_shared>>
      %dma_wait3A_346 = arith.constant 0 : i32
      %dma_wait3A_347 = tpu.memref_slice %arg38[%add3A_16, %dma_wait3A_346] : memref<10240x64xf32, #tpu.memory_space<vmem_shared>> -> memref<128x64xf32, #tpu.memory_space<vmem_shared>>
      tpu.wait_dma2 semaphore(%run_scoped3A : memref<!tpu.dma_semaphore, #tpu.memory_space<semaphore_mem>>) src(%arg36 : memref<128x64xf32, #tpu.memory_space<vmem>>) dst(%dma_wait3A_347 : memref<128x64xf32, #tpu.memory_space<vmem_shared>>)
      tpu.yield
    }) : () -> ()
    "tpu.region"() ({
      %run_scoped3A = tpu.sem_alloc : memref<!tpu.dma_semaphore, #tpu.memory_space<semaphore_mem>>
      %dma_start3A_340 = arith.constant 0 : i32
      %dma_start3A_341 = tpu.memref_slice %arg39[%add3A_16, %dma_start3A_340] : memref<10240x16xf32, #tpu.memory_space<vmem_shared>> -> memref<128x16xf32, #tpu.memory_space<vmem_shared>>
      %dma_start3A_342 = arith.constant 0 : i32
      %dma_start3A_343 = tpu.memref_slice %arg39[%add3A_16, %dma_start3A_342] : memref<10240x16xf32, #tpu.memory_space<vmem_shared>> -> memref<128x16xf32, #tpu.memory_space<vmem_shared>>
      tpu.enqueue_dma source(%arg37 : memref<128x16xf32, #tpu.memory_space<vmem>>) target(%dma_start3A_343 : memref<128x16xf32, #tpu.memory_space<vmem_shared>>) target_semaphore(%run_scoped3A : memref<!tpu.dma_semaphore, #tpu.memory_space<semaphore_mem>>)
      %dma_wait3A_344 = arith.constant 0 : i32
      %dma_wait3A_345 = tpu.memref_slice %arg39[%add3A_16, %dma_wait3A_344] : memref<10240x16xf32, #tpu.memory_space<vmem_shared>> -> memref<128x16xf32, #tpu.memory_space<vmem_shared>>
      %dma_wait3A_346 = arith.constant 0 : i32
      %dma_wait3A_347 = tpu.memref_slice %arg39[%add3A_16, %dma_wait3A_346] : memref<10240x16xf32, #tpu.memory_space<vmem_shared>> -> memref<128x16xf32, #tpu.memory_space<vmem_shared>>
      tpu.wait_dma2 semaphore(%run_scoped3A : memref<!tpu.dma_semaphore, #tpu.memory_space<semaphore_mem>>) src(%arg37 : memref<128x16xf32, #tpu.memory_space<vmem>>) dst(%dma_wait3A_347 : memref<128x16xf32, #tpu.memory_space<vmem_shared>>)
      tpu.yield
    }) : () -> ()
    %mul3A_17 = arith.constant 640 : i32
    %mul3A_18 = arith.muli %arg1, %mul3A_17 : i32
    %add3A_19 = arith.constant 128 : i32
    %add3A_20 = arith.addi %mul3A_18, %add3A_19 : i32
    "tpu.region"() ({
      %run_scoped3A = tpu.sem_alloc : memref<!tpu.dma_semaphore, #tpu.memory_space<semaphore_mem>>
      %dma_start3A_340 = arith.constant 0 : i32
      %dma_start3A_341 = tpu.memref_slice %arg38[%add3A_20, %dma_start3A_340] : memref<10240x64xf32, #tpu.memory_space<vmem_shared>> -> memref<128x64xf32, #tpu.memory_space<vmem_shared>>
      %dma_start3A_342 = arith.constant 0 : i32
      %dma_start3A_343 = tpu.memref_slice %arg38[%add3A_20, %dma_start3A_342] : memref<10240x64xf32, #tpu.memory_space<vmem_shared>> -> memref<128x64xf32, #tpu.memory_space<vmem_shared>>
      tpu.enqueue_dma source(%arg36 : memref<128x64xf32, #tpu.memory_space<vmem>>) target(%dma_start3A_343 : memref<128x64xf32, #tpu.memory_space<vmem_shared>>) target_semaphore(%run_scoped3A : memref<!tpu.dma_semaphore, #tpu.memory_space<semaphore_mem>>)
      %dma_wait3A_344 = arith.constant 0 : i32
      %dma_wait3A_345 = tpu.memref_slice %arg38[%add3A_20, %dma_wait3A_344] : memref<10240x64xf32, #tpu.memory_space<vmem_shared>> -> memref<128x64xf32, #tpu.memory_space<vmem_shared>>
      %dma_wait3A_346 = arith.constant 0 : i32
      %dma_wait3A_347 = tpu.memref_slice %arg38[%add3A_20, %dma_wait3A_346] : memref<10240x64xf32, #tpu.memory_space<vmem_shared>> -> memref<128x64xf32, #tpu.memory_space<vmem_shared>>
      tpu.wait_dma2 semaphore(%run_scoped3A : memref<!tpu.dma_semaphore, #tpu.memory_space<semaphore_mem>>) src(%arg36 : memref<128x64xf32, #tpu.memory_space<vmem>>) dst(%dma_wait3A_347 : memref<128x64xf32, #tpu.memory_space<vmem_shared>>)
      tpu.yield
    }) : () -> ()
    "tpu.region"() ({
      %run_scoped3A = tpu.sem_alloc : memref<!tpu.dma_semaphore, #tpu.memory_space<semaphore_mem>>
      %dma_start3A_340 = arith.constant 0 : i32
      %dma_start3A_341 = tpu.memref_slice %arg39[%add3A_20, %dma_start3A_340] : memref<10240x16xf32, #tpu.memory_space<vmem_shared>> -> memref<128x16xf32, #tpu.memory_space<vmem_shared>>
      %dma_start3A_342 = arith.constant 0 : i32
      %dma_start3A_343 = tpu.memref_slice %arg39[%add3A_20, %dma_start3A_342] : memref<10240x16xf32, #tpu.memory_space<vmem_shared>> -> memref<128x16xf32, #tpu.memory_space<vmem_shared>>
      tpu.enqueue_dma source(%arg37 : memref<128x16xf32, #tpu.memory_space<vmem>>) target(%dma_start3A_343 : memref<128x16xf32, #tpu.memory_space<vmem_shared>>) target_semaphore(%run_scoped3A : memref<!tpu.dma_semaphore, #tpu.memory_space<semaphore_mem>>)
      %dma_wait3A_344 = arith.constant 0 : i32
      %dma_wait3A_345 = tpu.memref_slice %arg39[%add3A_20, %dma_wait3A_344] : memref<10240x16xf32, #tpu.memory_space<vmem_shared>> -> memref<128x16xf32, #tpu.memory_space<vmem_shared>>
      %dma_wait3A_346 = arith.constant 0 : i32
      %dma_wait3A_347 = tpu.memref_slice %arg39[%add3A_20, %dma_wait3A_346] : memref<10240x16xf32, #tpu.memory_space<vmem_shared>> -> memref<128x16xf32, #tpu.memory_space<vmem_shared>>
      tpu.wait_dma2 semaphore(%run_scoped3A : memref<!tpu.dma_semaphore, #tpu.memory_space<semaphore_mem>>) src(%arg37 : memref<128x16xf32, #tpu.memory_space<vmem>>) dst(%dma_wait3A_347 : memref<128x16xf32, #tpu.memory_space<vmem_shared>>)
      tpu.yield
    }) : () -> ()
    %mul3A_21 = arith.constant 640 : i32
    %mul3A_22 = arith.muli %arg1, %mul3A_21 : i32
    %add3A_23 = arith.constant 256 : i32
    %add3A_24 = arith.addi %mul3A_22, %add3A_23 : i32
    "tpu.region"() ({
      %run_scoped3A = tpu.sem_alloc : memref<!tpu.dma_semaphore, #tpu.memory_space<semaphore_mem>>
      %dma_start3A_340 = arith.constant 0 : i32
      %dma_start3A_341 = tpu.memref_slice %arg38[%add3A_24, %dma_start3A_340] : memref<10240x64xf32, #tpu.memory_space<vmem_shared>> -> memref<128x64xf32, #tpu.memory_space<vmem_shared>>
      %dma_start3A_342 = arith.constant 0 : i32
      %dma_start3A_343 = tpu.memref_slice %arg38[%add3A_24, %dma_start3A_342] : memref<10240x64xf32, #tpu.memory_space<vmem_shared>> -> memref<128x64xf32, #tpu.memory_space<vmem_shared>>
      tpu.enqueue_dma source(%arg36 : memref<128x64xf32, #tpu.memory_space<vmem>>) target(%dma_start3A_343 : memref<128x64xf32, #tpu.memory_space<vmem_shared>>) target_semaphore(%run_scoped3A : memref<!tpu.dma_semaphore, #tpu.memory_space<semaphore_mem>>)
      %dma_wait3A_344 = arith.constant 0 : i32
      %dma_wait3A_345 = tpu.memref_slice %arg38[%add3A_24, %dma_wait3A_344] : memref<10240x64xf32, #tpu.memory_space<vmem_shared>> -> memref<128x64xf32, #tpu.memory_space<vmem_shared>>
      %dma_wait3A_346 = arith.constant 0 : i32
      %dma_wait3A_347 = tpu.memref_slice %arg38[%add3A_24, %dma_wait3A_346] : memref<10240x64xf32, #tpu.memory_space<vmem_shared>> -> memref<128x64xf32, #tpu.memory_space<vmem_shared>>
      tpu.wait_dma2 semaphore(%run_scoped3A : memref<!tpu.dma_semaphore, #tpu.memory_space<semaphore_mem>>) src(%arg36 : memref<128x64xf32, #tpu.memory_space<vmem>>) dst(%dma_wait3A_347 : memref<128x64xf32, #tpu.memory_space<vmem_shared>>)
      tpu.yield
    }) : () -> ()
    "tpu.region"() ({
      %run_scoped3A = tpu.sem_alloc : memref<!tpu.dma_semaphore, #tpu.memory_space<semaphore_mem>>
      %dma_start3A_340 = arith.constant 0 : i32
      %dma_start3A_341 = tpu.memref_slice %arg39[%add3A_24, %dma_start3A_340] : memref<10240x16xf32, #tpu.memory_space<vmem_shared>> -> memref<128x16xf32, #tpu.memory_space<vmem_shared>>
      %dma_start3A_342 = arith.constant 0 : i32
      %dma_start3A_343 = tpu.memref_slice %arg39[%add3A_24, %dma_start3A_342] : memref<10240x16xf32, #tpu.memory_space<vmem_shared>> -> memref<128x16xf32, #tpu.memory_space<vmem_shared>>
      tpu.enqueue_dma source(%arg37 : memref<128x16xf32, #tpu.memory_space<vmem>>) target(%dma_start3A_343 : memref<128x16xf32, #tpu.memory_space<vmem_shared>>) target_semaphore(%run_scoped3A : memref<!tpu.dma_semaphore, #tpu.memory_space<semaphore_mem>>)
      %dma_wait3A_344 = arith.constant 0 : i32
      %dma_wait3A_345 = tpu.memref_slice %arg39[%add3A_24, %dma_wait3A_344] : memref<10240x16xf32, #tpu.memory_space<vmem_shared>> -> memref<128x16xf32, #tpu.memory_space<vmem_shared>>
      %dma_wait3A_346 = arith.constant 0 : i32
      %dma_wait3A_347 = tpu.memref_slice %arg39[%add3A_24, %dma_wait3A_346] : memref<10240x16xf32, #tpu.memory_space<vmem_shared>> -> memref<128x16xf32, #tpu.memory_space<vmem_shared>>
      tpu.wait_dma2 semaphore(%run_scoped3A : memref<!tpu.dma_semaphore, #tpu.memory_space<semaphore_mem>>) src(%arg37 : memref<128x16xf32, #tpu.memory_space<vmem>>) dst(%dma_wait3A_347 : memref<128x16xf32, #tpu.memory_space<vmem_shared>>)
      tpu.yield
    }) : () -> ()
    %mul3A_25 = arith.constant 640 : i32
    %mul3A_26 = arith.muli %arg1, %mul3A_25 : i32
    %add3A_27 = arith.constant 384 : i32
    %add3A_28 = arith.addi %mul3A_26, %add3A_27 : i32
    "tpu.region"() ({
      %run_scoped3A = tpu.sem_alloc : memref<!tpu.dma_semaphore, #tpu.memory_space<semaphore_mem>>
      %dma_start3A_340 = arith.constant 0 : i32
      %dma_start3A_341 = tpu.memref_slice %arg38[%add3A_28, %dma_start3A_340] : memref<10240x64xf32, #tpu.memory_space<vmem_shared>> -> memref<128x64xf32, #tpu.memory_space<vmem_shared>>
      %dma_start3A_342 = arith.constant 0 : i32
      %dma_start3A_343 = tpu.memref_slice %arg38[%add3A_28, %dma_start3A_342] : memref<10240x64xf32, #tpu.memory_space<vmem_shared>> -> memref<128x64xf32, #tpu.memory_space<vmem_shared>>
      tpu.enqueue_dma source(%arg36 : memref<128x64xf32, #tpu.memory_space<vmem>>) target(%dma_start3A_343 : memref<128x64xf32, #tpu.memory_space<vmem_shared>>) target_semaphore(%run_scoped3A : memref<!tpu.dma_semaphore, #tpu.memory_space<semaphore_mem>>)
      %dma_wait3A_344 = arith.constant 0 : i32
      %dma_wait3A_345 = tpu.memref_slice %arg38[%add3A_28, %dma_wait3A_344] : memref<10240x64xf32, #tpu.memory_space<vmem_shared>> -> memref<128x64xf32, #tpu.memory_space<vmem_shared>>
      %dma_wait3A_346 = arith.constant 0 : i32
      %dma_wait3A_347 = tpu.memref_slice %arg38[%add3A_28, %dma_wait3A_346] : memref<10240x64xf32, #tpu.memory_space<vmem_shared>> -> memref<128x64xf32, #tpu.memory_space<vmem_shared>>
      tpu.wait_dma2 semaphore(%run_scoped3A : memref<!tpu.dma_semaphore, #tpu.memory_space<semaphore_mem>>) src(%arg36 : memref<128x64xf32, #tpu.memory_space<vmem>>) dst(%dma_wait3A_347 : memref<128x64xf32, #tpu.memory_space<vmem_shared>>)
      tpu.yield
    }) : () -> ()
    "tpu.region"() ({
      %run_scoped3A = tpu.sem_alloc : memref<!tpu.dma_semaphore, #tpu.memory_space<semaphore_mem>>
      %dma_start3A_340 = arith.constant 0 : i32
      %dma_start3A_341 = tpu.memref_slice %arg39[%add3A_28, %dma_start3A_340] : memref<10240x16xf32, #tpu.memory_space<vmem_shared>> -> memref<128x16xf32, #tpu.memory_space<vmem_shared>>
      %dma_start3A_342 = arith.constant 0 : i32
      %dma_start3A_343 = tpu.memref_slice %arg39[%add3A_28, %dma_start3A_342] : memref<10240x16xf32, #tpu.memory_space<vmem_shared>> -> memref<128x16xf32, #tpu.memory_space<vmem_shared>>
      tpu.enqueue_dma source(%arg37 : memref<128x16xf32, #tpu.memory_space<vmem>>) target(%dma_start3A_343 : memref<128x16xf32, #tpu.memory_space<vmem_shared>>) target_semaphore(%run_scoped3A : memref<!tpu.dma_semaphore, #tpu.memory_space<semaphore_mem>>)
      %dma_wait3A_344 = arith.constant 0 : i32
      %dma_wait3A_345 = tpu.memref_slice %arg39[%add3A_28, %dma_wait3A_344] : memref<10240x16xf32, #tpu.memory_space<vmem_shared>> -> memref<128x16xf32, #tpu.memory_space<vmem_shared>>
      %dma_wait3A_346 = arith.constant 0 : i32
      %dma_wait3A_347 = tpu.memref_slice %arg39[%add3A_28, %dma_wait3A_346] : memref<10240x16xf32, #tpu.memory_space<vmem_shared>> -> memref<128x16xf32, #tpu.memory_space<vmem_shared>>
      tpu.wait_dma2 semaphore(%run_scoped3A : memref<!tpu.dma_semaphore, #tpu.memory_space<semaphore_mem>>) src(%arg37 : memref<128x16xf32, #tpu.memory_space<vmem>>) dst(%dma_wait3A_347 : memref<128x16xf32, #tpu.memory_space<vmem_shared>>)
      tpu.yield
    }) : () -> ()
    %mul3A_29 = arith.constant 640 : i32
    %mul3A_30 = arith.muli %arg1, %mul3A_29 : i32
    %add3A_31 = arith.constant 512 : i32
    %add3A_32 = arith.addi %mul3A_30, %add3A_31 : i32
    "tpu.region"() ({
      %run_scoped3A = tpu.sem_alloc : memref<!tpu.dma_semaphore, #tpu.memory_space<semaphore_mem>>
      %dma_start3A_340 = arith.constant 0 : i32
      %dma_start3A_341 = tpu.memref_slice %arg38[%add3A_32, %dma_start3A_340] : memref<10240x64xf32, #tpu.memory_space<vmem_shared>> -> memref<128x64xf32, #tpu.memory_space<vmem_shared>>
      %dma_start3A_342 = arith.constant 0 : i32
      %dma_start3A_343 = tpu.memref_slice %arg38[%add3A_32, %dma_start3A_342] : memref<10240x64xf32, #tpu.memory_space<vmem_shared>> -> memref<128x64xf32, #tpu.memory_space<vmem_shared>>
      tpu.enqueue_dma source(%arg36 : memref<128x64xf32, #tpu.memory_space<vmem>>) target(%dma_start3A_343 : memref<128x64xf32, #tpu.memory_space<vmem_shared>>) target_semaphore(%run_scoped3A : memref<!tpu.dma_semaphore, #tpu.memory_space<semaphore_mem>>)
      %dma_wait3A_344 = arith.constant 0 : i32
      %dma_wait3A_345 = tpu.memref_slice %arg38[%add3A_32, %dma_wait3A_344] : memref<10240x64xf32, #tpu.memory_space<vmem_shared>> -> memref<128x64xf32, #tpu.memory_space<vmem_shared>>
      %dma_wait3A_346 = arith.constant 0 : i32
      %dma_wait3A_347 = tpu.memref_slice %arg38[%add3A_32, %dma_wait3A_346] : memref<10240x64xf32, #tpu.memory_space<vmem_shared>> -> memref<128x64xf32, #tpu.memory_space<vmem_shared>>
      tpu.wait_dma2 semaphore(%run_scoped3A : memref<!tpu.dma_semaphore, #tpu.memory_space<semaphore_mem>>) src(%arg36 : memref<128x64xf32, #tpu.memory_space<vmem>>) dst(%dma_wait3A_347 : memref<128x64xf32, #tpu.memory_space<vmem_shared>>)
      tpu.yield
    }) : () -> ()
    "tpu.region"() ({
      %run_scoped3A = tpu.sem_alloc : memref<!tpu.dma_semaphore, #tpu.memory_space<semaphore_mem>>
      %dma_start3A_340 = arith.constant 0 : i32
      %dma_start3A_341 = tpu.memref_slice %arg39[%add3A_32, %dma_start3A_340] : memref<10240x16xf32, #tpu.memory_space<vmem_shared>> -> memref<128x16xf32, #tpu.memory_space<vmem_shared>>
      %dma_start3A_342 = arith.constant 0 : i32
      %dma_start3A_343 = tpu.memref_slice %arg39[%add3A_32, %dma_start3A_342] : memref<10240x16xf32, #tpu.memory_space<vmem_shared>> -> memref<128x16xf32, #tpu.memory_space<vmem_shared>>
      tpu.enqueue_dma source(%arg37 : memref<128x16xf32, #tpu.memory_space<vmem>>) target(%dma_start3A_343 : memref<128x16xf32, #tpu.memory_space<vmem_shared>>) target_semaphore(%run_scoped3A : memref<!tpu.dma_semaphore, #tpu.memory_space<semaphore_mem>>)
      %dma_wait3A_344 = arith.constant 0 : i32
      %dma_wait3A_345 = tpu.memref_slice %arg39[%add3A_32, %dma_wait3A_344] : memref<10240x16xf32, #tpu.memory_space<vmem_shared>> -> memref<128x16xf32, #tpu.memory_space<vmem_shared>>
      %dma_wait3A_346 = arith.constant 0 : i32
      %dma_wait3A_347 = tpu.memref_slice %arg39[%add3A_32, %dma_wait3A_346] : memref<10240x16xf32, #tpu.memory_space<vmem_shared>> -> memref<128x16xf32, #tpu.memory_space<vmem_shared>>
      tpu.wait_dma2 semaphore(%run_scoped3A : memref<!tpu.dma_semaphore, #tpu.memory_space<semaphore_mem>>) src(%arg37 : memref<128x16xf32, #tpu.memory_space<vmem>>) dst(%dma_wait3A_347 : memref<128x16xf32, #tpu.memory_space<vmem_shared>>)
      tpu.yield
    }) : () -> ()
    %barrier3A = arith.constant 0 : index
    tpu.barrier barrier_id(%barrier3A)
    %scan3A_33 = arith.constant 0 : i32
    %scan3A_34 = arith.constant 0 : i32
    %scan3A_35 = arith.constant 80 : i32
    %scan3A_36 = arith.addi %scan3A_34, %scan3A_35 : i32
    %scan3A_37 = arith.constant 1 : i32
    scf.for %scan3A_340 = %scan3A_34 to %scan3A_36 step %scan3A_37  : i32 {
      %swap3A = arith.index_cast %scan3A_340 : i32 to index
      %swap3A_341 = arith.constant 0 : index
      %swap3A_342 = tpu.vector_load %arg35[%swap3A, %swap3A_341] {strides = array<i32>} : memref<80x64xf32, #tpu.memory_space<vmem>>, vector<1x16xf32>,
      %swap3A_343 = vector.shape_cast %swap3A_342 : vector<1x16xf32> to vector<16xf32>
      %swap3A_344 = vector.shape_cast %broadcast_in_dim3A_1 : vector<16xf32> to vector<1x16xf32>
      tpu.vector_store %arg35[%swap3A, %swap3A_341], %swap3A_344 {strides = array<i32>} : memref<80x64xf32, #tpu.memory_space<vmem>>, vector<1x16xf32>,
      %swap3A_345 = arith.index_cast %scan3A_340 : i32 to index
      %swap3A_346 = arith.constant 16 : index
      %swap3A_347 = tpu.vector_load %arg35[%swap3A_345, %swap3A_346] {strides = array<i32>} : memref<80x64xf32, #tpu.memory_space<vmem>>, vector<1x16xf32>,
      %swap3A_348 = vector.shape_cast %swap3A_347 : vector<1x16xf32> to vector<16xf32>
      %swap3A_349 = vector.shape_cast %broadcast_in_dim3A_1 : vector<16xf32> to vector<1x16xf32>
      tpu.vector_store %arg35[%swap3A_345, %swap3A_346], %swap3A_349 {strides = array<i32>} : memref<80x64xf32, #tpu.memory_space<vmem>>, vector<1x16xf32>,
      %swap3A_350 = arith.index_cast %scan3A_340 : i32 to index
      %swap3A_351 = arith.constant 32 : index
      %swap3A_352 = tpu.vector_load %arg35[%swap3A_350, %swap3A_351] {strides = array<i32>} : memref<80x64xf32, #tpu.memory_space<vmem>>, vector<1x16xf32>,
      %swap3A_353 = vector.shape_cast %swap3A_352 : vector<1x16xf32> to vector<16xf32>
      %swap3A_354 = vector.shape_cast %broadcast_in_dim3A_1 : vector<16xf32> to vector<1x16xf32>
      tpu.vector_store %arg35[%swap3A_350, %swap3A_351], %swap3A_354 {strides = array<i32>} : memref<80x64xf32, #tpu.memory_space<vmem>>, vector<1x16xf32>,
      %swap3A_355 = arith.index_cast %scan3A_340 : i32 to index
      %swap3A_356 = arith.constant 48 : index
      %swap3A_357 = tpu.vector_load %arg35[%swap3A_355, %swap3A_356] {strides = array<i32>} : memref<80x64xf32, #tpu.memory_space<vmem>>, vector<1x16xf32>,
      %swap3A_358 = vector.shape_cast %swap3A_357 : vector<1x16xf32> to vector<16xf32>
      %swap3A_359 = vector.shape_cast %broadcast_in_dim3A_1 : vector<16xf32> to vector<1x16xf32>
      tpu.vector_store %arg35[%swap3A_355, %swap3A_356], %swap3A_359 {strides = array<i32>} : memref<80x64xf32, #tpu.memory_space<vmem>>, vector<1x16xf32>,
    }
    %scan3A_38 = arith.constant 80 : i32
    %dma_start3A = arith.constant 0 : i32
    %dma_start3A_39 = arith.constant 0 : i32
    %dma_start3A_40 = tpu.memref_slice %arg30[%dma_start3A, %dma_start3A_39] : memref<125x80xi32, #tpu.memory_space<vmem>> -> memref<1x80xi32, #tpu.memory_space<vmem>>
    %dma_start3A_41 = tpu.memref_squeeze %dma_start3A_40 : memref<1x80xi32, #tpu.memory_space<vmem>> -> memref<80xi32, #tpu.memory_space<vmem>>
    %dma_start3A_42 = arith.constant 0 : i32
    %dma_start3A_43 = arith.constant 0 : i32
    %dma_start3A_44 = tpu.memref_slice %arg38[%dma_start3A_42, %dma_start3A_43] : memref<10240x64xf32, #tpu.memory_space<vmem_shared>> -> memref<10240x64xf32, #tpu.memory_space<vmem_shared>>
    tpu.enqueue_indirect_dma source(%arg35 : memref<80x64xf32, #tpu.memory_space<vmem>>) target(%dma_start3A_44 : memref<10240x64xf32, #tpu.memory_space<vmem_shared>>) offsets(%dma_start3A_41 : memref<80xi32, #tpu.memory_space<vmem>>) semaphore(%arg41 : memref<!tpu.dma_semaphore, #tpu.memory_space<semaphore_mem>>) {add = true}
    %scan3A_45 = arith.constant 0 : i32
    %scan3A_46 = arith.constant 0 : i32
    %scan3A_47 = arith.constant 125 : i32
    %scan3A_48 = arith.addi %scan3A_46, %scan3A_47 : i32
    %scan3A_49 = arith.constant 1 : i32
    scf.for %scan3A_340 = %scan3A_46 to %scan3A_48 step %scan3A_49  : i32 {
      %dma_start3A_341 = arith.constant 0 : i32
      %dma_start3A_342 = tpu.memref_slice %arg29[%scan3A_340, %dma_start3A_341] : memref<125x80xi32, #tpu.memory_space<vmem>> -> memref<1x80xi32, #tpu.memory_space<vmem>>
      %dma_start3A_343 = tpu.memref_squeeze %dma_start3A_342 : memref<1x80xi32, #tpu.memory_space<vmem>> -> memref<80xi32, #tpu.memory_space<vmem>>
      %dma_start3A_344 = arith.constant 0 : i32
      %dma_start3A_345 = arith.constant 0 : i32
      %dma_start3A_346 = tpu.memref_slice %arg4[%dma_start3A_344, %dma_start3A_345] : memref<10000x16xf32, #tpu.memory_space<hbm>> -> memref<10000x16xf32, #tpu.memory_space<hbm>>
      tpu.enqueue_indirect_dma source(%dma_start3A_346 : memref<10000x16xf32, #tpu.memory_space<hbm>>) target(%arg31 : memref<80x16xf32, #tpu.memory_space<vmem>>) offsets(%dma_start3A_343 : memref<80xi32, #tpu.memory_space<vmem>>) semaphore(%arg40 : memref<!tpu.dma_semaphore, #tpu.memory_space<semaphore_mem>>)
      %dma_start3A_347 = arith.constant 0 : i32
      %dma_start3A_348 = tpu.memref_slice %arg30[%scan3A_340, %dma_start3A_347] : memref<125x80xi32, #tpu.memory_space<vmem>> -> memref<1x80xi32, #tpu.memory_space<vmem>>
      %dma_start3A_349 = tpu.memref_squeeze %dma_start3A_348 : memref<1x80xi32, #tpu.memory_space<vmem>> -> memref<80xi32, #tpu.memory_space<vmem>>
      %dma_start3A_350 = arith.constant 0 : i32
      %dma_start3A_351 = arith.constant 0 : i32
      %dma_start3A_352 = tpu.memref_slice %arg5[%dma_start3A_350, %dma_start3A_351] : memref<10000x16xf32, #tpu.memory_space<hbm>> -> memref<10000x16xf32, #tpu.memory_space<hbm>>
      tpu.enqueue_indirect_dma source(%dma_start3A_352 : memref<10000x16xf32, #tpu.memory_space<hbm>>) target(%arg32 : memref<80x16xf32, #tpu.memory_space<vmem>>) offsets(%dma_start3A_349 : memref<80xi32, #tpu.memory_space<vmem>>) semaphore(%arg40 : memref<!tpu.dma_semaphore, #tpu.memory_space<semaphore_mem>>)
      %dma_start3A_353 = arith.constant 0 : i32
      %dma_start3A_354 = tpu.memref_slice %arg29[%scan3A_340, %dma_start3A_353] : memref<125x80xi32, #tpu.memory_space<vmem>> -> memref<1x80xi32, #tpu.memory_space<vmem>>
      %dma_start3A_355 = tpu.memref_squeeze %dma_start3A_354 : memref<1x80xi32, #tpu.memory_space<vmem>> -> memref<80xi32, #tpu.memory_space<vmem>>
      %dma_start3A_356 = arith.constant 0 : i32
      %dma_start3A_357 = arith.constant 0 : i32
      %dma_start3A_358 = tpu.memref_slice %arg2[%dma_start3A_356, %dma_start3A_357] : memref<10000x64xf32, #tpu.memory_space<hbm>> -> memref<10000x64xf32, #tpu.memory_space<hbm>>
      tpu.enqueue_indirect_dma source(%dma_start3A_358 : memref<10000x64xf32, #tpu.memory_space<hbm>>) target(%arg34 : memref<80x64xf32, #tpu.memory_space<vmem>>) offsets(%dma_start3A_355 : memref<80xi32, #tpu.memory_space<vmem>>) semaphore(%arg40 : memref<!tpu.dma_semaphore, #tpu.memory_space<semaphore_mem>>)
      %dma_wait3A_359 = arith.constant 0 : i32
      %dma_wait3A_360 = tpu.memref_slice %arg29[%scan3A_340, %dma_wait3A_359] : memref<125x80xi32, #tpu.memory_space<vmem>> -> memref<1x80xi32, #tpu.memory_space<vmem>>
      %dma_wait3A_361 = tpu.memref_squeeze %dma_wait3A_360 : memref<1x80xi32, #tpu.memory_space<vmem>> -> memref<80xi32, #tpu.memory_space<vmem>>
      %dma_wait3A_362 = arith.constant 0 : i32
      %dma_wait3A_363 = arith.constant 0 : i32
      %dma_wait3A_364 = tpu.memref_slice %arg4[%dma_wait3A_362, %dma_wait3A_363] : memref<10000x16xf32, #tpu.memory_space<hbm>> -> memref<10000x16xf32, #tpu.memory_space<hbm>>
      tpu.wait_indirect_dma semaphore(%arg40 : memref<!tpu.dma_semaphore, #tpu.memory_space<semaphore_mem>>) src(%dma_wait3A_364 : memref<10000x16xf32, #tpu.memory_space<hbm>>) dst(%arg31 : memref<80x16xf32, #tpu.memory_space<vmem>>)
      %dma_wait3A_365 = arith.constant 0 : i32
      %dma_wait3A_366 = tpu.memref_slice %arg30[%scan3A_340, %dma_wait3A_365] : memref<125x80xi32, #tpu.memory_space<vmem>> -> memref<1x80xi32, #tpu.memory_space<vmem>>
      %dma_wait3A_367 = tpu.memref_squeeze %dma_wait3A_366 : memref<1x80xi32, #tpu.memory_space<vmem>> -> memref<80xi32, #tpu.memory_space<vmem>>
      %dma_wait3A_368 = arith.constant 0 : i32
      %dma_wait3A_369 = arith.constant 0 : i32
      %dma_wait3A_370 = tpu.memref_slice %arg5[%dma_wait3A_368, %dma_wait3A_369] : memref<10000x16xf32, #tpu.memory_space<hbm>> -> memref<10000x16xf32, #tpu.memory_space<hbm>>
      tpu.wait_indirect_dma semaphore(%arg40 : memref<!tpu.dma_semaphore, #tpu.memory_space<semaphore_mem>>) src(%dma_wait3A_370 : memref<10000x16xf32, #tpu.memory_space<hbm>>) dst(%arg32 : memref<80x16xf32, #tpu.memory_space<vmem>>)
      %scan3A_371 = arith.constant 0 : i32
      %scan3A_372 = arith.constant 0 : i32
      %scan3A_373 = arith.constant 80 : i32
      %scan3A_374 = arith.addi %scan3A_372, %scan3A_373 : i32
      %scan3A_375 = arith.constant 1 : i32
      scf.for %scan3A_413 = %scan3A_372 to %scan3A_374 step %scan3A_375  : i32 {
        %get3A = arith.index_cast %scan3A_413 : i32 to index
        %get3A_414 = arith.constant 0 : index
        %get3A_415 = tpu.vector_load %arg31[%get3A, %get3A_414] {strides = array<i32>} : memref<80x16xf32, #tpu.memory_space<vmem>>, vector<1x16xf32>,
        %get3A_416 = vector.shape_cast %get3A_415 : vector<1x16xf32> to vector<16xf32>
        %get3A_417 = arith.index_cast %scan3A_413 : i32 to index
        %get3A_418 = arith.constant 0 : index
        %get3A_419 = tpu.vector_load %arg32[%get3A_417, %get3A_418] {strides = array<i32>} : memref<80x16xf32, #tpu.memory_space<vmem>>, vector<1x16xf32>,
        %get3A_420 = vector.shape_cast %get3A_419 : vector<1x16xf32> to vector<16xf32>
        %add3A_421 = arith.addf %get3A_416, %get3A_420 : vector<16xf32>
        %mul3A_422 = arith.constant 2.000000e-01 : f32
        %mul3A_423 = vector.broadcast %mul3A_422 : f32 to vector<16xf32>
        %mul3A_424 = arith.mulf %mul3A_423, %add3A_421 : vector<16xf32>
        %max3A = arith.maximumf %add3A_421, %mul3A_424 : vector<16xf32>
        %exp3A = math.exp %max3A : vector<16xf32>
        %swap3A = arith.index_cast %scan3A_413 : i32 to index
        %swap3A_425 = arith.constant 0 : index
        %swap3A_426 = tpu.vector_load %arg33[%swap3A, %swap3A_425] {strides = array<i32>} : memref<80x16xf32, #tpu.memory_space<vmem>>, vector<1x16xf32>,
        %swap3A_427 = vector.shape_cast %swap3A_426 : vector<1x16xf32> to vector<16xf32>
        %swap3A_428 = vector.shape_cast %exp3A : vector<16xf32> to vector<1x16xf32>
        tpu.vector_store %arg33[%swap3A, %swap3A_425], %swap3A_428 {strides = array<i32>} : memref<80x16xf32, #tpu.memory_space<vmem>>, vector<1x16xf32>,
      }
      %scan3A_376 = arith.constant 80 : i32
      %dma_wait3A_377 = arith.constant 0 : i32
      %dma_wait3A_378 = tpu.memref_slice %arg29[%scan3A_340, %dma_wait3A_377] : memref<125x80xi32, #tpu.memory_space<vmem>> -> memref<1x80xi32, #tpu.memory_space<vmem>>
      %dma_wait3A_379 = tpu.memref_squeeze %dma_wait3A_378 : memref<1x80xi32, #tpu.memory_space<vmem>> -> memref<80xi32, #tpu.memory_space<vmem>>
      %dma_wait3A_380 = arith.constant 0 : i32
      %dma_wait3A_381 = arith.constant 0 : i32
      %dma_wait3A_382 = tpu.memref_slice %arg2[%dma_wait3A_380, %dma_wait3A_381] : memref<10000x64xf32, #tpu.memory_space<hbm>> -> memref<10000x64xf32, #tpu.memory_space<hbm>>
      tpu.wait_indirect_dma semaphore(%arg40 : memref<!tpu.dma_semaphore, #tpu.memory_space<semaphore_mem>>) src(%dma_wait3A_382 : memref<10000x64xf32, #tpu.memory_space<hbm>>) dst(%arg34 : memref<80x64xf32, #tpu.memory_space<vmem>>)
      %dma_wait3A_383 = arith.constant 0 : i32
      %dma_wait3A_384 = tpu.memref_slice %arg30[%scan3A_340, %dma_wait3A_383] : memref<125x80xi32, #tpu.memory_space<vmem>> -> memref<1x80xi32, #tpu.memory_space<vmem>>
      %dma_wait3A_385 = tpu.memref_squeeze %dma_wait3A_384 : memref<1x80xi32, #tpu.memory_space<vmem>> -> memref<80xi32, #tpu.memory_space<vmem>>
      %dma_wait3A_386 = arith.constant 0 : i32
      %dma_wait3A_387 = arith.constant 0 : i32
      %dma_wait3A_388 = tpu.memref_slice %arg38[%dma_wait3A_386, %dma_wait3A_387] : memref<10240x64xf32, #tpu.memory_space<vmem_shared>> -> memref<10240x64xf32, #tpu.memory_space<vmem_shared>>
      tpu.wait_indirect_dma semaphore(%arg41 : memref<!tpu.dma_semaphore, #tpu.memory_space<semaphore_mem>>) src(%arg35 : memref<80x64xf32, #tpu.memory_space<vmem>>) dst(%dma_wait3A_388 : memref<10240x64xf32, #tpu.memory_space<vmem_shared>>)
      %dma_start3A_389 = arith.constant 0 : i32
      %dma_start3A_390 = tpu.memref_slice %arg30[%scan3A_340, %dma_start3A_389] : memref<125x80xi32, #tpu.memory_space<vmem>> -> memref<1x80xi32, #tpu.memory_space<vmem>>
      %dma_start3A_391 = tpu.memref_squeeze %dma_start3A_390 : memref<1x80xi32, #tpu.memory_space<vmem>> -> memref<80xi32, #tpu.memory_space<vmem>>
      %dma_start3A_392 = arith.constant 0 : i32
      %dma_start3A_393 = arith.constant 0 : i32
      %dma_start3A_394 = tpu.memref_slice %arg39[%dma_start3A_392, %dma_start3A_393] : memref<10240x16xf32, #tpu.memory_space<vmem_shared>> -> memref<10240x16xf32, #tpu.memory_space<vmem_shared>>
      tpu.enqueue_indirect_dma source(%arg33 : memref<80x16xf32, #tpu.memory_space<vmem>>) target(%dma_start3A_394 : memref<10240x16xf32, #tpu.memory_space<vmem_shared>>) offsets(%dma_start3A_391 : memref<80xi32, #tpu.memory_space<vmem>>) semaphore(%arg40 : memref<!tpu.dma_semaphore, #tpu.memory_space<semaphore_mem>>) {add = true}
      %scan3A_395 = arith.constant 0 : i32
      %scan3A_396 = arith.constant 0 : i32
      %scan3A_397 = arith.constant 80 : i32
      %scan3A_398 = arith.addi %scan3A_396, %scan3A_397 : i32
      %scan3A_399 = arith.constant 1 : i32
      scf.for %scan3A_413 = %scan3A_396 to %scan3A_398 step %scan3A_399  : i32 {
        %get3A = arith.index_cast %scan3A_413 : i32 to index
        %get3A_414 = arith.constant 0 : index
        %get3A_415 = tpu.vector_load %arg33[%get3A, %get3A_414] {strides = array<i32>} : memref<80x16xf32, #tpu.memory_space<vmem>>, vector<1x16xf32>,
        %get3A_416 = vector.shape_cast %get3A_415 : vector<1x16xf32> to vector<16xf32>
        %get3A_417 = arith.index_cast %scan3A_413 : i32 to index
        %get3A_418 = arith.constant 0 : index
        %get3A_419 = tpu.vector_load %arg34[%get3A_417, %get3A_418] {strides = array<i32>} : memref<80x64xf32, #tpu.memory_space<vmem>>, vector<1x16xf32>,
        %get3A_420 = vector.shape_cast %get3A_419 : vector<1x16xf32> to vector<16xf32>
        %slice3A = vector.extract_strided_slice %get3A_416 {offsets = [0], sizes = [1], strides = [1]} : vector<16xf32> to vector<1xf32>
        %squeeze3A = vector.extract %slice3A[0] : f32 from vector<1xf32>
        %mul3A_421 = vector.broadcast %squeeze3A : f32 to vector<16xf32>
        %mul3A_422 = arith.mulf %get3A_420, %mul3A_421 : vector<16xf32>
        %swap3A = arith.index_cast %scan3A_413 : i32 to index
        %swap3A_423 = arith.constant 0 : index
        %swap3A_424 = tpu.vector_load %arg35[%swap3A, %swap3A_423] {strides = array<i32>} : memref<80x64xf32, #tpu.memory_space<vmem>>, vector<1x16xf32>,
        %swap3A_425 = vector.shape_cast %swap3A_424 : vector<1x16xf32> to vector<16xf32>
        %swap3A_426 = vector.shape_cast %mul3A_422 : vector<16xf32> to vector<1x16xf32>
        tpu.vector_store %arg35[%swap3A, %swap3A_423], %swap3A_426 {strides = array<i32>} : memref<80x64xf32, #tpu.memory_space<vmem>>, vector<1x16xf32>,
        %get3A_427 = arith.index_cast %scan3A_413 : i32 to index
        %get3A_428 = arith.constant 16 : index
        %get3A_429 = tpu.vector_load %arg34[%get3A_427, %get3A_428] {strides = array<i32>} : memref<80x64xf32, #tpu.memory_space<vmem>>, vector<1x16xf32>,
        %get3A_430 = vector.shape_cast %get3A_429 : vector<1x16xf32> to vector<16xf32>
        %slice3A_431 = vector.extract_strided_slice %get3A_416 {offsets = [1], sizes = [1], strides = [1]} : vector<16xf32> to vector<1xf32>
        %squeeze3A_432 = vector.extract %slice3A_431[0] : f32 from vector<1xf32>
        %mul3A_433 = vector.broadcast %squeeze3A_432 : f32 to vector<16xf32>
        %mul3A_434 = arith.mulf %get3A_430, %mul3A_433 : vector<16xf32>
        %swap3A_435 = arith.index_cast %scan3A_413 : i32 to index
        %swap3A_436 = arith.constant 16 : index
        %swap3A_437 = tpu.vector_load %arg35[%swap3A_435, %swap3A_436] {strides = array<i32>} : memref<80x64xf32, #tpu.memory_space<vmem>>, vector<1x16xf32>,
        %swap3A_438 = vector.shape_cast %swap3A_437 : vector<1x16xf32> to vector<16xf32>
        %swap3A_439 = vector.shape_cast %mul3A_434 : vector<16xf32> to vector<1x16xf32>
        tpu.vector_store %arg35[%swap3A_435, %swap3A_436], %swap3A_439 {strides = array<i32>} : memref<80x64xf32, #tpu.memory_space<vmem>>, vector<1x16xf32>,
        %get3A_440 = arith.index_cast %scan3A_413 : i32 to index
        %get3A_441 = arith.constant 32 : index
        %get3A_442 = tpu.vector_load %arg34[%get3A_440, %get3A_441] {strides = array<i32>} : memref<80x64xf32, #tpu.memory_space<vmem>>, vector<1x16xf32>,
        %get3A_443 = vector.shape_cast %get3A_442 : vector<1x16xf32> to vector<16xf32>
        %slice3A_444 = vector.extract_strided_slice %get3A_416 {offsets = [2], sizes = [1], strides = [1]} : vector<16xf32> to vector<1xf32>
        %squeeze3A_445 = vector.extract %slice3A_444[0] : f32 from vector<1xf32>
        %mul3A_446 = vector.broadcast %squeeze3A_445 : f32 to vector<16xf32>
        %mul3A_447 = arith.mulf %get3A_443, %mul3A_446 : vector<16xf32>
        %swap3A_448 = arith.index_cast %scan3A_413 : i32 to index
        %swap3A_449 = arith.constant 32 : index
        %swap3A_450 = tpu.vector_load %arg35[%swap3A_448, %swap3A_449] {strides = array<i32>} : memref<80x64xf32, #tpu.memory_space<vmem>>, vector<1x16xf32>,
        %swap3A_451 = vector.shape_cast %swap3A_450 : vector<1x16xf32> to vector<16xf32>
        %swap3A_452 = vector.shape_cast %mul3A_447 : vector<16xf32> to vector<1x16xf32>
        tpu.vector_store %arg35[%swap3A_448, %swap3A_449], %swap3A_452 {strides = array<i32>} : memref<80x64xf32, #tpu.memory_space<vmem>>, vector<1x16xf32>,
        %get3A_453 = arith.index_cast %scan3A_413 : i32 to index
        %get3A_454 = arith.constant 48 : index
        %get3A_455 = tpu.vector_load %arg34[%get3A_453, %get3A_454] {strides = array<i32>} : memref<80x64xf32, #tpu.memory_space<vmem>>, vector<1x16xf32>,
        %get3A_456 = vector.shape_cast %get3A_455 : vector<1x16xf32> to vector<16xf32>
        %slice3A_457 = vector.extract_strided_slice %get3A_416 {offsets = [3], sizes = [1], strides = [1]} : vector<16xf32> to vector<1xf32>
        %squeeze3A_458 = vector.extract %slice3A_457[0] : f32 from vector<1xf32>
        %mul3A_459 = vector.broadcast %squeeze3A_458 : f32 to vector<16xf32>
        %mul3A_460 = arith.mulf %get3A_456, %mul3A_459 : vector<16xf32>
        %swap3A_461 = arith.index_cast %scan3A_413 : i32 to index
        %swap3A_462 = arith.constant 48 : index
        %swap3A_463 = tpu.vector_load %arg35[%swap3A_461, %swap3A_462] {strides = array<i32>} : memref<80x64xf32, #tpu.memory_space<vmem>>, vector<1x16xf32>,
        %swap3A_464 = vector.shape_cast %swap3A_463 : vector<1x16xf32> to vector<16xf32>
        %swap3A_465 = vector.shape_cast %mul3A_460 : vector<16xf32> to vector<1x16xf32>
        tpu.vector_store %arg35[%swap3A_461, %swap3A_462], %swap3A_465 {strides = array<i32>} : memref<80x64xf32, #tpu.memory_space<vmem>>, vector<1x16xf32>,
      }
      %scan3A_400 = arith.constant 80 : i32
      %dma_start3A_401 = arith.constant 0 : i32
      %dma_start3A_402 = tpu.memref_slice %arg30[%scan3A_340, %dma_start3A_401] : memref<125x80xi32, #tpu.memory_space<vmem>> -> memref<1x80xi32, #tpu.memory_space<vmem>>
      %dma_start3A_403 = tpu.memref_squeeze %dma_start3A_402 : memref<1x80xi32, #tpu.memory_space<vmem>> -> memref<80xi32, #tpu.memory_space<vmem>>
      %dma_start3A_404 = arith.constant 0 : i32
      %dma_start3A_405 = arith.constant 0 : i32
      %dma_start3A_406 = tpu.memref_slice %arg38[%dma_start3A_404, %dma_start3A_405] : memref<10240x64xf32, #tpu.memory_space<vmem_shared>> -> memref<10240x64xf32, #tpu.memory_space<vmem_shared>>
      tpu.enqueue_indirect_dma source(%arg35 : memref<80x64xf32, #tpu.memory_space<vmem>>) target(%dma_start3A_406 : memref<10240x64xf32, #tpu.memory_space<vmem_shared>>) offsets(%dma_start3A_403 : memref<80xi32, #tpu.memory_space<vmem>>) semaphore(%arg41 : memref<!tpu.dma_semaphore, #tpu.memory_space<semaphore_mem>>) {add = true}
      %dma_wait3A_407 = arith.constant 0 : i32
      %dma_wait3A_408 = tpu.memref_slice %arg30[%scan3A_340, %dma_wait3A_407] : memref<125x80xi32, #tpu.memory_space<vmem>> -> memref<1x80xi32, #tpu.memory_space<vmem>>
      %dma_wait3A_409 = tpu.memref_squeeze %dma_wait3A_408 : memref<1x80xi32, #tpu.memory_space<vmem>> -> memref<80xi32, #tpu.memory_space<vmem>>
      %dma_wait3A_410 = arith.constant 0 : i32
      %dma_wait3A_411 = arith.constant 0 : i32
      %dma_wait3A_412 = tpu.memref_slice %arg39[%dma_wait3A_410, %dma_wait3A_411] : memref<10240x16xf32, #tpu.memory_space<vmem_shared>> -> memref<10240x16xf32, #tpu.memory_space<vmem_shared>>
      tpu.wait_indirect_dma semaphore(%arg40 : memref<!tpu.dma_semaphore, #tpu.memory_space<semaphore_mem>>) src(%arg33 : memref<80x16xf32, #tpu.memory_space<vmem>>) dst(%dma_wait3A_412 : memref<10240x16xf32, #tpu.memory_space<vmem_shared>>)
    }
    %scan3A_50 = arith.constant 125 : i32
    %dma_wait3A = arith.constant 0 : i32
    %dma_wait3A_51 = arith.constant 0 : i32
    %dma_wait3A_52 = tpu.memref_slice %arg30[%dma_wait3A, %dma_wait3A_51] : memref<125x80xi32, #tpu.memory_space<vmem>> -> memref<1x80xi32, #tpu.memory_space<vmem>>
    %dma_wait3A_53 = tpu.memref_squeeze %dma_wait3A_52 : memref<1x80xi32, #tpu.memory_space<vmem>> -> memref<80xi32, #tpu.memory_space<vmem>>
    %dma_wait3A_54 = arith.constant 0 : i32
    %dma_wait3A_55 = arith.constant 0 : i32
    %dma_wait3A_56 = tpu.memref_slice %arg38[%dma_wait3A_54, %dma_wait3A_55] : memref<10240x64xf32, #tpu.memory_space<vmem_shared>> -> memref<10240x64xf32, #tpu.memory_space<vmem_shared>>
    tpu.wait_indirect_dma semaphore(%arg41 : memref<!tpu.dma_semaphore, #tpu.memory_space<semaphore_mem>>) src(%arg35 : memref<80x64xf32, #tpu.memory_space<vmem>>) dst(%dma_wait3A_56 : memref<10240x64xf32, #tpu.memory_space<vmem_shared>>)
    %barrier3A_57 = arith.constant 0 : index
    tpu.barrier barrier_id(%barrier3A_57)
    %mul3A_58 = arith.constant 640 : i32
    %mul3A_59 = arith.muli %arg1, %mul3A_58 : i32
    %mul3A_60 = arith.constant 640 : i32
    %mul3A_61 = arith.muli %arg1, %mul3A_60 : i32
    "tpu.region"() ({
      %run_scoped3A = tpu.sem_alloc : memref<!tpu.dma_semaphore, #tpu.memory_space<semaphore_mem>>
      %dma_start3A_340 = arith.constant 0 : i32
      %dma_start3A_341 = tpu.memref_slice %arg20[%arg0, %mul3A_61, %dma_start3A_340] : memref<2x10240x64xf32, #tpu.memory_space<hbm>> -> memref<1x640x64xf32, #tpu.memory_space<hbm>>
      %dma_start3A_342 = tpu.memref_squeeze %dma_start3A_341 : memref<1x640x64xf32, #tpu.memory_space<hbm>> -> memref<640x64xf32, #tpu.memory_space<hbm>>
      %dma_start3A_343 = arith.constant 0 : i32
      %dma_start3A_344 = tpu.memref_slice %arg38[%mul3A_59, %dma_start3A_343] : memref<10240x64xf32, #tpu.memory_space<vmem_shared>> -> memref<640x64xf32, #tpu.memory_space<vmem_shared>>
      tpu.enqueue_dma source(%dma_start3A_344 : memref<640x64xf32, #tpu.memory_space<vmem_shared>>) target(%dma_start3A_342 : memref<640x64xf32, #tpu.memory_space<hbm>>) target_semaphore(%run_scoped3A : memref<!tpu.dma_semaphore, #tpu.memory_space<semaphore_mem>>)
      %dma_wait3A_345 = arith.constant 0 : i32
      %dma_wait3A_346 = tpu.memref_slice %arg20[%arg0, %mul3A_61, %dma_wait3A_345] : memref<2x10240x64xf32, #tpu.memory_space<hbm>> -> memref<1x640x64xf32, #tpu.memory_space<hbm>>
      %dma_wait3A_347 = tpu.memref_squeeze %dma_wait3A_346 : memref<1x640x64xf32, #tpu.memory_space<hbm>> -> memref<640x64xf32, #tpu.memory_space<hbm>>
      %dma_wait3A_348 = arith.constant 0 : i32
      %dma_wait3A_349 = tpu.memref_slice %arg38[%mul3A_59, %dma_wait3A_348] : memref<10240x64xf32, #tpu.memory_space<vmem_shared>> -> memref<640x64xf32, #tpu.memory_space<vmem_shared>>
      tpu.wait_dma2 semaphore(%run_scoped3A : memref<!tpu.dma_semaphore, #tpu.memory_space<semaphore_mem>>) src(%dma_wait3A_349 : memref<640x64xf32, #tpu.memory_space<vmem_shared>>) dst(%dma_wait3A_347 : memref<640x64xf32, #tpu.memory_space<hbm>>)
      tpu.yield
    }) : () -> ()
    %mul3A_62 = arith.constant 640 : i32
    %mul3A_63 = arith.muli %arg1, %mul3A_62 : i32
    %mul3A_64 = arith.constant 640 : i32
    %mul3A_65 = arith.muli %arg1, %mul3A_64 : i32
    "tpu.region"() ({
      %run_scoped3A = tpu.sem_alloc : memref<!tpu.dma_semaphore, #tpu.memory_space<semaphore_mem>>
      %dma_start3A_340 = arith.constant 0 : i32
      %dma_start3A_341 = tpu.memref_slice %arg22[%arg0, %mul3A_65, %dma_start3A_340] : memref<2x10240x16xf32, #tpu.memory_space<hbm>> -> memref<1x640x16xf32, #tpu.memory_space<hbm>>
      %dma_start3A_342 = tpu.memref_squeeze %dma_start3A_341 : memref<1x640x16xf32, #tpu.memory_space<hbm>> -> memref<640x16xf32, #tpu.memory_space<hbm>>
      %dma_start3A_343 = arith.constant 0 : i32
      %dma_start3A_344 = tpu.memref_slice %arg39[%mul3A_63, %dma_start3A_343] : memref<10240x16xf32, #tpu.memory_space<vmem_shared>> -> memref<640x16xf32, #tpu.memory_space<vmem_shared>>
      tpu.enqueue_dma source(%dma_start3A_344 : memref<640x16xf32, #tpu.memory_space<vmem_shared>>) target(%dma_start3A_342 : memref<640x16xf32, #tpu.memory_space<hbm>>) target_semaphore(%run_scoped3A : memref<!tpu.dma_semaphore, #tpu.memory_space<semaphore_mem>>)
      %dma_wait3A_345 = arith.constant 0 : i32
      %dma_wait3A_346 = tpu.memref_slice %arg22[%arg0, %mul3A_65, %dma_wait3A_345] : memref<2x10240x16xf32, #tpu.memory_space<hbm>> -> memref<1x640x16xf32, #tpu.memory_space<hbm>>
      %dma_wait3A_347 = tpu.memref_squeeze %dma_wait3A_346 : memref<1x640x16xf32, #tpu.memory_space<hbm>> -> memref<640x16xf32, #tpu.memory_space<hbm>>
      %dma_wait3A_348 = arith.constant 0 : i32
      %dma_wait3A_349 = tpu.memref_slice %arg39[%mul3A_63, %dma_wait3A_348] : memref<10240x16xf32, #tpu.memory_space<vmem_shared>> -> memref<640x16xf32, #tpu.memory_space<vmem_shared>>
      tpu.wait_dma2 semaphore(%run_scoped3A : memref<!tpu.dma_semaphore, #tpu.memory_space<semaphore_mem>>) src(%dma_wait3A_349 : memref<640x16xf32, #tpu.memory_space<vmem_shared>>) dst(%dma_wait3A_347 : memref<640x16xf32, #tpu.memory_space<hbm>>)
      tpu.yield
    }) : () -> ()
    %barrier3A_66 = arith.constant 0 : index
    tpu.barrier barrier_id(%barrier3A_66)
    %mul3A_67 = arith.constant 640 : i32
    %mul3A_68 = arith.muli %arg1, %mul3A_67 : i32
    %add3A_69 = arith.constant 0 : i32
    %add3A_70 = arith.addi %mul3A_68, %add3A_69 : i32
    "tpu.region"() ({
      %run_scoped3A = tpu.sem_alloc : memref<!tpu.dma_semaphore, #tpu.memory_space<semaphore_mem>>
      %dma_start3A_340 = arith.constant 0 : i32
      %dma_start3A_341 = tpu.memref_slice %arg38[%add3A_70, %dma_start3A_340] : memref<10240x64xf32, #tpu.memory_space<vmem_shared>> -> memref<128x64xf32, #tpu.memory_space<vmem_shared>>
      %dma_start3A_342 = arith.constant 0 : i32
      %dma_start3A_343 = tpu.memref_slice %arg38[%add3A_70, %dma_start3A_342] : memref<10240x64xf32, #tpu.memory_space<vmem_shared>> -> memref<128x64xf32, #tpu.memory_space<vmem_shared>>
      tpu.enqueue_dma source(%arg36 : memref<128x64xf32, #tpu.memory_space<vmem>>) target(%dma_start3A_343 : memref<128x64xf32, #tpu.memory_space<vmem_shared>>) target_semaphore(%run_scoped3A : memref<!tpu.dma_semaphore, #tpu.memory_space<semaphore_mem>>)
      %dma_wait3A_344 = arith.constant 0 : i32
      %dma_wait3A_345 = tpu.memref_slice %arg38[%add3A_70, %dma_wait3A_344] : memref<10240x64xf32, #tpu.memory_space<vmem_shared>> -> memref<128x64xf32, #tpu.memory_space<vmem_shared>>
      %dma_wait3A_346 = arith.constant 0 : i32
      %dma_wait3A_347 = tpu.memref_slice %arg38[%add3A_70, %dma_wait3A_346] : memref<10240x64xf32, #tpu.memory_space<vmem_shared>> -> memref<128x64xf32, #tpu.memory_space<vmem_shared>>
      tpu.wait_dma2 semaphore(%run_scoped3A : memref<!tpu.dma_semaphore, #tpu.memory_space<semaphore_mem>>) src(%arg36 : memref<128x64xf32, #tpu.memory_space<vmem>>) dst(%dma_wait3A_347 : memref<128x64xf32, #tpu.memory_space<vmem_shared>>)
      tpu.yield
    }) : () -> ()
    %mul3A_71 = arith.constant 640 : i32
    %mul3A_72 = arith.muli %arg1, %mul3A_71 : i32
    %add3A_73 = arith.constant 128 : i32
    %add3A_74 = arith.addi %mul3A_72, %add3A_73 : i32
    "tpu.region"() ({
      %run_scoped3A = tpu.sem_alloc : memref<!tpu.dma_semaphore, #tpu.memory_space<semaphore_mem>>
      %dma_start3A_340 = arith.constant 0 : i32
      %dma_start3A_341 = tpu.memref_slice %arg38[%add3A_74, %dma_start3A_340] : memref<10240x64xf32, #tpu.memory_space<vmem_shared>> -> memref<128x64xf32, #tpu.memory_space<vmem_shared>>
      %dma_start3A_342 = arith.constant 0 : i32
      %dma_start3A_343 = tpu.memref_slice %arg38[%add3A_74, %dma_start3A_342] : memref<10240x64xf32, #tpu.memory_space<vmem_shared>> -> memref<128x64xf32, #tpu.memory_space<vmem_shared>>
      tpu.enqueue_dma source(%arg36 : memref<128x64xf32, #tpu.memory_space<vmem>>) target(%dma_start3A_343 : memref<128x64xf32, #tpu.memory_space<vmem_shared>>) target_semaphore(%run_scoped3A : memref<!tpu.dma_semaphore, #tpu.memory_space<semaphore_mem>>)
      %dma_wait3A_344 = arith.constant 0 : i32
      %dma_wait3A_345 = tpu.memref_slice %arg38[%add3A_74, %dma_wait3A_344] : memref<10240x64xf32, #tpu.memory_space<vmem_shared>> -> memref<128x64xf32, #tpu.memory_space<vmem_shared>>
      %dma_wait3A_346 = arith.constant 0 : i32
      %dma_wait3A_347 = tpu.memref_slice %arg38[%add3A_74, %dma_wait3A_346] : memref<10240x64xf32, #tpu.memory_space<vmem_shared>> -> memref<128x64xf32, #tpu.memory_space<vmem_shared>>
      tpu.wait_dma2 semaphore(%run_scoped3A : memref<!tpu.dma_semaphore, #tpu.memory_space<semaphore_mem>>) src(%arg36 : memref<128x64xf32, #tpu.memory_space<vmem>>) dst(%dma_wait3A_347 : memref<128x64xf32, #tpu.memory_space<vmem_shared>>)
      tpu.yield
    }) : () -> ()
    %mul3A_75 = arith.constant 640 : i32
    %mul3A_76 = arith.muli %arg1, %mul3A_75 : i32
    %add3A_77 = arith.constant 256 : i32
    %add3A_78 = arith.addi %mul3A_76, %add3A_77 : i32
    "tpu.region"() ({
      %run_scoped3A = tpu.sem_alloc : memref<!tpu.dma_semaphore, #tpu.memory_space<semaphore_mem>>
      %dma_start3A_340 = arith.constant 0 : i32
      %dma_start3A_341 = tpu.memref_slice %arg38[%add3A_78, %dma_start3A_340] : memref<10240x64xf32, #tpu.memory_space<vmem_shared>> -> memref<128x64xf32, #tpu.memory_space<vmem_shared>>
      %dma_start3A_342 = arith.constant 0 : i32
      %dma_start3A_343 = tpu.memref_slice %arg38[%add3A_78, %dma_start3A_342] : memref<10240x64xf32, #tpu.memory_space<vmem_shared>> -> memref<128x64xf32, #tpu.memory_space<vmem_shared>>
      tpu.enqueue_dma source(%arg36 : memref<128x64xf32, #tpu.memory_space<vmem>>) target(%dma_start3A_343 : memref<128x64xf32, #tpu.memory_space<vmem_shared>>) target_semaphore(%run_scoped3A : memref<!tpu.dma_semaphore, #tpu.memory_space<semaphore_mem>>)
      %dma_wait3A_344 = arith.constant 0 : i32
      %dma_wait3A_345 = tpu.memref_slice %arg38[%add3A_78, %dma_wait3A_344] : memref<10240x64xf32, #tpu.memory_space<vmem_shared>> -> memref<128x64xf32, #tpu.memory_space<vmem_shared>>
      %dma_wait3A_346 = arith.constant 0 : i32
      %dma_wait3A_347 = tpu.memref_slice %arg38[%add3A_78, %dma_wait3A_346] : memref<10240x64xf32, #tpu.memory_space<vmem_shared>> -> memref<128x64xf32, #tpu.memory_space<vmem_shared>>
      tpu.wait_dma2 semaphore(%run_scoped3A : memref<!tpu.dma_semaphore, #tpu.memory_space<semaphore_mem>>) src(%arg36 : memref<128x64xf32, #tpu.memory_space<vmem>>) dst(%dma_wait3A_347 : memref<128x64xf32, #tpu.memory_space<vmem_shared>>)
      tpu.yield
    }) : () -> ()
    %mul3A_79 = arith.constant 640 : i32
    %mul3A_80 = arith.muli %arg1, %mul3A_79 : i32
    %add3A_81 = arith.constant 384 : i32
    %add3A_82 = arith.addi %mul3A_80, %add3A_81 : i32
    "tpu.region"() ({
      %run_scoped3A = tpu.sem_alloc : memref<!tpu.dma_semaphore, #tpu.memory_space<semaphore_mem>>
      %dma_start3A_340 = arith.constant 0 : i32
      %dma_start3A_341 = tpu.memref_slice %arg38[%add3A_82, %dma_start3A_340] : memref<10240x64xf32, #tpu.memory_space<vmem_shared>> -> memref<128x64xf32, #tpu.memory_space<vmem_shared>>
      %dma_start3A_342 = arith.constant 0 : i32
      %dma_start3A_343 = tpu.memref_slice %arg38[%add3A_82, %dma_start3A_342] : memref<10240x64xf32, #tpu.memory_space<vmem_shared>> -> memref<128x64xf32, #tpu.memory_space<vmem_shared>>
      tpu.enqueue_dma source(%arg36 : memref<128x64xf32, #tpu.memory_space<vmem>>) target(%dma_start3A_343 : memref<128x64xf32, #tpu.memory_space<vmem_shared>>) target_semaphore(%run_scoped3A : memref<!tpu.dma_semaphore, #tpu.memory_space<semaphore_mem>>)
      %dma_wait3A_344 = arith.constant 0 : i32
      %dma_wait3A_345 = tpu.memref_slice %arg38[%add3A_82, %dma_wait3A_344] : memref<10240x64xf32, #tpu.memory_space<vmem_shared>> -> memref<128x64xf32, #tpu.memory_space<vmem_shared>>
      %dma_wait3A_346 = arith.constant 0 : i32
      %dma_wait3A_347 = tpu.memref_slice %arg38[%add3A_82, %dma_wait3A_346] : memref<10240x64xf32, #tpu.memory_space<vmem_shared>> -> memref<128x64xf32, #tpu.memory_space<vmem_shared>>
      tpu.wait_dma2 semaphore(%run_scoped3A : memref<!tpu.dma_semaphore, #tpu.memory_space<semaphore_mem>>) src(%arg36 : memref<128x64xf32, #tpu.memory_space<vmem>>) dst(%dma_wait3A_347 : memref<128x64xf32, #tpu.memory_space<vmem_shared>>)
      tpu.yield
    }) : () -> ()
    %mul3A_83 = arith.constant 640 : i32
    %mul3A_84 = arith.muli %arg1, %mul3A_83 : i32
    %add3A_85 = arith.constant 512 : i32
    %add3A_86 = arith.addi %mul3A_84, %add3A_85 : i32
    "tpu.region"() ({
      %run_scoped3A = tpu.sem_alloc : memref<!tpu.dma_semaphore, #tpu.memory_space<semaphore_mem>>
      %dma_start3A_340 = arith.constant 0 : i32
      %dma_start3A_341 = tpu.memref_slice %arg38[%add3A_86, %dma_start3A_340] : memref<10240x64xf32, #tpu.memory_space<vmem_shared>> -> memref<128x64xf32, #tpu.memory_space<vmem_shared>>
      %dma_start3A_342 = arith.constant 0 : i32
      %dma_start3A_343 = tpu.memref_slice %arg38[%add3A_86, %dma_start3A_342] : memref<10240x64xf32, #tpu.memory_space<vmem_shared>> -> memref<128x64xf32, #tpu.memory_space<vmem_shared>>
      tpu.enqueue_dma source(%arg36 : memref<128x64xf32, #tpu.memory_space<vmem>>) target(%dma_start3A_343 : memref<128x64xf32, #tpu.memory_space<vmem_shared>>) target_semaphore(%run_scoped3A : memref<!tpu.dma_semaphore, #tpu.memory_space<semaphore_mem>>)
      %dma_wait3A_344 = arith.constant 0 : i32
      %dma_wait3A_345 = tpu.memref_slice %arg38[%add3A_86, %dma_wait3A_344] : memref<10240x64xf32, #tpu.memory_space<vmem_shared>> -> memref<128x64xf32, #tpu.memory_space<vmem_shared>>
      %dma_wait3A_346 = arith.constant 0 : i32
      %dma_wait3A_347 = tpu.memref_slice %arg38[%add3A_86, %dma_wait3A_346] : memref<10240x64xf32, #tpu.memory_space<vmem_shared>> -> memref<128x64xf32, #tpu.memory_space<vmem_shared>>
      tpu.wait_dma2 semaphore(%run_scoped3A : memref<!tpu.dma_semaphore, #tpu.memory_space<semaphore_mem>>) src(%arg36 : memref<128x64xf32, #tpu.memory_space<vmem>>) dst(%dma_wait3A_347 : memref<128x64xf32, #tpu.memory_space<vmem_shared>>)
      tpu.yield
    }) : () -> ()
    %barrier3A_87 = arith.constant 0 : index
    tpu.barrier barrier_id(%barrier3A_87)
    %scan3A_88 = arith.constant 0 : i32
    %scan3A_89 = arith.constant 0 : i32
    %scan3A_90 = arith.constant 80 : i32
    %scan3A_91 = arith.addi %scan3A_89, %scan3A_90 : i32
    %scan3A_92 = arith.constant 1 : i32
    scf.for %scan3A_340 = %scan3A_89 to %scan3A_91 step %scan3A_92  : i32 {
      %swap3A = arith.index_cast %scan3A_340 : i32 to index
      %swap3A_341 = arith.constant 0 : index
      %swap3A_342 = tpu.vector_load %arg35[%swap3A, %swap3A_341] {strides = array<i32>} : memref<80x64xf32, #tpu.memory_space<vmem>>, vector<1x16xf32>,
      %swap3A_343 = vector.shape_cast %swap3A_342 : vector<1x16xf32> to vector<16xf32>
      %swap3A_344 = vector.shape_cast %broadcast_in_dim3A_1 : vector<16xf32> to vector<1x16xf32>
      tpu.vector_store %arg35[%swap3A, %swap3A_341], %swap3A_344 {strides = array<i32>} : memref<80x64xf32, #tpu.memory_space<vmem>>, vector<1x16xf32>,
      %swap3A_345 = arith.index_cast %scan3A_340 : i32 to index
      %swap3A_346 = arith.constant 16 : index
      %swap3A_347 = tpu.vector_load %arg35[%swap3A_345, %swap3A_346] {strides = array<i32>} : memref<80x64xf32, #tpu.memory_space<vmem>>, vector<1x16xf32>,
      %swap3A_348 = vector.shape_cast %swap3A_347 : vector<1x16xf32> to vector<16xf32>
      %swap3A_349 = vector.shape_cast %broadcast_in_dim3A_1 : vector<16xf32> to vector<1x16xf32>
      tpu.vector_store %arg35[%swap3A_345, %swap3A_346], %swap3A_349 {strides = array<i32>} : memref<80x64xf32, #tpu.memory_space<vmem>>, vector<1x16xf32>,
      %swap3A_350 = arith.index_cast %scan3A_340 : i32 to index
      %swap3A_351 = arith.constant 32 : index
      %swap3A_352 = tpu.vector_load %arg35[%swap3A_350, %swap3A_351] {strides = array<i32>} : memref<80x64xf32, #tpu.memory_space<vmem>>, vector<1x16xf32>,
      %swap3A_353 = vector.shape_cast %swap3A_352 : vector<1x16xf32> to vector<16xf32>
      %swap3A_354 = vector.shape_cast %broadcast_in_dim3A_1 : vector<16xf32> to vector<1x16xf32>
      tpu.vector_store %arg35[%swap3A_350, %swap3A_351], %swap3A_354 {strides = array<i32>} : memref<80x64xf32, #tpu.memory_space<vmem>>, vector<1x16xf32>,
      %swap3A_355 = arith.index_cast %scan3A_340 : i32 to index
      %swap3A_356 = arith.constant 48 : index
      %swap3A_357 = tpu.vector_load %arg35[%swap3A_355, %swap3A_356] {strides = array<i32>} : memref<80x64xf32, #tpu.memory_space<vmem>>, vector<1x16xf32>,
      %swap3A_358 = vector.shape_cast %swap3A_357 : vector<1x16xf32> to vector<16xf32>
      %swap3A_359 = vector.shape_cast %broadcast_in_dim3A_1 : vector<16xf32> to vector<1x16xf32>
      tpu.vector_store %arg35[%swap3A_355, %swap3A_356], %swap3A_359 {strides = array<i32>} : memref<80x64xf32, #tpu.memory_space<vmem>>, vector<1x16xf32>,
    }
    %scan3A_93 = arith.constant 80 : i32
    %dma_start3A_94 = arith.constant 0 : i32
    %dma_start3A_95 = arith.constant 0 : i32
    %dma_start3A_96 = tpu.memref_slice %arg30[%dma_start3A_94, %dma_start3A_95] : memref<125x80xi32, #tpu.memory_space<vmem>> -> memref<1x80xi32, #tpu.memory_space<vmem>>
    %dma_start3A_97 = tpu.memref_squeeze %dma_start3A_96 : memref<1x80xi32, #tpu.memory_space<vmem>> -> memref<80xi32, #tpu.memory_space<vmem>>
    %dma_start3A_98 = arith.constant 0 : i32
    %dma_start3A_99 = arith.constant 0 : i32
    %dma_start3A_100 = tpu.memref_slice %arg38[%dma_start3A_98, %dma_start3A_99] : memref<10240x64xf32, #tpu.memory_space<vmem_shared>> -> memref<10240x64xf32, #tpu.memory_space<vmem_shared>>
    tpu.enqueue_indirect_dma source(%arg35 : memref<80x64xf32, #tpu.memory_space<vmem>>) target(%dma_start3A_100 : memref<10240x64xf32, #tpu.memory_space<vmem_shared>>) offsets(%dma_start3A_97 : memref<80xi32, #tpu.memory_space<vmem>>) semaphore(%arg41 : memref<!tpu.dma_semaphore, #tpu.memory_space<semaphore_mem>>) {add = true}
    %scan3A_101 = arith.constant 0 : i32
    %scan3A_102 = arith.constant 0 : i32
    %scan3A_103 = arith.constant 125 : i32
    %scan3A_104 = arith.addi %scan3A_102, %scan3A_103 : i32
    %scan3A_105 = arith.constant 1 : i32
    scf.for %scan3A_340 = %scan3A_102 to %scan3A_104 step %scan3A_105  : i32 {
      %dma_start3A_341 = arith.constant 0 : i32
      %dma_start3A_342 = tpu.memref_slice %arg29[%scan3A_340, %dma_start3A_341] : memref<125x80xi32, #tpu.memory_space<vmem>> -> memref<1x80xi32, #tpu.memory_space<vmem>>
      %dma_start3A_343 = tpu.memref_squeeze %dma_start3A_342 : memref<1x80xi32, #tpu.memory_space<vmem>> -> memref<80xi32, #tpu.memory_space<vmem>>
      %dma_start3A_344 = arith.constant 0 : i32
      %dma_start3A_345 = arith.constant 0 : i32
      %dma_start3A_346 = tpu.memref_slice %arg4[%dma_start3A_344, %dma_start3A_345] : memref<10000x16xf32, #tpu.memory_space<hbm>> -> memref<10000x16xf32, #tpu.memory_space<hbm>>
      tpu.enqueue_indirect_dma source(%dma_start3A_346 : memref<10000x16xf32, #tpu.memory_space<hbm>>) target(%arg31 : memref<80x16xf32, #tpu.memory_space<vmem>>) offsets(%dma_start3A_343 : memref<80xi32, #tpu.memory_space<vmem>>) semaphore(%arg40 : memref<!tpu.dma_semaphore, #tpu.memory_space<semaphore_mem>>)
      %dma_start3A_347 = arith.constant 0 : i32
      %dma_start3A_348 = tpu.memref_slice %arg30[%scan3A_340, %dma_start3A_347] : memref<125x80xi32, #tpu.memory_space<vmem>> -> memref<1x80xi32, #tpu.memory_space<vmem>>
      %dma_start3A_349 = tpu.memref_squeeze %dma_start3A_348 : memref<1x80xi32, #tpu.memory_space<vmem>> -> memref<80xi32, #tpu.memory_space<vmem>>
      %dma_start3A_350 = arith.constant 0 : i32
      %dma_start3A_351 = arith.constant 0 : i32
      %dma_start3A_352 = tpu.memref_slice %arg5[%dma_start3A_350, %dma_start3A_351] : memref<10000x16xf32, #tpu.memory_space<hbm>> -> memref<10000x16xf32, #tpu.memory_space<hbm>>
      tpu.enqueue_indirect_dma source(%dma_start3A_352 : memref<10000x16xf32, #tpu.memory_space<hbm>>) target(%arg32 : memref<80x16xf32, #tpu.memory_space<vmem>>) offsets(%dma_start3A_349 : memref<80xi32, #tpu.memory_space<vmem>>) semaphore(%arg40 : memref<!tpu.dma_semaphore, #tpu.memory_space<semaphore_mem>>)
      %dma_start3A_353 = arith.constant 0 : i32
      %dma_start3A_354 = tpu.memref_slice %arg29[%scan3A_340, %dma_start3A_353] : memref<125x80xi32, #tpu.memory_space<vmem>> -> memref<1x80xi32, #tpu.memory_space<vmem>>
      %dma_start3A_355 = tpu.memref_squeeze %dma_start3A_354 : memref<1x80xi32, #tpu.memory_space<vmem>> -> memref<80xi32, #tpu.memory_space<vmem>>
      %dma_start3A_356 = arith.constant 0 : i32
      %dma_start3A_357 = arith.constant 0 : i32
      %dma_start3A_358 = tpu.memref_slice %arg3[%dma_start3A_356, %dma_start3A_357] : memref<10000x64xf32, #tpu.memory_space<hbm>> -> memref<10000x64xf32, #tpu.memory_space<hbm>>
      tpu.enqueue_indirect_dma source(%dma_start3A_358 : memref<10000x64xf32, #tpu.memory_space<hbm>>) target(%arg34 : memref<80x64xf32, #tpu.memory_space<vmem>>) offsets(%dma_start3A_355 : memref<80xi32, #tpu.memory_space<vmem>>) semaphore(%arg40 : memref<!tpu.dma_semaphore, #tpu.memory_space<semaphore_mem>>)
      %dma_wait3A_359 = arith.constant 0 : i32
      %dma_wait3A_360 = tpu.memref_slice %arg29[%scan3A_340, %dma_wait3A_359] : memref<125x80xi32, #tpu.memory_space<vmem>> -> memref<1x80xi32, #tpu.memory_space<vmem>>
      %dma_wait3A_361 = tpu.memref_squeeze %dma_wait3A_360 : memref<1x80xi32, #tpu.memory_space<vmem>> -> memref<80xi32, #tpu.memory_space<vmem>>
      %dma_wait3A_362 = arith.constant 0 : i32
      %dma_wait3A_363 = arith.constant 0 : i32
      %dma_wait3A_364 = tpu.memref_slice %arg4[%dma_wait3A_362, %dma_wait3A_363] : memref<10000x16xf32, #tpu.memory_space<hbm>> -> memref<10000x16xf32, #tpu.memory_space<hbm>>
      tpu.wait_indirect_dma semaphore(%arg40 : memref<!tpu.dma_semaphore, #tpu.memory_space<semaphore_mem>>) src(%dma_wait3A_364 : memref<10000x16xf32, #tpu.memory_space<hbm>>) dst(%arg31 : memref<80x16xf32, #tpu.memory_space<vmem>>)
      %dma_wait3A_365 = arith.constant 0 : i32
      %dma_wait3A_366 = tpu.memref_slice %arg30[%scan3A_340, %dma_wait3A_365] : memref<125x80xi32, #tpu.memory_space<vmem>> -> memref<1x80xi32, #tpu.memory_space<vmem>>
      %dma_wait3A_367 = tpu.memref_squeeze %dma_wait3A_366 : memref<1x80xi32, #tpu.memory_space<vmem>> -> memref<80xi32, #tpu.memory_space<vmem>>
      %dma_wait3A_368 = arith.constant 0 : i32
      %dma_wait3A_369 = arith.constant 0 : i32
      %dma_wait3A_370 = tpu.memref_slice %arg5[%dma_wait3A_368, %dma_wait3A_369] : memref<10000x16xf32, #tpu.memory_space<hbm>> -> memref<10000x16xf32, #tpu.memory_space<hbm>>
      tpu.wait_indirect_dma semaphore(%arg40 : memref<!tpu.dma_semaphore, #tpu.memory_space<semaphore_mem>>) src(%dma_wait3A_370 : memref<10000x16xf32, #tpu.memory_space<hbm>>) dst(%arg32 : memref<80x16xf32, #tpu.memory_space<vmem>>)
      %scan3A_371 = arith.constant 0 : i32
      %scan3A_372 = arith.constant 0 : i32
      %scan3A_373 = arith.constant 80 : i32
      %scan3A_374 = arith.addi %scan3A_372, %scan3A_373 : i32
      %scan3A_375 = arith.constant 1 : i32
      scf.for %scan3A_401 = %scan3A_372 to %scan3A_374 step %scan3A_375  : i32 {
        %get3A = arith.index_cast %scan3A_401 : i32 to index
        %get3A_402 = arith.constant 0 : index
        %get3A_403 = tpu.vector_load %arg31[%get3A, %get3A_402] {strides = array<i32>} : memref<80x16xf32, #tpu.memory_space<vmem>>, vector<1x16xf32>,
        %get3A_404 = vector.shape_cast %get3A_403 : vector<1x16xf32> to vector<16xf32>
        %get3A_405 = arith.index_cast %scan3A_401 : i32 to index
        %get3A_406 = arith.constant 0 : index
        %get3A_407 = tpu.vector_load %arg32[%get3A_405, %get3A_406] {strides = array<i32>} : memref<80x16xf32, #tpu.memory_space<vmem>>, vector<1x16xf32>,
        %get3A_408 = vector.shape_cast %get3A_407 : vector<1x16xf32> to vector<16xf32>
        %add3A_409 = arith.addf %get3A_404, %get3A_408 : vector<16xf32>
        %mul3A_410 = arith.constant 2.000000e-01 : f32
        %mul3A_411 = vector.broadcast %mul3A_410 : f32 to vector<16xf32>
        %mul3A_412 = arith.mulf %mul3A_411, %add3A_409 : vector<16xf32>
        %max3A = arith.maximumf %add3A_409, %mul3A_412 : vector<16xf32>
        %exp3A = math.exp %max3A : vector<16xf32>
        %swap3A = arith.index_cast %scan3A_401 : i32 to index
        %swap3A_413 = arith.constant 0 : index
        %swap3A_414 = tpu.vector_load %arg33[%swap3A, %swap3A_413] {strides = array<i32>} : memref<80x16xf32, #tpu.memory_space<vmem>>, vector<1x16xf32>,
        %swap3A_415 = vector.shape_cast %swap3A_414 : vector<1x16xf32> to vector<16xf32>
        %swap3A_416 = vector.shape_cast %exp3A : vector<16xf32> to vector<1x16xf32>
        tpu.vector_store %arg33[%swap3A, %swap3A_413], %swap3A_416 {strides = array<i32>} : memref<80x16xf32, #tpu.memory_space<vmem>>, vector<1x16xf32>,
      }
      %scan3A_376 = arith.constant 80 : i32
      %dma_wait3A_377 = arith.constant 0 : i32
      %dma_wait3A_378 = tpu.memref_slice %arg29[%scan3A_340, %dma_wait3A_377] : memref<125x80xi32, #tpu.memory_space<vmem>> -> memref<1x80xi32, #tpu.memory_space<vmem>>
      %dma_wait3A_379 = tpu.memref_squeeze %dma_wait3A_378 : memref<1x80xi32, #tpu.memory_space<vmem>> -> memref<80xi32, #tpu.memory_space<vmem>>
      %dma_wait3A_380 = arith.constant 0 : i32
      %dma_wait3A_381 = arith.constant 0 : i32
      %dma_wait3A_382 = tpu.memref_slice %arg3[%dma_wait3A_380, %dma_wait3A_381] : memref<10000x64xf32, #tpu.memory_space<hbm>> -> memref<10000x64xf32, #tpu.memory_space<hbm>>
      tpu.wait_indirect_dma semaphore(%arg40 : memref<!tpu.dma_semaphore, #tpu.memory_space<semaphore_mem>>) src(%dma_wait3A_382 : memref<10000x64xf32, #tpu.memory_space<hbm>>) dst(%arg34 : memref<80x64xf32, #tpu.memory_space<vmem>>)
      %dma_wait3A_383 = arith.constant 0 : i32
      %dma_wait3A_384 = tpu.memref_slice %arg30[%scan3A_340, %dma_wait3A_383] : memref<125x80xi32, #tpu.memory_space<vmem>> -> memref<1x80xi32, #tpu.memory_space<vmem>>
      %dma_wait3A_385 = tpu.memref_squeeze %dma_wait3A_384 : memref<1x80xi32, #tpu.memory_space<vmem>> -> memref<80xi32, #tpu.memory_space<vmem>>
      %dma_wait3A_386 = arith.constant 0 : i32
      %dma_wait3A_387 = arith.constant 0 : i32
      %dma_wait3A_388 = tpu.memref_slice %arg38[%dma_wait3A_386, %dma_wait3A_387] : memref<10240x64xf32, #tpu.memory_space<vmem_shared>> -> memref<10240x64xf32, #tpu.memory_space<vmem_shared>>
      tpu.wait_indirect_dma semaphore(%arg41 : memref<!tpu.dma_semaphore, #tpu.memory_space<semaphore_mem>>) src(%arg35 : memref<80x64xf32, #tpu.memory_space<vmem>>) dst(%dma_wait3A_388 : memref<10240x64xf32, #tpu.memory_space<vmem_shared>>)
      %scan3A_389 = arith.constant 0 : i32
      %scan3A_390 = arith.constant 0 : i32
      %scan3A_391 = arith.constant 80 : i32
      %scan3A_392 = arith.addi %scan3A_390, %scan3A_391 : i32
      %scan3A_393 = arith.constant 1 : i32
      scf.for %scan3A_401 = %scan3A_390 to %scan3A_392 step %scan3A_393  : i32 {
        %get3A = arith.index_cast %scan3A_401 : i32 to index
        %get3A_402 = arith.constant 0 : index
        %get3A_403 = tpu.vector_load %arg33[%get3A, %get3A_402] {strides = array<i32>} : memref<80x16xf32, #tpu.memory_space<vmem>>, vector<1x16xf32>,
        %get3A_404 = vector.shape_cast %get3A_403 : vector<1x16xf32> to vector<16xf32>
        %get3A_405 = arith.index_cast %scan3A_401 : i32 to index
        %get3A_406 = arith.constant 0 : index
        %get3A_407 = tpu.vector_load %arg34[%get3A_405, %get3A_406] {strides = array<i32>} : memref<80x64xf32, #tpu.memory_space<vmem>>, vector<1x16xf32>,
        %get3A_408 = vector.shape_cast %get3A_407 : vector<1x16xf32> to vector<16xf32>
        %slice3A = vector.extract_strided_slice %get3A_404 {offsets = [4], sizes = [1], strides = [1]} : vector<16xf32> to vector<1xf32>
        %squeeze3A = vector.extract %slice3A[0] : f32 from vector<1xf32>
        %mul3A_409 = vector.broadcast %squeeze3A : f32 to vector<16xf32>
        %mul3A_410 = arith.mulf %get3A_408, %mul3A_409 : vector<16xf32>
        %swap3A = arith.index_cast %scan3A_401 : i32 to index
        %swap3A_411 = arith.constant 0 : index
        %swap3A_412 = tpu.vector_load %arg35[%swap3A, %swap3A_411] {strides = array<i32>} : memref<80x64xf32, #tpu.memory_space<vmem>>, vector<1x16xf32>,
        %swap3A_413 = vector.shape_cast %swap3A_412 : vector<1x16xf32> to vector<16xf32>
        %swap3A_414 = vector.shape_cast %mul3A_410 : vector<16xf32> to vector<1x16xf32>
        tpu.vector_store %arg35[%swap3A, %swap3A_411], %swap3A_414 {strides = array<i32>} : memref<80x64xf32, #tpu.memory_space<vmem>>, vector<1x16xf32>,
        %get3A_415 = arith.index_cast %scan3A_401 : i32 to index
        %get3A_416 = arith.constant 16 : index
        %get3A_417 = tpu.vector_load %arg34[%get3A_415, %get3A_416] {strides = array<i32>} : memref<80x64xf32, #tpu.memory_space<vmem>>, vector<1x16xf32>,
        %get3A_418 = vector.shape_cast %get3A_417 : vector<1x16xf32> to vector<16xf32>
        %slice3A_419 = vector.extract_strided_slice %get3A_404 {offsets = [5], sizes = [1], strides = [1]} : vector<16xf32> to vector<1xf32>
        %squeeze3A_420 = vector.extract %slice3A_419[0] : f32 from vector<1xf32>
        %mul3A_421 = vector.broadcast %squeeze3A_420 : f32 to vector<16xf32>
        %mul3A_422 = arith.mulf %get3A_418, %mul3A_421 : vector<16xf32>
        %swap3A_423 = arith.index_cast %scan3A_401 : i32 to index
        %swap3A_424 = arith.constant 16 : index
        %swap3A_425 = tpu.vector_load %arg35[%swap3A_423, %swap3A_424] {strides = array<i32>} : memref<80x64xf32, #tpu.memory_space<vmem>>, vector<1x16xf32>,
        %swap3A_426 = vector.shape_cast %swap3A_425 : vector<1x16xf32> to vector<16xf32>
        %swap3A_427 = vector.shape_cast %mul3A_422 : vector<16xf32> to vector<1x16xf32>
        tpu.vector_store %arg35[%swap3A_423, %swap3A_424], %swap3A_427 {strides = array<i32>} : memref<80x64xf32, #tpu.memory_space<vmem>>, vector<1x16xf32>,
        %get3A_428 = arith.index_cast %scan3A_401 : i32 to index
        %get3A_429 = arith.constant 32 : index
        %get3A_430 = tpu.vector_load %arg34[%get3A_428, %get3A_429] {strides = array<i32>} : memref<80x64xf32, #tpu.memory_space<vmem>>, vector<1x16xf32>,
        %get3A_431 = vector.shape_cast %get3A_430 : vector<1x16xf32> to vector<16xf32>
        %slice3A_432 = vector.extract_strided_slice %get3A_404 {offsets = [6], sizes = [1], strides = [1]} : vector<16xf32> to vector<1xf32>
        %squeeze3A_433 = vector.extract %slice3A_432[0] : f32 from vector<1xf32>
        %mul3A_434 = vector.broadcast %squeeze3A_433 : f32 to vector<16xf32>
        %mul3A_435 = arith.mulf %get3A_431, %mul3A_434 : vector<16xf32>
        %swap3A_436 = arith.index_cast %scan3A_401 : i32 to index
        %swap3A_437 = arith.constant 32 : index
        %swap3A_438 = tpu.vector_load %arg35[%swap3A_436, %swap3A_437] {strides = array<i32>} : memref<80x64xf32, #tpu.memory_space<vmem>>, vector<1x16xf32>,
        %swap3A_439 = vector.shape_cast %swap3A_438 : vector<1x16xf32> to vector<16xf32>
        %swap3A_440 = vector.shape_cast %mul3A_435 : vector<16xf32> to vector<1x16xf32>
        tpu.vector_store %arg35[%swap3A_436, %swap3A_437], %swap3A_440 {strides = array<i32>} : memref<80x64xf32, #tpu.memory_space<vmem>>, vector<1x16xf32>,
        %get3A_441 = arith.index_cast %scan3A_401 : i32 to index
        %get3A_442 = arith.constant 48 : index
        %get3A_443 = tpu.vector_load %arg34[%get3A_441, %get3A_442] {strides = array<i32>} : memref<80x64xf32, #tpu.memory_space<vmem>>, vector<1x16xf32>,
        %get3A_444 = vector.shape_cast %get3A_443 : vector<1x16xf32> to vector<16xf32>
        %slice3A_445 = vector.extract_strided_slice %get3A_404 {offsets = [7], sizes = [1], strides = [1]} : vector<16xf32> to vector<1xf32>
        %squeeze3A_446 = vector.extract %slice3A_445[0] : f32 from vector<1xf32>
        %mul3A_447 = vector.broadcast %squeeze3A_446 : f32 to vector<16xf32>
        %mul3A_448 = arith.mulf %get3A_444, %mul3A_447 : vector<16xf32>
        %swap3A_449 = arith.index_cast %scan3A_401 : i32 to index
        %swap3A_450 = arith.constant 48 : index
        %swap3A_451 = tpu.vector_load %arg35[%swap3A_449, %swap3A_450] {strides = array<i32>} : memref<80x64xf32, #tpu.memory_space<vmem>>, vector<1x16xf32>,
        %swap3A_452 = vector.shape_cast %swap3A_451 : vector<1x16xf32> to vector<16xf32>
        %swap3A_453 = vector.shape_cast %mul3A_448 : vector<16xf32> to vector<1x16xf32>
        tpu.vector_store %arg35[%swap3A_449, %swap3A_450], %swap3A_453 {strides = array<i32>} : memref<80x64xf32, #tpu.memory_space<vmem>>, vector<1x16xf32>,
      }
      %scan3A_394 = arith.constant 80 : i32
      %dma_start3A_395 = arith.constant 0 : i32
      %dma_start3A_396 = tpu.memref_slice %arg30[%scan3A_340, %dma_start3A_395] : memref<125x80xi32, #tpu.memory_space<vmem>> -> memref<1x80xi32, #tpu.memory_space<vmem>>
      %dma_start3A_397 = tpu.memref_squeeze %dma_start3A_396 : memref<1x80xi32, #tpu.memory_space<vmem>> -> memref<80xi32, #tpu.memory_space<vmem>>
      %dma_start3A_398 = arith.constant 0 : i32
      %dma_start3A_399 = arith.constant 0 : i32
      %dma_start3A_400 = tpu.memref_slice %arg38[%dma_start3A_398, %dma_start3A_399] : memref<10240x64xf32, #tpu.memory_space<vmem_shared>> -> memref<10240x64xf32, #tpu.memory_space<vmem_shared>>
      tpu.enqueue_indirect_dma source(%arg35 : memref<80x64xf32, #tpu.memory_space<vmem>>) target(%dma_start3A_400 : memref<10240x64xf32, #tpu.memory_space<vmem_shared>>) offsets(%dma_start3A_397 : memref<80xi32, #tpu.memory_space<vmem>>) semaphore(%arg41 : memref<!tpu.dma_semaphore, #tpu.memory_space<semaphore_mem>>) {add = true}
    }
    %scan3A_106 = arith.constant 125 : i32
    %dma_wait3A_107 = arith.constant 0 : i32
    %dma_wait3A_108 = arith.constant 0 : i32
    %dma_wait3A_109 = tpu.memref_slice %arg30[%dma_wait3A_107, %dma_wait3A_108] : memref<125x80xi32, #tpu.memory_space<vmem>> -> memref<1x80xi32, #tpu.memory_space<vmem>>
    %dma_wait3A_110 = tpu.memref_squeeze %dma_wait3A_109 : memref<1x80xi32, #tpu.memory_space<vmem>> -> memref<80xi32, #tpu.memory_space<vmem>>
    %dma_wait3A_111 = arith.constant 0 : i32
    %dma_wait3A_112 = arith.constant 0 : i32
    %dma_wait3A_113 = tpu.memref_slice %arg38[%dma_wait3A_111, %dma_wait3A_112] : memref<10240x64xf32, #tpu.memory_space<vmem_shared>> -> memref<10240x64xf32, #tpu.memory_space<vmem_shared>>
    tpu.wait_indirect_dma semaphore(%arg41 : memref<!tpu.dma_semaphore, #tpu.memory_space<semaphore_mem>>) src(%arg35 : memref<80x64xf32, #tpu.memory_space<vmem>>) dst(%dma_wait3A_113 : memref<10240x64xf32, #tpu.memory_space<vmem_shared>>)
    %barrier3A_114 = arith.constant 0 : index
    tpu.barrier barrier_id(%barrier3A_114)
    %mul3A_115 = arith.constant 640 : i32
    %mul3A_116 = arith.muli %arg1, %mul3A_115 : i32
    %mul3A_117 = arith.constant 640 : i32
    %mul3A_118 = arith.muli %arg1, %mul3A_117 : i32
    "tpu.region"() ({
      %run_scoped3A = tpu.sem_alloc : memref<!tpu.dma_semaphore, #tpu.memory_space<semaphore_mem>>
      %dma_start3A_340 = arith.constant 0 : i32
      %dma_start3A_341 = tpu.memref_slice %arg21[%arg0, %mul3A_118, %dma_start3A_340] : memref<2x10240x64xf32, #tpu.memory_space<hbm>> -> memref<1x640x64xf32, #tpu.memory_space<hbm>>
      %dma_start3A_342 = tpu.memref_squeeze %dma_start3A_341 : memref<1x640x64xf32, #tpu.memory_space<hbm>> -> memref<640x64xf32, #tpu.memory_space<hbm>>
      %dma_start3A_343 = arith.constant 0 : i32
      %dma_start3A_344 = tpu.memref_slice %arg38[%mul3A_116, %dma_start3A_343] : memref<10240x64xf32, #tpu.memory_space<vmem_shared>> -> memref<640x64xf32, #tpu.memory_space<vmem_shared>>
      tpu.enqueue_dma source(%dma_start3A_344 : memref<640x64xf32, #tpu.memory_space<vmem_shared>>) target(%dma_start3A_342 : memref<640x64xf32, #tpu.memory_space<hbm>>) target_semaphore(%run_scoped3A : memref<!tpu.dma_semaphore, #tpu.memory_space<semaphore_mem>>)
      %dma_wait3A_345 = arith.constant 0 : i32
      %dma_wait3A_346 = tpu.memref_slice %arg21[%arg0, %mul3A_118, %dma_wait3A_345] : memref<2x10240x64xf32, #tpu.memory_space<hbm>> -> memref<1x640x64xf32, #tpu.memory_space<hbm>>
      %dma_wait3A_347 = tpu.memref_squeeze %dma_wait3A_346 : memref<1x640x64xf32, #tpu.memory_space<hbm>> -> memref<640x64xf32, #tpu.memory_space<hbm>>
      %dma_wait3A_348 = arith.constant 0 : i32
      %dma_wait3A_349 = tpu.memref_slice %arg38[%mul3A_116, %dma_wait3A_348] : memref<10240x64xf32, #tpu.memory_space<vmem_shared>> -> memref<640x64xf32, #tpu.memory_space<vmem_shared>>
      tpu.wait_dma2 semaphore(%run_scoped3A : memref<!tpu.dma_semaphore, #tpu.memory_space<semaphore_mem>>) src(%dma_wait3A_349 : memref<640x64xf32, #tpu.memory_space<vmem_shared>>) dst(%dma_wait3A_347 : memref<640x64xf32, #tpu.memory_space<hbm>>)
      tpu.yield
    }) : () -> ()
    %barrier3A_119 = arith.constant 0 : index
    tpu.barrier barrier_id(%barrier3A_119)
    "tpu.region"() ({
      %run_scoped3A = tpu.sem_alloc : memref<!tpu.dma_semaphore, #tpu.memory_space<semaphore_mem>>
      %dma_start3A_340 = arith.constant 0 : i32
      %dma_start3A_341 = arith.constant 0 : i32
      %dma_start3A_342 = tpu.memref_slice %arg12[%add3A, %dma_start3A_340, %dma_start3A_341] : memref<32x125x80xi32, #tpu.memory_space<hbm>> -> memref<1x125x80xi32, #tpu.memory_space<hbm>>
      %dma_start3A_343 = tpu.memref_squeeze %dma_start3A_342 : memref<1x125x80xi32, #tpu.memory_space<hbm>> -> memref<125x80xi32, #tpu.memory_space<hbm>>
      %dma_start3A_344 = arith.constant 0 : i32
      %dma_start3A_345 = arith.constant 0 : i32
      %dma_start3A_346 = tpu.memref_slice %arg12[%add3A, %dma_start3A_344, %dma_start3A_345] : memref<32x125x80xi32, #tpu.memory_space<hbm>> -> memref<1x125x80xi32, #tpu.memory_space<hbm>>
      %dma_start3A_347 = tpu.memref_squeeze %dma_start3A_346 : memref<1x125x80xi32, #tpu.memory_space<hbm>> -> memref<125x80xi32, #tpu.memory_space<hbm>>
      tpu.enqueue_dma source(%dma_start3A_347 : memref<125x80xi32, #tpu.memory_space<hbm>>) target(%arg29 : memref<125x80xi32, #tpu.memory_space<vmem>>) target_semaphore(%run_scoped3A : memref<!tpu.dma_semaphore, #tpu.memory_space<semaphore_mem>>)
      %dma_wait3A_348 = arith.constant 0 : i32
      %dma_wait3A_349 = arith.constant 0 : i32
      %dma_wait3A_350 = tpu.memref_slice %arg12[%add3A, %dma_wait3A_348, %dma_wait3A_349] : memref<32x125x80xi32, #tpu.memory_space<hbm>> -> memref<1x125x80xi32, #tpu.memory_space<hbm>>
      %dma_wait3A_351 = tpu.memref_squeeze %dma_wait3A_350 : memref<1x125x80xi32, #tpu.memory_space<hbm>> -> memref<125x80xi32, #tpu.memory_space<hbm>>
      %dma_wait3A_352 = arith.constant 0 : i32
      %dma_wait3A_353 = arith.constant 0 : i32
      %dma_wait3A_354 = tpu.memref_slice %arg12[%add3A, %dma_wait3A_352, %dma_wait3A_353] : memref<32x125x80xi32, #tpu.memory_space<hbm>> -> memref<1x125x80xi32, #tpu.memory_space<hbm>>
      %dma_wait3A_355 = tpu.memref_squeeze %dma_wait3A_354 : memref<1x125x80xi32, #tpu.memory_space<hbm>> -> memref<125x80xi32, #tpu.memory_space<hbm>>
      tpu.wait_dma2 semaphore(%run_scoped3A : memref<!tpu.dma_semaphore, #tpu.memory_space<semaphore_mem>>) src(%dma_wait3A_355 : memref<125x80xi32, #tpu.memory_space<hbm>>) dst(%arg29 : memref<125x80xi32, #tpu.memory_space<vmem>>)
      tpu.yield
    }) : () -> ()
    "tpu.region"() ({
      %run_scoped3A = tpu.sem_alloc : memref<!tpu.dma_semaphore, #tpu.memory_space<semaphore_mem>>
      %dma_start3A_340 = arith.constant 0 : i32
      %dma_start3A_341 = arith.constant 0 : i32
      %dma_start3A_342 = tpu.memref_slice %arg13[%add3A, %dma_start3A_340, %dma_start3A_341] : memref<32x125x80xi32, #tpu.memory_space<hbm>> -> memref<1x125x80xi32, #tpu.memory_space<hbm>>
      %dma_start3A_343 = tpu.memref_squeeze %dma_start3A_342 : memref<1x125x80xi32, #tpu.memory_space<hbm>> -> memref<125x80xi32, #tpu.memory_space<hbm>>
      %dma_start3A_344 = arith.constant 0 : i32
      %dma_start3A_345 = arith.constant 0 : i32
      %dma_start3A_346 = tpu.memref_slice %arg13[%add3A, %dma_start3A_344, %dma_start3A_345] : memref<32x125x80xi32, #tpu.memory_space<hbm>> -> memref<1x125x80xi32, #tpu.memory_space<hbm>>
      %dma_start3A_347 = tpu.memref_squeeze %dma_start3A_346 : memref<1x125x80xi32, #tpu.memory_space<hbm>> -> memref<125x80xi32, #tpu.memory_space<hbm>>
      tpu.enqueue_dma source(%dma_start3A_347 : memref<125x80xi32, #tpu.memory_space<hbm>>) target(%arg30 : memref<125x80xi32, #tpu.memory_space<vmem>>) target_semaphore(%run_scoped3A : memref<!tpu.dma_semaphore, #tpu.memory_space<semaphore_mem>>)
      %dma_wait3A_348 = arith.constant 0 : i32
      %dma_wait3A_349 = arith.constant 0 : i32
      %dma_wait3A_350 = tpu.memref_slice %arg13[%add3A, %dma_wait3A_348, %dma_wait3A_349] : memref<32x125x80xi32, #tpu.memory_space<hbm>> -> memref<1x125x80xi32, #tpu.memory_space<hbm>>
      %dma_wait3A_351 = tpu.memref_squeeze %dma_wait3A_350 : memref<1x125x80xi32, #tpu.memory_space<hbm>> -> memref<125x80xi32, #tpu.memory_space<hbm>>
      %dma_wait3A_352 = arith.constant 0 : i32
      %dma_wait3A_353 = arith.constant 0 : i32
      %dma_wait3A_354 = tpu.memref_slice %arg13[%add3A, %dma_wait3A_352, %dma_wait3A_353] : memref<32x125x80xi32, #tpu.memory_space<hbm>> -> memref<1x125x80xi32, #tpu.memory_space<hbm>>
      %dma_wait3A_355 = tpu.memref_squeeze %dma_wait3A_354 : memref<1x125x80xi32, #tpu.memory_space<hbm>> -> memref<125x80xi32, #tpu.memory_space<hbm>>
      tpu.wait_dma2 semaphore(%run_scoped3A : memref<!tpu.dma_semaphore, #tpu.memory_space<semaphore_mem>>) src(%dma_wait3A_355 : memref<125x80xi32, #tpu.memory_space<hbm>>) dst(%arg30 : memref<125x80xi32, #tpu.memory_space<vmem>>)
      tpu.yield
    }) : () -> ()
    %mul3A_120 = arith.constant 640 : i32
    %mul3A_121 = arith.muli %arg1, %mul3A_120 : i32
    %add3A_122 = arith.constant 0 : i32
    %add3A_123 = arith.addi %mul3A_121, %add3A_122 : i32
    "tpu.region"() ({
      %run_scoped3A = tpu.sem_alloc : memref<!tpu.dma_semaphore, #tpu.memory_space<semaphore_mem>>
      %dma_start3A_340 = arith.constant 0 : i32
      %dma_start3A_341 = tpu.memref_slice %arg38[%add3A_123, %dma_start3A_340] : memref<10240x64xf32, #tpu.memory_space<vmem_shared>> -> memref<128x64xf32, #tpu.memory_space<vmem_shared>>
      %dma_start3A_342 = arith.constant 0 : i32
      %dma_start3A_343 = tpu.memref_slice %arg38[%add3A_123, %dma_start3A_342] : memref<10240x64xf32, #tpu.memory_space<vmem_shared>> -> memref<128x64xf32, #tpu.memory_space<vmem_shared>>
      tpu.enqueue_dma source(%arg36 : memref<128x64xf32, #tpu.memory_space<vmem>>) target(%dma_start3A_343 : memref<128x64xf32, #tpu.memory_space<vmem_shared>>) target_semaphore(%run_scoped3A : memref<!tpu.dma_semaphore, #tpu.memory_space<semaphore_mem>>)
      %dma_wait3A_344 = arith.constant 0 : i32
      %dma_wait3A_345 = tpu.memref_slice %arg38[%add3A_123, %dma_wait3A_344] : memref<10240x64xf32, #tpu.memory_space<vmem_shared>> -> memref<128x64xf32, #tpu.memory_space<vmem_shared>>
      %dma_wait3A_346 = arith.constant 0 : i32
      %dma_wait3A_347 = tpu.memref_slice %arg38[%add3A_123, %dma_wait3A_346] : memref<10240x64xf32, #tpu.memory_space<vmem_shared>> -> memref<128x64xf32, #tpu.memory_space<vmem_shared>>
      tpu.wait_dma2 semaphore(%run_scoped3A : memref<!tpu.dma_semaphore, #tpu.memory_space<semaphore_mem>>) src(%arg36 : memref<128x64xf32, #tpu.memory_space<vmem>>) dst(%dma_wait3A_347 : memref<128x64xf32, #tpu.memory_space<vmem_shared>>)
      tpu.yield
    }) : () -> ()
    "tpu.region"() ({
      %run_scoped3A = tpu.sem_alloc : memref<!tpu.dma_semaphore, #tpu.memory_space<semaphore_mem>>
      %dma_start3A_340 = arith.constant 0 : i32
      %dma_start3A_341 = tpu.memref_slice %arg39[%add3A_123, %dma_start3A_340] : memref<10240x16xf32, #tpu.memory_space<vmem_shared>> -> memref<128x16xf32, #tpu.memory_space<vmem_shared>>
      %dma_start3A_342 = arith.constant 0 : i32
      %dma_start3A_343 = tpu.memref_slice %arg39[%add3A_123, %dma_start3A_342] : memref<10240x16xf32, #tpu.memory_space<vmem_shared>> -> memref<128x16xf32, #tpu.memory_space<vmem_shared>>
      tpu.enqueue_dma source(%arg37 : memref<128x16xf32, #tpu.memory_space<vmem>>) target(%dma_start3A_343 : memref<128x16xf32, #tpu.memory_space<vmem_shared>>) target_semaphore(%run_scoped3A : memref<!tpu.dma_semaphore, #tpu.memory_space<semaphore_mem>>)
      %dma_wait3A_344 = arith.constant 0 : i32
      %dma_wait3A_345 = tpu.memref_slice %arg39[%add3A_123, %dma_wait3A_344] : memref<10240x16xf32, #tpu.memory_space<vmem_shared>> -> memref<128x16xf32, #tpu.memory_space<vmem_shared>>
      %dma_wait3A_346 = arith.constant 0 : i32
      %dma_wait3A_347 = tpu.memref_slice %arg39[%add3A_123, %dma_wait3A_346] : memref<10240x16xf32, #tpu.memory_space<vmem_shared>> -> memref<128x16xf32, #tpu.memory_space<vmem_shared>>
      tpu.wait_dma2 semaphore(%run_scoped3A : memref<!tpu.dma_semaphore, #tpu.memory_space<semaphore_mem>>) src(%arg37 : memref<128x16xf32, #tpu.memory_space<vmem>>) dst(%dma_wait3A_347 : memref<128x16xf32, #tpu.memory_space<vmem_shared>>)
      tpu.yield
    }) : () -> ()
    %mul3A_124 = arith.constant 640 : i32
    %mul3A_125 = arith.muli %arg1, %mul3A_124 : i32
    %add3A_126 = arith.constant 128 : i32
    %add3A_127 = arith.addi %mul3A_125, %add3A_126 : i32
    "tpu.region"() ({
      %run_scoped3A = tpu.sem_alloc : memref<!tpu.dma_semaphore, #tpu.memory_space<semaphore_mem>>
      %dma_start3A_340 = arith.constant 0 : i32
      %dma_start3A_341 = tpu.memref_slice %arg38[%add3A_127, %dma_start3A_340] : memref<10240x64xf32, #tpu.memory_space<vmem_shared>> -> memref<128x64xf32, #tpu.memory_space<vmem_shared>>
      %dma_start3A_342 = arith.constant 0 : i32
      %dma_start3A_343 = tpu.memref_slice %arg38[%add3A_127, %dma_start3A_342] : memref<10240x64xf32, #tpu.memory_space<vmem_shared>> -> memref<128x64xf32, #tpu.memory_space<vmem_shared>>
      tpu.enqueue_dma source(%arg36 : memref<128x64xf32, #tpu.memory_space<vmem>>) target(%dma_start3A_343 : memref<128x64xf32, #tpu.memory_space<vmem_shared>>) target_semaphore(%run_scoped3A : memref<!tpu.dma_semaphore, #tpu.memory_space<semaphore_mem>>)
      %dma_wait3A_344 = arith.constant 0 : i32
      %dma_wait3A_345 = tpu.memref_slice %arg38[%add3A_127, %dma_wait3A_344] : memref<10240x64xf32, #tpu.memory_space<vmem_shared>> -> memref<128x64xf32, #tpu.memory_space<vmem_shared>>
      %dma_wait3A_346 = arith.constant 0 : i32
      %dma_wait3A_347 = tpu.memref_slice %arg38[%add3A_127, %dma_wait3A_346] : memref<10240x64xf32, #tpu.memory_space<vmem_shared>> -> memref<128x64xf32, #tpu.memory_space<vmem_shared>>
      tpu.wait_dma2 semaphore(%run_scoped3A : memref<!tpu.dma_semaphore, #tpu.memory_space<semaphore_mem>>) src(%arg36 : memref<128x64xf32, #tpu.memory_space<vmem>>) dst(%dma_wait3A_347 : memref<128x64xf32, #tpu.memory_space<vmem_shared>>)
      tpu.yield
    }) : () -> ()
    "tpu.region"() ({
      %run_scoped3A = tpu.sem_alloc : memref<!tpu.dma_semaphore, #tpu.memory_space<semaphore_mem>>
      %dma_start3A_340 = arith.constant 0 : i32
      %dma_start3A_341 = tpu.memref_slice %arg39[%add3A_127, %dma_start3A_340] : memref<10240x16xf32, #tpu.memory_space<vmem_shared>> -> memref<128x16xf32, #tpu.memory_space<vmem_shared>>
      %dma_start3A_342 = arith.constant 0 : i32
      %dma_start3A_343 = tpu.memref_slice %arg39[%add3A_127, %dma_start3A_342] : memref<10240x16xf32, #tpu.memory_space<vmem_shared>> -> memref<128x16xf32, #tpu.memory_space<vmem_shared>>
      tpu.enqueue_dma source(%arg37 : memref<128x16xf32, #tpu.memory_space<vmem>>) target(%dma_start3A_343 : memref<128x16xf32, #tpu.memory_space<vmem_shared>>) target_semaphore(%run_scoped3A : memref<!tpu.dma_semaphore, #tpu.memory_space<semaphore_mem>>)
      %dma_wait3A_344 = arith.constant 0 : i32
      %dma_wait3A_345 = tpu.memref_slice %arg39[%add3A_127, %dma_wait3A_344] : memref<10240x16xf32, #tpu.memory_space<vmem_shared>> -> memref<128x16xf32, #tpu.memory_space<vmem_shared>>
      %dma_wait3A_346 = arith.constant 0 : i32
      %dma_wait3A_347 = tpu.memref_slice %arg39[%add3A_127, %dma_wait3A_346] : memref<10240x16xf32, #tpu.memory_space<vmem_shared>> -> memref<128x16xf32, #tpu.memory_space<vmem_shared>>
      tpu.wait_dma2 semaphore(%run_scoped3A : memref<!tpu.dma_semaphore, #tpu.memory_space<semaphore_mem>>) src(%arg37 : memref<128x16xf32, #tpu.memory_space<vmem>>) dst(%dma_wait3A_347 : memref<128x16xf32, #tpu.memory_space<vmem_shared>>)
      tpu.yield
    }) : () -> ()
    %mul3A_128 = arith.constant 640 : i32
    %mul3A_129 = arith.muli %arg1, %mul3A_128 : i32
    %add3A_130 = arith.constant 256 : i32
    %add3A_131 = arith.addi %mul3A_129, %add3A_130 : i32
    "tpu.region"() ({
      %run_scoped3A = tpu.sem_alloc : memref<!tpu.dma_semaphore, #tpu.memory_space<semaphore_mem>>
      %dma_start3A_340 = arith.constant 0 : i32
      %dma_start3A_341 = tpu.memref_slice %arg38[%add3A_131, %dma_start3A_340] : memref<10240x64xf32, #tpu.memory_space<vmem_shared>> -> memref<128x64xf32, #tpu.memory_space<vmem_shared>>
      %dma_start3A_342 = arith.constant 0 : i32
      %dma_start3A_343 = tpu.memref_slice %arg38[%add3A_131, %dma_start3A_342] : memref<10240x64xf32, #tpu.memory_space<vmem_shared>> -> memref<128x64xf32, #tpu.memory_space<vmem_shared>>
      tpu.enqueue_dma source(%arg36 : memref<128x64xf32, #tpu.memory_space<vmem>>) target(%dma_start3A_343 : memref<128x64xf32, #tpu.memory_space<vmem_shared>>) target_semaphore(%run_scoped3A : memref<!tpu.dma_semaphore, #tpu.memory_space<semaphore_mem>>)
      %dma_wait3A_344 = arith.constant 0 : i32
      %dma_wait3A_345 = tpu.memref_slice %arg38[%add3A_131, %dma_wait3A_344] : memref<10240x64xf32, #tpu.memory_space<vmem_shared>> -> memref<128x64xf32, #tpu.memory_space<vmem_shared>>
      %dma_wait3A_346 = arith.constant 0 : i32
      %dma_wait3A_347 = tpu.memref_slice %arg38[%add3A_131, %dma_wait3A_346] : memref<10240x64xf32, #tpu.memory_space<vmem_shared>> -> memref<128x64xf32, #tpu.memory_space<vmem_shared>>
      tpu.wait_dma2 semaphore(%run_scoped3A : memref<!tpu.dma_semaphore, #tpu.memory_space<semaphore_mem>>) src(%arg36 : memref<128x64xf32, #tpu.memory_space<vmem>>) dst(%dma_wait3A_347 : memref<128x64xf32, #tpu.memory_space<vmem_shared>>)
      tpu.yield
    }) : () -> ()
    "tpu.region"() ({
      %run_scoped3A = tpu.sem_alloc : memref<!tpu.dma_semaphore, #tpu.memory_space<semaphore_mem>>
      %dma_start3A_340 = arith.constant 0 : i32
      %dma_start3A_341 = tpu.memref_slice %arg39[%add3A_131, %dma_start3A_340] : memref<10240x16xf32, #tpu.memory_space<vmem_shared>> -> memref<128x16xf32, #tpu.memory_space<vmem_shared>>
      %dma_start3A_342 = arith.constant 0 : i32
      %dma_start3A_343 = tpu.memref_slice %arg39[%add3A_131, %dma_start3A_342] : memref<10240x16xf32, #tpu.memory_space<vmem_shared>> -> memref<128x16xf32, #tpu.memory_space<vmem_shared>>
      tpu.enqueue_dma source(%arg37 : memref<128x16xf32, #tpu.memory_space<vmem>>) target(%dma_start3A_343 : memref<128x16xf32, #tpu.memory_space<vmem_shared>>) target_semaphore(%run_scoped3A : memref<!tpu.dma_semaphore, #tpu.memory_space<semaphore_mem>>)
      %dma_wait3A_344 = arith.constant 0 : i32
      %dma_wait3A_345 = tpu.memref_slice %arg39[%add3A_131, %dma_wait3A_344] : memref<10240x16xf32, #tpu.memory_space<vmem_shared>> -> memref<128x16xf32, #tpu.memory_space<vmem_shared>>
      %dma_wait3A_346 = arith.constant 0 : i32
      %dma_wait3A_347 = tpu.memref_slice %arg39[%add3A_131, %dma_wait3A_346] : memref<10240x16xf32, #tpu.memory_space<vmem_shared>> -> memref<128x16xf32, #tpu.memory_space<vmem_shared>>
      tpu.wait_dma2 semaphore(%run_scoped3A : memref<!tpu.dma_semaphore, #tpu.memory_space<semaphore_mem>>) src(%arg37 : memref<128x16xf32, #tpu.memory_space<vmem>>) dst(%dma_wait3A_347 : memref<128x16xf32, #tpu.memory_space<vmem_shared>>)
      tpu.yield
    }) : () -> ()
    %mul3A_132 = arith.constant 640 : i32
    %mul3A_133 = arith.muli %arg1, %mul3A_132 : i32
    %add3A_134 = arith.constant 384 : i32
    %add3A_135 = arith.addi %mul3A_133, %add3A_134 : i32
    "tpu.region"() ({
      %run_scoped3A = tpu.sem_alloc : memref<!tpu.dma_semaphore, #tpu.memory_space<semaphore_mem>>
      %dma_start3A_340 = arith.constant 0 : i32
      %dma_start3A_341 = tpu.memref_slice %arg38[%add3A_135, %dma_start3A_340] : memref<10240x64xf32, #tpu.memory_space<vmem_shared>> -> memref<128x64xf32, #tpu.memory_space<vmem_shared>>
      %dma_start3A_342 = arith.constant 0 : i32
      %dma_start3A_343 = tpu.memref_slice %arg38[%add3A_135, %dma_start3A_342] : memref<10240x64xf32, #tpu.memory_space<vmem_shared>> -> memref<128x64xf32, #tpu.memory_space<vmem_shared>>
      tpu.enqueue_dma source(%arg36 : memref<128x64xf32, #tpu.memory_space<vmem>>) target(%dma_start3A_343 : memref<128x64xf32, #tpu.memory_space<vmem_shared>>) target_semaphore(%run_scoped3A : memref<!tpu.dma_semaphore, #tpu.memory_space<semaphore_mem>>)
      %dma_wait3A_344 = arith.constant 0 : i32
      %dma_wait3A_345 = tpu.memref_slice %arg38[%add3A_135, %dma_wait3A_344] : memref<10240x64xf32, #tpu.memory_space<vmem_shared>> -> memref<128x64xf32, #tpu.memory_space<vmem_shared>>
      %dma_wait3A_346 = arith.constant 0 : i32
      %dma_wait3A_347 = tpu.memref_slice %arg38[%add3A_135, %dma_wait3A_346] : memref<10240x64xf32, #tpu.memory_space<vmem_shared>> -> memref<128x64xf32, #tpu.memory_space<vmem_shared>>
      tpu.wait_dma2 semaphore(%run_scoped3A : memref<!tpu.dma_semaphore, #tpu.memory_space<semaphore_mem>>) src(%arg36 : memref<128x64xf32, #tpu.memory_space<vmem>>) dst(%dma_wait3A_347 : memref<128x64xf32, #tpu.memory_space<vmem_shared>>)
      tpu.yield
    }) : () -> ()
    "tpu.region"() ({
      %run_scoped3A = tpu.sem_alloc : memref<!tpu.dma_semaphore, #tpu.memory_space<semaphore_mem>>
      %dma_start3A_340 = arith.constant 0 : i32
      %dma_start3A_341 = tpu.memref_slice %arg39[%add3A_135, %dma_start3A_340] : memref<10240x16xf32, #tpu.memory_space<vmem_shared>> -> memref<128x16xf32, #tpu.memory_space<vmem_shared>>
      %dma_start3A_342 = arith.constant 0 : i32
      %dma_start3A_343 = tpu.memref_slice %arg39[%add3A_135, %dma_start3A_342] : memref<10240x16xf32, #tpu.memory_space<vmem_shared>> -> memref<128x16xf32, #tpu.memory_space<vmem_shared>>
      tpu.enqueue_dma source(%arg37 : memref<128x16xf32, #tpu.memory_space<vmem>>) target(%dma_start3A_343 : memref<128x16xf32, #tpu.memory_space<vmem_shared>>) target_semaphore(%run_scoped3A : memref<!tpu.dma_semaphore, #tpu.memory_space<semaphore_mem>>)
      %dma_wait3A_344 = arith.constant 0 : i32
      %dma_wait3A_345 = tpu.memref_slice %arg39[%add3A_135, %dma_wait3A_344] : memref<10240x16xf32, #tpu.memory_space<vmem_shared>> -> memref<128x16xf32, #tpu.memory_space<vmem_shared>>
      %dma_wait3A_346 = arith.constant 0 : i32
      %dma_wait3A_347 = tpu.memref_slice %arg39[%add3A_135, %dma_wait3A_346] : memref<10240x16xf32, #tpu.memory_space<vmem_shared>> -> memref<128x16xf32, #tpu.memory_space<vmem_shared>>
      tpu.wait_dma2 semaphore(%run_scoped3A : memref<!tpu.dma_semaphore, #tpu.memory_space<semaphore_mem>>) src(%arg37 : memref<128x16xf32, #tpu.memory_space<vmem>>) dst(%dma_wait3A_347 : memref<128x16xf32, #tpu.memory_space<vmem_shared>>)
      tpu.yield
    }) : () -> ()
    %mul3A_136 = arith.constant 640 : i32
    %mul3A_137 = arith.muli %arg1, %mul3A_136 : i32
    %add3A_138 = arith.constant 512 : i32
    %add3A_139 = arith.addi %mul3A_137, %add3A_138 : i32
    "tpu.region"() ({
      %run_scoped3A = tpu.sem_alloc : memref<!tpu.dma_semaphore, #tpu.memory_space<semaphore_mem>>
      %dma_start3A_340 = arith.constant 0 : i32
      %dma_start3A_341 = tpu.memref_slice %arg38[%add3A_139, %dma_start3A_340] : memref<10240x64xf32, #tpu.memory_space<vmem_shared>> -> memref<128x64xf32, #tpu.memory_space<vmem_shared>>
      %dma_start3A_342 = arith.constant 0 : i32
      %dma_start3A_343 = tpu.memref_slice %arg38[%add3A_139, %dma_start3A_342] : memref<10240x64xf32, #tpu.memory_space<vmem_shared>> -> memref<128x64xf32, #tpu.memory_space<vmem_shared>>
      tpu.enqueue_dma source(%arg36 : memref<128x64xf32, #tpu.memory_space<vmem>>) target(%dma_start3A_343 : memref<128x64xf32, #tpu.memory_space<vmem_shared>>) target_semaphore(%run_scoped3A : memref<!tpu.dma_semaphore, #tpu.memory_space<semaphore_mem>>)
      %dma_wait3A_344 = arith.constant 0 : i32
      %dma_wait3A_345 = tpu.memref_slice %arg38[%add3A_139, %dma_wait3A_344] : memref<10240x64xf32, #tpu.memory_space<vmem_shared>> -> memref<128x64xf32, #tpu.memory_space<vmem_shared>>
      %dma_wait3A_346 = arith.constant 0 : i32
      %dma_wait3A_347 = tpu.memref_slice %arg38[%add3A_139, %dma_wait3A_346] : memref<10240x64xf32, #tpu.memory_space<vmem_shared>> -> memref<128x64xf32, #tpu.memory_space<vmem_shared>>
      tpu.wait_dma2 semaphore(%run_scoped3A : memref<!tpu.dma_semaphore, #tpu.memory_space<semaphore_mem>>) src(%arg36 : memref<128x64xf32, #tpu.memory_space<vmem>>) dst(%dma_wait3A_347 : memref<128x64xf32, #tpu.memory_space<vmem_shared>>)
      tpu.yield
    }) : () -> ()
    "tpu.region"() ({
      %run_scoped3A = tpu.sem_alloc : memref<!tpu.dma_semaphore, #tpu.memory_space<semaphore_mem>>
      %dma_start3A_340 = arith.constant 0 : i32
      %dma_start3A_341 = tpu.memref_slice %arg39[%add3A_139, %dma_start3A_340] : memref<10240x16xf32, #tpu.memory_space<vmem_shared>> -> memref<128x16xf32, #tpu.memory_space<vmem_shared>>
      %dma_start3A_342 = arith.constant 0 : i32
      %dma_start3A_343 = tpu.memref_slice %arg39[%add3A_139, %dma_start3A_342] : memref<10240x16xf32, #tpu.memory_space<vmem_shared>> -> memref<128x16xf32, #tpu.memory_space<vmem_shared>>
      tpu.enqueue_dma source(%arg37 : memref<128x16xf32, #tpu.memory_space<vmem>>) target(%dma_start3A_343 : memref<128x16xf32, #tpu.memory_space<vmem_shared>>) target_semaphore(%run_scoped3A : memref<!tpu.dma_semaphore, #tpu.memory_space<semaphore_mem>>)
      %dma_wait3A_344 = arith.constant 0 : i32
      %dma_wait3A_345 = tpu.memref_slice %arg39[%add3A_139, %dma_wait3A_344] : memref<10240x16xf32, #tpu.memory_space<vmem_shared>> -> memref<128x16xf32, #tpu.memory_space<vmem_shared>>
      %dma_wait3A_346 = arith.constant 0 : i32
      %dma_wait3A_347 = tpu.memref_slice %arg39[%add3A_139, %dma_wait3A_346] : memref<10240x16xf32, #tpu.memory_space<vmem_shared>> -> memref<128x16xf32, #tpu.memory_space<vmem_shared>>
      tpu.wait_dma2 semaphore(%run_scoped3A : memref<!tpu.dma_semaphore, #tpu.memory_space<semaphore_mem>>) src(%arg37 : memref<128x16xf32, #tpu.memory_space<vmem>>) dst(%dma_wait3A_347 : memref<128x16xf32, #tpu.memory_space<vmem_shared>>)
      tpu.yield
    }) : () -> ()
    %barrier3A_140 = arith.constant 0 : index
    tpu.barrier barrier_id(%barrier3A_140)
    %scan3A_141 = arith.constant 0 : i32
    %scan3A_142 = arith.constant 0 : i32
    %scan3A_143 = arith.constant 80 : i32
    %scan3A_144 = arith.addi %scan3A_142, %scan3A_143 : i32
    %scan3A_145 = arith.constant 1 : i32
    scf.for %scan3A_340 = %scan3A_142 to %scan3A_144 step %scan3A_145  : i32 {
      %swap3A = arith.index_cast %scan3A_340 : i32 to index
      %swap3A_341 = arith.constant 0 : index
      %swap3A_342 = tpu.vector_load %arg35[%swap3A, %swap3A_341] {strides = array<i32>} : memref<80x64xf32, #tpu.memory_space<vmem>>, vector<1x16xf32>,
      %swap3A_343 = vector.shape_cast %swap3A_342 : vector<1x16xf32> to vector<16xf32>
      %swap3A_344 = vector.shape_cast %broadcast_in_dim3A_1 : vector<16xf32> to vector<1x16xf32>
      tpu.vector_store %arg35[%swap3A, %swap3A_341], %swap3A_344 {strides = array<i32>} : memref<80x64xf32, #tpu.memory_space<vmem>>, vector<1x16xf32>,
      %swap3A_345 = arith.index_cast %scan3A_340 : i32 to index
      %swap3A_346 = arith.constant 16 : index
      %swap3A_347 = tpu.vector_load %arg35[%swap3A_345, %swap3A_346] {strides = array<i32>} : memref<80x64xf32, #tpu.memory_space<vmem>>, vector<1x16xf32>,
      %swap3A_348 = vector.shape_cast %swap3A_347 : vector<1x16xf32> to vector<16xf32>
      %swap3A_349 = vector.shape_cast %broadcast_in_dim3A_1 : vector<16xf32> to vector<1x16xf32>
      tpu.vector_store %arg35[%swap3A_345, %swap3A_346], %swap3A_349 {strides = array<i32>} : memref<80x64xf32, #tpu.memory_space<vmem>>, vector<1x16xf32>,
      %swap3A_350 = arith.index_cast %scan3A_340 : i32 to index
      %swap3A_351 = arith.constant 32 : index
      %swap3A_352 = tpu.vector_load %arg35[%swap3A_350, %swap3A_351] {strides = array<i32>} : memref<80x64xf32, #tpu.memory_space<vmem>>, vector<1x16xf32>,
      %swap3A_353 = vector.shape_cast %swap3A_352 : vector<1x16xf32> to vector<16xf32>
      %swap3A_354 = vector.shape_cast %broadcast_in_dim3A_1 : vector<16xf32> to vector<1x16xf32>
      tpu.vector_store %arg35[%swap3A_350, %swap3A_351], %swap3A_354 {strides = array<i32>} : memref<80x64xf32, #tpu.memory_space<vmem>>, vector<1x16xf32>,
      %swap3A_355 = arith.index_cast %scan3A_340 : i32 to index
      %swap3A_356 = arith.constant 48 : index
      %swap3A_357 = tpu.vector_load %arg35[%swap3A_355, %swap3A_356] {strides = array<i32>} : memref<80x64xf32, #tpu.memory_space<vmem>>, vector<1x16xf32>,
      %swap3A_358 = vector.shape_cast %swap3A_357 : vector<1x16xf32> to vector<16xf32>
      %swap3A_359 = vector.shape_cast %broadcast_in_dim3A_1 : vector<16xf32> to vector<1x16xf32>
      tpu.vector_store %arg35[%swap3A_355, %swap3A_356], %swap3A_359 {strides = array<i32>} : memref<80x64xf32, #tpu.memory_space<vmem>>, vector<1x16xf32>,
    }
    %scan3A_146 = arith.constant 80 : i32
    %dma_start3A_147 = arith.constant 0 : i32
    %dma_start3A_148 = arith.constant 0 : i32
    %dma_start3A_149 = tpu.memref_slice %arg30[%dma_start3A_147, %dma_start3A_148] : memref<125x80xi32, #tpu.memory_space<vmem>> -> memref<1x80xi32, #tpu.memory_space<vmem>>
    %dma_start3A_150 = tpu.memref_squeeze %dma_start3A_149 : memref<1x80xi32, #tpu.memory_space<vmem>> -> memref<80xi32, #tpu.memory_space<vmem>>
    %dma_start3A_151 = arith.constant 0 : i32
    %dma_start3A_152 = arith.constant 0 : i32
    %dma_start3A_153 = tpu.memref_slice %arg38[%dma_start3A_151, %dma_start3A_152] : memref<10240x64xf32, #tpu.memory_space<vmem_shared>> -> memref<10240x64xf32, #tpu.memory_space<vmem_shared>>
    tpu.enqueue_indirect_dma source(%arg35 : memref<80x64xf32, #tpu.memory_space<vmem>>) target(%dma_start3A_153 : memref<10240x64xf32, #tpu.memory_space<vmem_shared>>) offsets(%dma_start3A_150 : memref<80xi32, #tpu.memory_space<vmem>>) semaphore(%arg41 : memref<!tpu.dma_semaphore, #tpu.memory_space<semaphore_mem>>) {add = true}
    %scan3A_154 = arith.constant 0 : i32
    %scan3A_155 = arith.constant 0 : i32
    %scan3A_156 = arith.constant 125 : i32
    %scan3A_157 = arith.addi %scan3A_155, %scan3A_156 : i32
    %scan3A_158 = arith.constant 1 : i32
    scf.for %scan3A_340 = %scan3A_155 to %scan3A_157 step %scan3A_158  : i32 {
      %dma_start3A_341 = arith.constant 0 : i32
      %dma_start3A_342 = tpu.memref_slice %arg29[%scan3A_340, %dma_start3A_341] : memref<125x80xi32, #tpu.memory_space<vmem>> -> memref<1x80xi32, #tpu.memory_space<vmem>>
      %dma_start3A_343 = tpu.memref_squeeze %dma_start3A_342 : memref<1x80xi32, #tpu.memory_space<vmem>> -> memref<80xi32, #tpu.memory_space<vmem>>
      %dma_start3A_344 = arith.constant 0 : i32
      %dma_start3A_345 = arith.constant 0 : i32
      %dma_start3A_346 = tpu.memref_slice %arg10[%dma_start3A_344, %dma_start3A_345] : memref<10000x16xf32, #tpu.memory_space<hbm>> -> memref<10000x16xf32, #tpu.memory_space<hbm>>
      tpu.enqueue_indirect_dma source(%dma_start3A_346 : memref<10000x16xf32, #tpu.memory_space<hbm>>) target(%arg31 : memref<80x16xf32, #tpu.memory_space<vmem>>) offsets(%dma_start3A_343 : memref<80xi32, #tpu.memory_space<vmem>>) semaphore(%arg40 : memref<!tpu.dma_semaphore, #tpu.memory_space<semaphore_mem>>)
      %dma_start3A_347 = arith.constant 0 : i32
      %dma_start3A_348 = tpu.memref_slice %arg30[%scan3A_340, %dma_start3A_347] : memref<125x80xi32, #tpu.memory_space<vmem>> -> memref<1x80xi32, #tpu.memory_space<vmem>>
      %dma_start3A_349 = tpu.memref_squeeze %dma_start3A_348 : memref<1x80xi32, #tpu.memory_space<vmem>> -> memref<80xi32, #tpu.memory_space<vmem>>
      %dma_start3A_350 = arith.constant 0 : i32
      %dma_start3A_351 = arith.constant 0 : i32
      %dma_start3A_352 = tpu.memref_slice %arg11[%dma_start3A_350, %dma_start3A_351] : memref<10000x16xf32, #tpu.memory_space<hbm>> -> memref<10000x16xf32, #tpu.memory_space<hbm>>
      tpu.enqueue_indirect_dma source(%dma_start3A_352 : memref<10000x16xf32, #tpu.memory_space<hbm>>) target(%arg32 : memref<80x16xf32, #tpu.memory_space<vmem>>) offsets(%dma_start3A_349 : memref<80xi32, #tpu.memory_space<vmem>>) semaphore(%arg40 : memref<!tpu.dma_semaphore, #tpu.memory_space<semaphore_mem>>)
      %dma_start3A_353 = arith.constant 0 : i32
      %dma_start3A_354 = tpu.memref_slice %arg29[%scan3A_340, %dma_start3A_353] : memref<125x80xi32, #tpu.memory_space<vmem>> -> memref<1x80xi32, #tpu.memory_space<vmem>>
      %dma_start3A_355 = tpu.memref_squeeze %dma_start3A_354 : memref<1x80xi32, #tpu.memory_space<vmem>> -> memref<80xi32, #tpu.memory_space<vmem>>
      %dma_start3A_356 = arith.constant 0 : i32
      %dma_start3A_357 = arith.constant 0 : i32
      %dma_start3A_358 = tpu.memref_slice %arg8[%dma_start3A_356, %dma_start3A_357] : memref<10000x64xf32, #tpu.memory_space<hbm>> -> memref<10000x64xf32, #tpu.memory_space<hbm>>
      tpu.enqueue_indirect_dma source(%dma_start3A_358 : memref<10000x64xf32, #tpu.memory_space<hbm>>) target(%arg34 : memref<80x64xf32, #tpu.memory_space<vmem>>) offsets(%dma_start3A_355 : memref<80xi32, #tpu.memory_space<vmem>>) semaphore(%arg40 : memref<!tpu.dma_semaphore, #tpu.memory_space<semaphore_mem>>)
      %dma_wait3A_359 = arith.constant 0 : i32
      %dma_wait3A_360 = tpu.memref_slice %arg29[%scan3A_340, %dma_wait3A_359] : memref<125x80xi32, #tpu.memory_space<vmem>> -> memref<1x80xi32, #tpu.memory_space<vmem>>
      %dma_wait3A_361 = tpu.memref_squeeze %dma_wait3A_360 : memref<1x80xi32, #tpu.memory_space<vmem>> -> memref<80xi32, #tpu.memory_space<vmem>>
      %dma_wait3A_362 = arith.constant 0 : i32
      %dma_wait3A_363 = arith.constant 0 : i32
      %dma_wait3A_364 = tpu.memref_slice %arg10[%dma_wait3A_362, %dma_wait3A_363] : memref<10000x16xf32, #tpu.memory_space<hbm>> -> memref<10000x16xf32, #tpu.memory_space<hbm>>
      tpu.wait_indirect_dma semaphore(%arg40 : memref<!tpu.dma_semaphore, #tpu.memory_space<semaphore_mem>>) src(%dma_wait3A_364 : memref<10000x16xf32, #tpu.memory_space<hbm>>) dst(%arg31 : memref<80x16xf32, #tpu.memory_space<vmem>>)
      %dma_wait3A_365 = arith.constant 0 : i32
      %dma_wait3A_366 = tpu.memref_slice %arg30[%scan3A_340, %dma_wait3A_365] : memref<125x80xi32, #tpu.memory_space<vmem>> -> memref<1x80xi32, #tpu.memory_space<vmem>>
      %dma_wait3A_367 = tpu.memref_squeeze %dma_wait3A_366 : memref<1x80xi32, #tpu.memory_space<vmem>> -> memref<80xi32, #tpu.memory_space<vmem>>
      %dma_wait3A_368 = arith.constant 0 : i32
      %dma_wait3A_369 = arith.constant 0 : i32
      %dma_wait3A_370 = tpu.memref_slice %arg11[%dma_wait3A_368, %dma_wait3A_369] : memref<10000x16xf32, #tpu.memory_space<hbm>> -> memref<10000x16xf32, #tpu.memory_space<hbm>>
      tpu.wait_indirect_dma semaphore(%arg40 : memref<!tpu.dma_semaphore, #tpu.memory_space<semaphore_mem>>) src(%dma_wait3A_370 : memref<10000x16xf32, #tpu.memory_space<hbm>>) dst(%arg32 : memref<80x16xf32, #tpu.memory_space<vmem>>)
      %scan3A_371 = arith.constant 0 : i32
      %scan3A_372 = arith.constant 0 : i32
      %scan3A_373 = arith.constant 80 : i32
      %scan3A_374 = arith.addi %scan3A_372, %scan3A_373 : i32
      %scan3A_375 = arith.constant 1 : i32
      scf.for %scan3A_413 = %scan3A_372 to %scan3A_374 step %scan3A_375  : i32 {
        %get3A = arith.index_cast %scan3A_413 : i32 to index
        %get3A_414 = arith.constant 0 : index
        %get3A_415 = tpu.vector_load %arg31[%get3A, %get3A_414] {strides = array<i32>} : memref<80x16xf32, #tpu.memory_space<vmem>>, vector<1x16xf32>,
        %get3A_416 = vector.shape_cast %get3A_415 : vector<1x16xf32> to vector<16xf32>
        %get3A_417 = arith.index_cast %scan3A_413 : i32 to index
        %get3A_418 = arith.constant 0 : index
        %get3A_419 = tpu.vector_load %arg32[%get3A_417, %get3A_418] {strides = array<i32>} : memref<80x16xf32, #tpu.memory_space<vmem>>, vector<1x16xf32>,
        %get3A_420 = vector.shape_cast %get3A_419 : vector<1x16xf32> to vector<16xf32>
        %add3A_421 = arith.addf %get3A_416, %get3A_420 : vector<16xf32>
        %mul3A_422 = arith.constant 2.000000e-01 : f32
        %mul3A_423 = vector.broadcast %mul3A_422 : f32 to vector<16xf32>
        %mul3A_424 = arith.mulf %mul3A_423, %add3A_421 : vector<16xf32>
        %max3A = arith.maximumf %add3A_421, %mul3A_424 : vector<16xf32>
        %exp3A = math.exp %max3A : vector<16xf32>
        %swap3A = arith.index_cast %scan3A_413 : i32 to index
        %swap3A_425 = arith.constant 0 : index
        %swap3A_426 = tpu.vector_load %arg33[%swap3A, %swap3A_425] {strides = array<i32>} : memref<80x16xf32, #tpu.memory_space<vmem>>, vector<1x16xf32>,
        %swap3A_427 = vector.shape_cast %swap3A_426 : vector<1x16xf32> to vector<16xf32>
        %swap3A_428 = vector.shape_cast %exp3A : vector<16xf32> to vector<1x16xf32>
        tpu.vector_store %arg33[%swap3A, %swap3A_425], %swap3A_428 {strides = array<i32>} : memref<80x16xf32, #tpu.memory_space<vmem>>, vector<1x16xf32>,
      }
      %scan3A_376 = arith.constant 80 : i32
      %dma_wait3A_377 = arith.constant 0 : i32
      %dma_wait3A_378 = tpu.memref_slice %arg29[%scan3A_340, %dma_wait3A_377] : memref<125x80xi32, #tpu.memory_space<vmem>> -> memref<1x80xi32, #tpu.memory_space<vmem>>
      %dma_wait3A_379 = tpu.memref_squeeze %dma_wait3A_378 : memref<1x80xi32, #tpu.memory_space<vmem>> -> memref<80xi32, #tpu.memory_space<vmem>>
      %dma_wait3A_380 = arith.constant 0 : i32
      %dma_wait3A_381 = arith.constant 0 : i32
      %dma_wait3A_382 = tpu.memref_slice %arg8[%dma_wait3A_380, %dma_wait3A_381] : memref<10000x64xf32, #tpu.memory_space<hbm>> -> memref<10000x64xf32, #tpu.memory_space<hbm>>
      tpu.wait_indirect_dma semaphore(%arg40 : memref<!tpu.dma_semaphore, #tpu.memory_space<semaphore_mem>>) src(%dma_wait3A_382 : memref<10000x64xf32, #tpu.memory_space<hbm>>) dst(%arg34 : memref<80x64xf32, #tpu.memory_space<vmem>>)
      %dma_wait3A_383 = arith.constant 0 : i32
      %dma_wait3A_384 = tpu.memref_slice %arg30[%scan3A_340, %dma_wait3A_383] : memref<125x80xi32, #tpu.memory_space<vmem>> -> memref<1x80xi32, #tpu.memory_space<vmem>>
      %dma_wait3A_385 = tpu.memref_squeeze %dma_wait3A_384 : memref<1x80xi32, #tpu.memory_space<vmem>> -> memref<80xi32, #tpu.memory_space<vmem>>
      %dma_wait3A_386 = arith.constant 0 : i32
      %dma_wait3A_387 = arith.constant 0 : i32
      %dma_wait3A_388 = tpu.memref_slice %arg38[%dma_wait3A_386, %dma_wait3A_387] : memref<10240x64xf32, #tpu.memory_space<vmem_shared>> -> memref<10240x64xf32, #tpu.memory_space<vmem_shared>>
      tpu.wait_indirect_dma semaphore(%arg41 : memref<!tpu.dma_semaphore, #tpu.memory_space<semaphore_mem>>) src(%arg35 : memref<80x64xf32, #tpu.memory_space<vmem>>) dst(%dma_wait3A_388 : memref<10240x64xf32, #tpu.memory_space<vmem_shared>>)
      %dma_start3A_389 = arith.constant 0 : i32
      %dma_start3A_390 = tpu.memref_slice %arg30[%scan3A_340, %dma_start3A_389] : memref<125x80xi32, #tpu.memory_space<vmem>> -> memref<1x80xi32, #tpu.memory_space<vmem>>
      %dma_start3A_391 = tpu.memref_squeeze %dma_start3A_390 : memref<1x80xi32, #tpu.memory_space<vmem>> -> memref<80xi32, #tpu.memory_space<vmem>>
      %dma_start3A_392 = arith.constant 0 : i32
      %dma_start3A_393 = arith.constant 0 : i32
      %dma_start3A_394 = tpu.memref_slice %arg39[%dma_start3A_392, %dma_start3A_393] : memref<10240x16xf32, #tpu.memory_space<vmem_shared>> -> memref<10240x16xf32, #tpu.memory_space<vmem_shared>>
      tpu.enqueue_indirect_dma source(%arg33 : memref<80x16xf32, #tpu.memory_space<vmem>>) target(%dma_start3A_394 : memref<10240x16xf32, #tpu.memory_space<vmem_shared>>) offsets(%dma_start3A_391 : memref<80xi32, #tpu.memory_space<vmem>>) semaphore(%arg40 : memref<!tpu.dma_semaphore, #tpu.memory_space<semaphore_mem>>) {add = true}
      %scan3A_395 = arith.constant 0 : i32
      %scan3A_396 = arith.constant 0 : i32
      %scan3A_397 = arith.constant 80 : i32
      %scan3A_398 = arith.addi %scan3A_396, %scan3A_397 : i32
      %scan3A_399 = arith.constant 1 : i32
      scf.for %scan3A_413 = %scan3A_396 to %scan3A_398 step %scan3A_399  : i32 {
        %get3A = arith.index_cast %scan3A_413 : i32 to index
        %get3A_414 = arith.constant 0 : index
        %get3A_415 = tpu.vector_load %arg33[%get3A, %get3A_414] {strides = array<i32>} : memref<80x16xf32, #tpu.memory_space<vmem>>, vector<1x16xf32>,
        %get3A_416 = vector.shape_cast %get3A_415 : vector<1x16xf32> to vector<16xf32>
        %get3A_417 = arith.index_cast %scan3A_413 : i32 to index
        %get3A_418 = arith.constant 0 : index
        %get3A_419 = tpu.vector_load %arg34[%get3A_417, %get3A_418] {strides = array<i32>} : memref<80x64xf32, #tpu.memory_space<vmem>>, vector<1x16xf32>,
        %get3A_420 = vector.shape_cast %get3A_419 : vector<1x16xf32> to vector<16xf32>
        %slice3A = vector.extract_strided_slice %get3A_416 {offsets = [0], sizes = [1], strides = [1]} : vector<16xf32> to vector<1xf32>
        %squeeze3A = vector.extract %slice3A[0] : f32 from vector<1xf32>
        %mul3A_421 = vector.broadcast %squeeze3A : f32 to vector<16xf32>
        %mul3A_422 = arith.mulf %get3A_420, %mul3A_421 : vector<16xf32>
        %swap3A = arith.index_cast %scan3A_413 : i32 to index
        %swap3A_423 = arith.constant 0 : index
        %swap3A_424 = tpu.vector_load %arg35[%swap3A, %swap3A_423] {strides = array<i32>} : memref<80x64xf32, #tpu.memory_space<vmem>>, vector<1x16xf32>,
        %swap3A_425 = vector.shape_cast %swap3A_424 : vector<1x16xf32> to vector<16xf32>
        %swap3A_426 = vector.shape_cast %mul3A_422 : vector<16xf32> to vector<1x16xf32>
        tpu.vector_store %arg35[%swap3A, %swap3A_423], %swap3A_426 {strides = array<i32>} : memref<80x64xf32, #tpu.memory_space<vmem>>, vector<1x16xf32>,
        %get3A_427 = arith.index_cast %scan3A_413 : i32 to index
        %get3A_428 = arith.constant 16 : index
        %get3A_429 = tpu.vector_load %arg34[%get3A_427, %get3A_428] {strides = array<i32>} : memref<80x64xf32, #tpu.memory_space<vmem>>, vector<1x16xf32>,
        %get3A_430 = vector.shape_cast %get3A_429 : vector<1x16xf32> to vector<16xf32>
        %slice3A_431 = vector.extract_strided_slice %get3A_416 {offsets = [1], sizes = [1], strides = [1]} : vector<16xf32> to vector<1xf32>
        %squeeze3A_432 = vector.extract %slice3A_431[0] : f32 from vector<1xf32>
        %mul3A_433 = vector.broadcast %squeeze3A_432 : f32 to vector<16xf32>
        %mul3A_434 = arith.mulf %get3A_430, %mul3A_433 : vector<16xf32>
        %swap3A_435 = arith.index_cast %scan3A_413 : i32 to index
        %swap3A_436 = arith.constant 16 : index
        %swap3A_437 = tpu.vector_load %arg35[%swap3A_435, %swap3A_436] {strides = array<i32>} : memref<80x64xf32, #tpu.memory_space<vmem>>, vector<1x16xf32>,
        %swap3A_438 = vector.shape_cast %swap3A_437 : vector<1x16xf32> to vector<16xf32>
        %swap3A_439 = vector.shape_cast %mul3A_434 : vector<16xf32> to vector<1x16xf32>
        tpu.vector_store %arg35[%swap3A_435, %swap3A_436], %swap3A_439 {strides = array<i32>} : memref<80x64xf32, #tpu.memory_space<vmem>>, vector<1x16xf32>,
        %get3A_440 = arith.index_cast %scan3A_413 : i32 to index
        %get3A_441 = arith.constant 32 : index
        %get3A_442 = tpu.vector_load %arg34[%get3A_440, %get3A_441] {strides = array<i32>} : memref<80x64xf32, #tpu.memory_space<vmem>>, vector<1x16xf32>,
        %get3A_443 = vector.shape_cast %get3A_442 : vector<1x16xf32> to vector<16xf32>
        %slice3A_444 = vector.extract_strided_slice %get3A_416 {offsets = [2], sizes = [1], strides = [1]} : vector<16xf32> to vector<1xf32>
        %squeeze3A_445 = vector.extract %slice3A_444[0] : f32 from vector<1xf32>
        %mul3A_446 = vector.broadcast %squeeze3A_445 : f32 to vector<16xf32>
        %mul3A_447 = arith.mulf %get3A_443, %mul3A_446 : vector<16xf32>
        %swap3A_448 = arith.index_cast %scan3A_413 : i32 to index
        %swap3A_449 = arith.constant 32 : index
        %swap3A_450 = tpu.vector_load %arg35[%swap3A_448, %swap3A_449] {strides = array<i32>} : memref<80x64xf32, #tpu.memory_space<vmem>>, vector<1x16xf32>,
        %swap3A_451 = vector.shape_cast %swap3A_450 : vector<1x16xf32> to vector<16xf32>
        %swap3A_452 = vector.shape_cast %mul3A_447 : vector<16xf32> to vector<1x16xf32>
        tpu.vector_store %arg35[%swap3A_448, %swap3A_449], %swap3A_452 {strides = array<i32>} : memref<80x64xf32, #tpu.memory_space<vmem>>, vector<1x16xf32>,
        %get3A_453 = arith.index_cast %scan3A_413 : i32 to index
        %get3A_454 = arith.constant 48 : index
        %get3A_455 = tpu.vector_load %arg34[%get3A_453, %get3A_454] {strides = array<i32>} : memref<80x64xf32, #tpu.memory_space<vmem>>, vector<1x16xf32>,
        %get3A_456 = vector.shape_cast %get3A_455 : vector<1x16xf32> to vector<16xf32>
        %slice3A_457 = vector.extract_strided_slice %get3A_416 {offsets = [3], sizes = [1], strides = [1]} : vector<16xf32> to vector<1xf32>
        %squeeze3A_458 = vector.extract %slice3A_457[0] : f32 from vector<1xf32>
        %mul3A_459 = vector.broadcast %squeeze3A_458 : f32 to vector<16xf32>
        %mul3A_460 = arith.mulf %get3A_456, %mul3A_459 : vector<16xf32>
        %swap3A_461 = arith.index_cast %scan3A_413 : i32 to index
        %swap3A_462 = arith.constant 48 : index
        %swap3A_463 = tpu.vector_load %arg35[%swap3A_461, %swap3A_462] {strides = array<i32>} : memref<80x64xf32, #tpu.memory_space<vmem>>, vector<1x16xf32>,
        %swap3A_464 = vector.shape_cast %swap3A_463 : vector<1x16xf32> to vector<16xf32>
        %swap3A_465 = vector.shape_cast %mul3A_460 : vector<16xf32> to vector<1x16xf32>
        tpu.vector_store %arg35[%swap3A_461, %swap3A_462], %swap3A_465 {strides = array<i32>} : memref<80x64xf32, #tpu.memory_space<vmem>>, vector<1x16xf32>,
      }
      %scan3A_400 = arith.constant 80 : i32
      %dma_start3A_401 = arith.constant 0 : i32
      %dma_start3A_402 = tpu.memref_slice %arg30[%scan3A_340, %dma_start3A_401] : memref<125x80xi32, #tpu.memory_space<vmem>> -> memref<1x80xi32, #tpu.memory_space<vmem>>
      %dma_start3A_403 = tpu.memref_squeeze %dma_start3A_402 : memref<1x80xi32, #tpu.memory_space<vmem>> -> memref<80xi32, #tpu.memory_space<vmem>>
      %dma_start3A_404 = arith.constant 0 : i32
      %dma_start3A_405 = arith.constant 0 : i32
      %dma_start3A_406 = tpu.memref_slice %arg38[%dma_start3A_404, %dma_start3A_405] : memref<10240x64xf32, #tpu.memory_space<vmem_shared>> -> memref<10240x64xf32, #tpu.memory_space<vmem_shared>>
      tpu.enqueue_indirect_dma source(%arg35 : memref<80x64xf32, #tpu.memory_space<vmem>>) target(%dma_start3A_406 : memref<10240x64xf32, #tpu.memory_space<vmem_shared>>) offsets(%dma_start3A_403 : memref<80xi32, #tpu.memory_space<vmem>>) semaphore(%arg41 : memref<!tpu.dma_semaphore, #tpu.memory_space<semaphore_mem>>) {add = true}
      %dma_wait3A_407 = arith.constant 0 : i32
      %dma_wait3A_408 = tpu.memref_slice %arg30[%scan3A_340, %dma_wait3A_407] : memref<125x80xi32, #tpu.memory_space<vmem>> -> memref<1x80xi32, #tpu.memory_space<vmem>>
      %dma_wait3A_409 = tpu.memref_squeeze %dma_wait3A_408 : memref<1x80xi32, #tpu.memory_space<vmem>> -> memref<80xi32, #tpu.memory_space<vmem>>
      %dma_wait3A_410 = arith.constant 0 : i32
      %dma_wait3A_411 = arith.constant 0 : i32
      %dma_wait3A_412 = tpu.memref_slice %arg39[%dma_wait3A_410, %dma_wait3A_411] : memref<10240x16xf32, #tpu.memory_space<vmem_shared>> -> memref<10240x16xf32, #tpu.memory_space<vmem_shared>>
      tpu.wait_indirect_dma semaphore(%arg40 : memref<!tpu.dma_semaphore, #tpu.memory_space<semaphore_mem>>) src(%arg33 : memref<80x16xf32, #tpu.memory_space<vmem>>) dst(%dma_wait3A_412 : memref<10240x16xf32, #tpu.memory_space<vmem_shared>>)
    }
    %scan3A_159 = arith.constant 125 : i32
    %dma_wait3A_160 = arith.constant 0 : i32
    %dma_wait3A_161 = arith.constant 0 : i32
    %dma_wait3A_162 = tpu.memref_slice %arg30[%dma_wait3A_160, %dma_wait3A_161] : memref<125x80xi32, #tpu.memory_space<vmem>> -> memref<1x80xi32, #tpu.memory_space<vmem>>
    %dma_wait3A_163 = tpu.memref_squeeze %dma_wait3A_162 : memref<1x80xi32, #tpu.memory_space<vmem>> -> memref<80xi32, #tpu.memory_space<vmem>>
    %dma_wait3A_164 = arith.constant 0 : i32
    %dma_wait3A_165 = arith.constant 0 : i32
    %dma_wait3A_166 = tpu.memref_slice %arg38[%dma_wait3A_164, %dma_wait3A_165] : memref<10240x64xf32, #tpu.memory_space<vmem_shared>> -> memref<10240x64xf32, #tpu.memory_space<vmem_shared>>
    tpu.wait_indirect_dma semaphore(%arg41 : memref<!tpu.dma_semaphore, #tpu.memory_space<semaphore_mem>>) src(%arg35 : memref<80x64xf32, #tpu.memory_space<vmem>>) dst(%dma_wait3A_166 : memref<10240x64xf32, #tpu.memory_space<vmem_shared>>)
    %barrier3A_167 = arith.constant 0 : index
    tpu.barrier barrier_id(%barrier3A_167)
    %mul3A_168 = arith.constant 640 : i32
    %mul3A_169 = arith.muli %arg1, %mul3A_168 : i32
    %mul3A_170 = arith.constant 640 : i32
    %mul3A_171 = arith.muli %arg1, %mul3A_170 : i32
    "tpu.region"() ({
      %run_scoped3A = tpu.sem_alloc : memref<!tpu.dma_semaphore, #tpu.memory_space<semaphore_mem>>
      %dma_start3A_340 = arith.constant 0 : i32
      %dma_start3A_341 = tpu.memref_slice %arg23[%arg0, %mul3A_171, %dma_start3A_340] : memref<2x10240x64xf32, #tpu.memory_space<hbm>> -> memref<1x640x64xf32, #tpu.memory_space<hbm>>
      %dma_start3A_342 = tpu.memref_squeeze %dma_start3A_341 : memref<1x640x64xf32, #tpu.memory_space<hbm>> -> memref<640x64xf32, #tpu.memory_space<hbm>>
      %dma_start3A_343 = arith.constant 0 : i32
      %dma_start3A_344 = tpu.memref_slice %arg38[%mul3A_169, %dma_start3A_343] : memref<10240x64xf32, #tpu.memory_space<vmem_shared>> -> memref<640x64xf32, #tpu.memory_space<vmem_shared>>
      tpu.enqueue_dma source(%dma_start3A_344 : memref<640x64xf32, #tpu.memory_space<vmem_shared>>) target(%dma_start3A_342 : memref<640x64xf32, #tpu.memory_space<hbm>>) target_semaphore(%run_scoped3A : memref<!tpu.dma_semaphore, #tpu.memory_space<semaphore_mem>>)
      %dma_wait3A_345 = arith.constant 0 : i32
      %dma_wait3A_346 = tpu.memref_slice %arg23[%arg0, %mul3A_171, %dma_wait3A_345] : memref<2x10240x64xf32, #tpu.memory_space<hbm>> -> memref<1x640x64xf32, #tpu.memory_space<hbm>>
      %dma_wait3A_347 = tpu.memref_squeeze %dma_wait3A_346 : memref<1x640x64xf32, #tpu.memory_space<hbm>> -> memref<640x64xf32, #tpu.memory_space<hbm>>
      %dma_wait3A_348 = arith.constant 0 : i32
      %dma_wait3A_349 = tpu.memref_slice %arg38[%mul3A_169, %dma_wait3A_348] : memref<10240x64xf32, #tpu.memory_space<vmem_shared>> -> memref<640x64xf32, #tpu.memory_space<vmem_shared>>
      tpu.wait_dma2 semaphore(%run_scoped3A : memref<!tpu.dma_semaphore, #tpu.memory_space<semaphore_mem>>) src(%dma_wait3A_349 : memref<640x64xf32, #tpu.memory_space<vmem_shared>>) dst(%dma_wait3A_347 : memref<640x64xf32, #tpu.memory_space<hbm>>)
      tpu.yield
    }) : () -> ()
    %mul3A_172 = arith.constant 640 : i32
    %mul3A_173 = arith.muli %arg1, %mul3A_172 : i32
    %mul3A_174 = arith.constant 640 : i32
    %mul3A_175 = arith.muli %arg1, %mul3A_174 : i32
    "tpu.region"() ({
      %run_scoped3A = tpu.sem_alloc : memref<!tpu.dma_semaphore, #tpu.memory_space<semaphore_mem>>
      %dma_start3A_340 = arith.constant 0 : i32
      %dma_start3A_341 = tpu.memref_slice %arg25[%arg0, %mul3A_175, %dma_start3A_340] : memref<2x10240x16xf32, #tpu.memory_space<hbm>> -> memref<1x640x16xf32, #tpu.memory_space<hbm>>
      %dma_start3A_342 = tpu.memref_squeeze %dma_start3A_341 : memref<1x640x16xf32, #tpu.memory_space<hbm>> -> memref<640x16xf32, #tpu.memory_space<hbm>>
      %dma_start3A_343 = arith.constant 0 : i32
      %dma_start3A_344 = tpu.memref_slice %arg39[%mul3A_173, %dma_start3A_343] : memref<10240x16xf32, #tpu.memory_space<vmem_shared>> -> memref<640x16xf32, #tpu.memory_space<vmem_shared>>
      tpu.enqueue_dma source(%dma_start3A_344 : memref<640x16xf32, #tpu.memory_space<vmem_shared>>) target(%dma_start3A_342 : memref<640x16xf32, #tpu.memory_space<hbm>>) target_semaphore(%run_scoped3A : memref<!tpu.dma_semaphore, #tpu.memory_space<semaphore_mem>>)
      %dma_wait3A_345 = arith.constant 0 : i32
      %dma_wait3A_346 = tpu.memref_slice %arg25[%arg0, %mul3A_175, %dma_wait3A_345] : memref<2x10240x16xf32, #tpu.memory_space<hbm>> -> memref<1x640x16xf32, #tpu.memory_space<hbm>>
      %dma_wait3A_347 = tpu.memref_squeeze %dma_wait3A_346 : memref<1x640x16xf32, #tpu.memory_space<hbm>> -> memref<640x16xf32, #tpu.memory_space<hbm>>
      %dma_wait3A_348 = arith.constant 0 : i32
      %dma_wait3A_349 = tpu.memref_slice %arg39[%mul3A_173, %dma_wait3A_348] : memref<10240x16xf32, #tpu.memory_space<vmem_shared>> -> memref<640x16xf32, #tpu.memory_space<vmem_shared>>
      tpu.wait_dma2 semaphore(%run_scoped3A : memref<!tpu.dma_semaphore, #tpu.memory_space<semaphore_mem>>) src(%dma_wait3A_349 : memref<640x16xf32, #tpu.memory_space<vmem_shared>>) dst(%dma_wait3A_347 : memref<640x16xf32, #tpu.memory_space<hbm>>)
      tpu.yield
    }) : () -> ()
    %barrier3A_176 = arith.constant 0 : index
    tpu.barrier barrier_id(%barrier3A_176)
    %mul3A_177 = arith.constant 640 : i32
    %mul3A_178 = arith.muli %arg1, %mul3A_177 : i32
    %add3A_179 = arith.constant 0 : i32
    %add3A_180 = arith.addi %mul3A_178, %add3A_179 : i32
    "tpu.region"() ({
      %run_scoped3A = tpu.sem_alloc : memref<!tpu.dma_semaphore, #tpu.memory_space<semaphore_mem>>
      %dma_start3A_340 = arith.constant 0 : i32
      %dma_start3A_341 = tpu.memref_slice %arg38[%add3A_180, %dma_start3A_340] : memref<10240x64xf32, #tpu.memory_space<vmem_shared>> -> memref<128x64xf32, #tpu.memory_space<vmem_shared>>
      %dma_start3A_342 = arith.constant 0 : i32
      %dma_start3A_343 = tpu.memref_slice %arg38[%add3A_180, %dma_start3A_342] : memref<10240x64xf32, #tpu.memory_space<vmem_shared>> -> memref<128x64xf32, #tpu.memory_space<vmem_shared>>
      tpu.enqueue_dma source(%arg36 : memref<128x64xf32, #tpu.memory_space<vmem>>) target(%dma_start3A_343 : memref<128x64xf32, #tpu.memory_space<vmem_shared>>) target_semaphore(%run_scoped3A : memref<!tpu.dma_semaphore, #tpu.memory_space<semaphore_mem>>)
      %dma_wait3A_344 = arith.constant 0 : i32
      %dma_wait3A_345 = tpu.memref_slice %arg38[%add3A_180, %dma_wait3A_344] : memref<10240x64xf32, #tpu.memory_space<vmem_shared>> -> memref<128x64xf32, #tpu.memory_space<vmem_shared>>
      %dma_wait3A_346 = arith.constant 0 : i32
      %dma_wait3A_347 = tpu.memref_slice %arg38[%add3A_180, %dma_wait3A_346] : memref<10240x64xf32, #tpu.memory_space<vmem_shared>> -> memref<128x64xf32, #tpu.memory_space<vmem_shared>>
      tpu.wait_dma2 semaphore(%run_scoped3A : memref<!tpu.dma_semaphore, #tpu.memory_space<semaphore_mem>>) src(%arg36 : memref<128x64xf32, #tpu.memory_space<vmem>>) dst(%dma_wait3A_347 : memref<128x64xf32, #tpu.memory_space<vmem_shared>>)
      tpu.yield
    }) : () -> ()
    %mul3A_181 = arith.constant 640 : i32
    %mul3A_182 = arith.muli %arg1, %mul3A_181 : i32
    %add3A_183 = arith.constant 128 : i32
    %add3A_184 = arith.addi %mul3A_182, %add3A_183 : i32
    "tpu.region"() ({
      %run_scoped3A = tpu.sem_alloc : memref<!tpu.dma_semaphore, #tpu.memory_space<semaphore_mem>>
      %dma_start3A_340 = arith.constant 0 : i32
      %dma_start3A_341 = tpu.memref_slice %arg38[%add3A_184, %dma_start3A_340] : memref<10240x64xf32, #tpu.memory_space<vmem_shared>> -> memref<128x64xf32, #tpu.memory_space<vmem_shared>>
      %dma_start3A_342 = arith.constant 0 : i32
      %dma_start3A_343 = tpu.memref_slice %arg38[%add3A_184, %dma_start3A_342] : memref<10240x64xf32, #tpu.memory_space<vmem_shared>> -> memref<128x64xf32, #tpu.memory_space<vmem_shared>>
      tpu.enqueue_dma source(%arg36 : memref<128x64xf32, #tpu.memory_space<vmem>>) target(%dma_start3A_343 : memref<128x64xf32, #tpu.memory_space<vmem_shared>>) target_semaphore(%run_scoped3A : memref<!tpu.dma_semaphore, #tpu.memory_space<semaphore_mem>>)
      %dma_wait3A_344 = arith.constant 0 : i32
      %dma_wait3A_345 = tpu.memref_slice %arg38[%add3A_184, %dma_wait3A_344] : memref<10240x64xf32, #tpu.memory_space<vmem_shared>> -> memref<128x64xf32, #tpu.memory_space<vmem_shared>>
      %dma_wait3A_346 = arith.constant 0 : i32
      %dma_wait3A_347 = tpu.memref_slice %arg38[%add3A_184, %dma_wait3A_346] : memref<10240x64xf32, #tpu.memory_space<vmem_shared>> -> memref<128x64xf32, #tpu.memory_space<vmem_shared>>
      tpu.wait_dma2 semaphore(%run_scoped3A : memref<!tpu.dma_semaphore, #tpu.memory_space<semaphore_mem>>) src(%arg36 : memref<128x64xf32, #tpu.memory_space<vmem>>) dst(%dma_wait3A_347 : memref<128x64xf32, #tpu.memory_space<vmem_shared>>)
      tpu.yield
    }) : () -> ()
    %mul3A_185 = arith.constant 640 : i32
    %mul3A_186 = arith.muli %arg1, %mul3A_185 : i32
    %add3A_187 = arith.constant 256 : i32
    %add3A_188 = arith.addi %mul3A_186, %add3A_187 : i32
    "tpu.region"() ({
      %run_scoped3A = tpu.sem_alloc : memref<!tpu.dma_semaphore, #tpu.memory_space<semaphore_mem>>
      %dma_start3A_340 = arith.constant 0 : i32
      %dma_start3A_341 = tpu.memref_slice %arg38[%add3A_188, %dma_start3A_340] : memref<10240x64xf32, #tpu.memory_space<vmem_shared>> -> memref<128x64xf32, #tpu.memory_space<vmem_shared>>
      %dma_start3A_342 = arith.constant 0 : i32
      %dma_start3A_343 = tpu.memref_slice %arg38[%add3A_188, %dma_start3A_342] : memref<10240x64xf32, #tpu.memory_space<vmem_shared>> -> memref<128x64xf32, #tpu.memory_space<vmem_shared>>
      tpu.enqueue_dma source(%arg36 : memref<128x64xf32, #tpu.memory_space<vmem>>) target(%dma_start3A_343 : memref<128x64xf32, #tpu.memory_space<vmem_shared>>) target_semaphore(%run_scoped3A : memref<!tpu.dma_semaphore, #tpu.memory_space<semaphore_mem>>)
      %dma_wait3A_344 = arith.constant 0 : i32
      %dma_wait3A_345 = tpu.memref_slice %arg38[%add3A_188, %dma_wait3A_344] : memref<10240x64xf32, #tpu.memory_space<vmem_shared>> -> memref<128x64xf32, #tpu.memory_space<vmem_shared>>
      %dma_wait3A_346 = arith.constant 0 : i32
      %dma_wait3A_347 = tpu.memref_slice %arg38[%add3A_188, %dma_wait3A_346] : memref<10240x64xf32, #tpu.memory_space<vmem_shared>> -> memref<128x64xf32, #tpu.memory_space<vmem_shared>>
      tpu.wait_dma2 semaphore(%run_scoped3A : memref<!tpu.dma_semaphore, #tpu.memory_space<semaphore_mem>>) src(%arg36 : memref<128x64xf32, #tpu.memory_space<vmem>>) dst(%dma_wait3A_347 : memref<128x64xf32, #tpu.memory_space<vmem_shared>>)
      tpu.yield
    }) : () -> ()
    %mul3A_189 = arith.constant 640 : i32
    %mul3A_190 = arith.muli %arg1, %mul3A_189 : i32
    %add3A_191 = arith.constant 384 : i32
    %add3A_192 = arith.addi %mul3A_190, %add3A_191 : i32
    "tpu.region"() ({
      %run_scoped3A = tpu.sem_alloc : memref<!tpu.dma_semaphore, #tpu.memory_space<semaphore_mem>>
      %dma_start3A_340 = arith.constant 0 : i32
      %dma_start3A_341 = tpu.memref_slice %arg38[%add3A_192, %dma_start3A_340] : memref<10240x64xf32, #tpu.memory_space<vmem_shared>> -> memref<128x64xf32, #tpu.memory_space<vmem_shared>>
      %dma_start3A_342 = arith.constant 0 : i32
      %dma_start3A_343 = tpu.memref_slice %arg38[%add3A_192, %dma_start3A_342] : memref<10240x64xf32, #tpu.memory_space<vmem_shared>> -> memref<128x64xf32, #tpu.memory_space<vmem_shared>>
      tpu.enqueue_dma source(%arg36 : memref<128x64xf32, #tpu.memory_space<vmem>>) target(%dma_start3A_343 : memref<128x64xf32, #tpu.memory_space<vmem_shared>>) target_semaphore(%run_scoped3A : memref<!tpu.dma_semaphore, #tpu.memory_space<semaphore_mem>>)
      %dma_wait3A_344 = arith.constant 0 : i32
      %dma_wait3A_345 = tpu.memref_slice %arg38[%add3A_192, %dma_wait3A_344] : memref<10240x64xf32, #tpu.memory_space<vmem_shared>> -> memref<128x64xf32, #tpu.memory_space<vmem_shared>>
      %dma_wait3A_346 = arith.constant 0 : i32
      %dma_wait3A_347 = tpu.memref_slice %arg38[%add3A_192, %dma_wait3A_346] : memref<10240x64xf32, #tpu.memory_space<vmem_shared>> -> memref<128x64xf32, #tpu.memory_space<vmem_shared>>
      tpu.wait_dma2 semaphore(%run_scoped3A : memref<!tpu.dma_semaphore, #tpu.memory_space<semaphore_mem>>) src(%arg36 : memref<128x64xf32, #tpu.memory_space<vmem>>) dst(%dma_wait3A_347 : memref<128x64xf32, #tpu.memory_space<vmem_shared>>)
      tpu.yield
    }) : () -> ()
    %mul3A_193 = arith.constant 640 : i32
    %mul3A_194 = arith.muli %arg1, %mul3A_193 : i32
    %add3A_195 = arith.constant 512 : i32
    %add3A_196 = arith.addi %mul3A_194, %add3A_195 : i32
    "tpu.region"() ({
      %run_scoped3A = tpu.sem_alloc : memref<!tpu.dma_semaphore, #tpu.memory_space<semaphore_mem>>
      %dma_start3A_340 = arith.constant 0 : i32
      %dma_start3A_341 = tpu.memref_slice %arg38[%add3A_196, %dma_start3A_340] : memref<10240x64xf32, #tpu.memory_space<vmem_shared>> -> memref<128x64xf32, #tpu.memory_space<vmem_shared>>
      %dma_start3A_342 = arith.constant 0 : i32
      %dma_start3A_343 = tpu.memref_slice %arg38[%add3A_196, %dma_start3A_342] : memref<10240x64xf32, #tpu.memory_space<vmem_shared>> -> memref<128x64xf32, #tpu.memory_space<vmem_shared>>
      tpu.enqueue_dma source(%arg36 : memref<128x64xf32, #tpu.memory_space<vmem>>) target(%dma_start3A_343 : memref<128x64xf32, #tpu.memory_space<vmem_shared>>) target_semaphore(%run_scoped3A : memref<!tpu.dma_semaphore, #tpu.memory_space<semaphore_mem>>)
      %dma_wait3A_344 = arith.constant 0 : i32
      %dma_wait3A_345 = tpu.memref_slice %arg38[%add3A_196, %dma_wait3A_344] : memref<10240x64xf32, #tpu.memory_space<vmem_shared>> -> memref<128x64xf32, #tpu.memory_space<vmem_shared>>
      %dma_wait3A_346 = arith.constant 0 : i32
      %dma_wait3A_347 = tpu.memref_slice %arg38[%add3A_196, %dma_wait3A_346] : memref<10240x64xf32, #tpu.memory_space<vmem_shared>> -> memref<128x64xf32, #tpu.memory_space<vmem_shared>>
      tpu.wait_dma2 semaphore(%run_scoped3A : memref<!tpu.dma_semaphore, #tpu.memory_space<semaphore_mem>>) src(%arg36 : memref<128x64xf32, #tpu.memory_space<vmem>>) dst(%dma_wait3A_347 : memref<128x64xf32, #tpu.memory_space<vmem_shared>>)
      tpu.yield
    }) : () -> ()
    %barrier3A_197 = arith.constant 0 : index
    tpu.barrier barrier_id(%barrier3A_197)
    %scan3A_198 = arith.constant 0 : i32
    %scan3A_199 = arith.constant 0 : i32
    %scan3A_200 = arith.constant 80 : i32
    %scan3A_201 = arith.addi %scan3A_199, %scan3A_200 : i32
    %scan3A_202 = arith.constant 1 : i32
    scf.for %scan3A_340 = %scan3A_199 to %scan3A_201 step %scan3A_202  : i32 {
      %swap3A = arith.index_cast %scan3A_340 : i32 to index
      %swap3A_341 = arith.constant 0 : index
      %swap3A_342 = tpu.vector_load %arg35[%swap3A, %swap3A_341] {strides = array<i32>} : memref<80x64xf32, #tpu.memory_space<vmem>>, vector<1x16xf32>,
      %swap3A_343 = vector.shape_cast %swap3A_342 : vector<1x16xf32> to vector<16xf32>
      %swap3A_344 = vector.shape_cast %broadcast_in_dim3A_1 : vector<16xf32> to vector<1x16xf32>
      tpu.vector_store %arg35[%swap3A, %swap3A_341], %swap3A_344 {strides = array<i32>} : memref<80x64xf32, #tpu.memory_space<vmem>>, vector<1x16xf32>,
      %swap3A_345 = arith.index_cast %scan3A_340 : i32 to index
      %swap3A_346 = arith.constant 16 : index
      %swap3A_347 = tpu.vector_load %arg35[%swap3A_345, %swap3A_346] {strides = array<i32>} : memref<80x64xf32, #tpu.memory_space<vmem>>, vector<1x16xf32>,
      %swap3A_348 = vector.shape_cast %swap3A_347 : vector<1x16xf32> to vector<16xf32>
      %swap3A_349 = vector.shape_cast %broadcast_in_dim3A_1 : vector<16xf32> to vector<1x16xf32>
      tpu.vector_store %arg35[%swap3A_345, %swap3A_346], %swap3A_349 {strides = array<i32>} : memref<80x64xf32, #tpu.memory_space<vmem>>, vector<1x16xf32>,
      %swap3A_350 = arith.index_cast %scan3A_340 : i32 to index
      %swap3A_351 = arith.constant 32 : index
      %swap3A_352 = tpu.vector_load %arg35[%swap3A_350, %swap3A_351] {strides = array<i32>} : memref<80x64xf32, #tpu.memory_space<vmem>>, vector<1x16xf32>,
      %swap3A_353 = vector.shape_cast %swap3A_352 : vector<1x16xf32> to vector<16xf32>
      %swap3A_354 = vector.shape_cast %broadcast_in_dim3A_1 : vector<16xf32> to vector<1x16xf32>
      tpu.vector_store %arg35[%swap3A_350, %swap3A_351], %swap3A_354 {strides = array<i32>} : memref<80x64xf32, #tpu.memory_space<vmem>>, vector<1x16xf32>,
      %swap3A_355 = arith.index_cast %scan3A_340 : i32 to index
      %swap3A_356 = arith.constant 48 : index
      %swap3A_357 = tpu.vector_load %arg35[%swap3A_355, %swap3A_356] {strides = array<i32>} : memref<80x64xf32, #tpu.memory_space<vmem>>, vector<1x16xf32>,
      %swap3A_358 = vector.shape_cast %swap3A_357 : vector<1x16xf32> to vector<16xf32>
      %swap3A_359 = vector.shape_cast %broadcast_in_dim3A_1 : vector<16xf32> to vector<1x16xf32>
      tpu.vector_store %arg35[%swap3A_355, %swap3A_356], %swap3A_359 {strides = array<i32>} : memref<80x64xf32, #tpu.memory_space<vmem>>, vector<1x16xf32>,
    }
    %scan3A_203 = arith.constant 80 : i32
    %dma_start3A_204 = arith.constant 0 : i32
    %dma_start3A_205 = arith.constant 0 : i32
    %dma_start3A_206 = tpu.memref_slice %arg30[%dma_start3A_204, %dma_start3A_205] : memref<125x80xi32, #tpu.memory_space<vmem>> -> memref<1x80xi32, #tpu.memory_space<vmem>>
    %dma_start3A_207 = tpu.memref_squeeze %dma_start3A_206 : memref<1x80xi32, #tpu.memory_space<vmem>> -> memref<80xi32, #tpu.memory_space<vmem>>
    %dma_start3A_208 = arith.constant 0 : i32
    %dma_start3A_209 = arith.constant 0 : i32
    %dma_start3A_210 = tpu.memref_slice %arg38[%dma_start3A_208, %dma_start3A_209] : memref<10240x64xf32, #tpu.memory_space<vmem_shared>> -> memref<10240x64xf32, #tpu.memory_space<vmem_shared>>
    tpu.enqueue_indirect_dma source(%arg35 : memref<80x64xf32, #tpu.memory_space<vmem>>) target(%dma_start3A_210 : memref<10240x64xf32, #tpu.memory_space<vmem_shared>>) offsets(%dma_start3A_207 : memref<80xi32, #tpu.memory_space<vmem>>) semaphore(%arg41 : memref<!tpu.dma_semaphore, #tpu.memory_space<semaphore_mem>>) {add = true}
    %scan3A_211 = arith.constant 0 : i32
    %scan3A_212 = arith.constant 0 : i32
    %scan3A_213 = arith.constant 125 : i32
    %scan3A_214 = arith.addi %scan3A_212, %scan3A_213 : i32
    %scan3A_215 = arith.constant 1 : i32
    scf.for %scan3A_340 = %scan3A_212 to %scan3A_214 step %scan3A_215  : i32 {
      %dma_start3A_341 = arith.constant 0 : i32
      %dma_start3A_342 = tpu.memref_slice %arg29[%scan3A_340, %dma_start3A_341] : memref<125x80xi32, #tpu.memory_space<vmem>> -> memref<1x80xi32, #tpu.memory_space<vmem>>
      %dma_start3A_343 = tpu.memref_squeeze %dma_start3A_342 : memref<1x80xi32, #tpu.memory_space<vmem>> -> memref<80xi32, #tpu.memory_space<vmem>>
      %dma_start3A_344 = arith.constant 0 : i32
      %dma_start3A_345 = arith.constant 0 : i32
      %dma_start3A_346 = tpu.memref_slice %arg10[%dma_start3A_344, %dma_start3A_345] : memref<10000x16xf32, #tpu.memory_space<hbm>> -> memref<10000x16xf32, #tpu.memory_space<hbm>>
      tpu.enqueue_indirect_dma source(%dma_start3A_346 : memref<10000x16xf32, #tpu.memory_space<hbm>>) target(%arg31 : memref<80x16xf32, #tpu.memory_space<vmem>>) offsets(%dma_start3A_343 : memref<80xi32, #tpu.memory_space<vmem>>) semaphore(%arg40 : memref<!tpu.dma_semaphore, #tpu.memory_space<semaphore_mem>>)
      %dma_start3A_347 = arith.constant 0 : i32
      %dma_start3A_348 = tpu.memref_slice %arg30[%scan3A_340, %dma_start3A_347] : memref<125x80xi32, #tpu.memory_space<vmem>> -> memref<1x80xi32, #tpu.memory_space<vmem>>
      %dma_start3A_349 = tpu.memref_squeeze %dma_start3A_348 : memref<1x80xi32, #tpu.memory_space<vmem>> -> memref<80xi32, #tpu.memory_space<vmem>>
      %dma_start3A_350 = arith.constant 0 : i32
      %dma_start3A_351 = arith.constant 0 : i32
      %dma_start3A_352 = tpu.memref_slice %arg11[%dma_start3A_350, %dma_start3A_351] : memref<10000x16xf32, #tpu.memory_space<hbm>> -> memref<10000x16xf32, #tpu.memory_space<hbm>>
      tpu.enqueue_indirect_dma source(%dma_start3A_352 : memref<10000x16xf32, #tpu.memory_space<hbm>>) target(%arg32 : memref<80x16xf32, #tpu.memory_space<vmem>>) offsets(%dma_start3A_349 : memref<80xi32, #tpu.memory_space<vmem>>) semaphore(%arg40 : memref<!tpu.dma_semaphore, #tpu.memory_space<semaphore_mem>>)
      %dma_start3A_353 = arith.constant 0 : i32
      %dma_start3A_354 = tpu.memref_slice %arg29[%scan3A_340, %dma_start3A_353] : memref<125x80xi32, #tpu.memory_space<vmem>> -> memref<1x80xi32, #tpu.memory_space<vmem>>
      %dma_start3A_355 = tpu.memref_squeeze %dma_start3A_354 : memref<1x80xi32, #tpu.memory_space<vmem>> -> memref<80xi32, #tpu.memory_space<vmem>>
      %dma_start3A_356 = arith.constant 0 : i32
      %dma_start3A_357 = arith.constant 0 : i32
      %dma_start3A_358 = tpu.memref_slice %arg9[%dma_start3A_356, %dma_start3A_357] : memref<10000x64xf32, #tpu.memory_space<hbm>> -> memref<10000x64xf32, #tpu.memory_space<hbm>>
      tpu.enqueue_indirect_dma source(%dma_start3A_358 : memref<10000x64xf32, #tpu.memory_space<hbm>>) target(%arg34 : memref<80x64xf32, #tpu.memory_space<vmem>>) offsets(%dma_start3A_355 : memref<80xi32, #tpu.memory_space<vmem>>) semaphore(%arg40 : memref<!tpu.dma_semaphore, #tpu.memory_space<semaphore_mem>>)
      %dma_wait3A_359 = arith.constant 0 : i32
      %dma_wait3A_360 = tpu.memref_slice %arg29[%scan3A_340, %dma_wait3A_359] : memref<125x80xi32, #tpu.memory_space<vmem>> -> memref<1x80xi32, #tpu.memory_space<vmem>>
      %dma_wait3A_361 = tpu.memref_squeeze %dma_wait3A_360 : memref<1x80xi32, #tpu.memory_space<vmem>> -> memref<80xi32, #tpu.memory_space<vmem>>
      %dma_wait3A_362 = arith.constant 0 : i32
      %dma_wait3A_363 = arith.constant 0 : i32
      %dma_wait3A_364 = tpu.memref_slice %arg10[%dma_wait3A_362, %dma_wait3A_363] : memref<10000x16xf32, #tpu.memory_space<hbm>> -> memref<10000x16xf32, #tpu.memory_space<hbm>>
      tpu.wait_indirect_dma semaphore(%arg40 : memref<!tpu.dma_semaphore, #tpu.memory_space<semaphore_mem>>) src(%dma_wait3A_364 : memref<10000x16xf32, #tpu.memory_space<hbm>>) dst(%arg31 : memref<80x16xf32, #tpu.memory_space<vmem>>)
      %dma_wait3A_365 = arith.constant 0 : i32
      %dma_wait3A_366 = tpu.memref_slice %arg30[%scan3A_340, %dma_wait3A_365] : memref<125x80xi32, #tpu.memory_space<vmem>> -> memref<1x80xi32, #tpu.memory_space<vmem>>
      %dma_wait3A_367 = tpu.memref_squeeze %dma_wait3A_366 : memref<1x80xi32, #tpu.memory_space<vmem>> -> memref<80xi32, #tpu.memory_space<vmem>>
      %dma_wait3A_368 = arith.constant 0 : i32
      %dma_wait3A_369 = arith.constant 0 : i32
      %dma_wait3A_370 = tpu.memref_slice %arg11[%dma_wait3A_368, %dma_wait3A_369] : memref<10000x16xf32, #tpu.memory_space<hbm>> -> memref<10000x16xf32, #tpu.memory_space<hbm>>
      tpu.wait_indirect_dma semaphore(%arg40 : memref<!tpu.dma_semaphore, #tpu.memory_space<semaphore_mem>>) src(%dma_wait3A_370 : memref<10000x16xf32, #tpu.memory_space<hbm>>) dst(%arg32 : memref<80x16xf32, #tpu.memory_space<vmem>>)
      %scan3A_371 = arith.constant 0 : i32
      %scan3A_372 = arith.constant 0 : i32
      %scan3A_373 = arith.constant 80 : i32
      %scan3A_374 = arith.addi %scan3A_372, %scan3A_373 : i32
      %scan3A_375 = arith.constant 1 : i32
      scf.for %scan3A_401 = %scan3A_372 to %scan3A_374 step %scan3A_375  : i32 {
        %get3A = arith.index_cast %scan3A_401 : i32 to index
        %get3A_402 = arith.constant 0 : index
        %get3A_403 = tpu.vector_load %arg31[%get3A, %get3A_402] {strides = array<i32>} : memref<80x16xf32, #tpu.memory_space<vmem>>, vector<1x16xf32>,
        %get3A_404 = vector.shape_cast %get3A_403 : vector<1x16xf32> to vector<16xf32>
        %get3A_405 = arith.index_cast %scan3A_401 : i32 to index
        %get3A_406 = arith.constant 0 : index
        %get3A_407 = tpu.vector_load %arg32[%get3A_405, %get3A_406] {strides = array<i32>} : memref<80x16xf32, #tpu.memory_space<vmem>>, vector<1x16xf32>,
        %get3A_408 = vector.shape_cast %get3A_407 : vector<1x16xf32> to vector<16xf32>
        %add3A_409 = arith.addf %get3A_404, %get3A_408 : vector<16xf32>
        %mul3A_410 = arith.constant 2.000000e-01 : f32
        %mul3A_411 = vector.broadcast %mul3A_410 : f32 to vector<16xf32>
        %mul3A_412 = arith.mulf %mul3A_411, %add3A_409 : vector<16xf32>
        %max3A = arith.maximumf %add3A_409, %mul3A_412 : vector<16xf32>
        %exp3A = math.exp %max3A : vector<16xf32>
        %swap3A = arith.index_cast %scan3A_401 : i32 to index
        %swap3A_413 = arith.constant 0 : index
        %swap3A_414 = tpu.vector_load %arg33[%swap3A, %swap3A_413] {strides = array<i32>} : memref<80x16xf32, #tpu.memory_space<vmem>>, vector<1x16xf32>,
        %swap3A_415 = vector.shape_cast %swap3A_414 : vector<1x16xf32> to vector<16xf32>
        %swap3A_416 = vector.shape_cast %exp3A : vector<16xf32> to vector<1x16xf32>
        tpu.vector_store %arg33[%swap3A, %swap3A_413], %swap3A_416 {strides = array<i32>} : memref<80x16xf32, #tpu.memory_space<vmem>>, vector<1x16xf32>,
      }
      %scan3A_376 = arith.constant 80 : i32
      %dma_wait3A_377 = arith.constant 0 : i32
      %dma_wait3A_378 = tpu.memref_slice %arg29[%scan3A_340, %dma_wait3A_377] : memref<125x80xi32, #tpu.memory_space<vmem>> -> memref<1x80xi32, #tpu.memory_space<vmem>>
      %dma_wait3A_379 = tpu.memref_squeeze %dma_wait3A_378 : memref<1x80xi32, #tpu.memory_space<vmem>> -> memref<80xi32, #tpu.memory_space<vmem>>
      %dma_wait3A_380 = arith.constant 0 : i32
      %dma_wait3A_381 = arith.constant 0 : i32
      %dma_wait3A_382 = tpu.memref_slice %arg9[%dma_wait3A_380, %dma_wait3A_381] : memref<10000x64xf32, #tpu.memory_space<hbm>> -> memref<10000x64xf32, #tpu.memory_space<hbm>>
      tpu.wait_indirect_dma semaphore(%arg40 : memref<!tpu.dma_semaphore, #tpu.memory_space<semaphore_mem>>) src(%dma_wait3A_382 : memref<10000x64xf32, #tpu.memory_space<hbm>>) dst(%arg34 : memref<80x64xf32, #tpu.memory_space<vmem>>)
      %dma_wait3A_383 = arith.constant 0 : i32
      %dma_wait3A_384 = tpu.memref_slice %arg30[%scan3A_340, %dma_wait3A_383] : memref<125x80xi32, #tpu.memory_space<vmem>> -> memref<1x80xi32, #tpu.memory_space<vmem>>
      %dma_wait3A_385 = tpu.memref_squeeze %dma_wait3A_384 : memref<1x80xi32, #tpu.memory_space<vmem>> -> memref<80xi32, #tpu.memory_space<vmem>>
      %dma_wait3A_386 = arith.constant 0 : i32
      %dma_wait3A_387 = arith.constant 0 : i32
      %dma_wait3A_388 = tpu.memref_slice %arg38[%dma_wait3A_386, %dma_wait3A_387] : memref<10240x64xf32, #tpu.memory_space<vmem_shared>> -> memref<10240x64xf32, #tpu.memory_space<vmem_shared>>
      tpu.wait_indirect_dma semaphore(%arg41 : memref<!tpu.dma_semaphore, #tpu.memory_space<semaphore_mem>>) src(%arg35 : memref<80x64xf32, #tpu.memory_space<vmem>>) dst(%dma_wait3A_388 : memref<10240x64xf32, #tpu.memory_space<vmem_shared>>)
      %scan3A_389 = arith.constant 0 : i32
      %scan3A_390 = arith.constant 0 : i32
      %scan3A_391 = arith.constant 80 : i32
      %scan3A_392 = arith.addi %scan3A_390, %scan3A_391 : i32
      %scan3A_393 = arith.constant 1 : i32
      scf.for %scan3A_401 = %scan3A_390 to %scan3A_392 step %scan3A_393  : i32 {
        %get3A = arith.index_cast %scan3A_401 : i32 to index
        %get3A_402 = arith.constant 0 : index
        %get3A_403 = tpu.vector_load %arg33[%get3A, %get3A_402] {strides = array<i32>} : memref<80x16xf32, #tpu.memory_space<vmem>>, vector<1x16xf32>,
        %get3A_404 = vector.shape_cast %get3A_403 : vector<1x16xf32> to vector<16xf32>
        %get3A_405 = arith.index_cast %scan3A_401 : i32 to index
        %get3A_406 = arith.constant 0 : index
        %get3A_407 = tpu.vector_load %arg34[%get3A_405, %get3A_406] {strides = array<i32>} : memref<80x64xf32, #tpu.memory_space<vmem>>, vector<1x16xf32>,
        %get3A_408 = vector.shape_cast %get3A_407 : vector<1x16xf32> to vector<16xf32>
        %slice3A = vector.extract_strided_slice %get3A_404 {offsets = [4], sizes = [1], strides = [1]} : vector<16xf32> to vector<1xf32>
        %squeeze3A = vector.extract %slice3A[0] : f32 from vector<1xf32>
        %mul3A_409 = vector.broadcast %squeeze3A : f32 to vector<16xf32>
        %mul3A_410 = arith.mulf %get3A_408, %mul3A_409 : vector<16xf32>
        %swap3A = arith.index_cast %scan3A_401 : i32 to index
        %swap3A_411 = arith.constant 0 : index
        %swap3A_412 = tpu.vector_load %arg35[%swap3A, %swap3A_411] {strides = array<i32>} : memref<80x64xf32, #tpu.memory_space<vmem>>, vector<1x16xf32>,
        %swap3A_413 = vector.shape_cast %swap3A_412 : vector<1x16xf32> to vector<16xf32>
        %swap3A_414 = vector.shape_cast %mul3A_410 : vector<16xf32> to vector<1x16xf32>
        tpu.vector_store %arg35[%swap3A, %swap3A_411], %swap3A_414 {strides = array<i32>} : memref<80x64xf32, #tpu.memory_space<vmem>>, vector<1x16xf32>,
        %get3A_415 = arith.index_cast %scan3A_401 : i32 to index
        %get3A_416 = arith.constant 16 : index
        %get3A_417 = tpu.vector_load %arg34[%get3A_415, %get3A_416] {strides = array<i32>} : memref<80x64xf32, #tpu.memory_space<vmem>>, vector<1x16xf32>,
        %get3A_418 = vector.shape_cast %get3A_417 : vector<1x16xf32> to vector<16xf32>
        %slice3A_419 = vector.extract_strided_slice %get3A_404 {offsets = [5], sizes = [1], strides = [1]} : vector<16xf32> to vector<1xf32>
        %squeeze3A_420 = vector.extract %slice3A_419[0] : f32 from vector<1xf32>
        %mul3A_421 = vector.broadcast %squeeze3A_420 : f32 to vector<16xf32>
        %mul3A_422 = arith.mulf %get3A_418, %mul3A_421 : vector<16xf32>
        %swap3A_423 = arith.index_cast %scan3A_401 : i32 to index
        %swap3A_424 = arith.constant 16 : index
        %swap3A_425 = tpu.vector_load %arg35[%swap3A_423, %swap3A_424] {strides = array<i32>} : memref<80x64xf32, #tpu.memory_space<vmem>>, vector<1x16xf32>,
        %swap3A_426 = vector.shape_cast %swap3A_425 : vector<1x16xf32> to vector<16xf32>
        %swap3A_427 = vector.shape_cast %mul3A_422 : vector<16xf32> to vector<1x16xf32>
        tpu.vector_store %arg35[%swap3A_423, %swap3A_424], %swap3A_427 {strides = array<i32>} : memref<80x64xf32, #tpu.memory_space<vmem>>, vector<1x16xf32>,
        %get3A_428 = arith.index_cast %scan3A_401 : i32 to index
        %get3A_429 = arith.constant 32 : index
        %get3A_430 = tpu.vector_load %arg34[%get3A_428, %get3A_429] {strides = array<i32>} : memref<80x64xf32, #tpu.memory_space<vmem>>, vector<1x16xf32>,
        %get3A_431 = vector.shape_cast %get3A_430 : vector<1x16xf32> to vector<16xf32>
        %slice3A_432 = vector.extract_strided_slice %get3A_404 {offsets = [6], sizes = [1], strides = [1]} : vector<16xf32> to vector<1xf32>
        %squeeze3A_433 = vector.extract %slice3A_432[0] : f32 from vector<1xf32>
        %mul3A_434 = vector.broadcast %squeeze3A_433 : f32 to vector<16xf32>
        %mul3A_435 = arith.mulf %get3A_431, %mul3A_434 : vector<16xf32>
        %swap3A_436 = arith.index_cast %scan3A_401 : i32 to index
        %swap3A_437 = arith.constant 32 : index
        %swap3A_438 = tpu.vector_load %arg35[%swap3A_436, %swap3A_437] {strides = array<i32>} : memref<80x64xf32, #tpu.memory_space<vmem>>, vector<1x16xf32>,
        %swap3A_439 = vector.shape_cast %swap3A_438 : vector<1x16xf32> to vector<16xf32>
        %swap3A_440 = vector.shape_cast %mul3A_435 : vector<16xf32> to vector<1x16xf32>
        tpu.vector_store %arg35[%swap3A_436, %swap3A_437], %swap3A_440 {strides = array<i32>} : memref<80x64xf32, #tpu.memory_space<vmem>>, vector<1x16xf32>,
        %get3A_441 = arith.index_cast %scan3A_401 : i32 to index
        %get3A_442 = arith.constant 48 : index
        %get3A_443 = tpu.vector_load %arg34[%get3A_441, %get3A_442] {strides = array<i32>} : memref<80x64xf32, #tpu.memory_space<vmem>>, vector<1x16xf32>,
        %get3A_444 = vector.shape_cast %get3A_443 : vector<1x16xf32> to vector<16xf32>
        %slice3A_445 = vector.extract_strided_slice %get3A_404 {offsets = [7], sizes = [1], strides = [1]} : vector<16xf32> to vector<1xf32>
        %squeeze3A_446 = vector.extract %slice3A_445[0] : f32 from vector<1xf32>
        %mul3A_447 = vector.broadcast %squeeze3A_446 : f32 to vector<16xf32>
        %mul3A_448 = arith.mulf %get3A_444, %mul3A_447 : vector<16xf32>
        %swap3A_449 = arith.index_cast %scan3A_401 : i32 to index
        %swap3A_450 = arith.constant 48 : index
        %swap3A_451 = tpu.vector_load %arg35[%swap3A_449, %swap3A_450] {strides = array<i32>} : memref<80x64xf32, #tpu.memory_space<vmem>>, vector<1x16xf32>,
        %swap3A_452 = vector.shape_cast %swap3A_451 : vector<1x16xf32> to vector<16xf32>
        %swap3A_453 = vector.shape_cast %mul3A_448 : vector<16xf32> to vector<1x16xf32>
        tpu.vector_store %arg35[%swap3A_449, %swap3A_450], %swap3A_453 {strides = array<i32>} : memref<80x64xf32, #tpu.memory_space<vmem>>, vector<1x16xf32>,
      }
      %scan3A_394 = arith.constant 80 : i32
      %dma_start3A_395 = arith.constant 0 : i32
      %dma_start3A_396 = tpu.memref_slice %arg30[%scan3A_340, %dma_start3A_395] : memref<125x80xi32, #tpu.memory_space<vmem>> -> memref<1x80xi32, #tpu.memory_space<vmem>>
      %dma_start3A_397 = tpu.memref_squeeze %dma_start3A_396 : memref<1x80xi32, #tpu.memory_space<vmem>> -> memref<80xi32, #tpu.memory_space<vmem>>
      %dma_start3A_398 = arith.constant 0 : i32
      %dma_start3A_399 = arith.constant 0 : i32
      %dma_start3A_400 = tpu.memref_slice %arg38[%dma_start3A_398, %dma_start3A_399] : memref<10240x64xf32, #tpu.memory_space<vmem_shared>> -> memref<10240x64xf32, #tpu.memory_space<vmem_shared>>
      tpu.enqueue_indirect_dma source(%arg35 : memref<80x64xf32, #tpu.memory_space<vmem>>) target(%dma_start3A_400 : memref<10240x64xf32, #tpu.memory_space<vmem_shared>>) offsets(%dma_start3A_397 : memref<80xi32, #tpu.memory_space<vmem>>) semaphore(%arg41 : memref<!tpu.dma_semaphore, #tpu.memory_space<semaphore_mem>>) {add = true}
    }
    %scan3A_216 = arith.constant 125 : i32
    %dma_wait3A_217 = arith.constant 0 : i32
    %dma_wait3A_218 = arith.constant 0 : i32
    %dma_wait3A_219 = tpu.memref_slice %arg30[%dma_wait3A_217, %dma_wait3A_218] : memref<125x80xi32, #tpu.memory_space<vmem>> -> memref<1x80xi32, #tpu.memory_space<vmem>>
    %dma_wait3A_220 = tpu.memref_squeeze %dma_wait3A_219 : memref<1x80xi32, #tpu.memory_space<vmem>> -> memref<80xi32, #tpu.memory_space<vmem>>
    %dma_wait3A_221 = arith.constant 0 : i32
    %dma_wait3A_222 = arith.constant 0 : i32
    %dma_wait3A_223 = tpu.memref_slice %arg38[%dma_wait3A_221, %dma_wait3A_222] : memref<10240x64xf32, #tpu.memory_space<vmem_shared>> -> memref<10240x64xf32, #tpu.memory_space<vmem_shared>>
    tpu.wait_indirect_dma semaphore(%arg41 : memref<!tpu.dma_semaphore, #tpu.memory_space<semaphore_mem>>) src(%arg35 : memref<80x64xf32, #tpu.memory_space<vmem>>) dst(%dma_wait3A_223 : memref<10240x64xf32, #tpu.memory_space<vmem_shared>>)
    %barrier3A_224 = arith.constant 0 : index
    tpu.barrier barrier_id(%barrier3A_224)
    %mul3A_225 = arith.constant 640 : i32
    %mul3A_226 = arith.muli %arg1, %mul3A_225 : i32
    %mul3A_227 = arith.constant 640 : i32
    %mul3A_228 = arith.muli %arg1, %mul3A_227 : i32
    "tpu.region"() ({
      %run_scoped3A = tpu.sem_alloc : memref<!tpu.dma_semaphore, #tpu.memory_space<semaphore_mem>>
      %dma_start3A_340 = arith.constant 0 : i32
      %dma_start3A_341 = tpu.memref_slice %arg24[%arg0, %mul3A_228, %dma_start3A_340] : memref<2x10240x64xf32, #tpu.memory_space<hbm>> -> memref<1x640x64xf32, #tpu.memory_space<hbm>>
      %dma_start3A_342 = tpu.memref_squeeze %dma_start3A_341 : memref<1x640x64xf32, #tpu.memory_space<hbm>> -> memref<640x64xf32, #tpu.memory_space<hbm>>
      %dma_start3A_343 = arith.constant 0 : i32
      %dma_start3A_344 = tpu.memref_slice %arg38[%mul3A_226, %dma_start3A_343] : memref<10240x64xf32, #tpu.memory_space<vmem_shared>> -> memref<640x64xf32, #tpu.memory_space<vmem_shared>>
      tpu.enqueue_dma source(%dma_start3A_344 : memref<640x64xf32, #tpu.memory_space<vmem_shared>>) target(%dma_start3A_342 : memref<640x64xf32, #tpu.memory_space<hbm>>) target_semaphore(%run_scoped3A : memref<!tpu.dma_semaphore, #tpu.memory_space<semaphore_mem>>)
      %dma_wait3A_345 = arith.constant 0 : i32
      %dma_wait3A_346 = tpu.memref_slice %arg24[%arg0, %mul3A_228, %dma_wait3A_345] : memref<2x10240x64xf32, #tpu.memory_space<hbm>> -> memref<1x640x64xf32, #tpu.memory_space<hbm>>
      %dma_wait3A_347 = tpu.memref_squeeze %dma_wait3A_346 : memref<1x640x64xf32, #tpu.memory_space<hbm>> -> memref<640x64xf32, #tpu.memory_space<hbm>>
      %dma_wait3A_348 = arith.constant 0 : i32
      %dma_wait3A_349 = tpu.memref_slice %arg38[%mul3A_226, %dma_wait3A_348] : memref<10240x64xf32, #tpu.memory_space<vmem_shared>> -> memref<640x64xf32, #tpu.memory_space<vmem_shared>>
      tpu.wait_dma2 semaphore(%run_scoped3A : memref<!tpu.dma_semaphore, #tpu.memory_space<semaphore_mem>>) src(%dma_wait3A_349 : memref<640x64xf32, #tpu.memory_space<vmem_shared>>) dst(%dma_wait3A_347 : memref<640x64xf32, #tpu.memory_space<hbm>>)
      tpu.yield
    }) : () -> ()
    %barrier3A_229 = arith.constant 0 : index
    tpu.barrier barrier_id(%barrier3A_229)
    "tpu.region"() ({
      %run_scoped3A = tpu.sem_alloc : memref<!tpu.dma_semaphore, #tpu.memory_space<semaphore_mem>>
      %dma_start3A_340 = arith.constant 0 : i32
      %dma_start3A_341 = arith.constant 0 : i32
      %dma_start3A_342 = tpu.memref_slice %arg18[%add3A, %dma_start3A_340, %dma_start3A_341] : memref<32x125x80xi32, #tpu.memory_space<hbm>> -> memref<1x125x80xi32, #tpu.memory_space<hbm>>
      %dma_start3A_343 = tpu.memref_squeeze %dma_start3A_342 : memref<1x125x80xi32, #tpu.memory_space<hbm>> -> memref<125x80xi32, #tpu.memory_space<hbm>>
      %dma_start3A_344 = arith.constant 0 : i32
      %dma_start3A_345 = arith.constant 0 : i32
      %dma_start3A_346 = tpu.memref_slice %arg18[%add3A, %dma_start3A_344, %dma_start3A_345] : memref<32x125x80xi32, #tpu.memory_space<hbm>> -> memref<1x125x80xi32, #tpu.memory_space<hbm>>
      %dma_start3A_347 = tpu.memref_squeeze %dma_start3A_346 : memref<1x125x80xi32, #tpu.memory_space<hbm>> -> memref<125x80xi32, #tpu.memory_space<hbm>>
      tpu.enqueue_dma source(%dma_start3A_347 : memref<125x80xi32, #tpu.memory_space<hbm>>) target(%arg29 : memref<125x80xi32, #tpu.memory_space<vmem>>) target_semaphore(%run_scoped3A : memref<!tpu.dma_semaphore, #tpu.memory_space<semaphore_mem>>)
      %dma_wait3A_348 = arith.constant 0 : i32
      %dma_wait3A_349 = arith.constant 0 : i32
      %dma_wait3A_350 = tpu.memref_slice %arg18[%add3A, %dma_wait3A_348, %dma_wait3A_349] : memref<32x125x80xi32, #tpu.memory_space<hbm>> -> memref<1x125x80xi32, #tpu.memory_space<hbm>>
      %dma_wait3A_351 = tpu.memref_squeeze %dma_wait3A_350 : memref<1x125x80xi32, #tpu.memory_space<hbm>> -> memref<125x80xi32, #tpu.memory_space<hbm>>
      %dma_wait3A_352 = arith.constant 0 : i32
      %dma_wait3A_353 = arith.constant 0 : i32
      %dma_wait3A_354 = tpu.memref_slice %arg18[%add3A, %dma_wait3A_352, %dma_wait3A_353] : memref<32x125x80xi32, #tpu.memory_space<hbm>> -> memref<1x125x80xi32, #tpu.memory_space<hbm>>
      %dma_wait3A_355 = tpu.memref_squeeze %dma_wait3A_354 : memref<1x125x80xi32, #tpu.memory_space<hbm>> -> memref<125x80xi32, #tpu.memory_space<hbm>>
      tpu.wait_dma2 semaphore(%run_scoped3A : memref<!tpu.dma_semaphore, #tpu.memory_space<semaphore_mem>>) src(%dma_wait3A_355 : memref<125x80xi32, #tpu.memory_space<hbm>>) dst(%arg29 : memref<125x80xi32, #tpu.memory_space<vmem>>)
      tpu.yield
    }) : () -> ()
    "tpu.region"() ({
      %run_scoped3A = tpu.sem_alloc : memref<!tpu.dma_semaphore, #tpu.memory_space<semaphore_mem>>
      %dma_start3A_340 = arith.constant 0 : i32
      %dma_start3A_341 = arith.constant 0 : i32
      %dma_start3A_342 = tpu.memref_slice %arg19[%add3A, %dma_start3A_340, %dma_start3A_341] : memref<32x125x80xi32, #tpu.memory_space<hbm>> -> memref<1x125x80xi32, #tpu.memory_space<hbm>>
      %dma_start3A_343 = tpu.memref_squeeze %dma_start3A_342 : memref<1x125x80xi32, #tpu.memory_space<hbm>> -> memref<125x80xi32, #tpu.memory_space<hbm>>
      %dma_start3A_344 = arith.constant 0 : i32
      %dma_start3A_345 = arith.constant 0 : i32
      %dma_start3A_346 = tpu.memref_slice %arg19[%add3A, %dma_start3A_344, %dma_start3A_345] : memref<32x125x80xi32, #tpu.memory_space<hbm>> -> memref<1x125x80xi32, #tpu.memory_space<hbm>>
      %dma_start3A_347 = tpu.memref_squeeze %dma_start3A_346 : memref<1x125x80xi32, #tpu.memory_space<hbm>> -> memref<125x80xi32, #tpu.memory_space<hbm>>
      tpu.enqueue_dma source(%dma_start3A_347 : memref<125x80xi32, #tpu.memory_space<hbm>>) target(%arg30 : memref<125x80xi32, #tpu.memory_space<vmem>>) target_semaphore(%run_scoped3A : memref<!tpu.dma_semaphore, #tpu.memory_space<semaphore_mem>>)
      %dma_wait3A_348 = arith.constant 0 : i32
      %dma_wait3A_349 = arith.constant 0 : i32
      %dma_wait3A_350 = tpu.memref_slice %arg19[%add3A, %dma_wait3A_348, %dma_wait3A_349] : memref<32x125x80xi32, #tpu.memory_space<hbm>> -> memref<1x125x80xi32, #tpu.memory_space<hbm>>
      %dma_wait3A_351 = tpu.memref_squeeze %dma_wait3A_350 : memref<1x125x80xi32, #tpu.memory_space<hbm>> -> memref<125x80xi32, #tpu.memory_space<hbm>>
      %dma_wait3A_352 = arith.constant 0 : i32
      %dma_wait3A_353 = arith.constant 0 : i32
      %dma_wait3A_354 = tpu.memref_slice %arg19[%add3A, %dma_wait3A_352, %dma_wait3A_353] : memref<32x125x80xi32, #tpu.memory_space<hbm>> -> memref<1x125x80xi32, #tpu.memory_space<hbm>>
      %dma_wait3A_355 = tpu.memref_squeeze %dma_wait3A_354 : memref<1x125x80xi32, #tpu.memory_space<hbm>> -> memref<125x80xi32, #tpu.memory_space<hbm>>
      tpu.wait_dma2 semaphore(%run_scoped3A : memref<!tpu.dma_semaphore, #tpu.memory_space<semaphore_mem>>) src(%dma_wait3A_355 : memref<125x80xi32, #tpu.memory_space<hbm>>) dst(%arg30 : memref<125x80xi32, #tpu.memory_space<vmem>>)
      tpu.yield
    }) : () -> ()
    %mul3A_230 = arith.constant 640 : i32
    %mul3A_231 = arith.muli %arg1, %mul3A_230 : i32
    %add3A_232 = arith.constant 0 : i32
    %add3A_233 = arith.addi %mul3A_231, %add3A_232 : i32
    "tpu.region"() ({
      %run_scoped3A = tpu.sem_alloc : memref<!tpu.dma_semaphore, #tpu.memory_space<semaphore_mem>>
      %dma_start3A_340 = arith.constant 0 : i32
      %dma_start3A_341 = tpu.memref_slice %arg38[%add3A_233, %dma_start3A_340] : memref<10240x64xf32, #tpu.memory_space<vmem_shared>> -> memref<128x64xf32, #tpu.memory_space<vmem_shared>>
      %dma_start3A_342 = arith.constant 0 : i32
      %dma_start3A_343 = tpu.memref_slice %arg38[%add3A_233, %dma_start3A_342] : memref<10240x64xf32, #tpu.memory_space<vmem_shared>> -> memref<128x64xf32, #tpu.memory_space<vmem_shared>>
      tpu.enqueue_dma source(%arg36 : memref<128x64xf32, #tpu.memory_space<vmem>>) target(%dma_start3A_343 : memref<128x64xf32, #tpu.memory_space<vmem_shared>>) target_semaphore(%run_scoped3A : memref<!tpu.dma_semaphore, #tpu.memory_space<semaphore_mem>>)
      %dma_wait3A_344 = arith.constant 0 : i32
      %dma_wait3A_345 = tpu.memref_slice %arg38[%add3A_233, %dma_wait3A_344] : memref<10240x64xf32, #tpu.memory_space<vmem_shared>> -> memref<128x64xf32, #tpu.memory_space<vmem_shared>>
      %dma_wait3A_346 = arith.constant 0 : i32
      %dma_wait3A_347 = tpu.memref_slice %arg38[%add3A_233, %dma_wait3A_346] : memref<10240x64xf32, #tpu.memory_space<vmem_shared>> -> memref<128x64xf32, #tpu.memory_space<vmem_shared>>
      tpu.wait_dma2 semaphore(%run_scoped3A : memref<!tpu.dma_semaphore, #tpu.memory_space<semaphore_mem>>) src(%arg36 : memref<128x64xf32, #tpu.memory_space<vmem>>) dst(%dma_wait3A_347 : memref<128x64xf32, #tpu.memory_space<vmem_shared>>)
      tpu.yield
    }) : () -> ()
    "tpu.region"() ({
      %run_scoped3A = tpu.sem_alloc : memref<!tpu.dma_semaphore, #tpu.memory_space<semaphore_mem>>
      %dma_start3A_340 = arith.constant 0 : i32
      %dma_start3A_341 = tpu.memref_slice %arg39[%add3A_233, %dma_start3A_340] : memref<10240x16xf32, #tpu.memory_space<vmem_shared>> -> memref<128x16xf32, #tpu.memory_space<vmem_shared>>
      %dma_start3A_342 = arith.constant 0 : i32
      %dma_start3A_343 = tpu.memref_slice %arg39[%add3A_233, %dma_start3A_342] : memref<10240x16xf32, #tpu.memory_space<vmem_shared>> -> memref<128x16xf32, #tpu.memory_space<vmem_shared>>
      tpu.enqueue_dma source(%arg37 : memref<128x16xf32, #tpu.memory_space<vmem>>) target(%dma_start3A_343 : memref<128x16xf32, #tpu.memory_space<vmem_shared>>) target_semaphore(%run_scoped3A : memref<!tpu.dma_semaphore, #tpu.memory_space<semaphore_mem>>)
      %dma_wait3A_344 = arith.constant 0 : i32
      %dma_wait3A_345 = tpu.memref_slice %arg39[%add3A_233, %dma_wait3A_344] : memref<10240x16xf32, #tpu.memory_space<vmem_shared>> -> memref<128x16xf32, #tpu.memory_space<vmem_shared>>
      %dma_wait3A_346 = arith.constant 0 : i32
      %dma_wait3A_347 = tpu.memref_slice %arg39[%add3A_233, %dma_wait3A_346] : memref<10240x16xf32, #tpu.memory_space<vmem_shared>> -> memref<128x16xf32, #tpu.memory_space<vmem_shared>>
      tpu.wait_dma2 semaphore(%run_scoped3A : memref<!tpu.dma_semaphore, #tpu.memory_space<semaphore_mem>>) src(%arg37 : memref<128x16xf32, #tpu.memory_space<vmem>>) dst(%dma_wait3A_347 : memref<128x16xf32, #tpu.memory_space<vmem_shared>>)
      tpu.yield
    }) : () -> ()
    %mul3A_234 = arith.constant 640 : i32
    %mul3A_235 = arith.muli %arg1, %mul3A_234 : i32
    %add3A_236 = arith.constant 128 : i32
    %add3A_237 = arith.addi %mul3A_235, %add3A_236 : i32
    "tpu.region"() ({
      %run_scoped3A = tpu.sem_alloc : memref<!tpu.dma_semaphore, #tpu.memory_space<semaphore_mem>>
      %dma_start3A_340 = arith.constant 0 : i32
      %dma_start3A_341 = tpu.memref_slice %arg38[%add3A_237, %dma_start3A_340] : memref<10240x64xf32, #tpu.memory_space<vmem_shared>> -> memref<128x64xf32, #tpu.memory_space<vmem_shared>>
      %dma_start3A_342 = arith.constant 0 : i32
      %dma_start3A_343 = tpu.memref_slice %arg38[%add3A_237, %dma_start3A_342] : memref<10240x64xf32, #tpu.memory_space<vmem_shared>> -> memref<128x64xf32, #tpu.memory_space<vmem_shared>>
      tpu.enqueue_dma source(%arg36 : memref<128x64xf32, #tpu.memory_space<vmem>>) target(%dma_start3A_343 : memref<128x64xf32, #tpu.memory_space<vmem_shared>>) target_semaphore(%run_scoped3A : memref<!tpu.dma_semaphore, #tpu.memory_space<semaphore_mem>>)
      %dma_wait3A_344 = arith.constant 0 : i32
      %dma_wait3A_345 = tpu.memref_slice %arg38[%add3A_237, %dma_wait3A_344] : memref<10240x64xf32, #tpu.memory_space<vmem_shared>> -> memref<128x64xf32, #tpu.memory_space<vmem_shared>>
      %dma_wait3A_346 = arith.constant 0 : i32
      %dma_wait3A_347 = tpu.memref_slice %arg38[%add3A_237, %dma_wait3A_346] : memref<10240x64xf32, #tpu.memory_space<vmem_shared>> -> memref<128x64xf32, #tpu.memory_space<vmem_shared>>
      tpu.wait_dma2 semaphore(%run_scoped3A : memref<!tpu.dma_semaphore, #tpu.memory_space<semaphore_mem>>) src(%arg36 : memref<128x64xf32, #tpu.memory_space<vmem>>) dst(%dma_wait3A_347 : memref<128x64xf32, #tpu.memory_space<vmem_shared>>)
      tpu.yield
    }) : () -> ()
    "tpu.region"() ({
      %run_scoped3A = tpu.sem_alloc : memref<!tpu.dma_semaphore, #tpu.memory_space<semaphore_mem>>
      %dma_start3A_340 = arith.constant 0 : i32
      %dma_start3A_341 = tpu.memref_slice %arg39[%add3A_237, %dma_start3A_340] : memref<10240x16xf32, #tpu.memory_space<vmem_shared>> -> memref<128x16xf32, #tpu.memory_space<vmem_shared>>
      %dma_start3A_342 = arith.constant 0 : i32
      %dma_start3A_343 = tpu.memref_slice %arg39[%add3A_237, %dma_start3A_342] : memref<10240x16xf32, #tpu.memory_space<vmem_shared>> -> memref<128x16xf32, #tpu.memory_space<vmem_shared>>
      tpu.enqueue_dma source(%arg37 : memref<128x16xf32, #tpu.memory_space<vmem>>) target(%dma_start3A_343 : memref<128x16xf32, #tpu.memory_space<vmem_shared>>) target_semaphore(%run_scoped3A : memref<!tpu.dma_semaphore, #tpu.memory_space<semaphore_mem>>)
      %dma_wait3A_344 = arith.constant 0 : i32
      %dma_wait3A_345 = tpu.memref_slice %arg39[%add3A_237, %dma_wait3A_344] : memref<10240x16xf32, #tpu.memory_space<vmem_shared>> -> memref<128x16xf32, #tpu.memory_space<vmem_shared>>
      %dma_wait3A_346 = arith.constant 0 : i32
      %dma_wait3A_347 = tpu.memref_slice %arg39[%add3A_237, %dma_wait3A_346] : memref<10240x16xf32, #tpu.memory_space<vmem_shared>> -> memref<128x16xf32, #tpu.memory_space<vmem_shared>>
      tpu.wait_dma2 semaphore(%run_scoped3A : memref<!tpu.dma_semaphore, #tpu.memory_space<semaphore_mem>>) src(%arg37 : memref<128x16xf32, #tpu.memory_space<vmem>>) dst(%dma_wait3A_347 : memref<128x16xf32, #tpu.memory_space<vmem_shared>>)
      tpu.yield
    }) : () -> ()
    %mul3A_238 = arith.constant 640 : i32
    %mul3A_239 = arith.muli %arg1, %mul3A_238 : i32
    %add3A_240 = arith.constant 256 : i32
    %add3A_241 = arith.addi %mul3A_239, %add3A_240 : i32
    "tpu.region"() ({
      %run_scoped3A = tpu.sem_alloc : memref<!tpu.dma_semaphore, #tpu.memory_space<semaphore_mem>>
      %dma_start3A_340 = arith.constant 0 : i32
      %dma_start3A_341 = tpu.memref_slice %arg38[%add3A_241, %dma_start3A_340] : memref<10240x64xf32, #tpu.memory_space<vmem_shared>> -> memref<128x64xf32, #tpu.memory_space<vmem_shared>>
      %dma_start3A_342 = arith.constant 0 : i32
      %dma_start3A_343 = tpu.memref_slice %arg38[%add3A_241, %dma_start3A_342] : memref<10240x64xf32, #tpu.memory_space<vmem_shared>> -> memref<128x64xf32, #tpu.memory_space<vmem_shared>>
      tpu.enqueue_dma source(%arg36 : memref<128x64xf32, #tpu.memory_space<vmem>>) target(%dma_start3A_343 : memref<128x64xf32, #tpu.memory_space<vmem_shared>>) target_semaphore(%run_scoped3A : memref<!tpu.dma_semaphore, #tpu.memory_space<semaphore_mem>>)
      %dma_wait3A_344 = arith.constant 0 : i32
      %dma_wait3A_345 = tpu.memref_slice %arg38[%add3A_241, %dma_wait3A_344] : memref<10240x64xf32, #tpu.memory_space<vmem_shared>> -> memref<128x64xf32, #tpu.memory_space<vmem_shared>>
      %dma_wait3A_346 = arith.constant 0 : i32
      %dma_wait3A_347 = tpu.memref_slice %arg38[%add3A_241, %dma_wait3A_346] : memref<10240x64xf32, #tpu.memory_space<vmem_shared>> -> memref<128x64xf32, #tpu.memory_space<vmem_shared>>
      tpu.wait_dma2 semaphore(%run_scoped3A : memref<!tpu.dma_semaphore, #tpu.memory_space<semaphore_mem>>) src(%arg36 : memref<128x64xf32, #tpu.memory_space<vmem>>) dst(%dma_wait3A_347 : memref<128x64xf32, #tpu.memory_space<vmem_shared>>)
      tpu.yield
    }) : () -> ()
    "tpu.region"() ({
      %run_scoped3A = tpu.sem_alloc : memref<!tpu.dma_semaphore, #tpu.memory_space<semaphore_mem>>
      %dma_start3A_340 = arith.constant 0 : i32
      %dma_start3A_341 = tpu.memref_slice %arg39[%add3A_241, %dma_start3A_340] : memref<10240x16xf32, #tpu.memory_space<vmem_shared>> -> memref<128x16xf32, #tpu.memory_space<vmem_shared>>
      %dma_start3A_342 = arith.constant 0 : i32
      %dma_start3A_343 = tpu.memref_slice %arg39[%add3A_241, %dma_start3A_342] : memref<10240x16xf32, #tpu.memory_space<vmem_shared>> -> memref<128x16xf32, #tpu.memory_space<vmem_shared>>
      tpu.enqueue_dma source(%arg37 : memref<128x16xf32, #tpu.memory_space<vmem>>) target(%dma_start3A_343 : memref<128x16xf32, #tpu.memory_space<vmem_shared>>) target_semaphore(%run_scoped3A : memref<!tpu.dma_semaphore, #tpu.memory_space<semaphore_mem>>)
      %dma_wait3A_344 = arith.constant 0 : i32
      %dma_wait3A_345 = tpu.memref_slice %arg39[%add3A_241, %dma_wait3A_344] : memref<10240x16xf32, #tpu.memory_space<vmem_shared>> -> memref<128x16xf32, #tpu.memory_space<vmem_shared>>
      %dma_wait3A_346 = arith.constant 0 : i32
      %dma_wait3A_347 = tpu.memref_slice %arg39[%add3A_241, %dma_wait3A_346] : memref<10240x16xf32, #tpu.memory_space<vmem_shared>> -> memref<128x16xf32, #tpu.memory_space<vmem_shared>>
      tpu.wait_dma2 semaphore(%run_scoped3A : memref<!tpu.dma_semaphore, #tpu.memory_space<semaphore_mem>>) src(%arg37 : memref<128x16xf32, #tpu.memory_space<vmem>>) dst(%dma_wait3A_347 : memref<128x16xf32, #tpu.memory_space<vmem_shared>>)
      tpu.yield
    }) : () -> ()
    %mul3A_242 = arith.constant 640 : i32
    %mul3A_243 = arith.muli %arg1, %mul3A_242 : i32
    %add3A_244 = arith.constant 384 : i32
    %add3A_245 = arith.addi %mul3A_243, %add3A_244 : i32
    "tpu.region"() ({
      %run_scoped3A = tpu.sem_alloc : memref<!tpu.dma_semaphore, #tpu.memory_space<semaphore_mem>>
      %dma_start3A_340 = arith.constant 0 : i32
      %dma_start3A_341 = tpu.memref_slice %arg38[%add3A_245, %dma_start3A_340] : memref<10240x64xf32, #tpu.memory_space<vmem_shared>> -> memref<128x64xf32, #tpu.memory_space<vmem_shared>>
      %dma_start3A_342 = arith.constant 0 : i32
      %dma_start3A_343 = tpu.memref_slice %arg38[%add3A_245, %dma_start3A_342] : memref<10240x64xf32, #tpu.memory_space<vmem_shared>> -> memref<128x64xf32, #tpu.memory_space<vmem_shared>>
      tpu.enqueue_dma source(%arg36 : memref<128x64xf32, #tpu.memory_space<vmem>>) target(%dma_start3A_343 : memref<128x64xf32, #tpu.memory_space<vmem_shared>>) target_semaphore(%run_scoped3A : memref<!tpu.dma_semaphore, #tpu.memory_space<semaphore_mem>>)
      %dma_wait3A_344 = arith.constant 0 : i32
      %dma_wait3A_345 = tpu.memref_slice %arg38[%add3A_245, %dma_wait3A_344] : memref<10240x64xf32, #tpu.memory_space<vmem_shared>> -> memref<128x64xf32, #tpu.memory_space<vmem_shared>>
      %dma_wait3A_346 = arith.constant 0 : i32
      %dma_wait3A_347 = tpu.memref_slice %arg38[%add3A_245, %dma_wait3A_346] : memref<10240x64xf32, #tpu.memory_space<vmem_shared>> -> memref<128x64xf32, #tpu.memory_space<vmem_shared>>
      tpu.wait_dma2 semaphore(%run_scoped3A : memref<!tpu.dma_semaphore, #tpu.memory_space<semaphore_mem>>) src(%arg36 : memref<128x64xf32, #tpu.memory_space<vmem>>) dst(%dma_wait3A_347 : memref<128x64xf32, #tpu.memory_space<vmem_shared>>)
      tpu.yield
    }) : () -> ()
    "tpu.region"() ({
      %run_scoped3A = tpu.sem_alloc : memref<!tpu.dma_semaphore, #tpu.memory_space<semaphore_mem>>
      %dma_start3A_340 = arith.constant 0 : i32
      %dma_start3A_341 = tpu.memref_slice %arg39[%add3A_245, %dma_start3A_340] : memref<10240x16xf32, #tpu.memory_space<vmem_shared>> -> memref<128x16xf32, #tpu.memory_space<vmem_shared>>
      %dma_start3A_342 = arith.constant 0 : i32
      %dma_start3A_343 = tpu.memref_slice %arg39[%add3A_245, %dma_start3A_342] : memref<10240x16xf32, #tpu.memory_space<vmem_shared>> -> memref<128x16xf32, #tpu.memory_space<vmem_shared>>
      tpu.enqueue_dma source(%arg37 : memref<128x16xf32, #tpu.memory_space<vmem>>) target(%dma_start3A_343 : memref<128x16xf32, #tpu.memory_space<vmem_shared>>) target_semaphore(%run_scoped3A : memref<!tpu.dma_semaphore, #tpu.memory_space<semaphore_mem>>)
      %dma_wait3A_344 = arith.constant 0 : i32
      %dma_wait3A_345 = tpu.memref_slice %arg39[%add3A_245, %dma_wait3A_344] : memref<10240x16xf32, #tpu.memory_space<vmem_shared>> -> memref<128x16xf32, #tpu.memory_space<vmem_shared>>
      %dma_wait3A_346 = arith.constant 0 : i32
      %dma_wait3A_347 = tpu.memref_slice %arg39[%add3A_245, %dma_wait3A_346] : memref<10240x16xf32, #tpu.memory_space<vmem_shared>> -> memref<128x16xf32, #tpu.memory_space<vmem_shared>>
      tpu.wait_dma2 semaphore(%run_scoped3A : memref<!tpu.dma_semaphore, #tpu.memory_space<semaphore_mem>>) src(%arg37 : memref<128x16xf32, #tpu.memory_space<vmem>>) dst(%dma_wait3A_347 : memref<128x16xf32, #tpu.memory_space<vmem_shared>>)
      tpu.yield
    }) : () -> ()
    %mul3A_246 = arith.constant 640 : i32
    %mul3A_247 = arith.muli %arg1, %mul3A_246 : i32
    %add3A_248 = arith.constant 512 : i32
    %add3A_249 = arith.addi %mul3A_247, %add3A_248 : i32
    "tpu.region"() ({
      %run_scoped3A = tpu.sem_alloc : memref<!tpu.dma_semaphore, #tpu.memory_space<semaphore_mem>>
      %dma_start3A_340 = arith.constant 0 : i32
      %dma_start3A_341 = tpu.memref_slice %arg38[%add3A_249, %dma_start3A_340] : memref<10240x64xf32, #tpu.memory_space<vmem_shared>> -> memref<128x64xf32, #tpu.memory_space<vmem_shared>>
      %dma_start3A_342 = arith.constant 0 : i32
      %dma_start3A_343 = tpu.memref_slice %arg38[%add3A_249, %dma_start3A_342] : memref<10240x64xf32, #tpu.memory_space<vmem_shared>> -> memref<128x64xf32, #tpu.memory_space<vmem_shared>>
      tpu.enqueue_dma source(%arg36 : memref<128x64xf32, #tpu.memory_space<vmem>>) target(%dma_start3A_343 : memref<128x64xf32, #tpu.memory_space<vmem_shared>>) target_semaphore(%run_scoped3A : memref<!tpu.dma_semaphore, #tpu.memory_space<semaphore_mem>>)
      %dma_wait3A_344 = arith.constant 0 : i32
      %dma_wait3A_345 = tpu.memref_slice %arg38[%add3A_249, %dma_wait3A_344] : memref<10240x64xf32, #tpu.memory_space<vmem_shared>> -> memref<128x64xf32, #tpu.memory_space<vmem_shared>>
      %dma_wait3A_346 = arith.constant 0 : i32
      %dma_wait3A_347 = tpu.memref_slice %arg38[%add3A_249, %dma_wait3A_346] : memref<10240x64xf32, #tpu.memory_space<vmem_shared>> -> memref<128x64xf32, #tpu.memory_space<vmem_shared>>
      tpu.wait_dma2 semaphore(%run_scoped3A : memref<!tpu.dma_semaphore, #tpu.memory_space<semaphore_mem>>) src(%arg36 : memref<128x64xf32, #tpu.memory_space<vmem>>) dst(%dma_wait3A_347 : memref<128x64xf32, #tpu.memory_space<vmem_shared>>)
      tpu.yield
    }) : () -> ()
    "tpu.region"() ({
      %run_scoped3A = tpu.sem_alloc : memref<!tpu.dma_semaphore, #tpu.memory_space<semaphore_mem>>
      %dma_start3A_340 = arith.constant 0 : i32
      %dma_start3A_341 = tpu.memref_slice %arg39[%add3A_249, %dma_start3A_340] : memref<10240x16xf32, #tpu.memory_space<vmem_shared>> -> memref<128x16xf32, #tpu.memory_space<vmem_shared>>
      %dma_start3A_342 = arith.constant 0 : i32
      %dma_start3A_343 = tpu.memref_slice %arg39[%add3A_249, %dma_start3A_342] : memref<10240x16xf32, #tpu.memory_space<vmem_shared>> -> memref<128x16xf32, #tpu.memory_space<vmem_shared>>
      tpu.enqueue_dma source(%arg37 : memref<128x16xf32, #tpu.memory_space<vmem>>) target(%dma_start3A_343 : memref<128x16xf32, #tpu.memory_space<vmem_shared>>) target_semaphore(%run_scoped3A : memref<!tpu.dma_semaphore, #tpu.memory_space<semaphore_mem>>)
      %dma_wait3A_344 = arith.constant 0 : i32
      %dma_wait3A_345 = tpu.memref_slice %arg39[%add3A_249, %dma_wait3A_344] : memref<10240x16xf32, #tpu.memory_space<vmem_shared>> -> memref<128x16xf32, #tpu.memory_space<vmem_shared>>
      %dma_wait3A_346 = arith.constant 0 : i32
      %dma_wait3A_347 = tpu.memref_slice %arg39[%add3A_249, %dma_wait3A_346] : memref<10240x16xf32, #tpu.memory_space<vmem_shared>> -> memref<128x16xf32, #tpu.memory_space<vmem_shared>>
      tpu.wait_dma2 semaphore(%run_scoped3A : memref<!tpu.dma_semaphore, #tpu.memory_space<semaphore_mem>>) src(%arg37 : memref<128x16xf32, #tpu.memory_space<vmem>>) dst(%dma_wait3A_347 : memref<128x16xf32, #tpu.memory_space<vmem_shared>>)
      tpu.yield
    }) : () -> ()
    %barrier3A_250 = arith.constant 0 : index
    tpu.barrier barrier_id(%barrier3A_250)
    %scan3A_251 = arith.constant 0 : i32
    %scan3A_252 = arith.constant 0 : i32
    %scan3A_253 = arith.constant 80 : i32
    %scan3A_254 = arith.addi %scan3A_252, %scan3A_253 : i32
    %scan3A_255 = arith.constant 1 : i32
    scf.for %scan3A_340 = %scan3A_252 to %scan3A_254 step %scan3A_255  : i32 {
      %swap3A = arith.index_cast %scan3A_340 : i32 to index
      %swap3A_341 = arith.constant 0 : index
      %swap3A_342 = tpu.vector_load %arg35[%swap3A, %swap3A_341] {strides = array<i32>} : memref<80x64xf32, #tpu.memory_space<vmem>>, vector<1x16xf32>,
      %swap3A_343 = vector.shape_cast %swap3A_342 : vector<1x16xf32> to vector<16xf32>
      %swap3A_344 = vector.shape_cast %broadcast_in_dim3A_1 : vector<16xf32> to vector<1x16xf32>
      tpu.vector_store %arg35[%swap3A, %swap3A_341], %swap3A_344 {strides = array<i32>} : memref<80x64xf32, #tpu.memory_space<vmem>>, vector<1x16xf32>,
      %swap3A_345 = arith.index_cast %scan3A_340 : i32 to index
      %swap3A_346 = arith.constant 16 : index
      %swap3A_347 = tpu.vector_load %arg35[%swap3A_345, %swap3A_346] {strides = array<i32>} : memref<80x64xf32, #tpu.memory_space<vmem>>, vector<1x16xf32>,
      %swap3A_348 = vector.shape_cast %swap3A_347 : vector<1x16xf32> to vector<16xf32>
      %swap3A_349 = vector.shape_cast %broadcast_in_dim3A_1 : vector<16xf32> to vector<1x16xf32>
      tpu.vector_store %arg35[%swap3A_345, %swap3A_346], %swap3A_349 {strides = array<i32>} : memref<80x64xf32, #tpu.memory_space<vmem>>, vector<1x16xf32>,
      %swap3A_350 = arith.index_cast %scan3A_340 : i32 to index
      %swap3A_351 = arith.constant 32 : index
      %swap3A_352 = tpu.vector_load %arg35[%swap3A_350, %swap3A_351] {strides = array<i32>} : memref<80x64xf32, #tpu.memory_space<vmem>>, vector<1x16xf32>,
      %swap3A_353 = vector.shape_cast %swap3A_352 : vector<1x16xf32> to vector<16xf32>
      %swap3A_354 = vector.shape_cast %broadcast_in_dim3A_1 : vector<16xf32> to vector<1x16xf32>
      tpu.vector_store %arg35[%swap3A_350, %swap3A_351], %swap3A_354 {strides = array<i32>} : memref<80x64xf32, #tpu.memory_space<vmem>>, vector<1x16xf32>,
      %swap3A_355 = arith.index_cast %scan3A_340 : i32 to index
      %swap3A_356 = arith.constant 48 : index
      %swap3A_357 = tpu.vector_load %arg35[%swap3A_355, %swap3A_356] {strides = array<i32>} : memref<80x64xf32, #tpu.memory_space<vmem>>, vector<1x16xf32>,
      %swap3A_358 = vector.shape_cast %swap3A_357 : vector<1x16xf32> to vector<16xf32>
      %swap3A_359 = vector.shape_cast %broadcast_in_dim3A_1 : vector<16xf32> to vector<1x16xf32>
      tpu.vector_store %arg35[%swap3A_355, %swap3A_356], %swap3A_359 {strides = array<i32>} : memref<80x64xf32, #tpu.memory_space<vmem>>, vector<1x16xf32>,
    }
    %scan3A_256 = arith.constant 80 : i32
    %dma_start3A_257 = arith.constant 0 : i32
    %dma_start3A_258 = arith.constant 0 : i32
    %dma_start3A_259 = tpu.memref_slice %arg30[%dma_start3A_257, %dma_start3A_258] : memref<125x80xi32, #tpu.memory_space<vmem>> -> memref<1x80xi32, #tpu.memory_space<vmem>>
    %dma_start3A_260 = tpu.memref_squeeze %dma_start3A_259 : memref<1x80xi32, #tpu.memory_space<vmem>> -> memref<80xi32, #tpu.memory_space<vmem>>
    %dma_start3A_261 = arith.constant 0 : i32
    %dma_start3A_262 = arith.constant 0 : i32
    %dma_start3A_263 = tpu.memref_slice %arg38[%dma_start3A_261, %dma_start3A_262] : memref<10240x64xf32, #tpu.memory_space<vmem_shared>> -> memref<10240x64xf32, #tpu.memory_space<vmem_shared>>
    tpu.enqueue_indirect_dma source(%arg35 : memref<80x64xf32, #tpu.memory_space<vmem>>) target(%dma_start3A_263 : memref<10240x64xf32, #tpu.memory_space<vmem_shared>>) offsets(%dma_start3A_260 : memref<80xi32, #tpu.memory_space<vmem>>) semaphore(%arg41 : memref<!tpu.dma_semaphore, #tpu.memory_space<semaphore_mem>>) {add = true}
    %scan3A_264 = arith.constant 0 : i32
    %scan3A_265 = arith.constant 0 : i32
    %scan3A_266 = arith.constant 125 : i32
    %scan3A_267 = arith.addi %scan3A_265, %scan3A_266 : i32
    %scan3A_268 = arith.constant 1 : i32
    scf.for %scan3A_340 = %scan3A_265 to %scan3A_267 step %scan3A_268  : i32 {
      %dma_start3A_341 = arith.constant 0 : i32
      %dma_start3A_342 = tpu.memref_slice %arg29[%scan3A_340, %dma_start3A_341] : memref<125x80xi32, #tpu.memory_space<vmem>> -> memref<1x80xi32, #tpu.memory_space<vmem>>
      %dma_start3A_343 = tpu.memref_squeeze %dma_start3A_342 : memref<1x80xi32, #tpu.memory_space<vmem>> -> memref<80xi32, #tpu.memory_space<vmem>>
      %dma_start3A_344 = arith.constant 0 : i32
      %dma_start3A_345 = arith.constant 0 : i32
      %dma_start3A_346 = tpu.memref_slice %arg16[%dma_start3A_344, %dma_start3A_345] : memref<10000x16xf32, #tpu.memory_space<hbm>> -> memref<10000x16xf32, #tpu.memory_space<hbm>>
      tpu.enqueue_indirect_dma source(%dma_start3A_346 : memref<10000x16xf32, #tpu.memory_space<hbm>>) target(%arg31 : memref<80x16xf32, #tpu.memory_space<vmem>>) offsets(%dma_start3A_343 : memref<80xi32, #tpu.memory_space<vmem>>) semaphore(%arg40 : memref<!tpu.dma_semaphore, #tpu.memory_space<semaphore_mem>>)
      %dma_start3A_347 = arith.constant 0 : i32
      %dma_start3A_348 = tpu.memref_slice %arg30[%scan3A_340, %dma_start3A_347] : memref<125x80xi32, #tpu.memory_space<vmem>> -> memref<1x80xi32, #tpu.memory_space<vmem>>
      %dma_start3A_349 = tpu.memref_squeeze %dma_start3A_348 : memref<1x80xi32, #tpu.memory_space<vmem>> -> memref<80xi32, #tpu.memory_space<vmem>>
      %dma_start3A_350 = arith.constant 0 : i32
      %dma_start3A_351 = arith.constant 0 : i32
      %dma_start3A_352 = tpu.memref_slice %arg17[%dma_start3A_350, %dma_start3A_351] : memref<10000x16xf32, #tpu.memory_space<hbm>> -> memref<10000x16xf32, #tpu.memory_space<hbm>>
      tpu.enqueue_indirect_dma source(%dma_start3A_352 : memref<10000x16xf32, #tpu.memory_space<hbm>>) target(%arg32 : memref<80x16xf32, #tpu.memory_space<vmem>>) offsets(%dma_start3A_349 : memref<80xi32, #tpu.memory_space<vmem>>) semaphore(%arg40 : memref<!tpu.dma_semaphore, #tpu.memory_space<semaphore_mem>>)
      %dma_start3A_353 = arith.constant 0 : i32
      %dma_start3A_354 = tpu.memref_slice %arg29[%scan3A_340, %dma_start3A_353] : memref<125x80xi32, #tpu.memory_space<vmem>> -> memref<1x80xi32, #tpu.memory_space<vmem>>
      %dma_start3A_355 = tpu.memref_squeeze %dma_start3A_354 : memref<1x80xi32, #tpu.memory_space<vmem>> -> memref<80xi32, #tpu.memory_space<vmem>>
      %dma_start3A_356 = arith.constant 0 : i32
      %dma_start3A_357 = arith.constant 0 : i32
      %dma_start3A_358 = tpu.memref_slice %arg14[%dma_start3A_356, %dma_start3A_357] : memref<10000x64xf32, #tpu.memory_space<hbm>> -> memref<10000x64xf32, #tpu.memory_space<hbm>>
      tpu.enqueue_indirect_dma source(%dma_start3A_358 : memref<10000x64xf32, #tpu.memory_space<hbm>>) target(%arg34 : memref<80x64xf32, #tpu.memory_space<vmem>>) offsets(%dma_start3A_355 : memref<80xi32, #tpu.memory_space<vmem>>) semaphore(%arg40 : memref<!tpu.dma_semaphore, #tpu.memory_space<semaphore_mem>>)
      %dma_wait3A_359 = arith.constant 0 : i32
      %dma_wait3A_360 = tpu.memref_slice %arg29[%scan3A_340, %dma_wait3A_359] : memref<125x80xi32, #tpu.memory_space<vmem>> -> memref<1x80xi32, #tpu.memory_space<vmem>>
      %dma_wait3A_361 = tpu.memref_squeeze %dma_wait3A_360 : memref<1x80xi32, #tpu.memory_space<vmem>> -> memref<80xi32, #tpu.memory_space<vmem>>
      %dma_wait3A_362 = arith.constant 0 : i32
      %dma_wait3A_363 = arith.constant 0 : i32
      %dma_wait3A_364 = tpu.memref_slice %arg16[%dma_wait3A_362, %dma_wait3A_363] : memref<10000x16xf32, #tpu.memory_space<hbm>> -> memref<10000x16xf32, #tpu.memory_space<hbm>>
      tpu.wait_indirect_dma semaphore(%arg40 : memref<!tpu.dma_semaphore, #tpu.memory_space<semaphore_mem>>) src(%dma_wait3A_364 : memref<10000x16xf32, #tpu.memory_space<hbm>>) dst(%arg31 : memref<80x16xf32, #tpu.memory_space<vmem>>)
      %dma_wait3A_365 = arith.constant 0 : i32
      %dma_wait3A_366 = tpu.memref_slice %arg30[%scan3A_340, %dma_wait3A_365] : memref<125x80xi32, #tpu.memory_space<vmem>> -> memref<1x80xi32, #tpu.memory_space<vmem>>
      %dma_wait3A_367 = tpu.memref_squeeze %dma_wait3A_366 : memref<1x80xi32, #tpu.memory_space<vmem>> -> memref<80xi32, #tpu.memory_space<vmem>>
      %dma_wait3A_368 = arith.constant 0 : i32
      %dma_wait3A_369 = arith.constant 0 : i32
      %dma_wait3A_370 = tpu.memref_slice %arg17[%dma_wait3A_368, %dma_wait3A_369] : memref<10000x16xf32, #tpu.memory_space<hbm>> -> memref<10000x16xf32, #tpu.memory_space<hbm>>
      tpu.wait_indirect_dma semaphore(%arg40 : memref<!tpu.dma_semaphore, #tpu.memory_space<semaphore_mem>>) src(%dma_wait3A_370 : memref<10000x16xf32, #tpu.memory_space<hbm>>) dst(%arg32 : memref<80x16xf32, #tpu.memory_space<vmem>>)
      %scan3A_371 = arith.constant 0 : i32
      %scan3A_372 = arith.constant 0 : i32
      %scan3A_373 = arith.constant 80 : i32
      %scan3A_374 = arith.addi %scan3A_372, %scan3A_373 : i32
      %scan3A_375 = arith.constant 1 : i32
      scf.for %scan3A_413 = %scan3A_372 to %scan3A_374 step %scan3A_375  : i32 {
        %get3A = arith.index_cast %scan3A_413 : i32 to index
        %get3A_414 = arith.constant 0 : index
        %get3A_415 = tpu.vector_load %arg31[%get3A, %get3A_414] {strides = array<i32>} : memref<80x16xf32, #tpu.memory_space<vmem>>, vector<1x16xf32>,
        %get3A_416 = vector.shape_cast %get3A_415 : vector<1x16xf32> to vector<16xf32>
        %get3A_417 = arith.index_cast %scan3A_413 : i32 to index
        %get3A_418 = arith.constant 0 : index
        %get3A_419 = tpu.vector_load %arg32[%get3A_417, %get3A_418] {strides = array<i32>} : memref<80x16xf32, #tpu.memory_space<vmem>>, vector<1x16xf32>,
        %get3A_420 = vector.shape_cast %get3A_419 : vector<1x16xf32> to vector<16xf32>
        %add3A_421 = arith.addf %get3A_416, %get3A_420 : vector<16xf32>
        %mul3A_422 = arith.constant 2.000000e-01 : f32
        %mul3A_423 = vector.broadcast %mul3A_422 : f32 to vector<16xf32>
        %mul3A_424 = arith.mulf %mul3A_423, %add3A_421 : vector<16xf32>
        %max3A = arith.maximumf %add3A_421, %mul3A_424 : vector<16xf32>
        %exp3A = math.exp %max3A : vector<16xf32>
        %swap3A = arith.index_cast %scan3A_413 : i32 to index
        %swap3A_425 = arith.constant 0 : index
        %swap3A_426 = tpu.vector_load %arg33[%swap3A, %swap3A_425] {strides = array<i32>} : memref<80x16xf32, #tpu.memory_space<vmem>>, vector<1x16xf32>,
        %swap3A_427 = vector.shape_cast %swap3A_426 : vector<1x16xf32> to vector<16xf32>
        %swap3A_428 = vector.shape_cast %exp3A : vector<16xf32> to vector<1x16xf32>
        tpu.vector_store %arg33[%swap3A, %swap3A_425], %swap3A_428 {strides = array<i32>} : memref<80x16xf32, #tpu.memory_space<vmem>>, vector<1x16xf32>,
      }
      %scan3A_376 = arith.constant 80 : i32
      %dma_wait3A_377 = arith.constant 0 : i32
      %dma_wait3A_378 = tpu.memref_slice %arg29[%scan3A_340, %dma_wait3A_377] : memref<125x80xi32, #tpu.memory_space<vmem>> -> memref<1x80xi32, #tpu.memory_space<vmem>>
      %dma_wait3A_379 = tpu.memref_squeeze %dma_wait3A_378 : memref<1x80xi32, #tpu.memory_space<vmem>> -> memref<80xi32, #tpu.memory_space<vmem>>
      %dma_wait3A_380 = arith.constant 0 : i32
      %dma_wait3A_381 = arith.constant 0 : i32
      %dma_wait3A_382 = tpu.memref_slice %arg14[%dma_wait3A_380, %dma_wait3A_381] : memref<10000x64xf32, #tpu.memory_space<hbm>> -> memref<10000x64xf32, #tpu.memory_space<hbm>>
      tpu.wait_indirect_dma semaphore(%arg40 : memref<!tpu.dma_semaphore, #tpu.memory_space<semaphore_mem>>) src(%dma_wait3A_382 : memref<10000x64xf32, #tpu.memory_space<hbm>>) dst(%arg34 : memref<80x64xf32, #tpu.memory_space<vmem>>)
      %dma_wait3A_383 = arith.constant 0 : i32
      %dma_wait3A_384 = tpu.memref_slice %arg30[%scan3A_340, %dma_wait3A_383] : memref<125x80xi32, #tpu.memory_space<vmem>> -> memref<1x80xi32, #tpu.memory_space<vmem>>
      %dma_wait3A_385 = tpu.memref_squeeze %dma_wait3A_384 : memref<1x80xi32, #tpu.memory_space<vmem>> -> memref<80xi32, #tpu.memory_space<vmem>>
      %dma_wait3A_386 = arith.constant 0 : i32
      %dma_wait3A_387 = arith.constant 0 : i32
      %dma_wait3A_388 = tpu.memref_slice %arg38[%dma_wait3A_386, %dma_wait3A_387] : memref<10240x64xf32, #tpu.memory_space<vmem_shared>> -> memref<10240x64xf32, #tpu.memory_space<vmem_shared>>
      tpu.wait_indirect_dma semaphore(%arg41 : memref<!tpu.dma_semaphore, #tpu.memory_space<semaphore_mem>>) src(%arg35 : memref<80x64xf32, #tpu.memory_space<vmem>>) dst(%dma_wait3A_388 : memref<10240x64xf32, #tpu.memory_space<vmem_shared>>)
      %dma_start3A_389 = arith.constant 0 : i32
      %dma_start3A_390 = tpu.memref_slice %arg30[%scan3A_340, %dma_start3A_389] : memref<125x80xi32, #tpu.memory_space<vmem>> -> memref<1x80xi32, #tpu.memory_space<vmem>>
      %dma_start3A_391 = tpu.memref_squeeze %dma_start3A_390 : memref<1x80xi32, #tpu.memory_space<vmem>> -> memref<80xi32, #tpu.memory_space<vmem>>
      %dma_start3A_392 = arith.constant 0 : i32
      %dma_start3A_393 = arith.constant 0 : i32
      %dma_start3A_394 = tpu.memref_slice %arg39[%dma_start3A_392, %dma_start3A_393] : memref<10240x16xf32, #tpu.memory_space<vmem_shared>> -> memref<10240x16xf32, #tpu.memory_space<vmem_shared>>
      tpu.enqueue_indirect_dma source(%arg33 : memref<80x16xf32, #tpu.memory_space<vmem>>) target(%dma_start3A_394 : memref<10240x16xf32, #tpu.memory_space<vmem_shared>>) offsets(%dma_start3A_391 : memref<80xi32, #tpu.memory_space<vmem>>) semaphore(%arg40 : memref<!tpu.dma_semaphore, #tpu.memory_space<semaphore_mem>>) {add = true}
      %scan3A_395 = arith.constant 0 : i32
      %scan3A_396 = arith.constant 0 : i32
      %scan3A_397 = arith.constant 80 : i32
      %scan3A_398 = arith.addi %scan3A_396, %scan3A_397 : i32
      %scan3A_399 = arith.constant 1 : i32
      scf.for %scan3A_413 = %scan3A_396 to %scan3A_398 step %scan3A_399  : i32 {
        %get3A = arith.index_cast %scan3A_413 : i32 to index
        %get3A_414 = arith.constant 0 : index
        %get3A_415 = tpu.vector_load %arg33[%get3A, %get3A_414] {strides = array<i32>} : memref<80x16xf32, #tpu.memory_space<vmem>>, vector<1x16xf32>,
        %get3A_416 = vector.shape_cast %get3A_415 : vector<1x16xf32> to vector<16xf32>
        %get3A_417 = arith.index_cast %scan3A_413 : i32 to index
        %get3A_418 = arith.constant 0 : index
        %get3A_419 = tpu.vector_load %arg34[%get3A_417, %get3A_418] {strides = array<i32>} : memref<80x64xf32, #tpu.memory_space<vmem>>, vector<1x16xf32>,
        %get3A_420 = vector.shape_cast %get3A_419 : vector<1x16xf32> to vector<16xf32>
        %slice3A = vector.extract_strided_slice %get3A_416 {offsets = [0], sizes = [1], strides = [1]} : vector<16xf32> to vector<1xf32>
        %squeeze3A = vector.extract %slice3A[0] : f32 from vector<1xf32>
        %mul3A_421 = vector.broadcast %squeeze3A : f32 to vector<16xf32>
        %mul3A_422 = arith.mulf %get3A_420, %mul3A_421 : vector<16xf32>
        %swap3A = arith.index_cast %scan3A_413 : i32 to index
        %swap3A_423 = arith.constant 0 : index
        %swap3A_424 = tpu.vector_load %arg35[%swap3A, %swap3A_423] {strides = array<i32>} : memref<80x64xf32, #tpu.memory_space<vmem>>, vector<1x16xf32>,
        %swap3A_425 = vector.shape_cast %swap3A_424 : vector<1x16xf32> to vector<16xf32>
        %swap3A_426 = vector.shape_cast %mul3A_422 : vector<16xf32> to vector<1x16xf32>
        tpu.vector_store %arg35[%swap3A, %swap3A_423], %swap3A_426 {strides = array<i32>} : memref<80x64xf32, #tpu.memory_space<vmem>>, vector<1x16xf32>,
        %get3A_427 = arith.index_cast %scan3A_413 : i32 to index
        %get3A_428 = arith.constant 16 : index
        %get3A_429 = tpu.vector_load %arg34[%get3A_427, %get3A_428] {strides = array<i32>} : memref<80x64xf32, #tpu.memory_space<vmem>>, vector<1x16xf32>,
        %get3A_430 = vector.shape_cast %get3A_429 : vector<1x16xf32> to vector<16xf32>
        %slice3A_431 = vector.extract_strided_slice %get3A_416 {offsets = [1], sizes = [1], strides = [1]} : vector<16xf32> to vector<1xf32>
        %squeeze3A_432 = vector.extract %slice3A_431[0] : f32 from vector<1xf32>
        %mul3A_433 = vector.broadcast %squeeze3A_432 : f32 to vector<16xf32>
        %mul3A_434 = arith.mulf %get3A_430, %mul3A_433 : vector<16xf32>
        %swap3A_435 = arith.index_cast %scan3A_413 : i32 to index
        %swap3A_436 = arith.constant 16 : index
        %swap3A_437 = tpu.vector_load %arg35[%swap3A_435, %swap3A_436] {strides = array<i32>} : memref<80x64xf32, #tpu.memory_space<vmem>>, vector<1x16xf32>,
        %swap3A_438 = vector.shape_cast %swap3A_437 : vector<1x16xf32> to vector<16xf32>
        %swap3A_439 = vector.shape_cast %mul3A_434 : vector<16xf32> to vector<1x16xf32>
        tpu.vector_store %arg35[%swap3A_435, %swap3A_436], %swap3A_439 {strides = array<i32>} : memref<80x64xf32, #tpu.memory_space<vmem>>, vector<1x16xf32>,
        %get3A_440 = arith.index_cast %scan3A_413 : i32 to index
        %get3A_441 = arith.constant 32 : index
        %get3A_442 = tpu.vector_load %arg34[%get3A_440, %get3A_441] {strides = array<i32>} : memref<80x64xf32, #tpu.memory_space<vmem>>, vector<1x16xf32>,
        %get3A_443 = vector.shape_cast %get3A_442 : vector<1x16xf32> to vector<16xf32>
        %slice3A_444 = vector.extract_strided_slice %get3A_416 {offsets = [2], sizes = [1], strides = [1]} : vector<16xf32> to vector<1xf32>
        %squeeze3A_445 = vector.extract %slice3A_444[0] : f32 from vector<1xf32>
        %mul3A_446 = vector.broadcast %squeeze3A_445 : f32 to vector<16xf32>
        %mul3A_447 = arith.mulf %get3A_443, %mul3A_446 : vector<16xf32>
        %swap3A_448 = arith.index_cast %scan3A_413 : i32 to index
        %swap3A_449 = arith.constant 32 : index
        %swap3A_450 = tpu.vector_load %arg35[%swap3A_448, %swap3A_449] {strides = array<i32>} : memref<80x64xf32, #tpu.memory_space<vmem>>, vector<1x16xf32>,
        %swap3A_451 = vector.shape_cast %swap3A_450 : vector<1x16xf32> to vector<16xf32>
        %swap3A_452 = vector.shape_cast %mul3A_447 : vector<16xf32> to vector<1x16xf32>
        tpu.vector_store %arg35[%swap3A_448, %swap3A_449], %swap3A_452 {strides = array<i32>} : memref<80x64xf32, #tpu.memory_space<vmem>>, vector<1x16xf32>,
        %get3A_453 = arith.index_cast %scan3A_413 : i32 to index
        %get3A_454 = arith.constant 48 : index
        %get3A_455 = tpu.vector_load %arg34[%get3A_453, %get3A_454] {strides = array<i32>} : memref<80x64xf32, #tpu.memory_space<vmem>>, vector<1x16xf32>,
        %get3A_456 = vector.shape_cast %get3A_455 : vector<1x16xf32> to vector<16xf32>
        %slice3A_457 = vector.extract_strided_slice %get3A_416 {offsets = [3], sizes = [1], strides = [1]} : vector<16xf32> to vector<1xf32>
        %squeeze3A_458 = vector.extract %slice3A_457[0] : f32 from vector<1xf32>
        %mul3A_459 = vector.broadcast %squeeze3A_458 : f32 to vector<16xf32>
        %mul3A_460 = arith.mulf %get3A_456, %mul3A_459 : vector<16xf32>
        %swap3A_461 = arith.index_cast %scan3A_413 : i32 to index
        %swap3A_462 = arith.constant 48 : index
        %swap3A_463 = tpu.vector_load %arg35[%swap3A_461, %swap3A_462] {strides = array<i32>} : memref<80x64xf32, #tpu.memory_space<vmem>>, vector<1x16xf32>,
        %swap3A_464 = vector.shape_cast %swap3A_463 : vector<1x16xf32> to vector<16xf32>
        %swap3A_465 = vector.shape_cast %mul3A_460 : vector<16xf32> to vector<1x16xf32>
        tpu.vector_store %arg35[%swap3A_461, %swap3A_462], %swap3A_465 {strides = array<i32>} : memref<80x64xf32, #tpu.memory_space<vmem>>, vector<1x16xf32>,
      }
      %scan3A_400 = arith.constant 80 : i32
      %dma_start3A_401 = arith.constant 0 : i32
      %dma_start3A_402 = tpu.memref_slice %arg30[%scan3A_340, %dma_start3A_401] : memref<125x80xi32, #tpu.memory_space<vmem>> -> memref<1x80xi32, #tpu.memory_space<vmem>>
      %dma_start3A_403 = tpu.memref_squeeze %dma_start3A_402 : memref<1x80xi32, #tpu.memory_space<vmem>> -> memref<80xi32, #tpu.memory_space<vmem>>
      %dma_start3A_404 = arith.constant 0 : i32
      %dma_start3A_405 = arith.constant 0 : i32
      %dma_start3A_406 = tpu.memref_slice %arg38[%dma_start3A_404, %dma_start3A_405] : memref<10240x64xf32, #tpu.memory_space<vmem_shared>> -> memref<10240x64xf32, #tpu.memory_space<vmem_shared>>
      tpu.enqueue_indirect_dma source(%arg35 : memref<80x64xf32, #tpu.memory_space<vmem>>) target(%dma_start3A_406 : memref<10240x64xf32, #tpu.memory_space<vmem_shared>>) offsets(%dma_start3A_403 : memref<80xi32, #tpu.memory_space<vmem>>) semaphore(%arg41 : memref<!tpu.dma_semaphore, #tpu.memory_space<semaphore_mem>>) {add = true}
      %dma_wait3A_407 = arith.constant 0 : i32
      %dma_wait3A_408 = tpu.memref_slice %arg30[%scan3A_340, %dma_wait3A_407] : memref<125x80xi32, #tpu.memory_space<vmem>> -> memref<1x80xi32, #tpu.memory_space<vmem>>
      %dma_wait3A_409 = tpu.memref_squeeze %dma_wait3A_408 : memref<1x80xi32, #tpu.memory_space<vmem>> -> memref<80xi32, #tpu.memory_space<vmem>>
      %dma_wait3A_410 = arith.constant 0 : i32
      %dma_wait3A_411 = arith.constant 0 : i32
      %dma_wait3A_412 = tpu.memref_slice %arg39[%dma_wait3A_410, %dma_wait3A_411] : memref<10240x16xf32, #tpu.memory_space<vmem_shared>> -> memref<10240x16xf32, #tpu.memory_space<vmem_shared>>
      tpu.wait_indirect_dma semaphore(%arg40 : memref<!tpu.dma_semaphore, #tpu.memory_space<semaphore_mem>>) src(%arg33 : memref<80x16xf32, #tpu.memory_space<vmem>>) dst(%dma_wait3A_412 : memref<10240x16xf32, #tpu.memory_space<vmem_shared>>)
    }
    %scan3A_269 = arith.constant 125 : i32
    %dma_wait3A_270 = arith.constant 0 : i32
    %dma_wait3A_271 = arith.constant 0 : i32
    %dma_wait3A_272 = tpu.memref_slice %arg30[%dma_wait3A_270, %dma_wait3A_271] : memref<125x80xi32, #tpu.memory_space<vmem>> -> memref<1x80xi32, #tpu.memory_space<vmem>>
    %dma_wait3A_273 = tpu.memref_squeeze %dma_wait3A_272 : memref<1x80xi32, #tpu.memory_space<vmem>> -> memref<80xi32, #tpu.memory_space<vmem>>
    %dma_wait3A_274 = arith.constant 0 : i32
    %dma_wait3A_275 = arith.constant 0 : i32
    %dma_wait3A_276 = tpu.memref_slice %arg38[%dma_wait3A_274, %dma_wait3A_275] : memref<10240x64xf32, #tpu.memory_space<vmem_shared>> -> memref<10240x64xf32, #tpu.memory_space<vmem_shared>>
    tpu.wait_indirect_dma semaphore(%arg41 : memref<!tpu.dma_semaphore, #tpu.memory_space<semaphore_mem>>) src(%arg35 : memref<80x64xf32, #tpu.memory_space<vmem>>) dst(%dma_wait3A_276 : memref<10240x64xf32, #tpu.memory_space<vmem_shared>>)
    %barrier3A_277 = arith.constant 0 : index
    tpu.barrier barrier_id(%barrier3A_277)
    %mul3A_278 = arith.constant 640 : i32
    %mul3A_279 = arith.muli %arg1, %mul3A_278 : i32
    %mul3A_280 = arith.constant 640 : i32
    %mul3A_281 = arith.muli %arg1, %mul3A_280 : i32
    "tpu.region"() ({
      %run_scoped3A = tpu.sem_alloc : memref<!tpu.dma_semaphore, #tpu.memory_space<semaphore_mem>>
      %dma_start3A_340 = arith.constant 0 : i32
      %dma_start3A_341 = tpu.memref_slice %arg26[%arg0, %mul3A_281, %dma_start3A_340] : memref<2x10240x64xf32, #tpu.memory_space<hbm>> -> memref<1x640x64xf32, #tpu.memory_space<hbm>>
      %dma_start3A_342 = tpu.memref_squeeze %dma_start3A_341 : memref<1x640x64xf32, #tpu.memory_space<hbm>> -> memref<640x64xf32, #tpu.memory_space<hbm>>
      %dma_start3A_343 = arith.constant 0 : i32
      %dma_start3A_344 = tpu.memref_slice %arg38[%mul3A_279, %dma_start3A_343] : memref<10240x64xf32, #tpu.memory_space<vmem_shared>> -> memref<640x64xf32, #tpu.memory_space<vmem_shared>>
      tpu.enqueue_dma source(%dma_start3A_344 : memref<640x64xf32, #tpu.memory_space<vmem_shared>>) target(%dma_start3A_342 : memref<640x64xf32, #tpu.memory_space<hbm>>) target_semaphore(%run_scoped3A : memref<!tpu.dma_semaphore, #tpu.memory_space<semaphore_mem>>)
      %dma_wait3A_345 = arith.constant 0 : i32
      %dma_wait3A_346 = tpu.memref_slice %arg26[%arg0, %mul3A_281, %dma_wait3A_345] : memref<2x10240x64xf32, #tpu.memory_space<hbm>> -> memref<1x640x64xf32, #tpu.memory_space<hbm>>
      %dma_wait3A_347 = tpu.memref_squeeze %dma_wait3A_346 : memref<1x640x64xf32, #tpu.memory_space<hbm>> -> memref<640x64xf32, #tpu.memory_space<hbm>>
      %dma_wait3A_348 = arith.constant 0 : i32
      %dma_wait3A_349 = tpu.memref_slice %arg38[%mul3A_279, %dma_wait3A_348] : memref<10240x64xf32, #tpu.memory_space<vmem_shared>> -> memref<640x64xf32, #tpu.memory_space<vmem_shared>>
      tpu.wait_dma2 semaphore(%run_scoped3A : memref<!tpu.dma_semaphore, #tpu.memory_space<semaphore_mem>>) src(%dma_wait3A_349 : memref<640x64xf32, #tpu.memory_space<vmem_shared>>) dst(%dma_wait3A_347 : memref<640x64xf32, #tpu.memory_space<hbm>>)
      tpu.yield
    }) : () -> ()
    %mul3A_282 = arith.constant 640 : i32
    %mul3A_283 = arith.muli %arg1, %mul3A_282 : i32
    %mul3A_284 = arith.constant 640 : i32
    %mul3A_285 = arith.muli %arg1, %mul3A_284 : i32
    "tpu.region"() ({
      %run_scoped3A = tpu.sem_alloc : memref<!tpu.dma_semaphore, #tpu.memory_space<semaphore_mem>>
      %dma_start3A_340 = arith.constant 0 : i32
      %dma_start3A_341 = tpu.memref_slice %arg28[%arg0, %mul3A_285, %dma_start3A_340] : memref<2x10240x16xf32, #tpu.memory_space<hbm>> -> memref<1x640x16xf32, #tpu.memory_space<hbm>>
      %dma_start3A_342 = tpu.memref_squeeze %dma_start3A_341 : memref<1x640x16xf32, #tpu.memory_space<hbm>> -> memref<640x16xf32, #tpu.memory_space<hbm>>
      %dma_start3A_343 = arith.constant 0 : i32
      %dma_start3A_344 = tpu.memref_slice %arg39[%mul3A_283, %dma_start3A_343] : memref<10240x16xf32, #tpu.memory_space<vmem_shared>> -> memref<640x16xf32, #tpu.memory_space<vmem_shared>>
      tpu.enqueue_dma source(%dma_start3A_344 : memref<640x16xf32, #tpu.memory_space<vmem_shared>>) target(%dma_start3A_342 : memref<640x16xf32, #tpu.memory_space<hbm>>) target_semaphore(%run_scoped3A : memref<!tpu.dma_semaphore, #tpu.memory_space<semaphore_mem>>)
      %dma_wait3A_345 = arith.constant 0 : i32
      %dma_wait3A_346 = tpu.memref_slice %arg28[%arg0, %mul3A_285, %dma_wait3A_345] : memref<2x10240x16xf32, #tpu.memory_space<hbm>> -> memref<1x640x16xf32, #tpu.memory_space<hbm>>
      %dma_wait3A_347 = tpu.memref_squeeze %dma_wait3A_346 : memref<1x640x16xf32, #tpu.memory_space<hbm>> -> memref<640x16xf32, #tpu.memory_space<hbm>>
      %dma_wait3A_348 = arith.constant 0 : i32
      %dma_wait3A_349 = tpu.memref_slice %arg39[%mul3A_283, %dma_wait3A_348] : memref<10240x16xf32, #tpu.memory_space<vmem_shared>> -> memref<640x16xf32, #tpu.memory_space<vmem_shared>>
      tpu.wait_dma2 semaphore(%run_scoped3A : memref<!tpu.dma_semaphore, #tpu.memory_space<semaphore_mem>>) src(%dma_wait3A_349 : memref<640x16xf32, #tpu.memory_space<vmem_shared>>) dst(%dma_wait3A_347 : memref<640x16xf32, #tpu.memory_space<hbm>>)
      tpu.yield
    }) : () -> ()
    %barrier3A_286 = arith.constant 0 : index
    tpu.barrier barrier_id(%barrier3A_286)
    %mul3A_287 = arith.constant 640 : i32
    %mul3A_288 = arith.muli %arg1, %mul3A_287 : i32
    %add3A_289 = arith.constant 0 : i32
    %add3A_290 = arith.addi %mul3A_288, %add3A_289 : i32
    "tpu.region"() ({
      %run_scoped3A = tpu.sem_alloc : memref<!tpu.dma_semaphore, #tpu.memory_space<semaphore_mem>>
      %dma_start3A_340 = arith.constant 0 : i32
      %dma_start3A_341 = tpu.memref_slice %arg38[%add3A_290, %dma_start3A_340] : memref<10240x64xf32, #tpu.memory_space<vmem_shared>> -> memref<128x64xf32, #tpu.memory_space<vmem_shared>>
      %dma_start3A_342 = arith.constant 0 : i32
      %dma_start3A_343 = tpu.memref_slice %arg38[%add3A_290, %dma_start3A_342] : memref<10240x64xf32, #tpu.memory_space<vmem_shared>> -> memref<128x64xf32, #tpu.memory_space<vmem_shared>>
      tpu.enqueue_dma source(%arg36 : memref<128x64xf32, #tpu.memory_space<vmem>>) target(%dma_start3A_343 : memref<128x64xf32, #tpu.memory_space<vmem_shared>>) target_semaphore(%run_scoped3A : memref<!tpu.dma_semaphore, #tpu.memory_space<semaphore_mem>>)
      %dma_wait3A_344 = arith.constant 0 : i32
      %dma_wait3A_345 = tpu.memref_slice %arg38[%add3A_290, %dma_wait3A_344] : memref<10240x64xf32, #tpu.memory_space<vmem_shared>> -> memref<128x64xf32, #tpu.memory_space<vmem_shared>>
      %dma_wait3A_346 = arith.constant 0 : i32
      %dma_wait3A_347 = tpu.memref_slice %arg38[%add3A_290, %dma_wait3A_346] : memref<10240x64xf32, #tpu.memory_space<vmem_shared>> -> memref<128x64xf32, #tpu.memory_space<vmem_shared>>
      tpu.wait_dma2 semaphore(%run_scoped3A : memref<!tpu.dma_semaphore, #tpu.memory_space<semaphore_mem>>) src(%arg36 : memref<128x64xf32, #tpu.memory_space<vmem>>) dst(%dma_wait3A_347 : memref<128x64xf32, #tpu.memory_space<vmem_shared>>)
      tpu.yield
    }) : () -> ()
    %mul3A_291 = arith.constant 640 : i32
    %mul3A_292 = arith.muli %arg1, %mul3A_291 : i32
    %add3A_293 = arith.constant 128 : i32
    %add3A_294 = arith.addi %mul3A_292, %add3A_293 : i32
    "tpu.region"() ({
      %run_scoped3A = tpu.sem_alloc : memref<!tpu.dma_semaphore, #tpu.memory_space<semaphore_mem>>
      %dma_start3A_340 = arith.constant 0 : i32
      %dma_start3A_341 = tpu.memref_slice %arg38[%add3A_294, %dma_start3A_340] : memref<10240x64xf32, #tpu.memory_space<vmem_shared>> -> memref<128x64xf32, #tpu.memory_space<vmem_shared>>
      %dma_start3A_342 = arith.constant 0 : i32
      %dma_start3A_343 = tpu.memref_slice %arg38[%add3A_294, %dma_start3A_342] : memref<10240x64xf32, #tpu.memory_space<vmem_shared>> -> memref<128x64xf32, #tpu.memory_space<vmem_shared>>
      tpu.enqueue_dma source(%arg36 : memref<128x64xf32, #tpu.memory_space<vmem>>) target(%dma_start3A_343 : memref<128x64xf32, #tpu.memory_space<vmem_shared>>) target_semaphore(%run_scoped3A : memref<!tpu.dma_semaphore, #tpu.memory_space<semaphore_mem>>)
      %dma_wait3A_344 = arith.constant 0 : i32
      %dma_wait3A_345 = tpu.memref_slice %arg38[%add3A_294, %dma_wait3A_344] : memref<10240x64xf32, #tpu.memory_space<vmem_shared>> -> memref<128x64xf32, #tpu.memory_space<vmem_shared>>
      %dma_wait3A_346 = arith.constant 0 : i32
      %dma_wait3A_347 = tpu.memref_slice %arg38[%add3A_294, %dma_wait3A_346] : memref<10240x64xf32, #tpu.memory_space<vmem_shared>> -> memref<128x64xf32, #tpu.memory_space<vmem_shared>>
      tpu.wait_dma2 semaphore(%run_scoped3A : memref<!tpu.dma_semaphore, #tpu.memory_space<semaphore_mem>>) src(%arg36 : memref<128x64xf32, #tpu.memory_space<vmem>>) dst(%dma_wait3A_347 : memref<128x64xf32, #tpu.memory_space<vmem_shared>>)
      tpu.yield
    }) : () -> ()
    %mul3A_295 = arith.constant 640 : i32
    %mul3A_296 = arith.muli %arg1, %mul3A_295 : i32
    %add3A_297 = arith.constant 256 : i32
    %add3A_298 = arith.addi %mul3A_296, %add3A_297 : i32
    "tpu.region"() ({
      %run_scoped3A = tpu.sem_alloc : memref<!tpu.dma_semaphore, #tpu.memory_space<semaphore_mem>>
      %dma_start3A_340 = arith.constant 0 : i32
      %dma_start3A_341 = tpu.memref_slice %arg38[%add3A_298, %dma_start3A_340] : memref<10240x64xf32, #tpu.memory_space<vmem_shared>> -> memref<128x64xf32, #tpu.memory_space<vmem_shared>>
      %dma_start3A_342 = arith.constant 0 : i32
      %dma_start3A_343 = tpu.memref_slice %arg38[%add3A_298, %dma_start3A_342] : memref<10240x64xf32, #tpu.memory_space<vmem_shared>> -> memref<128x64xf32, #tpu.memory_space<vmem_shared>>
      tpu.enqueue_dma source(%arg36 : memref<128x64xf32, #tpu.memory_space<vmem>>) target(%dma_start3A_343 : memref<128x64xf32, #tpu.memory_space<vmem_shared>>) target_semaphore(%run_scoped3A : memref<!tpu.dma_semaphore, #tpu.memory_space<semaphore_mem>>)
      %dma_wait3A_344 = arith.constant 0 : i32
      %dma_wait3A_345 = tpu.memref_slice %arg38[%add3A_298, %dma_wait3A_344] : memref<10240x64xf32, #tpu.memory_space<vmem_shared>> -> memref<128x64xf32, #tpu.memory_space<vmem_shared>>
      %dma_wait3A_346 = arith.constant 0 : i32
      %dma_wait3A_347 = tpu.memref_slice %arg38[%add3A_298, %dma_wait3A_346] : memref<10240x64xf32, #tpu.memory_space<vmem_shared>> -> memref<128x64xf32, #tpu.memory_space<vmem_shared>>
      tpu.wait_dma2 semaphore(%run_scoped3A : memref<!tpu.dma_semaphore, #tpu.memory_space<semaphore_mem>>) src(%arg36 : memref<128x64xf32, #tpu.memory_space<vmem>>) dst(%dma_wait3A_347 : memref<128x64xf32, #tpu.memory_space<vmem_shared>>)
      tpu.yield
    }) : () -> ()
    %mul3A_299 = arith.constant 640 : i32
    %mul3A_300 = arith.muli %arg1, %mul3A_299 : i32
    %add3A_301 = arith.constant 384 : i32
    %add3A_302 = arith.addi %mul3A_300, %add3A_301 : i32
    "tpu.region"() ({
      %run_scoped3A = tpu.sem_alloc : memref<!tpu.dma_semaphore, #tpu.memory_space<semaphore_mem>>
      %dma_start3A_340 = arith.constant 0 : i32
      %dma_start3A_341 = tpu.memref_slice %arg38[%add3A_302, %dma_start3A_340] : memref<10240x64xf32, #tpu.memory_space<vmem_shared>> -> memref<128x64xf32, #tpu.memory_space<vmem_shared>>
      %dma_start3A_342 = arith.constant 0 : i32
      %dma_start3A_343 = tpu.memref_slice %arg38[%add3A_302, %dma_start3A_342] : memref<10240x64xf32, #tpu.memory_space<vmem_shared>> -> memref<128x64xf32, #tpu.memory_space<vmem_shared>>
      tpu.enqueue_dma source(%arg36 : memref<128x64xf32, #tpu.memory_space<vmem>>) target(%dma_start3A_343 : memref<128x64xf32, #tpu.memory_space<vmem_shared>>) target_semaphore(%run_scoped3A : memref<!tpu.dma_semaphore, #tpu.memory_space<semaphore_mem>>)
      %dma_wait3A_344 = arith.constant 0 : i32
      %dma_wait3A_345 = tpu.memref_slice %arg38[%add3A_302, %dma_wait3A_344] : memref<10240x64xf32, #tpu.memory_space<vmem_shared>> -> memref<128x64xf32, #tpu.memory_space<vmem_shared>>
      %dma_wait3A_346 = arith.constant 0 : i32
      %dma_wait3A_347 = tpu.memref_slice %arg38[%add3A_302, %dma_wait3A_346] : memref<10240x64xf32, #tpu.memory_space<vmem_shared>> -> memref<128x64xf32, #tpu.memory_space<vmem_shared>>
      tpu.wait_dma2 semaphore(%run_scoped3A : memref<!tpu.dma_semaphore, #tpu.memory_space<semaphore_mem>>) src(%arg36 : memref<128x64xf32, #tpu.memory_space<vmem>>) dst(%dma_wait3A_347 : memref<128x64xf32, #tpu.memory_space<vmem_shared>>)
      tpu.yield
    }) : () -> ()
    %mul3A_303 = arith.constant 640 : i32
    %mul3A_304 = arith.muli %arg1, %mul3A_303 : i32
    %add3A_305 = arith.constant 512 : i32
    %add3A_306 = arith.addi %mul3A_304, %add3A_305 : i32
    "tpu.region"() ({
      %run_scoped3A = tpu.sem_alloc : memref<!tpu.dma_semaphore, #tpu.memory_space<semaphore_mem>>
      %dma_start3A_340 = arith.constant 0 : i32
      %dma_start3A_341 = tpu.memref_slice %arg38[%add3A_306, %dma_start3A_340] : memref<10240x64xf32, #tpu.memory_space<vmem_shared>> -> memref<128x64xf32, #tpu.memory_space<vmem_shared>>
      %dma_start3A_342 = arith.constant 0 : i32
      %dma_start3A_343 = tpu.memref_slice %arg38[%add3A_306, %dma_start3A_342] : memref<10240x64xf32, #tpu.memory_space<vmem_shared>> -> memref<128x64xf32, #tpu.memory_space<vmem_shared>>
      tpu.enqueue_dma source(%arg36 : memref<128x64xf32, #tpu.memory_space<vmem>>) target(%dma_start3A_343 : memref<128x64xf32, #tpu.memory_space<vmem_shared>>) target_semaphore(%run_scoped3A : memref<!tpu.dma_semaphore, #tpu.memory_space<semaphore_mem>>)
      %dma_wait3A_344 = arith.constant 0 : i32
      %dma_wait3A_345 = tpu.memref_slice %arg38[%add3A_306, %dma_wait3A_344] : memref<10240x64xf32, #tpu.memory_space<vmem_shared>> -> memref<128x64xf32, #tpu.memory_space<vmem_shared>>
      %dma_wait3A_346 = arith.constant 0 : i32
      %dma_wait3A_347 = tpu.memref_slice %arg38[%add3A_306, %dma_wait3A_346] : memref<10240x64xf32, #tpu.memory_space<vmem_shared>> -> memref<128x64xf32, #tpu.memory_space<vmem_shared>>
      tpu.wait_dma2 semaphore(%run_scoped3A : memref<!tpu.dma_semaphore, #tpu.memory_space<semaphore_mem>>) src(%arg36 : memref<128x64xf32, #tpu.memory_space<vmem>>) dst(%dma_wait3A_347 : memref<128x64xf32, #tpu.memory_space<vmem_shared>>)
      tpu.yield
    }) : () -> ()
    %barrier3A_307 = arith.constant 0 : index
    tpu.barrier barrier_id(%barrier3A_307)
    %scan3A_308 = arith.constant 0 : i32
    %scan3A_309 = arith.constant 0 : i32
    %scan3A_310 = arith.constant 80 : i32
    %scan3A_311 = arith.addi %scan3A_309, %scan3A_310 : i32
    %scan3A_312 = arith.constant 1 : i32
    scf.for %scan3A_340 = %scan3A_309 to %scan3A_311 step %scan3A_312  : i32 {
      %swap3A = arith.index_cast %scan3A_340 : i32 to index
      %swap3A_341 = arith.constant 0 : index
      %swap3A_342 = tpu.vector_load %arg35[%swap3A, %swap3A_341] {strides = array<i32>} : memref<80x64xf32, #tpu.memory_space<vmem>>, vector<1x16xf32>,
      %swap3A_343 = vector.shape_cast %swap3A_342 : vector<1x16xf32> to vector<16xf32>
      %swap3A_344 = vector.shape_cast %broadcast_in_dim3A_1 : vector<16xf32> to vector<1x16xf32>
      tpu.vector_store %arg35[%swap3A, %swap3A_341], %swap3A_344 {strides = array<i32>} : memref<80x64xf32, #tpu.memory_space<vmem>>, vector<1x16xf32>,
      %swap3A_345 = arith.index_cast %scan3A_340 : i32 to index
      %swap3A_346 = arith.constant 16 : index
      %swap3A_347 = tpu.vector_load %arg35[%swap3A_345, %swap3A_346] {strides = array<i32>} : memref<80x64xf32, #tpu.memory_space<vmem>>, vector<1x16xf32>,
      %swap3A_348 = vector.shape_cast %swap3A_347 : vector<1x16xf32> to vector<16xf32>
      %swap3A_349 = vector.shape_cast %broadcast_in_dim3A_1 : vector<16xf32> to vector<1x16xf32>
      tpu.vector_store %arg35[%swap3A_345, %swap3A_346], %swap3A_349 {strides = array<i32>} : memref<80x64xf32, #tpu.memory_space<vmem>>, vector<1x16xf32>,
      %swap3A_350 = arith.index_cast %scan3A_340 : i32 to index
      %swap3A_351 = arith.constant 32 : index
      %swap3A_352 = tpu.vector_load %arg35[%swap3A_350, %swap3A_351] {strides = array<i32>} : memref<80x64xf32, #tpu.memory_space<vmem>>, vector<1x16xf32>,
      %swap3A_353 = vector.shape_cast %swap3A_352 : vector<1x16xf32> to vector<16xf32>
      %swap3A_354 = vector.shape_cast %broadcast_in_dim3A_1 : vector<16xf32> to vector<1x16xf32>
      tpu.vector_store %arg35[%swap3A_350, %swap3A_351], %swap3A_354 {strides = array<i32>} : memref<80x64xf32, #tpu.memory_space<vmem>>, vector<1x16xf32>,
      %swap3A_355 = arith.index_cast %scan3A_340 : i32 to index
      %swap3A_356 = arith.constant 48 : index
      %swap3A_357 = tpu.vector_load %arg35[%swap3A_355, %swap3A_356] {strides = array<i32>} : memref<80x64xf32, #tpu.memory_space<vmem>>, vector<1x16xf32>,
      %swap3A_358 = vector.shape_cast %swap3A_357 : vector<1x16xf32> to vector<16xf32>
      %swap3A_359 = vector.shape_cast %broadcast_in_dim3A_1 : vector<16xf32> to vector<1x16xf32>
      tpu.vector_store %arg35[%swap3A_355, %swap3A_356], %swap3A_359 {strides = array<i32>} : memref<80x64xf32, #tpu.memory_space<vmem>>, vector<1x16xf32>,
    }
    %scan3A_313 = arith.constant 80 : i32
    %dma_start3A_314 = arith.constant 0 : i32
    %dma_start3A_315 = arith.constant 0 : i32
    %dma_start3A_316 = tpu.memref_slice %arg30[%dma_start3A_314, %dma_start3A_315] : memref<125x80xi32, #tpu.memory_space<vmem>> -> memref<1x80xi32, #tpu.memory_space<vmem>>
    %dma_start3A_317 = tpu.memref_squeeze %dma_start3A_316 : memref<1x80xi32, #tpu.memory_space<vmem>> -> memref<80xi32, #tpu.memory_space<vmem>>
    %dma_start3A_318 = arith.constant 0 : i32
    %dma_start3A_319 = arith.constant 0 : i32
    %dma_start3A_320 = tpu.memref_slice %arg38[%dma_start3A_318, %dma_start3A_319] : memref<10240x64xf32, #tpu.memory_space<vmem_shared>> -> memref<10240x64xf32, #tpu.memory_space<vmem_shared>>
    tpu.enqueue_indirect_dma source(%arg35 : memref<80x64xf32, #tpu.memory_space<vmem>>) target(%dma_start3A_320 : memref<10240x64xf32, #tpu.memory_space<vmem_shared>>) offsets(%dma_start3A_317 : memref<80xi32, #tpu.memory_space<vmem>>) semaphore(%arg41 : memref<!tpu.dma_semaphore, #tpu.memory_space<semaphore_mem>>) {add = true}
    %scan3A_321 = arith.constant 0 : i32
    %scan3A_322 = arith.constant 0 : i32
    %scan3A_323 = arith.constant 125 : i32
    %scan3A_324 = arith.addi %scan3A_322, %scan3A_323 : i32
    %scan3A_325 = arith.constant 1 : i32
    scf.for %scan3A_340 = %scan3A_322 to %scan3A_324 step %scan3A_325  : i32 {
      %dma_start3A_341 = arith.constant 0 : i32
      %dma_start3A_342 = tpu.memref_slice %arg29[%scan3A_340, %dma_start3A_341] : memref<125x80xi32, #tpu.memory_space<vmem>> -> memref<1x80xi32, #tpu.memory_space<vmem>>
      %dma_start3A_343 = tpu.memref_squeeze %dma_start3A_342 : memref<1x80xi32, #tpu.memory_space<vmem>> -> memref<80xi32, #tpu.memory_space<vmem>>
      %dma_start3A_344 = arith.constant 0 : i32
      %dma_start3A_345 = arith.constant 0 : i32
      %dma_start3A_346 = tpu.memref_slice %arg16[%dma_start3A_344, %dma_start3A_345] : memref<10000x16xf32, #tpu.memory_space<hbm>> -> memref<10000x16xf32, #tpu.memory_space<hbm>>
      tpu.enqueue_indirect_dma source(%dma_start3A_346 : memref<10000x16xf32, #tpu.memory_space<hbm>>) target(%arg31 : memref<80x16xf32, #tpu.memory_space<vmem>>) offsets(%dma_start3A_343 : memref<80xi32, #tpu.memory_space<vmem>>) semaphore(%arg40 : memref<!tpu.dma_semaphore, #tpu.memory_space<semaphore_mem>>)
      %dma_start3A_347 = arith.constant 0 : i32
      %dma_start3A_348 = tpu.memref_slice %arg30[%scan3A_340, %dma_start3A_347] : memref<125x80xi32, #tpu.memory_space<vmem>> -> memref<1x80xi32, #tpu.memory_space<vmem>>
      %dma_start3A_349 = tpu.memref_squeeze %dma_start3A_348 : memref<1x80xi32, #tpu.memory_space<vmem>> -> memref<80xi32, #tpu.memory_space<vmem>>
      %dma_start3A_350 = arith.constant 0 : i32
      %dma_start3A_351 = arith.constant 0 : i32
      %dma_start3A_352 = tpu.memref_slice %arg17[%dma_start3A_350, %dma_start3A_351] : memref<10000x16xf32, #tpu.memory_space<hbm>> -> memref<10000x16xf32, #tpu.memory_space<hbm>>
      tpu.enqueue_indirect_dma source(%dma_start3A_352 : memref<10000x16xf32, #tpu.memory_space<hbm>>) target(%arg32 : memref<80x16xf32, #tpu.memory_space<vmem>>) offsets(%dma_start3A_349 : memref<80xi32, #tpu.memory_space<vmem>>) semaphore(%arg40 : memref<!tpu.dma_semaphore, #tpu.memory_space<semaphore_mem>>)
      %dma_start3A_353 = arith.constant 0 : i32
      %dma_start3A_354 = tpu.memref_slice %arg29[%scan3A_340, %dma_start3A_353] : memref<125x80xi32, #tpu.memory_space<vmem>> -> memref<1x80xi32, #tpu.memory_space<vmem>>
      %dma_start3A_355 = tpu.memref_squeeze %dma_start3A_354 : memref<1x80xi32, #tpu.memory_space<vmem>> -> memref<80xi32, #tpu.memory_space<vmem>>
      %dma_start3A_356 = arith.constant 0 : i32
      %dma_start3A_357 = arith.constant 0 : i32
      %dma_start3A_358 = tpu.memref_slice %arg15[%dma_start3A_356, %dma_start3A_357] : memref<10000x64xf32, #tpu.memory_space<hbm>> -> memref<10000x64xf32, #tpu.memory_space<hbm>>
      tpu.enqueue_indirect_dma source(%dma_start3A_358 : memref<10000x64xf32, #tpu.memory_space<hbm>>) target(%arg34 : memref<80x64xf32, #tpu.memory_space<vmem>>) offsets(%dma_start3A_355 : memref<80xi32, #tpu.memory_space<vmem>>) semaphore(%arg40 : memref<!tpu.dma_semaphore, #tpu.memory_space<semaphore_mem>>)
      %dma_wait3A_359 = arith.constant 0 : i32
      %dma_wait3A_360 = tpu.memref_slice %arg29[%scan3A_340, %dma_wait3A_359] : memref<125x80xi32, #tpu.memory_space<vmem>> -> memref<1x80xi32, #tpu.memory_space<vmem>>
      %dma_wait3A_361 = tpu.memref_squeeze %dma_wait3A_360 : memref<1x80xi32, #tpu.memory_space<vmem>> -> memref<80xi32, #tpu.memory_space<vmem>>
      %dma_wait3A_362 = arith.constant 0 : i32
      %dma_wait3A_363 = arith.constant 0 : i32
      %dma_wait3A_364 = tpu.memref_slice %arg16[%dma_wait3A_362, %dma_wait3A_363] : memref<10000x16xf32, #tpu.memory_space<hbm>> -> memref<10000x16xf32, #tpu.memory_space<hbm>>
      tpu.wait_indirect_dma semaphore(%arg40 : memref<!tpu.dma_semaphore, #tpu.memory_space<semaphore_mem>>) src(%dma_wait3A_364 : memref<10000x16xf32, #tpu.memory_space<hbm>>) dst(%arg31 : memref<80x16xf32, #tpu.memory_space<vmem>>)
      %dma_wait3A_365 = arith.constant 0 : i32
      %dma_wait3A_366 = tpu.memref_slice %arg30[%scan3A_340, %dma_wait3A_365] : memref<125x80xi32, #tpu.memory_space<vmem>> -> memref<1x80xi32, #tpu.memory_space<vmem>>
      %dma_wait3A_367 = tpu.memref_squeeze %dma_wait3A_366 : memref<1x80xi32, #tpu.memory_space<vmem>> -> memref<80xi32, #tpu.memory_space<vmem>>
      %dma_wait3A_368 = arith.constant 0 : i32
      %dma_wait3A_369 = arith.constant 0 : i32
      %dma_wait3A_370 = tpu.memref_slice %arg17[%dma_wait3A_368, %dma_wait3A_369] : memref<10000x16xf32, #tpu.memory_space<hbm>> -> memref<10000x16xf32, #tpu.memory_space<hbm>>
      tpu.wait_indirect_dma semaphore(%arg40 : memref<!tpu.dma_semaphore, #tpu.memory_space<semaphore_mem>>) src(%dma_wait3A_370 : memref<10000x16xf32, #tpu.memory_space<hbm>>) dst(%arg32 : memref<80x16xf32, #tpu.memory_space<vmem>>)
      %scan3A_371 = arith.constant 0 : i32
      %scan3A_372 = arith.constant 0 : i32
      %scan3A_373 = arith.constant 80 : i32
      %scan3A_374 = arith.addi %scan3A_372, %scan3A_373 : i32
      %scan3A_375 = arith.constant 1 : i32
      scf.for %scan3A_401 = %scan3A_372 to %scan3A_374 step %scan3A_375  : i32 {
        %get3A = arith.index_cast %scan3A_401 : i32 to index
        %get3A_402 = arith.constant 0 : index
        %get3A_403 = tpu.vector_load %arg31[%get3A, %get3A_402] {strides = array<i32>} : memref<80x16xf32, #tpu.memory_space<vmem>>, vector<1x16xf32>,
        %get3A_404 = vector.shape_cast %get3A_403 : vector<1x16xf32> to vector<16xf32>
        %get3A_405 = arith.index_cast %scan3A_401 : i32 to index
        %get3A_406 = arith.constant 0 : index
        %get3A_407 = tpu.vector_load %arg32[%get3A_405, %get3A_406] {strides = array<i32>} : memref<80x16xf32, #tpu.memory_space<vmem>>, vector<1x16xf32>,
        %get3A_408 = vector.shape_cast %get3A_407 : vector<1x16xf32> to vector<16xf32>
        %add3A_409 = arith.addf %get3A_404, %get3A_408 : vector<16xf32>
        %mul3A_410 = arith.constant 2.000000e-01 : f32
        %mul3A_411 = vector.broadcast %mul3A_410 : f32 to vector<16xf32>
        %mul3A_412 = arith.mulf %mul3A_411, %add3A_409 : vector<16xf32>
        %max3A = arith.maximumf %add3A_409, %mul3A_412 : vector<16xf32>
        %exp3A = math.exp %max3A : vector<16xf32>
        %swap3A = arith.index_cast %scan3A_401 : i32 to index
        %swap3A_413 = arith.constant 0 : index
        %swap3A_414 = tpu.vector_load %arg33[%swap3A, %swap3A_413] {strides = array<i32>} : memref<80x16xf32, #tpu.memory_space<vmem>>, vector<1x16xf32>,
        %swap3A_415 = vector.shape_cast %swap3A_414 : vector<1x16xf32> to vector<16xf32>
        %swap3A_416 = vector.shape_cast %exp3A : vector<16xf32> to vector<1x16xf32>
        tpu.vector_store %arg33[%swap3A, %swap3A_413], %swap3A_416 {strides = array<i32>} : memref<80x16xf32, #tpu.memory_space<vmem>>, vector<1x16xf32>,
      }
      %scan3A_376 = arith.constant 80 : i32
      %dma_wait3A_377 = arith.constant 0 : i32
      %dma_wait3A_378 = tpu.memref_slice %arg29[%scan3A_340, %dma_wait3A_377] : memref<125x80xi32, #tpu.memory_space<vmem>> -> memref<1x80xi32, #tpu.memory_space<vmem>>
      %dma_wait3A_379 = tpu.memref_squeeze %dma_wait3A_378 : memref<1x80xi32, #tpu.memory_space<vmem>> -> memref<80xi32, #tpu.memory_space<vmem>>
      %dma_wait3A_380 = arith.constant 0 : i32
      %dma_wait3A_381 = arith.constant 0 : i32
      %dma_wait3A_382 = tpu.memref_slice %arg15[%dma_wait3A_380, %dma_wait3A_381] : memref<10000x64xf32, #tpu.memory_space<hbm>> -> memref<10000x64xf32, #tpu.memory_space<hbm>>
      tpu.wait_indirect_dma semaphore(%arg40 : memref<!tpu.dma_semaphore, #tpu.memory_space<semaphore_mem>>) src(%dma_wait3A_382 : memref<10000x64xf32, #tpu.memory_space<hbm>>) dst(%arg34 : memref<80x64xf32, #tpu.memory_space<vmem>>)
      %dma_wait3A_383 = arith.constant 0 : i32
      %dma_wait3A_384 = tpu.memref_slice %arg30[%scan3A_340, %dma_wait3A_383] : memref<125x80xi32, #tpu.memory_space<vmem>> -> memref<1x80xi32, #tpu.memory_space<vmem>>
      %dma_wait3A_385 = tpu.memref_squeeze %dma_wait3A_384 : memref<1x80xi32, #tpu.memory_space<vmem>> -> memref<80xi32, #tpu.memory_space<vmem>>
      %dma_wait3A_386 = arith.constant 0 : i32
      %dma_wait3A_387 = arith.constant 0 : i32
      %dma_wait3A_388 = tpu.memref_slice %arg38[%dma_wait3A_386, %dma_wait3A_387] : memref<10240x64xf32, #tpu.memory_space<vmem_shared>> -> memref<10240x64xf32, #tpu.memory_space<vmem_shared>>
      tpu.wait_indirect_dma semaphore(%arg41 : memref<!tpu.dma_semaphore, #tpu.memory_space<semaphore_mem>>) src(%arg35 : memref<80x64xf32, #tpu.memory_space<vmem>>) dst(%dma_wait3A_388 : memref<10240x64xf32, #tpu.memory_space<vmem_shared>>)
      %scan3A_389 = arith.constant 0 : i32
      %scan3A_390 = arith.constant 0 : i32
      %scan3A_391 = arith.constant 80 : i32
      %scan3A_392 = arith.addi %scan3A_390, %scan3A_391 : i32
      %scan3A_393 = arith.constant 1 : i32
      scf.for %scan3A_401 = %scan3A_390 to %scan3A_392 step %scan3A_393  : i32 {
        %get3A = arith.index_cast %scan3A_401 : i32 to index
        %get3A_402 = arith.constant 0 : index
        %get3A_403 = tpu.vector_load %arg33[%get3A, %get3A_402] {strides = array<i32>} : memref<80x16xf32, #tpu.memory_space<vmem>>, vector<1x16xf32>,
        %get3A_404 = vector.shape_cast %get3A_403 : vector<1x16xf32> to vector<16xf32>
        %get3A_405 = arith.index_cast %scan3A_401 : i32 to index
        %get3A_406 = arith.constant 0 : index
        %get3A_407 = tpu.vector_load %arg34[%get3A_405, %get3A_406] {strides = array<i32>} : memref<80x64xf32, #tpu.memory_space<vmem>>, vector<1x16xf32>,
        %get3A_408 = vector.shape_cast %get3A_407 : vector<1x16xf32> to vector<16xf32>
        %slice3A = vector.extract_strided_slice %get3A_404 {offsets = [4], sizes = [1], strides = [1]} : vector<16xf32> to vector<1xf32>
        %squeeze3A = vector.extract %slice3A[0] : f32 from vector<1xf32>
        %mul3A_409 = vector.broadcast %squeeze3A : f32 to vector<16xf32>
        %mul3A_410 = arith.mulf %get3A_408, %mul3A_409 : vector<16xf32>
        %swap3A = arith.index_cast %scan3A_401 : i32 to index
        %swap3A_411 = arith.constant 0 : index
        %swap3A_412 = tpu.vector_load %arg35[%swap3A, %swap3A_411] {strides = array<i32>} : memref<80x64xf32, #tpu.memory_space<vmem>>, vector<1x16xf32>,
        %swap3A_413 = vector.shape_cast %swap3A_412 : vector<1x16xf32> to vector<16xf32>
        %swap3A_414 = vector.shape_cast %mul3A_410 : vector<16xf32> to vector<1x16xf32>
        tpu.vector_store %arg35[%swap3A, %swap3A_411], %swap3A_414 {strides = array<i32>} : memref<80x64xf32, #tpu.memory_space<vmem>>, vector<1x16xf32>,
        %get3A_415 = arith.index_cast %scan3A_401 : i32 to index
        %get3A_416 = arith.constant 16 : index
        %get3A_417 = tpu.vector_load %arg34[%get3A_415, %get3A_416] {strides = array<i32>} : memref<80x64xf32, #tpu.memory_space<vmem>>, vector<1x16xf32>,
        %get3A_418 = vector.shape_cast %get3A_417 : vector<1x16xf32> to vector<16xf32>
        %slice3A_419 = vector.extract_strided_slice %get3A_404 {offsets = [5], sizes = [1], strides = [1]} : vector<16xf32> to vector<1xf32>
        %squeeze3A_420 = vector.extract %slice3A_419[0] : f32 from vector<1xf32>
        %mul3A_421 = vector.broadcast %squeeze3A_420 : f32 to vector<16xf32>
        %mul3A_422 = arith.mulf %get3A_418, %mul3A_421 : vector<16xf32>
        %swap3A_423 = arith.index_cast %scan3A_401 : i32 to index
        %swap3A_424 = arith.constant 16 : index
        %swap3A_425 = tpu.vector_load %arg35[%swap3A_423, %swap3A_424] {strides = array<i32>} : memref<80x64xf32, #tpu.memory_space<vmem>>, vector<1x16xf32>,
        %swap3A_426 = vector.shape_cast %swap3A_425 : vector<1x16xf32> to vector<16xf32>
        %swap3A_427 = vector.shape_cast %mul3A_422 : vector<16xf32> to vector<1x16xf32>
        tpu.vector_store %arg35[%swap3A_423, %swap3A_424], %swap3A_427 {strides = array<i32>} : memref<80x64xf32, #tpu.memory_space<vmem>>, vector<1x16xf32>,
        %get3A_428 = arith.index_cast %scan3A_401 : i32 to index
        %get3A_429 = arith.constant 32 : index
        %get3A_430 = tpu.vector_load %arg34[%get3A_428, %get3A_429] {strides = array<i32>} : memref<80x64xf32, #tpu.memory_space<vmem>>, vector<1x16xf32>,
        %get3A_431 = vector.shape_cast %get3A_430 : vector<1x16xf32> to vector<16xf32>
        %slice3A_432 = vector.extract_strided_slice %get3A_404 {offsets = [6], sizes = [1], strides = [1]} : vector<16xf32> to vector<1xf32>
        %squeeze3A_433 = vector.extract %slice3A_432[0] : f32 from vector<1xf32>
        %mul3A_434 = vector.broadcast %squeeze3A_433 : f32 to vector<16xf32>
        %mul3A_435 = arith.mulf %get3A_431, %mul3A_434 : vector<16xf32>
        %swap3A_436 = arith.index_cast %scan3A_401 : i32 to index
        %swap3A_437 = arith.constant 32 : index
        %swap3A_438 = tpu.vector_load %arg35[%swap3A_436, %swap3A_437] {strides = array<i32>} : memref<80x64xf32, #tpu.memory_space<vmem>>, vector<1x16xf32>,
        %swap3A_439 = vector.shape_cast %swap3A_438 : vector<1x16xf32> to vector<16xf32>
        %swap3A_440 = vector.shape_cast %mul3A_435 : vector<16xf32> to vector<1x16xf32>
        tpu.vector_store %arg35[%swap3A_436, %swap3A_437], %swap3A_440 {strides = array<i32>} : memref<80x64xf32, #tpu.memory_space<vmem>>, vector<1x16xf32>,
        %get3A_441 = arith.index_cast %scan3A_401 : i32 to index
        %get3A_442 = arith.constant 48 : index
        %get3A_443 = tpu.vector_load %arg34[%get3A_441, %get3A_442] {strides = array<i32>} : memref<80x64xf32, #tpu.memory_space<vmem>>, vector<1x16xf32>,
        %get3A_444 = vector.shape_cast %get3A_443 : vector<1x16xf32> to vector<16xf32>
        %slice3A_445 = vector.extract_strided_slice %get3A_404 {offsets = [7], sizes = [1], strides = [1]} : vector<16xf32> to vector<1xf32>
        %squeeze3A_446 = vector.extract %slice3A_445[0] : f32 from vector<1xf32>
        %mul3A_447 = vector.broadcast %squeeze3A_446 : f32 to vector<16xf32>
        %mul3A_448 = arith.mulf %get3A_444, %mul3A_447 : vector<16xf32>
        %swap3A_449 = arith.index_cast %scan3A_401 : i32 to index
        %swap3A_450 = arith.constant 48 : index
        %swap3A_451 = tpu.vector_load %arg35[%swap3A_449, %swap3A_450] {strides = array<i32>} : memref<80x64xf32, #tpu.memory_space<vmem>>, vector<1x16xf32>,
        %swap3A_452 = vector.shape_cast %swap3A_451 : vector<1x16xf32> to vector<16xf32>
        %swap3A_453 = vector.shape_cast %mul3A_448 : vector<16xf32> to vector<1x16xf32>
        tpu.vector_store %arg35[%swap3A_449, %swap3A_450], %swap3A_453 {strides = array<i32>} : memref<80x64xf32, #tpu.memory_space<vmem>>, vector<1x16xf32>,
      }
      %scan3A_394 = arith.constant 80 : i32
      %dma_start3A_395 = arith.constant 0 : i32
      %dma_start3A_396 = tpu.memref_slice %arg30[%scan3A_340, %dma_start3A_395] : memref<125x80xi32, #tpu.memory_space<vmem>> -> memref<1x80xi32, #tpu.memory_space<vmem>>
      %dma_start3A_397 = tpu.memref_squeeze %dma_start3A_396 : memref<1x80xi32, #tpu.memory_space<vmem>> -> memref<80xi32, #tpu.memory_space<vmem>>
      %dma_start3A_398 = arith.constant 0 : i32
      %dma_start3A_399 = arith.constant 0 : i32
      %dma_start3A_400 = tpu.memref_slice %arg38[%dma_start3A_398, %dma_start3A_399] : memref<10240x64xf32, #tpu.memory_space<vmem_shared>> -> memref<10240x64xf32, #tpu.memory_space<vmem_shared>>
      tpu.enqueue_indirect_dma source(%arg35 : memref<80x64xf32, #tpu.memory_space<vmem>>) target(%dma_start3A_400 : memref<10240x64xf32, #tpu.memory_space<vmem_shared>>) offsets(%dma_start3A_397 : memref<80xi32, #tpu.memory_space<vmem>>) semaphore(%arg41 : memref<!tpu.dma_semaphore, #tpu.memory_space<semaphore_mem>>) {add = true}
    }
    %scan3A_326 = arith.constant 125 : i32
    %dma_wait3A_327 = arith.constant 0 : i32
    %dma_wait3A_328 = arith.constant 0 : i32
    %dma_wait3A_329 = tpu.memref_slice %arg30[%dma_wait3A_327, %dma_wait3A_328] : memref<125x80xi32, #tpu.memory_space<vmem>> -> memref<1x80xi32, #tpu.memory_space<vmem>>
    %dma_wait3A_330 = tpu.memref_squeeze %dma_wait3A_329 : memref<1x80xi32, #tpu.memory_space<vmem>> -> memref<80xi32, #tpu.memory_space<vmem>>
    %dma_wait3A_331 = arith.constant 0 : i32
    %dma_wait3A_332 = arith.constant 0 : i32
    %dma_wait3A_333 = tpu.memref_slice %arg38[%dma_wait3A_331, %dma_wait3A_332] : memref<10240x64xf32, #tpu.memory_space<vmem_shared>> -> memref<10240x64xf32, #tpu.memory_space<vmem_shared>>
    tpu.wait_indirect_dma semaphore(%arg41 : memref<!tpu.dma_semaphore, #tpu.memory_space<semaphore_mem>>) src(%arg35 : memref<80x64xf32, #tpu.memory_space<vmem>>) dst(%dma_wait3A_333 : memref<10240x64xf32, #tpu.memory_space<vmem_shared>>)
    %barrier3A_334 = arith.constant 0 : index
    tpu.barrier barrier_id(%barrier3A_334)
    %mul3A_335 = arith.constant 640 : i32
    %mul3A_336 = arith.muli %arg1, %mul3A_335 : i32
    %mul3A_337 = arith.constant 640 : i32
    %mul3A_338 = arith.muli %arg1, %mul3A_337 : i32
    "tpu.region"() ({
      %run_scoped3A = tpu.sem_alloc : memref<!tpu.dma_semaphore, #tpu.memory_space<semaphore_mem>>
      %dma_start3A_340 = arith.constant 0 : i32
      %dma_start3A_341 = tpu.memref_slice %arg27[%arg0, %mul3A_338, %dma_start3A_340] : memref<2x10240x64xf32, #tpu.memory_space<hbm>> -> memref<1x640x64xf32, #tpu.memory_space<hbm>>
      %dma_start3A_342 = tpu.memref_squeeze %dma_start3A_341 : memref<1x640x64xf32, #tpu.memory_space<hbm>> -> memref<640x64xf32, #tpu.memory_space<hbm>>
      %dma_start3A_343 = arith.constant 0 : i32
      %dma_start3A_344 = tpu.memref_slice %arg38[%mul3A_336, %dma_start3A_343] : memref<10240x64xf32, #tpu.memory_space<vmem_shared>> -> memref<640x64xf32, #tpu.memory_space<vmem_shared>>
      tpu.enqueue_dma source(%dma_start3A_344 : memref<640x64xf32, #tpu.memory_space<vmem_shared>>) target(%dma_start3A_342 : memref<640x64xf32, #tpu.memory_space<hbm>>) target_semaphore(%run_scoped3A : memref<!tpu.dma_semaphore, #tpu.memory_space<semaphore_mem>>)
      %dma_wait3A_345 = arith.constant 0 : i32
      %dma_wait3A_346 = tpu.memref_slice %arg27[%arg0, %mul3A_338, %dma_wait3A_345] : memref<2x10240x64xf32, #tpu.memory_space<hbm>> -> memref<1x640x64xf32, #tpu.memory_space<hbm>>
      %dma_wait3A_347 = tpu.memref_squeeze %dma_wait3A_346 : memref<1x640x64xf32, #tpu.memory_space<hbm>> -> memref<640x64xf32, #tpu.memory_space<hbm>>
      %dma_wait3A_348 = arith.constant 0 : i32
      %dma_wait3A_349 = tpu.memref_slice %arg38[%mul3A_336, %dma_wait3A_348] : memref<10240x64xf32, #tpu.memory_space<vmem_shared>> -> memref<640x64xf32, #tpu.memory_space<vmem_shared>>
      tpu.wait_dma2 semaphore(%run_scoped3A : memref<!tpu.dma_semaphore, #tpu.memory_space<semaphore_mem>>) src(%dma_wait3A_349 : memref<640x64xf32, #tpu.memory_space<vmem_shared>>) dst(%dma_wait3A_347 : memref<640x64xf32, #tpu.memory_space<hbm>>)
      tpu.yield
    }) : () -> ()
    %barrier3A_339 = arith.constant 0 : index
    tpu.barrier barrier_id(%barrier3A_339)
    return
  }
}

module attributes {stable_mosaic.version = 14 : i64} {
  func.func @_pre_body(%arg0: i32, %arg1: memref<2000x128xf32, #tpu.memory_space<vmem>>, %arg2: memref<2000x128xf32, #tpu.memory_space<vmem>>, %arg3: memref<128x16xf32, #tpu.memory_space<vmem>>, %arg4: memref<1x16xf32, #tpu.memory_space<vmem>>, %arg5: memref<128x16xf32, #tpu.memory_space<vmem>>, %arg6: memref<1x16xf32, #tpu.memory_space<vmem>>, %arg7: memref<16x128xf32, #tpu.memory_space<vmem>>, %arg8: memref<16x16xf32, #tpu.memory_space<vmem>>, %arg9: memref<16x16xf32, #tpu.memory_space<vmem>>, %arg10: memref<16x128xf32, #tpu.memory_space<vmem>>, %arg11: memref<16x16xf32, #tpu.memory_space<vmem>>, %arg12: memref<16x16xf32, #tpu.memory_space<vmem>>, %arg13: memref<16x128xf32, #tpu.memory_space<vmem>>, %arg14: memref<16x16xf32, #tpu.memory_space<vmem>>, %arg15: memref<16x16xf32, #tpu.memory_space<vmem>>, %arg16: memref<2000x64xf32, #tpu.memory_space<vmem>>, %arg17: memref<2000x64xf32, #tpu.memory_space<vmem>>, %arg18: memref<2000x16xf32, #tpu.memory_space<vmem>>, %arg19: memref<2000x16xf32, #tpu.memory_space<vmem>>, %arg20: memref<2000x64xf32, #tpu.memory_space<vmem>>, %arg21: memref<2000x64xf32, #tpu.memory_space<vmem>>, %arg22: memref<2000x16xf32, #tpu.memory_space<vmem>>, %arg23: memref<2000x16xf32, #tpu.memory_space<vmem>>, %arg24: memref<2000x64xf32, #tpu.memory_space<vmem>>, %arg25: memref<2000x64xf32, #tpu.memory_space<vmem>>, %arg26: memref<2000x16xf32, #tpu.memory_space<vmem>>, %arg27: memref<2000x16xf32, #tpu.memory_space<vmem>>) attributes {dimension_semantics = [#tpu.dimension_semantics<arbitrary>], iteration_bounds = array<i64: 5>, scalar_prefetch = 0 : i64, scratch_operands = 0 : i64, tpu.core_type = #tpu.core_type<tc>, window_params = [{transform_indices = @transform_0, window_bounds = array<i64: 2000, 128>}, {transform_indices = @transform_1, window_bounds = array<i64: 2000, 128>}, {pipeline_mode = #tpu.pipeline_mode<synchronous>, transform_indices = @transform_2, window_bounds = array<i64: 128, 16>}, {pipeline_mode = #tpu.pipeline_mode<synchronous>, transform_indices = @transform_3, window_bounds = array<i64: 1, 16>}, {pipeline_mode = #tpu.pipeline_mode<synchronous>, transform_indices = @transform_4, window_bounds = array<i64: 128, 16>}, {pipeline_mode = #tpu.pipeline_mode<synchronous>, transform_indices = @transform_5, window_bounds = array<i64: 1, 16>}, {pipeline_mode = #tpu.pipeline_mode<synchronous>, transform_indices = @transform_6, window_bounds = array<i64: 16, 128>}, {pipeline_mode = #tpu.pipeline_mode<synchronous>, transform_indices = @transform_7, window_bounds = array<i64: 16, 16>}, {pipeline_mode = #tpu.pipeline_mode<synchronous>, transform_indices = @transform_8, window_bounds = array<i64: 16, 16>}, {pipeline_mode = #tpu.pipeline_mode<synchronous>, transform_indices = @transform_9, window_bounds = array<i64: 16, 128>}, {pipeline_mode = #tpu.pipeline_mode<synchronous>, transform_indices = @transform_10, window_bounds = array<i64: 16, 16>}, {pipeline_mode = #tpu.pipeline_mode<synchronous>, transform_indices = @transform_11, window_bounds = array<i64: 16, 16>}, {pipeline_mode = #tpu.pipeline_mode<synchronous>, transform_indices = @transform_12, window_bounds = array<i64: 16, 128>}, {pipeline_mode = #tpu.pipeline_mode<synchronous>, transform_indices = @transform_13, window_bounds = array<i64: 16, 16>}, {pipeline_mode = #tpu.pipeline_mode<synchronous>, transform_indices = @transform_14, window_bounds = array<i64: 16, 16>}, {transform_indices = @transform_15, window_bounds = array<i64: 2000, 64>}, {transform_indices = @transform_16, window_bounds = array<i64: 2000, 64>}, {transform_indices = @transform_17, window_bounds = array<i64: 2000, 16>}, {transform_indices = @transform_18, window_bounds = array<i64: 2000, 16>}, {transform_indices = @transform_19, window_bounds = array<i64: 2000, 64>}, {transform_indices = @transform_20, window_bounds = array<i64: 2000, 64>}, {transform_indices = @transform_21, window_bounds = array<i64: 2000, 16>}, {transform_indices = @transform_22, window_bounds = array<i64: 2000, 16>}, {transform_indices = @transform_23, window_bounds = array<i64: 2000, 64>}, {transform_indices = @transform_24, window_bounds = array<i64: 2000, 64>}, {transform_indices = @transform_25, window_bounds = array<i64: 2000, 16>}, {transform_indices = @transform_26, window_bounds = array<i64: 2000, 16>}]} {
    %get3A = arith.constant 0 : index
    %get3A_0 = arith.constant 0 : index
    %get3A_1 = vector.load %arg1[%get3A, %get3A_0] : memref<2000x128xf32, #tpu.memory_space<vmem>>, vector<2000x128xf32>
    %get3A_2 = arith.constant 0 : index
    %get3A_3 = arith.constant 0 : index
    %get3A_4 = vector.load %arg3[%get3A_2, %get3A_3] : memref<128x16xf32, #tpu.memory_space<vmem>>, vector<128x16xf32>
    %dot_general3A = arith.constant dense<0.000000e+00> : vector<2000x16xf32>
    %dot_general3A_5 = tpu.matmul %get3A_1, %get3A_4, %dot_general3A {dimension_numbers = #tpu.dot_dimension_numbers<[1], [0], [0], [1], [0, 0, 1, 1], [], []>, transpose_lhs_hint = false} : vector<2000x128xf32>, vector<128x16xf32>, vector<2000x16xf32> -> vector<2000x16xf32>
    %get3A_6 = arith.constant 0 : index
    %get3A_7 = arith.constant 0 : index
    %get3A_8 = vector.load %arg4[%get3A_6, %get3A_7] : memref<1x16xf32, #tpu.memory_space<vmem>>, vector<1x16xf32>
    %get3A_9 = vector.shape_cast %get3A_8 : vector<1x16xf32> to vector<16xf32>
    %broadcast_in_dim3A = vector.shape_cast %get3A_9 : vector<16xf32> to vector<1x16xf32>
    %add3A = vector.broadcast %broadcast_in_dim3A : vector<1x16xf32> to vector<2000x16xf32>
    %add3A_10 = arith.addf %dot_general3A_5, %add3A : vector<2000x16xf32>
    %get3A_11 = arith.constant 0 : index
    %get3A_12 = arith.constant 0 : index
    %get3A_13 = vector.load %arg2[%get3A_11, %get3A_12] : memref<2000x128xf32, #tpu.memory_space<vmem>>, vector<2000x128xf32>
    %get3A_14 = arith.constant 0 : index
    %get3A_15 = arith.constant 0 : index
    %get3A_16 = vector.load %arg5[%get3A_14, %get3A_15] : memref<128x16xf32, #tpu.memory_space<vmem>>, vector<128x16xf32>
    %dot_general3A_17 = arith.constant dense<0.000000e+00> : vector<2000x16xf32>
    %dot_general3A_18 = tpu.matmul %get3A_13, %get3A_16, %dot_general3A_17 {dimension_numbers = #tpu.dot_dimension_numbers<[1], [0], [0], [1], [0, 0, 1, 1], [], []>, transpose_lhs_hint = false} : vector<2000x128xf32>, vector<128x16xf32>, vector<2000x16xf32> -> vector<2000x16xf32>
    %get3A_19 = arith.constant 0 : index
    %get3A_20 = arith.constant 0 : index
    %get3A_21 = vector.load %arg6[%get3A_19, %get3A_20] : memref<1x16xf32, #tpu.memory_space<vmem>>, vector<1x16xf32>
    %get3A_22 = vector.shape_cast %get3A_21 : vector<1x16xf32> to vector<16xf32>
    %broadcast_in_dim3A_23 = vector.shape_cast %get3A_22 : vector<16xf32> to vector<1x16xf32>
    %add3A_24 = vector.broadcast %broadcast_in_dim3A_23 : vector<1x16xf32> to vector<2000x16xf32>
    %add3A_25 = arith.addf %dot_general3A_18, %add3A_24 : vector<2000x16xf32>
    %get3A_26 = arith.constant 0 : index
    %get3A_27 = arith.constant 0 : index
    %get3A_28 = vector.load %arg7[%get3A_26, %get3A_27] : memref<16x128xf32, #tpu.memory_space<vmem>>, vector<16x128xf32>
    %dot_general3A_29 = arith.constant dense<0.000000e+00> : vector<2000x128xf32>
    %dot_general3A_30 = tpu.matmul %add3A_10, %get3A_28, %dot_general3A_29 {dimension_numbers = #tpu.dot_dimension_numbers<[1], [0], [0], [1], [0, 0, 1, 1], [], []>, transpose_lhs_hint = false} : vector<2000x16xf32>, vector<16x128xf32>, vector<2000x128xf32> -> vector<2000x128xf32>
    %slice3A = vector.extract_strided_slice %dot_general3A_30 {offsets = [0, 0], sizes = [2000, 64], strides = [1, 1]} : vector<2000x128xf32> to vector<2000x64xf32>
    %swap3A = arith.constant 0 : index
    %swap3A_31 = arith.constant 0 : index
    %swap3A_32 = vector.load %arg16[%swap3A, %swap3A_31] : memref<2000x64xf32, #tpu.memory_space<vmem>>, vector<2000x64xf32>
    tpu.vector_store %arg16[%swap3A, %swap3A_31], %slice3A {strides = array<i32>} : memref<2000x64xf32, #tpu.memory_space<vmem>>, vector<2000x64xf32>,
    %slice3A_33 = vector.extract_strided_slice %dot_general3A_30 {offsets = [0, 64], sizes = [2000, 64], strides = [1, 1]} : vector<2000x128xf32> to vector<2000x64xf32>
    %swap3A_34 = arith.constant 0 : index
    %swap3A_35 = arith.constant 0 : index
    %swap3A_36 = vector.load %arg17[%swap3A_34, %swap3A_35] : memref<2000x64xf32, #tpu.memory_space<vmem>>, vector<2000x64xf32>
    tpu.vector_store %arg17[%swap3A_34, %swap3A_35], %slice3A_33 {strides = array<i32>} : memref<2000x64xf32, #tpu.memory_space<vmem>>, vector<2000x64xf32>,
    %get3A_37 = arith.constant 0 : index
    %get3A_38 = arith.constant 0 : index
    %get3A_39 = vector.load %arg8[%get3A_37, %get3A_38] : memref<16x16xf32, #tpu.memory_space<vmem>>, vector<16x16xf32>
    %dot_general3A_40 = arith.constant dense<0.000000e+00> : vector<2000x16xf32>
    %dot_general3A_41 = tpu.matmul %add3A_10, %get3A_39, %dot_general3A_40 {dimension_numbers = #tpu.dot_dimension_numbers<[1], [0], [0], [1], [0, 0, 1, 1], [], []>, transpose_lhs_hint = false} : vector<2000x16xf32>, vector<16x16xf32>, vector<2000x16xf32> -> vector<2000x16xf32>
    %swap3A_42 = arith.constant 0 : index
    %swap3A_43 = arith.constant 0 : index
    %swap3A_44 = vector.load %arg18[%swap3A_42, %swap3A_43] : memref<2000x16xf32, #tpu.memory_space<vmem>>, vector<2000x16xf32>
    tpu.vector_store %arg18[%swap3A_42, %swap3A_43], %dot_general3A_41 {strides = array<i32>} : memref<2000x16xf32, #tpu.memory_space<vmem>>, vector<2000x16xf32>,
    %get3A_45 = arith.constant 0 : index
    %get3A_46 = arith.constant 0 : index
    %get3A_47 = vector.load %arg9[%get3A_45, %get3A_46] : memref<16x16xf32, #tpu.memory_space<vmem>>, vector<16x16xf32>
    %dot_general3A_48 = arith.constant dense<0.000000e+00> : vector<2000x16xf32>
    %dot_general3A_49 = tpu.matmul %add3A_25, %get3A_47, %dot_general3A_48 {dimension_numbers = #tpu.dot_dimension_numbers<[1], [0], [0], [1], [0, 0, 1, 1], [], []>, transpose_lhs_hint = false} : vector<2000x16xf32>, vector<16x16xf32>, vector<2000x16xf32> -> vector<2000x16xf32>
    %swap3A_50 = arith.constant 0 : index
    %swap3A_51 = arith.constant 0 : index
    %swap3A_52 = vector.load %arg19[%swap3A_50, %swap3A_51] : memref<2000x16xf32, #tpu.memory_space<vmem>>, vector<2000x16xf32>
    tpu.vector_store %arg19[%swap3A_50, %swap3A_51], %dot_general3A_49 {strides = array<i32>} : memref<2000x16xf32, #tpu.memory_space<vmem>>, vector<2000x16xf32>,
    %get3A_53 = arith.constant 0 : index
    %get3A_54 = arith.constant 0 : index
    %get3A_55 = vector.load %arg10[%get3A_53, %get3A_54] : memref<16x128xf32, #tpu.memory_space<vmem>>, vector<16x128xf32>
    %dot_general3A_56 = arith.constant dense<0.000000e+00> : vector<2000x128xf32>
    %dot_general3A_57 = tpu.matmul %add3A_25, %get3A_55, %dot_general3A_56 {dimension_numbers = #tpu.dot_dimension_numbers<[1], [0], [0], [1], [0, 0, 1, 1], [], []>, transpose_lhs_hint = false} : vector<2000x16xf32>, vector<16x128xf32>, vector<2000x128xf32> -> vector<2000x128xf32>
    %slice3A_58 = vector.extract_strided_slice %dot_general3A_57 {offsets = [0, 0], sizes = [2000, 64], strides = [1, 1]} : vector<2000x128xf32> to vector<2000x64xf32>
    %swap3A_59 = arith.constant 0 : index
    %swap3A_60 = arith.constant 0 : index
    %swap3A_61 = vector.load %arg20[%swap3A_59, %swap3A_60] : memref<2000x64xf32, #tpu.memory_space<vmem>>, vector<2000x64xf32>
    tpu.vector_store %arg20[%swap3A_59, %swap3A_60], %slice3A_58 {strides = array<i32>} : memref<2000x64xf32, #tpu.memory_space<vmem>>, vector<2000x64xf32>,
    %slice3A_62 = vector.extract_strided_slice %dot_general3A_57 {offsets = [0, 64], sizes = [2000, 64], strides = [1, 1]} : vector<2000x128xf32> to vector<2000x64xf32>
    %swap3A_63 = arith.constant 0 : index
    %swap3A_64 = arith.constant 0 : index
    %swap3A_65 = vector.load %arg21[%swap3A_63, %swap3A_64] : memref<2000x64xf32, #tpu.memory_space<vmem>>, vector<2000x64xf32>
    tpu.vector_store %arg21[%swap3A_63, %swap3A_64], %slice3A_62 {strides = array<i32>} : memref<2000x64xf32, #tpu.memory_space<vmem>>, vector<2000x64xf32>,
    %get3A_66 = arith.constant 0 : index
    %get3A_67 = arith.constant 0 : index
    %get3A_68 = vector.load %arg11[%get3A_66, %get3A_67] : memref<16x16xf32, #tpu.memory_space<vmem>>, vector<16x16xf32>
    %dot_general3A_69 = arith.constant dense<0.000000e+00> : vector<2000x16xf32>
    %dot_general3A_70 = tpu.matmul %add3A_25, %get3A_68, %dot_general3A_69 {dimension_numbers = #tpu.dot_dimension_numbers<[1], [0], [0], [1], [0, 0, 1, 1], [], []>, transpose_lhs_hint = false} : vector<2000x16xf32>, vector<16x16xf32>, vector<2000x16xf32> -> vector<2000x16xf32>
    %swap3A_71 = arith.constant 0 : index
    %swap3A_72 = arith.constant 0 : index
    %swap3A_73 = vector.load %arg22[%swap3A_71, %swap3A_72] : memref<2000x16xf32, #tpu.memory_space<vmem>>, vector<2000x16xf32>
    tpu.vector_store %arg22[%swap3A_71, %swap3A_72], %dot_general3A_70 {strides = array<i32>} : memref<2000x16xf32, #tpu.memory_space<vmem>>, vector<2000x16xf32>,
    %get3A_74 = arith.constant 0 : index
    %get3A_75 = arith.constant 0 : index
    %get3A_76 = vector.load %arg12[%get3A_74, %get3A_75] : memref<16x16xf32, #tpu.memory_space<vmem>>, vector<16x16xf32>
    %dot_general3A_77 = arith.constant dense<0.000000e+00> : vector<2000x16xf32>
    %dot_general3A_78 = tpu.matmul %add3A_10, %get3A_76, %dot_general3A_77 {dimension_numbers = #tpu.dot_dimension_numbers<[1], [0], [0], [1], [0, 0, 1, 1], [], []>, transpose_lhs_hint = false} : vector<2000x16xf32>, vector<16x16xf32>, vector<2000x16xf32> -> vector<2000x16xf32>
    %swap3A_79 = arith.constant 0 : index
    %swap3A_80 = arith.constant 0 : index
    %swap3A_81 = vector.load %arg23[%swap3A_79, %swap3A_80] : memref<2000x16xf32, #tpu.memory_space<vmem>>, vector<2000x16xf32>
    tpu.vector_store %arg23[%swap3A_79, %swap3A_80], %dot_general3A_78 {strides = array<i32>} : memref<2000x16xf32, #tpu.memory_space<vmem>>, vector<2000x16xf32>,
    %get3A_82 = arith.constant 0 : index
    %get3A_83 = arith.constant 0 : index
    %get3A_84 = vector.load %arg13[%get3A_82, %get3A_83] : memref<16x128xf32, #tpu.memory_space<vmem>>, vector<16x128xf32>
    %dot_general3A_85 = arith.constant dense<0.000000e+00> : vector<2000x128xf32>
    %dot_general3A_86 = tpu.matmul %add3A_25, %get3A_84, %dot_general3A_85 {dimension_numbers = #tpu.dot_dimension_numbers<[1], [0], [0], [1], [0, 0, 1, 1], [], []>, transpose_lhs_hint = false} : vector<2000x16xf32>, vector<16x128xf32>, vector<2000x128xf32> -> vector<2000x128xf32>
    %slice3A_87 = vector.extract_strided_slice %dot_general3A_86 {offsets = [0, 0], sizes = [2000, 64], strides = [1, 1]} : vector<2000x128xf32> to vector<2000x64xf32>
    %swap3A_88 = arith.constant 0 : index
    %swap3A_89 = arith.constant 0 : index
    %swap3A_90 = vector.load %arg24[%swap3A_88, %swap3A_89] : memref<2000x64xf32, #tpu.memory_space<vmem>>, vector<2000x64xf32>
    tpu.vector_store %arg24[%swap3A_88, %swap3A_89], %slice3A_87 {strides = array<i32>} : memref<2000x64xf32, #tpu.memory_space<vmem>>, vector<2000x64xf32>,
    %slice3A_91 = vector.extract_strided_slice %dot_general3A_86 {offsets = [0, 64], sizes = [2000, 64], strides = [1, 1]} : vector<2000x128xf32> to vector<2000x64xf32>
    %swap3A_92 = arith.constant 0 : index
    %swap3A_93 = arith.constant 0 : index
    %swap3A_94 = vector.load %arg25[%swap3A_92, %swap3A_93] : memref<2000x64xf32, #tpu.memory_space<vmem>>, vector<2000x64xf32>
    tpu.vector_store %arg25[%swap3A_92, %swap3A_93], %slice3A_91 {strides = array<i32>} : memref<2000x64xf32, #tpu.memory_space<vmem>>, vector<2000x64xf32>,
    %get3A_95 = arith.constant 0 : index
    %get3A_96 = arith.constant 0 : index
    %get3A_97 = vector.load %arg14[%get3A_95, %get3A_96] : memref<16x16xf32, #tpu.memory_space<vmem>>, vector<16x16xf32>
    %dot_general3A_98 = arith.constant dense<0.000000e+00> : vector<2000x16xf32>
    %dot_general3A_99 = tpu.matmul %add3A_25, %get3A_97, %dot_general3A_98 {dimension_numbers = #tpu.dot_dimension_numbers<[1], [0], [0], [1], [0, 0, 1, 1], [], []>, transpose_lhs_hint = false} : vector<2000x16xf32>, vector<16x16xf32>, vector<2000x16xf32> -> vector<2000x16xf32>
    %swap3A_100 = arith.constant 0 : index
    %swap3A_101 = arith.constant 0 : index
    %swap3A_102 = vector.load %arg26[%swap3A_100, %swap3A_101] : memref<2000x16xf32, #tpu.memory_space<vmem>>, vector<2000x16xf32>
    tpu.vector_store %arg26[%swap3A_100, %swap3A_101], %dot_general3A_99 {strides = array<i32>} : memref<2000x16xf32, #tpu.memory_space<vmem>>, vector<2000x16xf32>,
    %get3A_103 = arith.constant 0 : index
    %get3A_104 = arith.constant 0 : index
    %get3A_105 = vector.load %arg15[%get3A_103, %get3A_104] : memref<16x16xf32, #tpu.memory_space<vmem>>, vector<16x16xf32>
    %dot_general3A_106 = arith.constant dense<0.000000e+00> : vector<2000x16xf32>
    %dot_general3A_107 = tpu.matmul %add3A_25, %get3A_105, %dot_general3A_106 {dimension_numbers = #tpu.dot_dimension_numbers<[1], [0], [0], [1], [0, 0, 1, 1], [], []>, transpose_lhs_hint = false} : vector<2000x16xf32>, vector<16x16xf32>, vector<2000x16xf32> -> vector<2000x16xf32>
    %swap3A_108 = arith.constant 0 : index
    %swap3A_109 = arith.constant 0 : index
    %swap3A_110 = vector.load %arg27[%swap3A_108, %swap3A_109] : memref<2000x16xf32, #tpu.memory_space<vmem>>, vector<2000x16xf32>
    tpu.vector_store %arg27[%swap3A_108, %swap3A_109], %dot_general3A_107 {strides = array<i32>} : memref<2000x16xf32, #tpu.memory_space<vmem>>, vector<2000x16xf32>,
    return
  }
  func.func @transform_0(%arg0: i32) -> (i32, i32) {
    %c0_i32 = arith.constant 0 : i32
    %c0_i32_0 = arith.constant 0 : i32
    return %arg0, %c0_i32 : i32, i32
  }
  func.func @transform_1(%arg0: i32) -> (i32, i32) {
    %c0_i32 = arith.constant 0 : i32
    %c0_i32_0 = arith.constant 0 : i32
    return %arg0, %c0_i32 : i32, i32
  }
  func.func @transform_2(%arg0: i32) -> (i32, i32) {
    %c0_i32 = arith.constant 0 : i32
    %c0_i32_0 = arith.constant 0 : i32
    %c0_i32_1 = arith.constant 0 : i32
    return %c0_i32, %c0_i32_0 : i32, i32
  }
  func.func @transform_3(%arg0: i32) -> (i32, i32) {
    %c0_i32 = arith.constant 0 : i32
    %c0_i32_0 = arith.constant 0 : i32
    %c0_i32_1 = arith.constant 0 : i32
    return %c0_i32, %c0_i32_0 : i32, i32
  }
  func.func @transform_4(%arg0: i32) -> (i32, i32) {
    %c0_i32 = arith.constant 0 : i32
    %c0_i32_0 = arith.constant 0 : i32
    %c0_i32_1 = arith.constant 0 : i32
    return %c0_i32, %c0_i32_0 : i32, i32
  }
  func.func @transform_5(%arg0: i32) -> (i32, i32) {
    %c0_i32 = arith.constant 0 : i32
    %c0_i32_0 = arith.constant 0 : i32
    %c0_i32_1 = arith.constant 0 : i32
    return %c0_i32, %c0_i32_0 : i32, i32
  }
  func.func @transform_6(%arg0: i32) -> (i32, i32) {
    %c0_i32 = arith.constant 0 : i32
    %c0_i32_0 = arith.constant 0 : i32
    %c0_i32_1 = arith.constant 0 : i32
    return %c0_i32, %c0_i32_0 : i32, i32
  }
  func.func @transform_7(%arg0: i32) -> (i32, i32) {
    %c0_i32 = arith.constant 0 : i32
    %c0_i32_0 = arith.constant 0 : i32
    %c0_i32_1 = arith.constant 0 : i32
    return %c0_i32, %c0_i32_0 : i32, i32
  }
  func.func @transform_8(%arg0: i32) -> (i32, i32) {
    %c0_i32 = arith.constant 0 : i32
    %c0_i32_0 = arith.constant 0 : i32
    %c0_i32_1 = arith.constant 0 : i32
    return %c0_i32, %c0_i32_0 : i32, i32
  }
  func.func @transform_9(%arg0: i32) -> (i32, i32) {
    %c0_i32 = arith.constant 0 : i32
    %c0_i32_0 = arith.constant 0 : i32
    %c0_i32_1 = arith.constant 0 : i32
    return %c0_i32, %c0_i32_0 : i32, i32
  }
  func.func @transform_10(%arg0: i32) -> (i32, i32) {
    %c0_i32 = arith.constant 0 : i32
    %c0_i32_0 = arith.constant 0 : i32
    %c0_i32_1 = arith.constant 0 : i32
    return %c0_i32, %c0_i32_0 : i32, i32
  }
  func.func @transform_11(%arg0: i32) -> (i32, i32) {
    %c0_i32 = arith.constant 0 : i32
    %c0_i32_0 = arith.constant 0 : i32
    %c0_i32_1 = arith.constant 0 : i32
    return %c0_i32, %c0_i32_0 : i32, i32
  }
  func.func @transform_12(%arg0: i32) -> (i32, i32) {
    %c0_i32 = arith.constant 0 : i32
    %c0_i32_0 = arith.constant 0 : i32
    %c0_i32_1 = arith.constant 0 : i32
    return %c0_i32, %c0_i32_0 : i32, i32
  }
  func.func @transform_13(%arg0: i32) -> (i32, i32) {
    %c0_i32 = arith.constant 0 : i32
    %c0_i32_0 = arith.constant 0 : i32
    %c0_i32_1 = arith.constant 0 : i32
    return %c0_i32, %c0_i32_0 : i32, i32
  }
  func.func @transform_14(%arg0: i32) -> (i32, i32) {
    %c0_i32 = arith.constant 0 : i32
    %c0_i32_0 = arith.constant 0 : i32
    %c0_i32_1 = arith.constant 0 : i32
    return %c0_i32, %c0_i32_0 : i32, i32
  }
  func.func @transform_15(%arg0: i32) -> (i32, i32) {
    %c0_i32 = arith.constant 0 : i32
    %c0_i32_0 = arith.constant 0 : i32
    return %arg0, %c0_i32 : i32, i32
  }
  func.func @transform_16(%arg0: i32) -> (i32, i32) {
    %c0_i32 = arith.constant 0 : i32
    %c0_i32_0 = arith.constant 0 : i32
    return %arg0, %c0_i32 : i32, i32
  }
  func.func @transform_17(%arg0: i32) -> (i32, i32) {
    %c0_i32 = arith.constant 0 : i32
    %c0_i32_0 = arith.constant 0 : i32
    return %arg0, %c0_i32 : i32, i32
  }
  func.func @transform_18(%arg0: i32) -> (i32, i32) {
    %c0_i32 = arith.constant 0 : i32
    %c0_i32_0 = arith.constant 0 : i32
    return %arg0, %c0_i32 : i32, i32
  }
  func.func @transform_19(%arg0: i32) -> (i32, i32) {
    %c0_i32 = arith.constant 0 : i32
    %c0_i32_0 = arith.constant 0 : i32
    return %arg0, %c0_i32 : i32, i32
  }
  func.func @transform_20(%arg0: i32) -> (i32, i32) {
    %c0_i32 = arith.constant 0 : i32
    %c0_i32_0 = arith.constant 0 : i32
    return %arg0, %c0_i32 : i32, i32
  }
  func.func @transform_21(%arg0: i32) -> (i32, i32) {
    %c0_i32 = arith.constant 0 : i32
    %c0_i32_0 = arith.constant 0 : i32
    return %arg0, %c0_i32 : i32, i32
  }
  func.func @transform_22(%arg0: i32) -> (i32, i32) {
    %c0_i32 = arith.constant 0 : i32
    %c0_i32_0 = arith.constant 0 : i32
    return %arg0, %c0_i32 : i32, i32
  }
  func.func @transform_23(%arg0: i32) -> (i32, i32) {
    %c0_i32 = arith.constant 0 : i32
    %c0_i32_0 = arith.constant 0 : i32
    return %arg0, %c0_i32 : i32, i32
  }
  func.func @transform_24(%arg0: i32) -> (i32, i32) {
    %c0_i32 = arith.constant 0 : i32
    %c0_i32_0 = arith.constant 0 : i32
    return %arg0, %c0_i32 : i32, i32
  }
  func.func @transform_25(%arg0: i32) -> (i32, i32) {
    %c0_i32 = arith.constant 0 : i32
    %c0_i32_0 = arith.constant 0 : i32
    return %arg0, %c0_i32 : i32, i32
  }
  func.func @transform_26(%arg0: i32) -> (i32, i32) {
    %c0_i32 = arith.constant 0 : i32
    %c0_i32_0 = arith.constant 0 : i32
    return %arg0, %c0_i32 : i32, i32
  }
}

module attributes {stable_mosaic.version = 14 : i64} {
  func.func @_post_body(%arg0: i32, %arg1: memref<2x1280x64xf32, #tpu.memory_space<vmem>>, %arg2: memref<2x1280x64xf32, #tpu.memory_space<vmem>>, %arg3: memref<2x1280x16xf32, #tpu.memory_space<vmem>>, %arg4: memref<2x1280x64xf32, #tpu.memory_space<vmem>>, %arg5: memref<2x1280x64xf32, #tpu.memory_space<vmem>>, %arg6: memref<2x1280x16xf32, #tpu.memory_space<vmem>>, %arg7: memref<2x1280x64xf32, #tpu.memory_space<vmem>>, %arg8: memref<2x1280x64xf32, #tpu.memory_space<vmem>>, %arg9: memref<2x1280x16xf32, #tpu.memory_space<vmem>>, %arg10: memref<1x128xf32, #tpu.memory_space<vmem>>, %arg11: memref<1x128xf32, #tpu.memory_space<vmem>>, %arg12: memref<1x128xf32, #tpu.memory_space<vmem>>, %arg13: memref<128x128xf32, #tpu.memory_space<vmem>>, %arg14: memref<1x128xf32, #tpu.memory_space<vmem>>, %arg15: memref<1280x128xf32, #tpu.memory_space<vmem>>, %arg16: memref<1280x128xf32, #tpu.memory_space<vmem>>, %arg17: memref<1280x128xf32, #tpu.memory_space<vmem>>, %arg18: memref<2x128xf32, #tpu.memory_space<vmem>>) attributes {dimension_semantics = [#tpu.dimension_semantics<arbitrary>], iteration_bounds = array<i64: 8>, scalar_prefetch = 0 : i64, scratch_operands = 0 : i64, tpu.core_type = #tpu.core_type<tc>, window_params = [{transform_indices = @transform_0, window_bounds = array<i64: 2, 1280, 64>}, {transform_indices = @transform_1, window_bounds = array<i64: 2, 1280, 64>}, {transform_indices = @transform_2, window_bounds = array<i64: 2, 1280, 16>}, {transform_indices = @transform_3, window_bounds = array<i64: 2, 1280, 64>}, {transform_indices = @transform_4, window_bounds = array<i64: 2, 1280, 64>}, {transform_indices = @transform_5, window_bounds = array<i64: 2, 1280, 16>}, {transform_indices = @transform_6, window_bounds = array<i64: 2, 1280, 64>}, {transform_indices = @transform_7, window_bounds = array<i64: 2, 1280, 64>}, {transform_indices = @transform_8, window_bounds = array<i64: 2, 1280, 16>}, {pipeline_mode = #tpu.pipeline_mode<synchronous>, transform_indices = @transform_9, window_bounds = array<i64: 1, 128>}, {pipeline_mode = #tpu.pipeline_mode<synchronous>, transform_indices = @transform_10, window_bounds = array<i64: 1, 128>}, {pipeline_mode = #tpu.pipeline_mode<synchronous>, transform_indices = @transform_11, window_bounds = array<i64: 1, 128>}, {pipeline_mode = #tpu.pipeline_mode<synchronous>, transform_indices = @transform_12, window_bounds = array<i64: 128, 128>}, {pipeline_mode = #tpu.pipeline_mode<synchronous>, transform_indices = @transform_13, window_bounds = array<i64: 1, 128>}, {transform_indices = @transform_14, window_bounds = array<i64: 1280, 128>}, {transform_indices = @transform_15, window_bounds = array<i64: 1280, 128>}, {transform_indices = @transform_16, window_bounds = array<i64: 1280, 128>}, {pipeline_mode = #tpu.pipeline_mode<synchronous>, transform_indices = @transform_17, window_bounds = array<i64: 2, 128>}]} {
    %get3A = arith.constant 0 : index
    %get3A_0 = arith.constant 0 : index
    %get3A_1 = arith.constant 0 : index
    %get3A_2 = vector.load %arg4[%get3A, %get3A_0, %get3A_1] : memref<2x1280x64xf32, #tpu.memory_space<vmem>>, vector<1x1280x64xf32>
    %get3A_3 = vector.shape_cast %get3A_2 : vector<1x1280x64xf32> to vector<1280x64xf32>
    %get3A_4 = arith.constant 1 : index
    %get3A_5 = arith.constant 0 : index
    %get3A_6 = arith.constant 0 : index
    %get3A_7 = vector.load %arg4[%get3A_4, %get3A_5, %get3A_6] : memref<2x1280x64xf32, #tpu.memory_space<vmem>>, vector<1x1280x64xf32>
    %get3A_8 = vector.shape_cast %get3A_7 : vector<1x1280x64xf32> to vector<1280x64xf32>
    %add3A = arith.addf %get3A_3, %get3A_8 : vector<1280x64xf32>
    %get3A_9 = arith.constant 0 : index
    %get3A_10 = arith.constant 0 : index
    %get3A_11 = arith.constant 0 : index
    %get3A_12 = vector.load %arg5[%get3A_9, %get3A_10, %get3A_11] : memref<2x1280x64xf32, #tpu.memory_space<vmem>>, vector<1x1280x64xf32>
    %get3A_13 = vector.shape_cast %get3A_12 : vector<1x1280x64xf32> to vector<1280x64xf32>
    %get3A_14 = arith.constant 1 : index
    %get3A_15 = arith.constant 0 : index
    %get3A_16 = arith.constant 0 : index
    %get3A_17 = vector.load %arg5[%get3A_14, %get3A_15, %get3A_16] : memref<2x1280x64xf32, #tpu.memory_space<vmem>>, vector<1x1280x64xf32>
    %get3A_18 = vector.shape_cast %get3A_17 : vector<1x1280x64xf32> to vector<1280x64xf32>
    %add3A_19 = arith.addf %get3A_13, %get3A_18 : vector<1280x64xf32>
    %concatenate3A = tpu.concatenate %add3A, %add3A_19 in 1 : vector<1280x64xf32>, vector<1280x64xf32> -> vector<1280x128xf32>
    %get3A_20 = arith.constant 0 : index
    %get3A_21 = arith.constant 0 : index
    %get3A_22 = arith.constant 0 : index
    %get3A_23 = vector.load %arg6[%get3A_20, %get3A_21, %get3A_22] : memref<2x1280x16xf32, #tpu.memory_space<vmem>>, vector<1x1280x16xf32>
    %get3A_24 = vector.shape_cast %get3A_23 : vector<1x1280x16xf32> to vector<1280x16xf32>
    %get3A_25 = arith.constant 1 : index
    %get3A_26 = arith.constant 0 : index
    %get3A_27 = arith.constant 0 : index
    %get3A_28 = vector.load %arg6[%get3A_25, %get3A_26, %get3A_27] : memref<2x1280x16xf32, #tpu.memory_space<vmem>>, vector<1x1280x16xf32>
    %get3A_29 = vector.shape_cast %get3A_28 : vector<1x1280x16xf32> to vector<1280x16xf32>
    %add3A_30 = arith.addf %get3A_24, %get3A_29 : vector<1280x16xf32>
    %slice3A = vector.extract_strided_slice %add3A_30 {offsets = [0, 0], sizes = [1280, 8], strides = [1, 1]} : vector<1280x16xf32> to vector<1280x8xf32>
    %iota3A = tpu.iota {dimensions = array<i32: 0>} : vector<8x128xi32>
    %iota3A_31 = tpu.iota {dimensions = array<i32: 1>} : vector<8x128xi32>
    %jit3A = arith.constant 16 : i32
    %div3A = vector.broadcast %jit3A : i32 to vector<8x128xi32>
    %div3A_32 = arith.divsi %iota3A_31, %div3A : vector<8x128xi32>
    %sign3A = arith.constant 0 : i32
    %sign3A_33 = vector.broadcast %sign3A : i32 to vector<8x128xi32>
    %sign3A_34 = arith.cmpi sgt, %iota3A_31, %sign3A_33 : vector<8x128xi32>
    %sign3A_35 = arith.extui %sign3A_34 : vector<8x128xi1> to vector<8x128xi32>
    %sign3A_36 = arith.constant 0 : i32
    %sign3A_37 = vector.broadcast %sign3A_36 : i32 to vector<8x128xi32>
    %sign3A_38 = arith.cmpi slt, %iota3A_31, %sign3A_37 : vector<8x128xi32>
    %sign3A_39 = arith.extui %sign3A_38 : vector<8x128xi1> to vector<8x128xi32>
    %sign3A_40 = arith.subi %sign3A_35, %sign3A_39 : vector<8x128xi32>
    %sign3A_41 = arith.constant 0 : i32
    %sign3A_42 = arith.cmpi sgt, %jit3A, %sign3A_41 : i32
    %sign3A_43 = arith.extui %sign3A_42 : i1 to i32
    %sign3A_44 = arith.constant 0 : i32
    %sign3A_45 = arith.cmpi slt, %jit3A, %sign3A_44 : i32
    %sign3A_46 = arith.extui %sign3A_45 : i1 to i32
    %sign3A_47 = arith.subi %sign3A_43, %sign3A_46 : i32
    %ne3A = vector.broadcast %sign3A_47 : i32 to vector<8x128xi32>
    %ne3A_48 = arith.cmpi ne, %sign3A_40, %ne3A : vector<8x128xi32>
    %rem3A = vector.broadcast %jit3A : i32 to vector<8x128xi32>
    %rem3A_49 = arith.remsi %iota3A_31, %rem3A : vector<8x128xi32>
    %ne3A_50 = arith.constant 0 : i32
    %ne3A_51 = vector.broadcast %ne3A_50 : i32 to vector<8x128xi32>
    %ne3A_52 = arith.cmpi ne, %rem3A_49, %ne3A_51 : vector<8x128xi32>
    %and3A = arith.andi %ne3A_48, %ne3A_52 : vector<8x128xi1>
    %sub3A = arith.constant 1 : i32
    %sub3A_53 = vector.broadcast %sub3A : i32 to vector<8x128xi32>
    %sub3A_54 = arith.subi %div3A_32, %sub3A_53 : vector<8x128xi32>
    %select_n3A = arith.select %and3A, %sub3A_54, %div3A_32 : vector<8x128xi1>, vector<8x128xi32>
    %eq3A = arith.cmpi eq, %select_n3A, %iota3A : vector<8x128xi32>
    %convert_element_type3A = arith.extui %eq3A : vector<8x128xi1> to vector<8x128xi32>
    %convert_element_type3A_55 = arith.sitofp %convert_element_type3A : vector<8x128xi32> to vector<8x128xf32>
    %dot_general3A = arith.constant dense<0.000000e+00> : vector<1280x128xf32>
    %dot_general3A_56 = tpu.matmul %slice3A, %convert_element_type3A_55, %dot_general3A {dimension_numbers = #tpu.dot_dimension_numbers<[1], [0], [0], [1], [0, 0, 1, 1], [], []>, transpose_lhs_hint = false} : vector<1280x8xf32>, vector<8x128xf32>, vector<1280x128xf32> -> vector<1280x128xf32>
    %max3A = arith.constant 1.000000e-16 : f32
    %max3A_57 = vector.broadcast %max3A : f32 to vector<1280x128xf32>
    %max3A_58 = arith.maximumf %dot_general3A_56, %max3A_57 : vector<1280x128xf32>
    %div3A_59 = arith.divf %concatenate3A, %max3A_58 : vector<1280x128xf32>
    %get3A_60 = arith.constant 0 : index
    %get3A_61 = arith.constant 0 : index
    %get3A_62 = vector.load %arg11[%get3A_60, %get3A_61] : memref<1x128xf32, #tpu.memory_space<vmem>>, vector<1x128xf32>
    %get3A_63 = vector.shape_cast %get3A_62 : vector<1x128xf32> to vector<128xf32>
    %broadcast_in_dim3A = vector.shape_cast %get3A_63 : vector<128xf32> to vector<1x128xf32>
    %add3A_64 = vector.broadcast %broadcast_in_dim3A : vector<1x128xf32> to vector<1280x128xf32>
    %add3A_65 = arith.addf %div3A_59, %add3A_64 : vector<1280x128xf32>
    %swap3A = arith.constant 0 : index
    %swap3A_66 = arith.constant 0 : index
    %swap3A_67 = vector.load %arg15[%swap3A, %swap3A_66] : memref<1280x128xf32, #tpu.memory_space<vmem>>, vector<1280x128xf32>
    tpu.vector_store %arg15[%swap3A, %swap3A_66], %add3A_65 {strides = array<i32>} : memref<1280x128xf32, #tpu.memory_space<vmem>>, vector<1280x128xf32>,
    %get3A_68 = arith.constant 0 : index
    %get3A_69 = arith.constant 0 : index
    %get3A_70 = arith.constant 0 : index
    %get3A_71 = vector.load %arg1[%get3A_68, %get3A_69, %get3A_70] : memref<2x1280x64xf32, #tpu.memory_space<vmem>>, vector<1x1280x64xf32>
    %get3A_72 = vector.shape_cast %get3A_71 : vector<1x1280x64xf32> to vector<1280x64xf32>
    %get3A_73 = arith.constant 1 : index
    %get3A_74 = arith.constant 0 : index
    %get3A_75 = arith.constant 0 : index
    %get3A_76 = vector.load %arg1[%get3A_73, %get3A_74, %get3A_75] : memref<2x1280x64xf32, #tpu.memory_space<vmem>>, vector<1x1280x64xf32>
    %get3A_77 = vector.shape_cast %get3A_76 : vector<1x1280x64xf32> to vector<1280x64xf32>
    %add3A_78 = arith.addf %get3A_72, %get3A_77 : vector<1280x64xf32>
    %get3A_79 = arith.constant 0 : index
    %get3A_80 = arith.constant 0 : index
    %get3A_81 = arith.constant 0 : index
    %get3A_82 = vector.load %arg2[%get3A_79, %get3A_80, %get3A_81] : memref<2x1280x64xf32, #tpu.memory_space<vmem>>, vector<1x1280x64xf32>
    %get3A_83 = vector.shape_cast %get3A_82 : vector<1x1280x64xf32> to vector<1280x64xf32>
    %get3A_84 = arith.constant 1 : index
    %get3A_85 = arith.constant 0 : index
    %get3A_86 = arith.constant 0 : index
    %get3A_87 = vector.load %arg2[%get3A_84, %get3A_85, %get3A_86] : memref<2x1280x64xf32, #tpu.memory_space<vmem>>, vector<1x1280x64xf32>
    %get3A_88 = vector.shape_cast %get3A_87 : vector<1x1280x64xf32> to vector<1280x64xf32>
    %add3A_89 = arith.addf %get3A_83, %get3A_88 : vector<1280x64xf32>
    %concatenate3A_90 = tpu.concatenate %add3A_78, %add3A_89 in 1 : vector<1280x64xf32>, vector<1280x64xf32> -> vector<1280x128xf32>
    %get3A_91 = arith.constant 0 : index
    %get3A_92 = arith.constant 0 : index
    %get3A_93 = arith.constant 0 : index
    %get3A_94 = vector.load %arg3[%get3A_91, %get3A_92, %get3A_93] : memref<2x1280x16xf32, #tpu.memory_space<vmem>>, vector<1x1280x16xf32>
    %get3A_95 = vector.shape_cast %get3A_94 : vector<1x1280x16xf32> to vector<1280x16xf32>
    %get3A_96 = arith.constant 1 : index
    %get3A_97 = arith.constant 0 : index
    %get3A_98 = arith.constant 0 : index
    %get3A_99 = vector.load %arg3[%get3A_96, %get3A_97, %get3A_98] : memref<2x1280x16xf32, #tpu.memory_space<vmem>>, vector<1x1280x16xf32>
    %get3A_100 = vector.shape_cast %get3A_99 : vector<1x1280x16xf32> to vector<1280x16xf32>
    %add3A_101 = arith.addf %get3A_95, %get3A_100 : vector<1280x16xf32>
    %slice3A_102 = vector.extract_strided_slice %add3A_101 {offsets = [0, 0], sizes = [1280, 8], strides = [1, 1]} : vector<1280x16xf32> to vector<1280x8xf32>
    %iota3A_103 = tpu.iota {dimensions = array<i32: 0>} : vector<8x128xi32>
    %iota3A_104 = tpu.iota {dimensions = array<i32: 1>} : vector<8x128xi32>
    %jit3A_105 = arith.constant 16 : i32
    %div3A_106 = vector.broadcast %jit3A_105 : i32 to vector<8x128xi32>
    %div3A_107 = arith.divsi %iota3A_104, %div3A_106 : vector<8x128xi32>
    %sign3A_108 = arith.constant 0 : i32
    %sign3A_109 = vector.broadcast %sign3A_108 : i32 to vector<8x128xi32>
    %sign3A_110 = arith.cmpi sgt, %iota3A_104, %sign3A_109 : vector<8x128xi32>
    %sign3A_111 = arith.extui %sign3A_110 : vector<8x128xi1> to vector<8x128xi32>
    %sign3A_112 = arith.constant 0 : i32
    %sign3A_113 = vector.broadcast %sign3A_112 : i32 to vector<8x128xi32>
    %sign3A_114 = arith.cmpi slt, %iota3A_104, %sign3A_113 : vector<8x128xi32>
    %sign3A_115 = arith.extui %sign3A_114 : vector<8x128xi1> to vector<8x128xi32>
    %sign3A_116 = arith.subi %sign3A_111, %sign3A_115 : vector<8x128xi32>
    %sign3A_117 = arith.constant 0 : i32
    %sign3A_118 = arith.cmpi sgt, %jit3A_105, %sign3A_117 : i32
    %sign3A_119 = arith.extui %sign3A_118 : i1 to i32
    %sign3A_120 = arith.constant 0 : i32
    %sign3A_121 = arith.cmpi slt, %jit3A_105, %sign3A_120 : i32
    %sign3A_122 = arith.extui %sign3A_121 : i1 to i32
    %sign3A_123 = arith.subi %sign3A_119, %sign3A_122 : i32
    %ne3A_124 = vector.broadcast %sign3A_123 : i32 to vector<8x128xi32>
    %ne3A_125 = arith.cmpi ne, %sign3A_116, %ne3A_124 : vector<8x128xi32>
    %rem3A_126 = vector.broadcast %jit3A_105 : i32 to vector<8x128xi32>
    %rem3A_127 = arith.remsi %iota3A_104, %rem3A_126 : vector<8x128xi32>
    %ne3A_128 = arith.constant 0 : i32
    %ne3A_129 = vector.broadcast %ne3A_128 : i32 to vector<8x128xi32>
    %ne3A_130 = arith.cmpi ne, %rem3A_127, %ne3A_129 : vector<8x128xi32>
    %and3A_131 = arith.andi %ne3A_125, %ne3A_130 : vector<8x128xi1>
    %sub3A_132 = arith.constant 1 : i32
    %sub3A_133 = vector.broadcast %sub3A_132 : i32 to vector<8x128xi32>
    %sub3A_134 = arith.subi %div3A_107, %sub3A_133 : vector<8x128xi32>
    %select_n3A_135 = arith.select %and3A_131, %sub3A_134, %div3A_107 : vector<8x128xi1>, vector<8x128xi32>
    %eq3A_136 = arith.cmpi eq, %select_n3A_135, %iota3A_103 : vector<8x128xi32>
    %convert_element_type3A_137 = arith.extui %eq3A_136 : vector<8x128xi1> to vector<8x128xi32>
    %convert_element_type3A_138 = arith.sitofp %convert_element_type3A_137 : vector<8x128xi32> to vector<8x128xf32>
    %dot_general3A_139 = arith.constant dense<0.000000e+00> : vector<1280x128xf32>
    %dot_general3A_140 = tpu.matmul %slice3A_102, %convert_element_type3A_138, %dot_general3A_139 {dimension_numbers = #tpu.dot_dimension_numbers<[1], [0], [0], [1], [0, 0, 1, 1], [], []>, transpose_lhs_hint = false} : vector<1280x8xf32>, vector<8x128xf32>, vector<1280x128xf32> -> vector<1280x128xf32>
    %max3A_141 = arith.constant 1.000000e-16 : f32
    %max3A_142 = vector.broadcast %max3A_141 : f32 to vector<1280x128xf32>
    %max3A_143 = arith.maximumf %dot_general3A_140, %max3A_142 : vector<1280x128xf32>
    %div3A_144 = arith.divf %concatenate3A_90, %max3A_143 : vector<1280x128xf32>
    %get3A_145 = arith.constant 0 : index
    %get3A_146 = arith.constant 0 : index
    %get3A_147 = vector.load %arg10[%get3A_145, %get3A_146] : memref<1x128xf32, #tpu.memory_space<vmem>>, vector<1x128xf32>
    %get3A_148 = vector.shape_cast %get3A_147 : vector<1x128xf32> to vector<128xf32>
    %broadcast_in_dim3A_149 = vector.shape_cast %get3A_148 : vector<128xf32> to vector<1x128xf32>
    %add3A_150 = vector.broadcast %broadcast_in_dim3A_149 : vector<1x128xf32> to vector<1280x128xf32>
    %add3A_151 = arith.addf %div3A_144, %add3A_150 : vector<1280x128xf32>
    %swap3A_152 = arith.constant 0 : index
    %swap3A_153 = arith.constant 0 : index
    %swap3A_154 = vector.load %arg16[%swap3A_152, %swap3A_153] : memref<1280x128xf32, #tpu.memory_space<vmem>>, vector<1280x128xf32>
    tpu.vector_store %arg16[%swap3A_152, %swap3A_153], %add3A_151 {strides = array<i32>} : memref<1280x128xf32, #tpu.memory_space<vmem>>, vector<1280x128xf32>,
    %get3A_155 = arith.constant 0 : index
    %get3A_156 = arith.constant 0 : index
    %get3A_157 = arith.constant 0 : index
    %get3A_158 = vector.load %arg7[%get3A_155, %get3A_156, %get3A_157] : memref<2x1280x64xf32, #tpu.memory_space<vmem>>, vector<1x1280x64xf32>
    %get3A_159 = vector.shape_cast %get3A_158 : vector<1x1280x64xf32> to vector<1280x64xf32>
    %get3A_160 = arith.constant 1 : index
    %get3A_161 = arith.constant 0 : index
    %get3A_162 = arith.constant 0 : index
    %get3A_163 = vector.load %arg7[%get3A_160, %get3A_161, %get3A_162] : memref<2x1280x64xf32, #tpu.memory_space<vmem>>, vector<1x1280x64xf32>
    %get3A_164 = vector.shape_cast %get3A_163 : vector<1x1280x64xf32> to vector<1280x64xf32>
    %add3A_165 = arith.addf %get3A_159, %get3A_164 : vector<1280x64xf32>
    %get3A_166 = arith.constant 0 : index
    %get3A_167 = arith.constant 0 : index
    %get3A_168 = arith.constant 0 : index
    %get3A_169 = vector.load %arg8[%get3A_166, %get3A_167, %get3A_168] : memref<2x1280x64xf32, #tpu.memory_space<vmem>>, vector<1x1280x64xf32>
    %get3A_170 = vector.shape_cast %get3A_169 : vector<1x1280x64xf32> to vector<1280x64xf32>
    %get3A_171 = arith.constant 1 : index
    %get3A_172 = arith.constant 0 : index
    %get3A_173 = arith.constant 0 : index
    %get3A_174 = vector.load %arg8[%get3A_171, %get3A_172, %get3A_173] : memref<2x1280x64xf32, #tpu.memory_space<vmem>>, vector<1x1280x64xf32>
    %get3A_175 = vector.shape_cast %get3A_174 : vector<1x1280x64xf32> to vector<1280x64xf32>
    %add3A_176 = arith.addf %get3A_170, %get3A_175 : vector<1280x64xf32>
    %concatenate3A_177 = tpu.concatenate %add3A_165, %add3A_176 in 1 : vector<1280x64xf32>, vector<1280x64xf32> -> vector<1280x128xf32>
    %get3A_178 = arith.constant 0 : index
    %get3A_179 = arith.constant 0 : index
    %get3A_180 = arith.constant 0 : index
    %get3A_181 = vector.load %arg9[%get3A_178, %get3A_179, %get3A_180] : memref<2x1280x16xf32, #tpu.memory_space<vmem>>, vector<1x1280x16xf32>
    %get3A_182 = vector.shape_cast %get3A_181 : vector<1x1280x16xf32> to vector<1280x16xf32>
    %get3A_183 = arith.constant 1 : index
    %get3A_184 = arith.constant 0 : index
    %get3A_185 = arith.constant 0 : index
    %get3A_186 = vector.load %arg9[%get3A_183, %get3A_184, %get3A_185] : memref<2x1280x16xf32, #tpu.memory_space<vmem>>, vector<1x1280x16xf32>
    %get3A_187 = vector.shape_cast %get3A_186 : vector<1x1280x16xf32> to vector<1280x16xf32>
    %add3A_188 = arith.addf %get3A_182, %get3A_187 : vector<1280x16xf32>
    %slice3A_189 = vector.extract_strided_slice %add3A_188 {offsets = [0, 0], sizes = [1280, 8], strides = [1, 1]} : vector<1280x16xf32> to vector<1280x8xf32>
    %iota3A_190 = tpu.iota {dimensions = array<i32: 0>} : vector<8x128xi32>
    %iota3A_191 = tpu.iota {dimensions = array<i32: 1>} : vector<8x128xi32>
    %jit3A_192 = arith.constant 16 : i32
    %div3A_193 = vector.broadcast %jit3A_192 : i32 to vector<8x128xi32>
    %div3A_194 = arith.divsi %iota3A_191, %div3A_193 : vector<8x128xi32>
    %sign3A_195 = arith.constant 0 : i32
    %sign3A_196 = vector.broadcast %sign3A_195 : i32 to vector<8x128xi32>
    %sign3A_197 = arith.cmpi sgt, %iota3A_191, %sign3A_196 : vector<8x128xi32>
    %sign3A_198 = arith.extui %sign3A_197 : vector<8x128xi1> to vector<8x128xi32>
    %sign3A_199 = arith.constant 0 : i32
    %sign3A_200 = vector.broadcast %sign3A_199 : i32 to vector<8x128xi32>
    %sign3A_201 = arith.cmpi slt, %iota3A_191, %sign3A_200 : vector<8x128xi32>
    %sign3A_202 = arith.extui %sign3A_201 : vector<8x128xi1> to vector<8x128xi32>
    %sign3A_203 = arith.subi %sign3A_198, %sign3A_202 : vector<8x128xi32>
    %sign3A_204 = arith.constant 0 : i32
    %sign3A_205 = arith.cmpi sgt, %jit3A_192, %sign3A_204 : i32
    %sign3A_206 = arith.extui %sign3A_205 : i1 to i32
    %sign3A_207 = arith.constant 0 : i32
    %sign3A_208 = arith.cmpi slt, %jit3A_192, %sign3A_207 : i32
    %sign3A_209 = arith.extui %sign3A_208 : i1 to i32
    %sign3A_210 = arith.subi %sign3A_206, %sign3A_209 : i32
    %ne3A_211 = vector.broadcast %sign3A_210 : i32 to vector<8x128xi32>
    %ne3A_212 = arith.cmpi ne, %sign3A_203, %ne3A_211 : vector<8x128xi32>
    %rem3A_213 = vector.broadcast %jit3A_192 : i32 to vector<8x128xi32>
    %rem3A_214 = arith.remsi %iota3A_191, %rem3A_213 : vector<8x128xi32>
    %ne3A_215 = arith.constant 0 : i32
    %ne3A_216 = vector.broadcast %ne3A_215 : i32 to vector<8x128xi32>
    %ne3A_217 = arith.cmpi ne, %rem3A_214, %ne3A_216 : vector<8x128xi32>
    %and3A_218 = arith.andi %ne3A_212, %ne3A_217 : vector<8x128xi1>
    %sub3A_219 = arith.constant 1 : i32
    %sub3A_220 = vector.broadcast %sub3A_219 : i32 to vector<8x128xi32>
    %sub3A_221 = arith.subi %div3A_194, %sub3A_220 : vector<8x128xi32>
    %select_n3A_222 = arith.select %and3A_218, %sub3A_221, %div3A_194 : vector<8x128xi1>, vector<8x128xi32>
    %eq3A_223 = arith.cmpi eq, %select_n3A_222, %iota3A_190 : vector<8x128xi32>
    %convert_element_type3A_224 = arith.extui %eq3A_223 : vector<8x128xi1> to vector<8x128xi32>
    %convert_element_type3A_225 = arith.sitofp %convert_element_type3A_224 : vector<8x128xi32> to vector<8x128xf32>
    %dot_general3A_226 = arith.constant dense<0.000000e+00> : vector<1280x128xf32>
    %dot_general3A_227 = tpu.matmul %slice3A_189, %convert_element_type3A_225, %dot_general3A_226 {dimension_numbers = #tpu.dot_dimension_numbers<[1], [0], [0], [1], [0, 0, 1, 1], [], []>, transpose_lhs_hint = false} : vector<1280x8xf32>, vector<8x128xf32>, vector<1280x128xf32> -> vector<1280x128xf32>
    %max3A_228 = arith.constant 1.000000e-16 : f32
    %max3A_229 = vector.broadcast %max3A_228 : f32 to vector<1280x128xf32>
    %max3A_230 = arith.maximumf %dot_general3A_227, %max3A_229 : vector<1280x128xf32>
    %div3A_231 = arith.divf %concatenate3A_177, %max3A_230 : vector<1280x128xf32>
    %get3A_232 = arith.constant 0 : index
    %get3A_233 = arith.constant 0 : index
    %get3A_234 = vector.load %arg12[%get3A_232, %get3A_233] : memref<1x128xf32, #tpu.memory_space<vmem>>, vector<1x128xf32>
    %get3A_235 = vector.shape_cast %get3A_234 : vector<1x128xf32> to vector<128xf32>
    %broadcast_in_dim3A_236 = vector.shape_cast %get3A_235 : vector<128xf32> to vector<1x128xf32>
    %add3A_237 = vector.broadcast %broadcast_in_dim3A_236 : vector<1x128xf32> to vector<1280x128xf32>
    %add3A_238 = arith.addf %div3A_231, %add3A_237 : vector<1280x128xf32>
    %swap3A_239 = arith.constant 0 : index
    %swap3A_240 = arith.constant 0 : index
    %swap3A_241 = vector.load %arg17[%swap3A_239, %swap3A_240] : memref<1280x128xf32, #tpu.memory_space<vmem>>, vector<1280x128xf32>
    tpu.vector_store %arg17[%swap3A_239, %swap3A_240], %add3A_238 {strides = array<i32>} : memref<1280x128xf32, #tpu.memory_space<vmem>>, vector<1280x128xf32>,
    %mul3A = arith.constant 1280 : i32
    %mul3A_242 = arith.muli %arg0, %mul3A : i32
    %iota3A_243 = tpu.iota {dimensions = array<i32: 0>} : vector<1280x1xi32>
    %add3A_244 = vector.broadcast %mul3A_242 : i32 to vector<1280x1xi32>
    %add3A_245 = arith.addi %add3A_244, %iota3A_243 : vector<1280x1xi32>
    %lt3A = arith.constant 10000 : i32
    %lt3A_246 = vector.broadcast %lt3A : i32 to vector<1280x1xi32>
    %lt3A_247 = arith.cmpi slt, %add3A_245, %lt3A_246 : vector<1280x1xi32>
    %convert_element_type3A_248 = arith.extui %lt3A_247 : vector<1280x1xi1> to vector<1280x1xi32>
    %convert_element_type3A_249 = arith.sitofp %convert_element_type3A_248 : vector<1280x1xi32> to vector<1280x1xf32>
    %get3A_250 = arith.constant 0 : index
    %get3A_251 = arith.constant 0 : index
    %get3A_252 = vector.load %arg13[%get3A_250, %get3A_251] : memref<128x128xf32, #tpu.memory_space<vmem>>, vector<128x128xf32>
    %dot_general3A_253 = arith.constant dense<0.000000e+00> : vector<1280x128xf32>
    %dot_general3A_254 = tpu.matmul %add3A_151, %get3A_252, %dot_general3A_253 {dimension_numbers = #tpu.dot_dimension_numbers<[1], [0], [0], [1], [0, 0, 1, 1], [], []>, transpose_lhs_hint = false} : vector<1280x128xf32>, vector<128x128xf32>, vector<1280x128xf32> -> vector<1280x128xf32>
    %get3A_255 = arith.constant 0 : index
    %get3A_256 = arith.constant 0 : index
    %get3A_257 = vector.load %arg14[%get3A_255, %get3A_256] : memref<1x128xf32, #tpu.memory_space<vmem>>, vector<1x128xf32>
    %get3A_258 = vector.shape_cast %get3A_257 : vector<1x128xf32> to vector<128xf32>
    %broadcast_in_dim3A_259 = vector.shape_cast %get3A_258 : vector<128xf32> to vector<1x128xf32>
    %add3A_260 = vector.broadcast %broadcast_in_dim3A_259 : vector<1x128xf32> to vector<1280x128xf32>
    %add3A_261 = arith.addf %dot_general3A_254, %add3A_260 : vector<1280x128xf32>
    %tanh3A = math.tanh %add3A_261 : vector<1280x128xf32>
    %mul3A_262 = vector.broadcast %convert_element_type3A_249 : vector<1280x1xf32> to vector<1280x128xf32>
    %mul3A_263 = arith.mulf %mul3A_262, %tanh3A : vector<1280x128xf32>
    %reduce_sum3A = arith.constant dense<0.000000e+00> : vector<128xf32>
    %reduce_sum3A_264 = vector.multi_reduction <add>, %mul3A_263, %reduce_sum3A [0] : vector<1280x128xf32> to vector<128xf32>
    %broadcast_in_dim3A_265 = vector.shape_cast %reduce_sum3A_264 : vector<128xf32> to vector<1x128xf32>
    %get3A_266 = arith.constant 0 : index
    %get3A_267 = arith.constant 0 : index
    %get3A_268 = vector.load %arg13[%get3A_266, %get3A_267] : memref<128x128xf32, #tpu.memory_space<vmem>>, vector<128x128xf32>
    %dot_general3A_269 = arith.constant dense<0.000000e+00> : vector<1280x128xf32>
    %dot_general3A_270 = tpu.matmul %add3A_238, %get3A_268, %dot_general3A_269 {dimension_numbers = #tpu.dot_dimension_numbers<[1], [0], [0], [1], [0, 0, 1, 1], [], []>, transpose_lhs_hint = false} : vector<1280x128xf32>, vector<128x128xf32>, vector<1280x128xf32> -> vector<1280x128xf32>
    %get3A_271 = arith.constant 0 : index
    %get3A_272 = arith.constant 0 : index
    %get3A_273 = vector.load %arg14[%get3A_271, %get3A_272] : memref<1x128xf32, #tpu.memory_space<vmem>>, vector<1x128xf32>
    %get3A_274 = vector.shape_cast %get3A_273 : vector<1x128xf32> to vector<128xf32>
    %broadcast_in_dim3A_275 = vector.shape_cast %get3A_274 : vector<128xf32> to vector<1x128xf32>
    %add3A_276 = vector.broadcast %broadcast_in_dim3A_275 : vector<1x128xf32> to vector<1280x128xf32>
    %add3A_277 = arith.addf %dot_general3A_270, %add3A_276 : vector<1280x128xf32>
    %tanh3A_278 = math.tanh %add3A_277 : vector<1280x128xf32>
    %mul3A_279 = vector.broadcast %convert_element_type3A_249 : vector<1280x1xf32> to vector<1280x128xf32>
    %mul3A_280 = arith.mulf %mul3A_279, %tanh3A_278 : vector<1280x128xf32>
    %reduce_sum3A_281 = arith.constant dense<0.000000e+00> : vector<128xf32>
    %reduce_sum3A_282 = vector.multi_reduction <add>, %mul3A_280, %reduce_sum3A_281 [0] : vector<1280x128xf32> to vector<128xf32>
    %broadcast_in_dim3A_283 = vector.shape_cast %reduce_sum3A_282 : vector<128xf32> to vector<1x128xf32>
    %concatenate3A_284 = tpu.concatenate %broadcast_in_dim3A_265, %broadcast_in_dim3A_283 in 0 : vector<1x128xf32>, vector<1x128xf32> -> vector<2x128xf32>
    %eq3A_285 = arith.constant 0 : i32
    %eq3A_286 = arith.cmpi eq, %arg0, %eq3A_285 : i32
    %convert_element_type3A_287 = arith.extui %eq3A_286 : i1 to i32
    %cond3A = arith.constant 0 : i32
    %cond3A_288 = arith.cmpi ne, %convert_element_type3A_287, %cond3A : i32
    scf.if %cond3A_288 {
      %swap3A_294 = arith.constant 0 : index
      %swap3A_295 = arith.constant 0 : index
      %swap3A_296 = vector.load %arg18[%swap3A_294, %swap3A_295] : memref<2x128xf32, #tpu.memory_space<vmem>>, vector<2x128xf32>
      tpu.vector_store %arg18[%swap3A_294, %swap3A_295], %concatenate3A_284 {strides = array<i32>} : memref<2x128xf32, #tpu.memory_space<vmem>>, vector<2x128xf32>,
    } else {
    }
    %ne3A_289 = arith.constant 0 : i32
    %ne3A_290 = arith.cmpi ne, %arg0, %ne3A_289 : i32
    %convert_element_type3A_291 = arith.extui %ne3A_290 : i1 to i32
    %cond3A_292 = arith.constant 0 : i32
    %cond3A_293 = arith.cmpi ne, %convert_element_type3A_291, %cond3A_292 : i32
    scf.if %cond3A_293 {
      %get3A_294 = arith.constant 0 : index
      %get3A_295 = arith.constant 0 : index
      %get3A_296 = vector.load %arg18[%get3A_294, %get3A_295] : memref<2x128xf32, #tpu.memory_space<vmem>>, vector<2x128xf32>
      %add3A_297 = arith.addf %get3A_296, %concatenate3A_284 : vector<2x128xf32>
      %swap3A_298 = arith.constant 0 : index
      %swap3A_299 = arith.constant 0 : index
      %swap3A_300 = vector.load %arg18[%swap3A_298, %swap3A_299] : memref<2x128xf32, #tpu.memory_space<vmem>>, vector<2x128xf32>
      tpu.vector_store %arg18[%swap3A_298, %swap3A_299], %add3A_297 {strides = array<i32>} : memref<2x128xf32, #tpu.memory_space<vmem>>, vector<2x128xf32>,
    } else {
    }
    return
  }
  func.func @transform_0(%arg0: i32) -> (i32, i32, i32) {
    %c0_i32 = arith.constant 0 : i32
    %c0_i32_0 = arith.constant 0 : i32
    %c0_i32_1 = arith.constant 0 : i32
    return %c0_i32, %arg0, %c0_i32_0 : i32, i32, i32
  }
  func.func @transform_1(%arg0: i32) -> (i32, i32, i32) {
    %c0_i32 = arith.constant 0 : i32
    %c0_i32_0 = arith.constant 0 : i32
    %c0_i32_1 = arith.constant 0 : i32
    return %c0_i32, %arg0, %c0_i32_0 : i32, i32, i32
  }
  func.func @transform_2(%arg0: i32) -> (i32, i32, i32) {
    %c0_i32 = arith.constant 0 : i32
    %c0_i32_0 = arith.constant 0 : i32
    %c0_i32_1 = arith.constant 0 : i32
    return %c0_i32, %arg0, %c0_i32_0 : i32, i32, i32
  }
  func.func @transform_3(%arg0: i32) -> (i32, i32, i32) {
    %c0_i32 = arith.constant 0 : i32
    %c0_i32_0 = arith.constant 0 : i32
    %c0_i32_1 = arith.constant 0 : i32
    return %c0_i32, %arg0, %c0_i32_0 : i32, i32, i32
  }
  func.func @transform_4(%arg0: i32) -> (i32, i32, i32) {
    %c0_i32 = arith.constant 0 : i32
    %c0_i32_0 = arith.constant 0 : i32
    %c0_i32_1 = arith.constant 0 : i32
    return %c0_i32, %arg0, %c0_i32_0 : i32, i32, i32
  }
  func.func @transform_5(%arg0: i32) -> (i32, i32, i32) {
    %c0_i32 = arith.constant 0 : i32
    %c0_i32_0 = arith.constant 0 : i32
    %c0_i32_1 = arith.constant 0 : i32
    return %c0_i32, %arg0, %c0_i32_0 : i32, i32, i32
  }
  func.func @transform_6(%arg0: i32) -> (i32, i32, i32) {
    %c0_i32 = arith.constant 0 : i32
    %c0_i32_0 = arith.constant 0 : i32
    %c0_i32_1 = arith.constant 0 : i32
    return %c0_i32, %arg0, %c0_i32_0 : i32, i32, i32
  }
  func.func @transform_7(%arg0: i32) -> (i32, i32, i32) {
    %c0_i32 = arith.constant 0 : i32
    %c0_i32_0 = arith.constant 0 : i32
    %c0_i32_1 = arith.constant 0 : i32
    return %c0_i32, %arg0, %c0_i32_0 : i32, i32, i32
  }
  func.func @transform_8(%arg0: i32) -> (i32, i32, i32) {
    %c0_i32 = arith.constant 0 : i32
    %c0_i32_0 = arith.constant 0 : i32
    %c0_i32_1 = arith.constant 0 : i32
    return %c0_i32, %arg0, %c0_i32_0 : i32, i32, i32
  }
  func.func @transform_9(%arg0: i32) -> (i32, i32) {
    %c0_i32 = arith.constant 0 : i32
    %c0_i32_0 = arith.constant 0 : i32
    %c0_i32_1 = arith.constant 0 : i32
    return %c0_i32, %c0_i32_0 : i32, i32
  }
  func.func @transform_10(%arg0: i32) -> (i32, i32) {
    %c0_i32 = arith.constant 0 : i32
    %c0_i32_0 = arith.constant 0 : i32
    %c0_i32_1 = arith.constant 0 : i32
    return %c0_i32, %c0_i32_0 : i32, i32
  }
  func.func @transform_11(%arg0: i32) -> (i32, i32) {
    %c0_i32 = arith.constant 0 : i32
    %c0_i32_0 = arith.constant 0 : i32
    %c0_i32_1 = arith.constant 0 : i32
    return %c0_i32, %c0_i32_0 : i32, i32
  }
  func.func @transform_12(%arg0: i32) -> (i32, i32) {
    %c0_i32 = arith.constant 0 : i32
    %c0_i32_0 = arith.constant 0 : i32
    %c0_i32_1 = arith.constant 0 : i32
    return %c0_i32, %c0_i32_0 : i32, i32
  }
  func.func @transform_13(%arg0: i32) -> (i32, i32) {
    %c0_i32 = arith.constant 0 : i32
    %c0_i32_0 = arith.constant 0 : i32
    %c0_i32_1 = arith.constant 0 : i32
    return %c0_i32, %c0_i32_0 : i32, i32
  }
  func.func @transform_14(%arg0: i32) -> (i32, i32) {
    %c0_i32 = arith.constant 0 : i32
    %c0_i32_0 = arith.constant 0 : i32
    return %arg0, %c0_i32 : i32, i32
  }
  func.func @transform_15(%arg0: i32) -> (i32, i32) {
    %c0_i32 = arith.constant 0 : i32
    %c0_i32_0 = arith.constant 0 : i32
    return %arg0, %c0_i32 : i32, i32
  }
  func.func @transform_16(%arg0: i32) -> (i32, i32) {
    %c0_i32 = arith.constant 0 : i32
    %c0_i32_0 = arith.constant 0 : i32
    return %arg0, %c0_i32 : i32, i32
  }
  func.func @transform_17(%arg0: i32) -> (i32, i32) {
    %c0_i32 = arith.constant 0 : i32
    %c0_i32_0 = arith.constant 0 : i32
    %c0_i32_1 = arith.constant 0 : i32
    return %c0_i32, %c0_i32_0 : i32, i32
  }
}

module attributes {stable_mosaic.version = 14 : i64} {
  func.func @_fin_body(%arg0: i32, %arg1: memref<1280x128xf32, #tpu.memory_space<vmem>>, %arg2: memref<1280x128xf32, #tpu.memory_space<vmem>>, %arg3: memref<2x128xf32, #tpu.memory_space<vmem>>, %arg4: memref<1x128xf32, #tpu.memory_space<vmem>>, %arg5: memref<1280x128xf32, #tpu.memory_space<vmem>>) attributes {dimension_semantics = [#tpu.dimension_semantics<arbitrary>], iteration_bounds = array<i64: 8>, scalar_prefetch = 0 : i64, scratch_operands = 0 : i64, tpu.core_type = #tpu.core_type<tc>, window_params = [{transform_indices = @transform_0, window_bounds = array<i64: 1280, 128>}, {transform_indices = @transform_1, window_bounds = array<i64: 1280, 128>}, {pipeline_mode = #tpu.pipeline_mode<synchronous>, transform_indices = @transform_2, window_bounds = array<i64: 2, 128>}, {pipeline_mode = #tpu.pipeline_mode<synchronous>, transform_indices = @transform_3, window_bounds = array<i64: 1, 128>}, {transform_indices = @transform_4, window_bounds = array<i64: 1280, 128>}]} {
    %get3A = arith.constant 0 : index
    %get3A_0 = arith.constant 0 : index
    %get3A_1 = vector.load %arg3[%get3A, %get3A_0] : memref<2x128xf32, #tpu.memory_space<vmem>>, vector<2x128xf32>
    %get3A_2 = arith.constant 0 : index
    %get3A_3 = arith.constant 0 : index
    %get3A_4 = vector.load %arg4[%get3A_2, %get3A_3] : memref<1x128xf32, #tpu.memory_space<vmem>>, vector<1x128xf32>
    %mul3A = vector.broadcast %get3A_4 : vector<1x128xf32> to vector<2x128xf32>
    %mul3A_5 = arith.mulf %get3A_1, %mul3A : vector<2x128xf32>
    %slice3A = vector.extract_strided_slice %mul3A_5 {offsets = [0, 0], sizes = [1, 128], strides = [1, 1]} : vector<2x128xf32> to vector<1x128xf32>
    %squeeze3A = vector.shape_cast %slice3A : vector<1x128xf32> to vector<128xf32>
    %reduce_sum3A = vector.shape_cast %squeeze3A : vector<128xf32> to vector<1x128xf32>
    %reduce_sum3A_6 = arith.constant dense<0.000000e+00> : vector<1xf32>
    %reduce_sum3A_7 = vector.multi_reduction <add>, %reduce_sum3A, %reduce_sum3A_6 [1] : vector<1x128xf32> to vector<1xf32>
    %reduce_sum3A_8 = vector.shape_cast %reduce_sum3A_7 : vector<1xf32> to vector<1x1xf32>
    %reduce_sum3A_9 = vector.extract %reduce_sum3A_8[0, 0] : f32 from vector<1x1xf32>
    %div3A = arith.constant 1.000000e+04 : f32
    %div3A_10 = arith.divf %reduce_sum3A_9, %div3A : f32
    %slice3A_11 = vector.extract_strided_slice %mul3A_5 {offsets = [1, 0], sizes = [1, 128], strides = [1, 1]} : vector<2x128xf32> to vector<1x128xf32>
    %squeeze3A_12 = vector.shape_cast %slice3A_11 : vector<1x128xf32> to vector<128xf32>
    %reduce_sum3A_13 = vector.shape_cast %squeeze3A_12 : vector<128xf32> to vector<1x128xf32>
    %reduce_sum3A_14 = arith.constant dense<0.000000e+00> : vector<1xf32>
    %reduce_sum3A_15 = vector.multi_reduction <add>, %reduce_sum3A_13, %reduce_sum3A_14 [1] : vector<1x128xf32> to vector<1xf32>
    %reduce_sum3A_16 = vector.shape_cast %reduce_sum3A_15 : vector<1xf32> to vector<1x1xf32>
    %reduce_sum3A_17 = vector.extract %reduce_sum3A_16[0, 0] : f32 from vector<1x1xf32>
    %div3A_18 = arith.constant 1.000000e+04 : f32
    %div3A_19 = arith.divf %reduce_sum3A_17, %div3A_18 : f32
    %max3A = arith.maximumf %div3A_10, %div3A_19 : f32
    %sub3A = arith.subf %div3A_10, %max3A : f32
    %exp3A = math.exp %sub3A : f32
    %sub3A_20 = arith.subf %div3A_19, %max3A : f32
    %exp3A_21 = math.exp %sub3A_20 : f32
    %add3A = arith.addf %exp3A, %exp3A_21 : f32
    %div3A_22 = arith.divf %exp3A, %add3A : f32
    %add3A_23 = arith.addf %exp3A, %exp3A_21 : f32
    %div3A_24 = arith.divf %exp3A_21, %add3A_23 : f32
    %get3A_25 = arith.constant 0 : index
    %get3A_26 = arith.constant 0 : index
    %get3A_27 = vector.load %arg1[%get3A_25, %get3A_26] : memref<1280x128xf32, #tpu.memory_space<vmem>>, vector<1280x128xf32>
    %mul3A_28 = vector.broadcast %div3A_22 : f32 to vector<1280x128xf32>
    %mul3A_29 = arith.mulf %mul3A_28, %get3A_27 : vector<1280x128xf32>
    %get3A_30 = arith.constant 0 : index
    %get3A_31 = arith.constant 0 : index
    %get3A_32 = vector.load %arg2[%get3A_30, %get3A_31] : memref<1280x128xf32, #tpu.memory_space<vmem>>, vector<1280x128xf32>
    %mul3A_33 = vector.broadcast %div3A_24 : f32 to vector<1280x128xf32>
    %mul3A_34 = arith.mulf %mul3A_33, %get3A_32 : vector<1280x128xf32>
    %add3A_35 = arith.addf %mul3A_29, %mul3A_34 : vector<1280x128xf32>
    %swap3A = arith.constant 0 : index
    %swap3A_36 = arith.constant 0 : index
    %swap3A_37 = vector.load %arg5[%swap3A, %swap3A_36] : memref<1280x128xf32, #tpu.memory_space<vmem>>, vector<1280x128xf32>
    tpu.vector_store %arg5[%swap3A, %swap3A_36], %add3A_35 {strides = array<i32>} : memref<1280x128xf32, #tpu.memory_space<vmem>>, vector<1280x128xf32>,
    return
  }
  func.func @transform_0(%arg0: i32) -> (i32, i32) {
    %c0_i32 = arith.constant 0 : i32
    %c0_i32_0 = arith.constant 0 : i32
    return %arg0, %c0_i32 : i32, i32
  }
  func.func @transform_1(%arg0: i32) -> (i32, i32) {
    %c0_i32 = arith.constant 0 : i32
    %c0_i32_0 = arith.constant 0 : i32
    return %arg0, %c0_i32 : i32, i32
  }
  func.func @transform_2(%arg0: i32) -> (i32, i32) {
    %c0_i32 = arith.constant 0 : i32
    %c0_i32_0 = arith.constant 0 : i32
    %c0_i32_1 = arith.constant 0 : i32
    return %c0_i32, %c0_i32_0 : i32, i32
  }
  func.func @transform_3(%arg0: i32) -> (i32, i32) {
    %c0_i32 = arith.constant 0 : i32
    %c0_i32_0 = arith.constant 0 : i32
    %c0_i32_1 = arith.constant 0 : i32
    return %c0_i32, %c0_i32_0 : i32, i32
  }
  func.func @transform_4(%arg0: i32) -> (i32, i32) {
    %c0_i32 = arith.constant 0 : i32
    %c0_i32_0 = arith.constant 0 : i32
    return %arg0, %c0_i32 : i32, i32
  }
}

</mosaic_0001>

<sc_bundles>
// kernel: kernel.6.cloned.1.call-start
scs
__scs_entry_jumppad:
0x0: {  	(pc) =	sbr.rel $0x88, $3  }
0x1: {  	(tag) =	ssettag $0x0;
	lr =	simm.s32 $0x1  }
0x2: {  	[smem:$0x3F86] =	sst lr;
	_ =	strace $0xD0000000  }
0x3: {  	_ = 	snop  }
0x4: {  	_ = 	snop  }
0x5: {  	_ = 	snop  }
0x6: {  	_ = 	snop  }
0x7: {  	_ = 	snop  }
__scs_overlays_trampoline_lowered:
0x8: {  	[smem:$0x3F95] =	sst s0  }
0x9: {  	[smem:$0x3F96] =	sst s1  }
0xa: {  	[smem:$0x3F97] =	sst s2  }
0xb: {  	[smem:$0x3F98] =	sst s3  }
0xc: {  	[smem:$0x3F99] =	sst s4  }
0xd: {  	[smem:$0x3F9A] =	sst s5  }
0xe: {  	[smem:$0x3F9B] =	sst s6  }
0xf: {  	[smem:$0x3F9C] =	sst s7  }
0x10: {  	[smem:$0x3F9D] =	sst s8  }
0x11: {  	[smem:$0x3F9E] =	sst s9;
	s0 =	simm.s32 @!p0 $0x0  }
0x12: {  	s1 =	sld [smem:$0x3F84];
	s0 =	simm.s32 @p0 $0x1  }
0x13: {  	[smem:$0x3F9F] =	sst s0;
	s0 =	simm.s32 @!p1 $0x0  }
0x14: {  	s2 =	sld [smem:$0x3F83];
	s0 =	simm.s32 @p1 $0x1  }
0x15: {  	[smem:$0x3FA0] =	sst s0;
	s0 =	simm.s32 @!p2 $0x0  }
0x16: {  	s3 =	sld [smem:$0x3FDB];
	s0 =	simm.s32 @p2 $0x1  }
0x17: {  	s4 =	simm.s32 $0x1BF5;
	[smem:$0x3FA2] =	sst s0  }
0x18: {  	s0 =	sld [smem:$0x3F85];
	_ =	swait.ge [sflag:s4], $0x0  }
0x19: {  	s7 =	sld [smem:$0x3F86]  }
0x1a: {  	s8 =	sadd.s32 $0xFFFFE003, lr  }
0x1b: {  	s9 =	sadd.s32 $0xFFFFFEF7, lr;
	s5 =	simm.s32 $0xFFFFFFFF;
	p2 =	slt.u32 s8, $0xFFFFF086  }
0x1c: {  	p1 =	slt.u32 s9, $0xF7A;
	s5 =	simm.s32 @!p2 $0x0  }
0x1d: {  	s5 =	simm.s32 @p1 $0x1;
	p0 =	seq.s32 s7, s2  }
0x1e: {  	s7 =	smul.u32 @!p0 $0xF7A, s2;
	p2 =	seq.s32 @!p0 s5, $0x0  }
0x1f: {  	s9 =	smul.u32 $0xF7A, s1;
	s8 =	simm.s32 @!p0 $0x1BF5;
	p2 =	por !p2, p0  }
0x20: {  	[sflag:s8] =	ssyncset.s32 @!p0 $0xFFFFF086;
	s6 =	sadd.s32 @!p0 s3, s7;
	s7 =	simm.s32 @!p0 $0x108  }
0x21: {  	s3 =	sadd.s32 s3, s9;
	s6 =	sadd.s32 @!p0 $0x88, s6;
	s7 =	simm.s32 @p2 $0x1082  }
0x22: {  	[simem:s7], [sflag:s8] =	dma.local @!p0 [hbm:s6], $0xF7A  }
0x23: {  	s9 =	sor.u32 $0xD0000000, s2;
	s6 =	simm.s32 $0x108;
	_ =	swait.ge @!p0 [sflag:s8], $0x0  }
0x24: {  	s3 =	sadd.s32 $0x88, s3;
	s6 =	simm.s32 @!p1 $0x1082;
	[sflag:s4] =	ssyncset.s32 $0xFFFFF086  }
0x25: {  	[simem:s6], [sflag:s4] =	dma.local [hbm:s3], $0xF7A  }
0x26: {  	[smem:$0x3F86] =	sst s1;
	(tag) =	ssettag s2;
	_ =	strace s9  }
0x27: {  	s1 =	sld [smem:$0x3F96]  }
0x28: {  	s2 =	sld [smem:$0x3F97]  }
0x29: {  	s4 =	sld [smem:$0x3F99]  }
0x2a: {  	p0 =	seq.s32 s5, $0x0;
	s5 =	sld [smem:$0x3F9A]  }
0x2b: {  	s6 =	sld [smem:$0x3F9B]  }
0x2c: {  	s7 =	sld [smem:$0x3F9C]  }
0x2d: {  	s3 =	simm.s32 $0x108;
	s8 =	sld [smem:$0x3F9D]  }
0x2e: {  	s3 =	simm.s32 @!p0 $0x1082;
	s9 =	sld [smem:$0x3F9E]  }
0x2f: {  	lr =	sadd.s32 s0, s3;
	s0 =	sld [smem:$0x3F95]  }
0x30: {  	s3 =	sld [smem:$0x3F98]  }
0x31: {  	[smem:$0x3FA1] =	sst s10  }
0x32: {  	s10 =	sld [smem:$0x3F9F];
	_ =	sdelay $0x3  }
0x33: {  	p0 =	seq.s32 s10, $0x1;
	s10 =	sld [smem:$0x3FA1];
	_ =	sdelay $0x3  }
0x34: {  	[smem:$0x3FA1] =	sst s10  }
0x35: {  	s10 =	sld [smem:$0x3FA0];
	_ =	sdelay $0x3  }
0x36: {  	p1 =	seq.s32 s10, $0x1;
	s10 =	sld [smem:$0x3FA1];
	_ =	sdelay $0x3  }
0x37: {  	[smem:$0x3FA1] =	sst s10  }
0x38: {  	s10 =	sld [smem:$0x3FA2]  }
0x39: {  	_ = 	snop;
	(pc) =	sbr.ind lr, $3  }
0x3a: {  	_ = 	snop  }
0x3b: {  	_ = 	snop  }
0x3c: {  	p2 =	seq.s32 s10, $0x1;
	s10 =	sld [smem:$0x3FA1]  }
0x3d: {  	_ =	shalt  }
0x3e: {  	_ =	shalt  }
0x3f: {  	_ =	shalt  }
0x40: {  	_ =	shalt  }
0x41: {  	_ =	shalt  }
0x42: {  	_ =	shalt  }
0x43: {  	_ =	shalt  }
0x44: {  	_ =	shalt  }
0x45: {  	_ =	shalt  }
0x46: {  	_ =	shalt  }
0x47: {  	_ =	shalt  }
0x48: {  	_ =	shalt  }
0x49: {  	_ =	shalt  }
0x4a: {  	_ =	shalt  }
0x4b: {  	_ =	shalt  }
0x4c: {  	_ =	shalt  }
0x4d: {  	_ =	shalt  }
0x4e: {  	_ =	shalt  }
0x4f: {  	_ =	shalt  }
0x50: {  	_ =	shalt  }
0x51: {  	_ =	shalt  }
0x52: {  	_ =	shalt  }
0x53: {  	_ =	shalt  }
0x54: {  	_ =	shalt  }
0x55: {  	_ =	shalt  }
0x56: {  	_ =	shalt  }
0x57: {  	_ =	shalt  }
0x58: {  	_ =	shalt  }
0x59: {  	_ =	shalt  }
0x5a: {  	_ =	shalt  }
0x5b: {  	_ =	shalt  }
0x5c: {  	_ =	shalt  }
0x5d: {  	_ =	shalt  }
0x5e: {  	_ =	shalt  }
0x5f: {  	_ =	shalt  }
0x60: {  	_ =	shalt  }
0x61: {  	_ =	shalt  }
0x62: {  	_ =	shalt  }
0x63: {  	_ =	shalt  }
0x64: {  	_ =	shalt  }
0x65: {  	_ =	shalt  }
0x66: {  	_ =	shalt  }
0x67: {  	_ =	shalt  }
0x68: {  	_ =	shalt  }
0x69: {  	_ =	shalt  }
0x6a: {  	_ =	shalt  }
0x6b: {  	_ =	shalt  }
0x6c: {  	_ =	shalt  }
0x6d: {  	_ =	shalt  }
0x6e: {  	_ =	shalt  }
0x6f: {  	_ =	shalt  }
0x70: {  	_ =	shalt  }
0x71: {  	_ =	shalt  }
0x72: {  	_ =	shalt  }
0x73: {  	_ =	shalt  }
0x74: {  	_ =	shalt  }
0x75: {  	_ =	shalt  }
0x76: {  	_ =	shalt  }
0x77: {  	_ =	shalt  }
0x78: {  	_ =	shalt  }
0x79: {  	_ =	shalt  }
0x7a: {  	_ =	shalt  }
0x7b: {  	_ =	shalt  }
0x7c: {  	_ =	shalt  }
0x7d: {  	_ =	shalt  }
0x7e: {  	_ =	shalt  }
0x7f: {  	_ =	shalt  }
0x80: {  	_ =	shalt  }
0x81: {  	_ =	shalt  }
0x82: {  	_ =	shalt  }
0x83: {  	_ =	shalt  }
0x84: {  	_ =	shalt  }
0x85: {  	_ =	shalt  }
0x86: {  	_ =	shalt  }
0x87: {  	_ =	shalt  }
.Lfunc_end0:
.L_simem_size_0:
called_computation_lowered:
.L_overlay_start_0:
0x88: {  	s2 =	sld [smem:$0x3FD9]  }
0x89: {  	s3 =	sld [smem:$0x3FFE];
	_ =	sdelay $0x1  }
0x8a: {  	s1 =	srdreg.scid  }
0x8b: {  	s0 =	sand.u32 $0x1, s1  }
0x8c: {  	s14 =	sshll.u32 s0, $0xA;
	s2 =	sadd.s32 s3, s2  }
0x8d: {  	s2 =	sadd.s32 s2, s14  }
0x8e: {  	[smem:$0x3FAD] =	sst s2  }
0x8f: {  	_ = 	snop  }
0x90: {  	s2 =	sld [smem:$0x3FD0];
	_ =	sdelay $0x2  }
0x91: {  	s15 =	simm.s32 $0xA;
	s4 =	simm.s32 $0x10  }
0x92: {  	[smem:s4], [sflag:s15] =	dma.local [hbm:s2], $0x1  }
0x93: {  	_ =	swait.eq [sflag:s15], $0x1  }
0x94: {  	[sflag:s15] =	ssyncset.done $0x0  }
0x95: {  	s16 =	sld [smem:$0x10];
	[sflag:s15] =	ssyncadd.s32 $0xFFFFFFFF  }
0x96: {  	s17 =	sld [smem:$0x11];
	(tm) =	ssettm $0x1  }
0x97: {  	s18 =	sld [smem:$0x3FFB];
	_ =	sdelay $0x3  }
0x98: {  	_ =	strace s18  }
0x99: {  	s4 =	sld [smem:$0x3FFC];
	_ =	sdelay $0x3  }
0x9a: {  	_ =	strace s4  }
0x9b: {  	s4 =	sld [smem:$0x3FFD];
	_ =	sdelay $0x3  }
0x9c: {  	_ =	strace s4  }
0x9d: {  	_ =	strace $0x8FFFFFFF  }
0x9e: {  	s19 =	sld [smem:$0x3FDB];
	_ =	sdelay $0x1  }
0x9f: {  	s5 =	simm.s32 $_scs_section_size  }
0xa0: {  	s6 =	simm.s32 $_size__tile_overlayer_lowered;
	s7 =	simm.s32 $_tile_overlayer_lowered  }
0xa1: {  	s22 =	simm.s32 $0x1BFF;
	s21 =	sshll.u32 s7, $0x1;
	s4 =	sadd.s32 s5, s19  }
0xa2: {  	s8 =	simm.s32 $0x0;
	s20 =	sshll.u32 s6, $0x1;
	s6 =	sadd.s32 s21, s4  }
0xa3: {  	[timem:s8], [sflag:s22] =	dma.local [hbm:s6], s20  }
0xa4: {  	_ =	swait.ge [sflag:s22], s20  }
0xa5: {  	s5 =	ssub.s32 $0x0, s20;
	[sflag:s22] =	ssyncset.done $0x0  }
0xa6: {  	[sflag:s22] =	ssyncadd.s32 s5;
	_ =	sdelay $0x1  }
0xa7: {  	s23 =	simm.s32 $0x1B8B  }
0xa8: {  	_ =	swait.ge [sflag:s23], $0x1  }
0xa9: {  	[sflag:s23] =	ssyncset.done $0x0  }
0xaa: {  	s25 =	simm.s32 $0x1B8E;
	s24 =	sld [smem:$0x3FFE];
	[sflag:s23] =	ssyncadd.s32 $0xFFFFFFFF  }
0xab: {  	s26 =	simm.s32 $execute0_lowered;
	[smem:$0x3FD2] =	sst s25  }
0xac: {  	s6 =	sshll.u32 s26, $0x1;
	_ =	strace $0x80000046;
	[dreg:$0x1] =	wrdreg $0xFFFFFFFF  }
0xad: {  	s28 =	simm.s32 $_size_execute0_lowered;
	s4 =	sadd.s32 s4, s6;
	[dreg:$0x0] =	wrdreg $0x0  }
0xae: {  	s6 =	sshll.u32 s28, $0x1;
	[dreg:$0x2] =	wrdreg s4  }
0xaf: {  	[dreg:$0x3] =	wrdreg s6  }
0xb0: {  	[dreg:$0x4] =	wrdreg $0xC0  }
0xb1: {  	_ =	task [dreg:s8], $0x5FFFF  }
0xb2: {  	[dreg:$0x1] =	wrdreg $0xFFFFFFFF  }
0xb3: {  	[dreg:$0x0] =	wrdreg $0x60  }
0xb4: {  	[dreg:$0x2] =	wrdreg s24  }
0xb5: {  	[dreg:$0x3] =	wrdreg s17  }
0xb6: {  	[dreg:$0x4] =	wrdreg s16  }
0xb7: {  	[dreg:$0x5] =	wrdreg $0xAD200  }
0xb8: {  	[dreg:$0x6] =	wrdreg $0x14D200  }
0xb9: {  	[dreg:$0x7] =	wrdreg $0x9  }
0xba: {  	_ =	task.clear_ibuf [dreg:s8], $0x8FFFF;
	_ =	strace $0x90000046  }
0xbb: {  	s29 =	simm.s32 $0x9;
	_ =	strace $0x80000048  }
0xbc: {  	_ =	swait.ge [sflag:s29], $0x1  }
0xbd: {  	[sflag:s29] =	ssyncadd.s32 $0xFFFFFFFF  }
0xbe: {  	_ =	strace $0x90000048  }
0xbf: {  	_ =	sfence  }
0xc0: {  	s30 =	sld [smem:$0x0];
	_ =	sdelay $0x2  }
0xc1: {  	s31 =	sshll.u32 s1, $0xD;
	s1 =	sshrl.u32 s1, $0x2  }
0xc2: {  	s3 =	sand.u32 $0x4000, s31;
	s1 =	sadd.s32 s1, s30  }
0xc3: {  	s0 =	sor.u32 s3, s0;
	s1 =	sshll.u32 s1, $0x11  }
0xc4: {  	s0 =	sor.u32 s1, s0  }
0xc5: {  	s0 =	sadd.s32 $0x8F2B, s0  }
0xc6: {  	[sflag:s0] =	ssyncadd.remote.s32 $0x1  }
0xc7: {  	_ =	sfence.sel $0xFFFF  }
0xc8: {  	[dreg:$0x0] =	wrdreg $0xFFFFFFFF;
	(pc) =	sbr.abs _section_cstart, $3  }
0xc9: {  	[dreg:$0x1] =	wrdreg $0xFFFFFFFF  }
0xca: {  	_ =	task.clear_ibuf [dreg:s8], $0x2FFFF;
	_ =	strace $0x9FFFFFFF  }
0xcb: {  	(tm) =	ssettm $0x7FFFFFFF  }
tec
execute0_lowered:
.L_overlay_start_1:
0x0: {  	(tag) =	ssettag $0x1  }
0x1: {  	s0 =	rddreg [dreg:$0x0]  }
0x2: {  	s1 =	rddreg [dreg:$0x1]  }
0x3: {  	s2 =	rddreg [dreg:$0x2]  }
0x4: {  	s3 =	rddreg [dreg:$0x3]  }
0x5: {  	s4 =	rddreg [dreg:$0x4];
	s5 =	srdreg.scid;
	s23 =	simm.s32 $0x0  }
0x6: {  	s21 =	stileid.u32;
	s5 =	sand.u32 $0x1, s5;
	[smem:$0x7FF] =	sst s23  }
0x7: {  	s7 =	sadd.s32 $0x129000, s0;
	s8 =	sadd.s32 $0x13CA00, s0;
	s9 =	sadd.s32 $0x52400, s0  }
0x8: {  	s10 =	sadd.s32 $0x141A00, s0;
	s17 =	smul.u32 $0xA000, s21;
	s11 =	sadd.s32 $0x3E400, s0  }
0x9: {  	s12 =	sadd.s32 $0x43400, s0;
	s13 =	sadd.s32 $0x65E00, s0;
	s18 =	smul.u32 $0x2800, s21  }
0xa: {  	s14 =	sadd.s32 $0x79800, s0;
	s15 =	sadd.s32 $0x48400, s0;
	s16 =	smul.u32 $0xA0000, s5  }
0xb: {  	s6 =	sshll.u32 s5, $0x4;
	_ =	strace $0x80000047;
	s20 =	smul.u32 $0x28000, s5  }
0xc: {  	s5 =	ssub.s32 $0x2, s5;
	s6 =	sor.u32 s21, s6;
	s21 =	smul.u32 $0x280, s21  }
0xd: {  	s22 =	sshrl.u32 s5, $0x1;
	s26 =	sadd.s32 s18, s4;
	s6 =	smul.u32 $0x4E2, s6  }
0xe: {  	s19 =	sadd.s32 s17, s16;
	s16 =	sadd.s32 $0x4D400, s0;
	s20 =	sadd.s32 s18, s20  }
0xf: {  	s5 =	ssub.s32 s5, s22;
	s17 =	sadd.s32 s17, s3;
	[dreg:$0x8] =	wrdreg s26  }
0x10: {  	s19 =	sshrl.u32 s19, $0x3;
	s20 =	sshrl.u32 s20, $0x3;
	s25 =	sadd.s32 $0x80, s21  }
0x11: {  	[dreg:$0x7] =	wrdreg s17;
	s6 =	sadd.s32 s6, s0;
	s19 =	sadd.s32 s19, s0  }
0x12: {  	s0 =	sadd.s32 s20, s0;
	s31 =	sshll.u32 s25, $0x6;
	s18 =	sshll.u32 s25, $0x4  }
0x13: {  	s20 =	sadd.s32 $0x100, s21;
	s25 =	sadd.s32 $0x180, s21;
	s17 =	sadd.s32 s31, s3  }
0x14: {  	s31 =	sadd.s32 $0x200, s21;
	s21 =	sadd.s32 $0x3000, s6;
	[dreg:$0x9] =	wrdreg s17  }
0x15: {  	s22 =	sshll.u32 s20, $0x6;
	s17 =	sadd.s32 s18, s4;
	[dreg:$0x11] =	wrdreg s21  }
0x16: {  	s18 =	sshll.u32 s20, $0x4;
	s20 =	sadd.s32 $0xCE00, s6;
	[dreg:$0xa] =	wrdreg s17  }
0x17: {  	s21 =	sadd.s32 $0xE7200, s19;
	[dreg:$0x10] =	wrdreg s20  }
0x18: {  	s17 =	sadd.s32 s22, s3;
	[dreg:$0x1b] =	wrdreg s21  }
0x19: {  	s26 =	sshll.u32 s25, $0x6;
	s24 =	sadd.s32 s18, s4;
	[dreg:$0xb] =	wrdreg s17  }
0x1a: {  	s18 =	sadd.s32 s26, s3;
	[dreg:$0xc] =	wrdreg s24  }
0x1b: {  	s22 =	sadd.s32 $0x20A00, s6;
	[dreg:$0xd] =	wrdreg s18  }
0x1c: {  	s26 =	sadd.s32 $0x10F200, s0;
	[dreg:$0x12] =	wrdreg s22  }
0x1d: {  	s20 =	sadd.s32 $0x8D200, s19;
	[dreg:$0x16] =	wrdreg s26  }
0x1e: {  	s24 =	sadd.s32 $0x16C00, s6;
	[dreg:$0x1a] =	wrdreg s20  }
0x1f: {  	s17 =	sshll.u32 s25, $0x4;
	s25 =	sadd.s32 $0x34600, s6;
	[dreg:$0x13] =	wrdreg s24  }
0x20: {  	s6 =	sadd.s32 $0x2A800, s6;
	[dreg:$0x14] =	wrdreg s25  }
0x21: {  	s22 =	sadd.s32 $0x146A00, s19;
	[dreg:$0x15] =	wrdreg s6  }
0x22: {  	s30 =	simm.s32 $0x3;
	s26 =	sadd.s32 $0x196A00, s19;
	[dreg:$0x1c] =	wrdreg s22  }
0x23: {  	s28 =	simm.s32 $0x50;
	s17 =	sadd.s32 s17, s4;
	[dreg:$0x1f] =	wrdreg s26  }
0x24: {  	s18 =	sshll.u32 s31, $0x6;
	s25 =	sadd.s32 $0x16EA00, s19;
	[dreg:$0xe] =	wrdreg s17  }
0x25: {  	s29 =	simm.s32 $0x7120;
	s17 =	sadd.s32 s18, s3;
	[dreg:$0x1e] =	wrdreg s25  }
0x26: {  	s20 =	simm.s32 $0x4E20;
	s18 =	sadd.s32 $0xB5200, s19;
	[dreg:$0xf] =	wrdreg s17  }
0x27: {  	s17 =	sshll.u32 s31, $0x4;
	s31 =	sadd.s32 $0xDD200, s0;
	[dreg:$0x19] =	wrdreg s18  }
0x28: {  	s22 =	simm.s32 $0x5320;
	s0 =	sadd.s32 $0x119200, s0;
	[dreg:$0x17] =	wrdreg s31  }
0x29: {  	s18 =	simm.s32 $0x2;
	[dreg:$0x18] =	wrdreg s0;
	s24 =	sadd.s32 s17, s4  }
0x2a: {  	s31 =	smax.u32 s5, $0x1;
	s0 =	simm.s32 $0x8520;
	[dreg:$0x1d] =	wrdreg s24  }
0x2b: {  	v0 =	vimm.f32 $0.0e+00;
	s5 =	simm.s32 $0x1;
	[smem:$0x7FD] =	sst s31;
	s24 =	simm.s32 $0x5D20  }
.LBB2_1:
0x2c: {  	s6 =	simm.s32 $0x0  }
.LBB2_2:
0x2d: {  	p0 =	sne.s32 s6, $0x7F00  }
.Ltmp0:
0x2e: {  	s17 =	sshra.s32 s6, $0x2;
	(pc) =	sbr.rel @p0 .LBB2_2-.Ltmp0, $4  }
0x2f: {  	[tilespmem:s17+$0x8520] =	vst v0  }
0x30: {  	[tilespmem:s17+$0x8530] =	vst v0  }
0x31: {  	[tilespmem:s17+$0x8540] =	vst v0  }
0x32: {  	s6 =	sadd.s32 $0x100, s6;
	[tilespmem:s17+$0x8550] =	vst v0  }
0x33: {  	s6 =	simm.s32 $0x40;
	s17 =	simm.s32 $0x0  }
.LBB2_4:
0x34: {  	p0 =	sne.s32 s6, $0x1FC0;
	[tilespmem:s17+$0xA520] =	vst v0;
	s17 =	smov.u32 s6;
	s6 =	sadd.s32 $0x40, s6  }
.Ltmp1:
0x35: {  	(pc) =	sbr.rel @p0 .LBB2_4-.Ltmp1, $2  }
0x36: {  	_ =	sdelay $0x2  }
0x37: {  	s17 =	sshra.s32 s17, $0x2  }
0x38: {  	[dreg:$0x6] =	wrdreg s23  }
0x39: {  	[tilespmem:s17+$0xA520] =	vst v0;
	s6 =	simm.s32 $0x0;
	s19 =	rddreg [dreg:$0x10]  }
0x3a: {  	[tilespmem:s6], [sflag:$0x3] =	stream.linear.gather [hbm4b:s19+s6], $0x2710, $0x38;
	[tilespmem:$0x17520] =	vst v63  }
0x3b: {  	_ =	swait.ge [sflag:s30], $0x2710  }
0x3c: {  	[sflag:s30] =	ssyncset.done $0x0  }
0x3d: {  	s19 =	simm.s32 $0x2710;
	s21 =	rddreg [dreg:$0x11];
	[sflag:s30] =	ssyncadd.s32 $0xFFFFD8F0  }
0x3e: {  	[tilespmem:s19], [sflag:$0x3] =	stream.linear.gather [hbm4b:s21+s6], $0x2710, $0x38;
	[tilespmem:$0x17520] =	vst v63  }
0x3f: {  	_ =	swait.ge [sflag:s30], $0x2710  }
0x40: {  	[sflag:s30] =	ssyncset.done $0x0  }
0x41: {  	s23 =	rddreg [dreg:$0x7];
	[sflag:s30] =	ssyncadd.s32 $0xFFFFD8F0  }
0x42: {  	[spmem:s23] =	stream.linear.scatter [tilespmem:s0], [sflag:$0x3], $0x2000, $0x38;
	[tilespmem:$0x17520] =	vst v63  }
0x43: {  	_ =	swait.ge [sflag:s30], $0x2000  }
0x44: {  	[sflag:s30] =	ssyncset.done $0x0  }
0x45: {  	s17 =	simm.s32 $0xA520;
	s25 =	rddreg [dreg:$0x8];
	[sflag:s30] =	ssyncadd.s32 $0xFFFFE000  }
0x46: {  	[spmem:s25] =	stream.linear.scatter [tilespmem:s17], [sflag:$0x3], $0x800, $0x38;
	[tilespmem:$0x17520] =	vst v63  }
0x47: {  	_ =	swait.ge [sflag:s30], $0x800  }
0x48: {  	[sflag:s30] =	ssyncset.done $0x0  }
0x49: {  	s26 =	rddreg [dreg:$0x9];
	[sflag:s30] =	ssyncadd.s32 $0xFFFFF800  }
0x4a: {  	[spmem:s26] =	stream.linear.scatter [tilespmem:s0], [sflag:$0x3], $0x2000, $0x38;
	[tilespmem:$0x17520] =	vst v63  }
0x4b: {  	_ =	swait.ge [sflag:s30], $0x2000  }
0x4c: {  	[sflag:s30] =	ssyncset.done $0x0  }
0x4d: {  	s31 =	rddreg [dreg:$0xa];
	[sflag:s30] =	ssyncadd.s32 $0xFFFFE000  }
0x4e: {  	[spmem:s31] =	stream.linear.scatter [tilespmem:s17], [sflag:$0x3], $0x800, $0x38;
	[tilespmem:$0x17520] =	vst v63  }
0x4f: {  	_ =	swait.ge [sflag:s30], $0x800  }
0x50: {  	[sflag:s30] =	ssyncset.done $0x0  }
0x51: {  	s19 =	rddreg [dreg:$0xb];
	[sflag:s30] =	ssyncadd.s32 $0xFFFFF800  }
0x52: {  	[spmem:s19] =	stream.linear.scatter [tilespmem:s0], [sflag:$0x3], $0x2000, $0x38;
	[tilespmem:$0x17520] =	vst v63  }
0x53: {  	_ =	swait.ge [sflag:s30], $0x2000  }
0x54: {  	[sflag:s30] =	ssyncset.done $0x0  }
0x55: {  	s21 =	rddreg [dreg:$0xc];
	[sflag:s30] =	ssyncadd.s32 $0xFFFFE000  }
0x56: {  	[spmem:s21] =	stream.linear.scatter [tilespmem:s17], [sflag:$0x3], $0x800, $0x38;
	[tilespmem:$0x17520] =	vst v63  }
0x57: {  	_ =	swait.ge [sflag:s30], $0x800  }
0x58: {  	[sflag:s30] =	ssyncset.done $0x0  }
0x59: {  	s23 =	rddreg [dreg:$0xd];
	[sflag:s30] =	ssyncadd.s32 $0xFFFFF800  }
0x5a: {  	[spmem:s23] =	stream.linear.scatter [tilespmem:s0], [sflag:$0x3], $0x2000, $0x38;
	[tilespmem:$0x17520] =	vst v63  }
0x5b: {  	_ =	swait.ge [sflag:s30], $0x2000  }
0x5c: {  	[sflag:s30] =	ssyncset.done $0x0  }
0x5d: {  	s25 =	rddreg [dreg:$0xe];
	[sflag:s30] =	ssyncadd.s32 $0xFFFFE000  }
0x5e: {  	[spmem:s25] =	stream.linear.scatter [tilespmem:s17], [sflag:$0x3], $0x800, $0x38;
	[tilespmem:$0x17520] =	vst v63  }
0x5f: {  	_ =	swait.ge [sflag:s30], $0x800  }
0x60: {  	[sflag:s30] =	ssyncset.done $0x0  }
0x61: {  	s26 =	rddreg [dreg:$0xf];
	[sflag:s30] =	ssyncadd.s32 $0xFFFFF800  }
0x62: {  	[spmem:s26] =	stream.linear.scatter [tilespmem:s0], [sflag:$0x3], $0x2000, $0x38;
	[tilespmem:$0x17520] =	vst v63  }
0x63: {  	_ =	swait.ge [sflag:s30], $0x2000  }
0x64: {  	[sflag:s30] =	ssyncset.done $0x0  }
0x65: {  	s31 =	rddreg [dreg:$0x1d];
	[sflag:s30] =	ssyncadd.s32 $0xFFFFE000  }
0x66: {  	[spmem:s31] =	stream.linear.scatter [tilespmem:s17], [sflag:$0x3], $0x800, $0x38;
	[tilespmem:$0x17520] =	vst v63  }
0x67: {  	_ =	swait.ge [sflag:s30], $0x800  }
0x68: {  	[sflag:s30] =	ssyncset.done $0x0  }
0x69: {  	[sflag:s30] =	ssyncadd.s32 $0xFFFFF800  }
0x6a: {  	s6 =	simm.s32 $0x0;
	s17 =	simm.s32 $0x100;
	[bflag:$0x0] =	sbarrier.arrive $0xFFFF  }
.LBB2_6:
0x6b: {  	p0 =	sne.s32 s17, $0x4F00;
	[tilespmem:s6+$0x7150] =	vst v0;
	s19 =	smov.u32 s17;
	s17 =	sadd.s32 $0x100, s17  }
.Ltmp2:
0x6c: {  	[tilespmem:s6+$0x7140] =	vst v0;
	(pc) =	sbr.rel @p0 .LBB2_6-.Ltmp2, $3  }
0x6d: {  	[tilespmem:s6+$0x7120] =	vst v0  }
0x6e: {  	[tilespmem:s6+$0x7130] =	vst v0;
	_ =	sdelay $0x1  }
0x6f: {  	s6 =	sshra.s32 s19, $0x2  }
0x70: {  	[tilespmem:s6+$0x7150] =	vst v0  }
0x71: {  	[tilespmem:s6+$0x7140] =	vst v0  }
0x72: {  	[tilespmem:s6+$0x7120] =	vst v0  }
0x73: {  	[tilespmem:s6+$0x7130] =	vst v0;
	s31 =	simm.s32 $0x2710;
	s19 =	simm.s32 $0x0  }
0x74: {  	[spmem:s3] =	stream.indirect.scatter.add.f32 [tilespmem:s29], [sflag:$0x2], $0x40, s31, s28, $0xb8;
	[tilespmem:$0x17520] =	vst v63  }
.LBB2_8:
0x75: {  	s6 =	smul.u32 $0x50, s19;
	_ =	sdelay $0x1  }
0x76: {  	[tilespmem:s20], [sflag:$0x1] =	stream.indirect.gather [hbm4b:s8+s28], $0x10, s6, s28, $0xb8;
	[tilespmem:$0x17520] =	vst v63  }
0x77: {  	s21 =	sadd.s32 $0x2710, s6  }
0x78: {  	[tilespmem:s22], [sflag:$0x1] =	stream.indirect.gather [hbm4b:s10+s28], $0x10, s21, s28, $0xb8;
	[tilespmem:$0x17520] =	vst v63  }
0x79: {  	_ = 	snop  }
0x7a: {  	[tilespmem:s24], [sflag:$0x1] =	stream.indirect.gather [hbm4b:s7+s28], $0x40, s6, s28, $0xb8;
	[tilespmem:$0x17520] =	vst v63  }
0x7b: {  	_ =	swait.ge [sflag:s5], $0x500  }
0x7c: {  	[sflag:s5] =	ssyncset.done $0x0  }
0x7d: {  	[sflag:s5] =	ssyncadd.s32 $0xFFFFFB00  }
0x7e: {  	_ =	swait.ge [sflag:s5], $0x500  }
0x7f: {  	[sflag:s5] =	ssyncset.done $0x0  }
0x80: {  	s23 =	simm.s32 $0x0;
	[sflag:s5] =	ssyncadd.s32 $0xFFFFFB00  }
0x81: {  	v1 =	vld [tilespmem:s23+$0x4E20]  }
0x82: {  	v2 =	vld [tilespmem:s23+$0x5320];
	_ =	sdelay $0x4  }
0x83: {  	v1 =	vadd.f32 v2, v1;
	_ =	sdelay $0x1  }
0x84: {  	s25 =	simm.s32 $0x10;
	v2 =	vmul.f32 $2.000000030e-01, v1  }
0x85: {  	v3 =	vld [tilespmem:s25+$0x4E20]  }
0x86: {  	v4 =	vld [tilespmem:s25+$0x5320];
	v1 =	vmax.f32 v1, v2  }
0x87: {  	s17 =	simm.s32 $0x20;
	v1 =	vmul.f32 $1.442695020e+00, v1  }
0x88: {  	v2 =	vld [tilespmem:s17+$0x4E20]  }
0x89: {  	(erf) = vpow2.f32 v1;
	v1 =	vld [tilespmem:s17+$0x5320];
	_ =	sdelay $0x1  }
0x8a: {  	v3 =	vadd.f32 v4, v3;
	_ =	sdelay $0x1  }
0x8b: {  	v4 =	vmul.f32 $2.000000030e-01, v3  }
0x8c: {  	v5 =	vadd.f32 v1, v2  }
0x8d: {  	v1 =	vmax.f32 v3, v4  }
0x8e: {  	s6 =	simm.s32 $0x30;
	v2 =	vmul.f32 $1.442695020e+00, v1;
	v3 =	vmul.f32 $2.000000030e-01, v5  }
0x8f: {  	v1 =	vld [tilespmem:s6+$0x4E20]  }
0x90: {  	(erf) = vpow2.f32 v2;
	v2 =	vld [tilespmem:s6+$0x5320];
	_ =	sdelay $0x1  }
0x91: {  	s26 =	simm.s32 $0x100;
	v4 =	vmax.f32 v5, v3;
	v3 =	vpop (erf)  }
.LBB2_9:
0x92: {  	s31 =	sshra.s32 s26, $0x2  }
0x93: {  	v4 =	vmul.f32 $1.442695020e+00, v4;
	[tilespmem:s23+$0x5820] =	vst v3;
	s23 =	smov.u32 s25;
	s25 =	smov.u32 s17;
	p0 =	sne.s32 s26, $0x13C0  }
.Ltmp3:
0x94: {  	s26 =	sadd.s32 $0x40, s26;
	v3 =	vadd.f32 v2, v1;
	v1 =	vld [tilespmem:s31+$0x4E20];
	(pc) =	sbr.rel @p0 .LBB2_9-.Ltmp3, $3  }
0x95: {  	s17 =	smov.u32 s6;
	s6 =	smov.u32 s31;
	v2 =	vld [tilespmem:s31+$0x5320];
	(erf) = vpow2.f32 v4  }
0x96: {  	v4 =	vmul.f32 $2.000000030e-01, v3;
	_ =	sdelay $0x1  }
0x97: {  	v4 =	vmax.f32 v3, v4;
	v3 =	vpop (erf)  }
0x98: {  	_ = 	snop  }
0x99: {  	v1 =	vadd.f32 v2, v1;
	_ =	sdelay $0x1  }
0x9a: {  	v2 =	vmul.f32 $2.000000030e-01, v1;
	_ =	sdelay $0x1  }
0x9b: {  	v4 =	vmul.f32 $1.442695020e+00, v4;
	v1 =	vmax.f32 v1, v2  }
0x9c: {  	v1 =	vmul.f32 $1.442695020e+00, v1  }
0x9d: {  	(erf) = vpow2.f32 v4  }
0x9e: {  	(erf) = vpow2.f32 v1;
	_ =	sdelay $0x6  }
0x9f: {  	[tilespmem:s23+$0x5820] =	vst v3;
	v1 =	vpop (erf)  }
0xa0: {  	[tilespmem:s25+$0x5820] =	vst v1;
	v1 =	vpop (erf)  }
0xa1: {  	[tilespmem:s17+$0x5820] =	vst v1;
	v1 =	vpop (erf)  }
0xa2: {  	[tilespmem:s6+$0x5820] =	vst v1  }
0xa3: {  	_ =	swait.ge [sflag:s5], $0x1400  }
0xa4: {  	[sflag:s5] =	ssyncset.done $0x0  }
0xa5: {  	[sflag:s5] =	ssyncadd.s32 $0xFFFFEC00  }
0xa6: {  	_ =	swait.ge [sflag:s18], $0x1400  }
0xa7: {  	[sflag:s18] =	ssyncset.done $0x0  }
0xa8: {  	s17 =	simm.s32 $0x5820;
	s6 =	simm.s32 $0x0;
	[sflag:s18] =	ssyncadd.s32 $0xFFFFEC00  }
0xa9: {  	[spmem:s4] =	stream.indirect.scatter.add.f32 [tilespmem:s17], [sflag:$0x1], $0x10, s21, s28, $0xb8;
	[tilespmem:$0x17520] =	vst v63  }
0xaa: {  	v1 =	vld [tilespmem:s6+$0x5D20]  }
0xab: {  	s23 =	simm.s32 $0x100;
	v2 =	vld [tilespmem:s17+$0x0]  }
.LBB2_11:
0xac: {  	p0 =	sne.s32 s23, $0x4F00;
	v3 =	vld [tilespmem:s6+$0x5D30]  }
0xad: {  	v4 =	vld [tilespmem:s6+$0x5D40]  }
0xae: {  	v5 =	vld [tilespmem:s6+$0x5D50];
	_ =	sdelay $0x1  }
0xaf: {  	v6 =	vbroadcast v2, $0x0;
	v7 =	vbroadcast v2, $0x1  }
0xb0: {  	v8 =	vbroadcast v2, $0x2;
	v2 =	vbroadcast v2, $0x3  }
0xb1: {  	v1 =	vmul.f32 v6, v1;
	v3 =	vmul.f32 v3, v7  }
0xb2: {  	v4 =	vmul.f32 v4, v8;
	v2 =	vmul.f32 v5, v2  }
.Ltmp4:
0xb3: {  	[tilespmem:s6+$0x7120] =	vst v1;
	(pc) =	sbr.rel @p0 .LBB2_11-.Ltmp4, $4  }
0xb4: {  	[tilespmem:s6+$0x7130] =	vst v3  }
0xb5: {  	s25 =	sshra.s32 s23, $0x2;
	[tilespmem:s6+$0x7140] =	vst v4  }
0xb6: {  	s17 =	sadd.s32 $0x10, s17;
	v1 =	vld [tilespmem:s25+$0x5D20];
	[tilespmem:s6+$0x7150] =	vst v2;
	s6 =	smov.u32 s25  }
0xb7: {  	s23 =	sadd.s32 $0x100, s23;
	v2 =	vld [tilespmem:s17+$0x0]  }
0xb8: {  	_ =	sdelay $0x1  }
0xb9: {  	v3 =	vld [tilespmem:s6+$0x5D30]  }
0xba: {  	v4 =	vld [tilespmem:s6+$0x5D40]  }
0xbb: {  	v5 =	vld [tilespmem:s6+$0x5D50];
	v6 =	vbroadcast v2, $0x0  }
0xbc: {  	v7 =	vbroadcast v2, $0x1  }
0xbd: {  	v8 =	vbroadcast v2, $0x2;
	v1 =	vmul.f32 v6, v1  }
0xbe: {  	v2 =	vbroadcast v2, $0x3;
	v3 =	vmul.f32 v3, v7  }
0xbf: {  	v4 =	vmul.f32 v4, v8;
	[tilespmem:s6+$0x7120] =	vst v1  }
0xc0: {  	s19 =	sadd.s32 $0x1, s19;
	v1 =	vmul.f32 v5, v2;
	[tilespmem:s6+$0x7130] =	vst v3  }
0xc1: {  	p0 =	sne.s32 s19, $0x7D;
	[tilespmem:s6+$0x7140] =	vst v4  }
.Ltmp5:
0xc2: {  	[tilespmem:s6+$0x7150] =	vst v1;
	(pc) =	sbr.rel @p0 .LBB2_8-.Ltmp5, $4  }
0xc3: {  	[spmem:s3] =	stream.indirect.scatter.add.f32 [tilespmem:s29], [sflag:$0x2], $0x40, s21, s28, $0xb8;
	[tilespmem:$0x17520] =	vst v63  }
0xc4: {  	_ =	swait.ge [sflag:s5], $0x500  }
0xc5: {  	[sflag:s5] =	ssyncset.done $0x0  }
0xc6: {  	[sflag:s5] =	ssyncadd.s32 $0xFFFFFB00  }
0xc7: {  	_ =	swait.ge [sflag:s18], $0x1400  }
0xc8: {  	[sflag:s18] =	ssyncset.done $0x0  }
0xc9: {  	[sflag:s18] =	ssyncadd.s32 $0xFFFFEC00  }
0xca: {  	[bflag:$0x0] =	sbarrier.arrive $0xFFFF  }
0xcb: {  	s6 =	stileid.u32;
	s23 =	rddreg [dreg:$0x7]  }
0xcc: {  	s6 =	sshll.u32 s6, $0x6;
	s17 =	rddreg [dreg:$0x19];
	s21 =	sshrl.u32 s23, $0x3  }
0xcd: {  	s19 =	sor.u32 $0x1C03, s6;
	[smem:$0x7FA] =	sst s21  }
0xce: {  	[hbm:s17], [sflag:s19] =	dma.local [spmem:s21], $0x1400  }
0xcf: {  	_ =	swait.ge [sflag:s30], $0x1400  }
0xd0: {  	s25 =	rddreg [dreg:$0x8]  }
0xd1: {  	s31 =	rddreg [dreg:$0x17]  }
0xd2: {  	[sflag:s30] =	ssyncset.done $0x0;
	[smem:$0x7FB] =	sst s19;
	s26 =	sshrl.u32 s25, $0x3  }
0xd3: {  	[sflag:s30] =	ssyncadd.s32 $0xFFFFEC00;
	[smem:$0x7FC] =	sst s26  }
0xd4: {  	[hbm:s31], [sflag:s19] =	dma.local [spmem:s26], $0x500  }
0xd5: {  	_ =	swait.ge [sflag:s30], $0x500  }
0xd6: {  	[sflag:s30] =	ssyncset.done $0x0  }
0xd7: {  	[sflag:s30] =	ssyncadd.s32 $0xFFFFFB00  }
0xd8: {  	[bflag:$0x0] =	sbarrier.arrive $0xFFFF  }
0xd9: {  	[spmem:s23] =	stream.linear.scatter [tilespmem:s0], [sflag:$0x3], $0x2000, $0x38;
	[tilespmem:$0x17520] =	vst v63  }
0xda: {  	_ =	swait.ge [sflag:s30], $0x2000  }
0xdb: {  	[sflag:s30] =	ssyncset.done $0x0  }
0xdc: {  	s23 =	rddreg [dreg:$0x9];
	[sflag:s30] =	ssyncadd.s32 $0xFFFFE000  }
0xdd: {  	[spmem:s23] =	stream.linear.scatter [tilespmem:s0], [sflag:$0x3], $0x2000, $0x38;
	[tilespmem:$0x17520] =	vst v63  }
0xde: {  	_ =	swait.ge [sflag:s30], $0x2000  }
0xdf: {  	[sflag:s30] =	ssyncset.done $0x0  }
0xe0: {  	s25 =	rddreg [dreg:$0xb];
	[sflag:s30] =	ssyncadd.s32 $0xFFFFE000  }
0xe1: {  	[spmem:s25] =	stream.linear.scatter [tilespmem:s0], [sflag:$0x3], $0x2000, $0x38;
	[tilespmem:$0x17520] =	vst v63  }
0xe2: {  	_ =	swait.ge [sflag:s30], $0x2000  }
0xe3: {  	[sflag:s30] =	ssyncset.done $0x0  }
0xe4: {  	s26 =	rddreg [dreg:$0xd];
	[sflag:s30] =	ssyncadd.s32 $0xFFFFE000  }
0xe5: {  	[spmem:s26] =	stream.linear.scatter [tilespmem:s0], [sflag:$0x3], $0x2000, $0x38;
	[tilespmem:$0x17520] =	vst v63  }
0xe6: {  	_ =	swait.ge [sflag:s30], $0x2000  }
0xe7: {  	[sflag:s30] =	ssyncset.done $0x0  }
0xe8: {  	s31 =	rddreg [dreg:$0xf];
	[sflag:s30] =	ssyncadd.s32 $0xFFFFE000  }
0xe9: {  	[spmem:s31] =	stream.linear.scatter [tilespmem:s0], [sflag:$0x3], $0x2000, $0x38;
	[tilespmem:$0x17520] =	vst v63  }
0xea: {  	_ =	swait.ge [sflag:s30], $0x2000  }
0xeb: {  	[sflag:s30] =	ssyncset.done $0x0  }
0xec: {  	[sflag:s30] =	ssyncadd.s32 $0xFFFFE000  }
0xed: {  	s6 =	simm.s32 $0x0;
	s17 =	simm.s32 $0x100;
	[bflag:$0x0] =	sbarrier.arrive $0xFFFF  }
.LBB2_14:
0xee: {  	p0 =	sne.s32 s17, $0x4F00;
	[tilespmem:s6+$0x7150] =	vst v0;
	s19 =	smov.u32 s17;
	s17 =	sadd.s32 $0x100, s17  }
.Ltmp6:
0xef: {  	[tilespmem:s6+$0x7140] =	vst v0;
	(pc) =	sbr.rel @p0 .LBB2_14-.Ltmp6, $3  }
0xf0: {  	[tilespmem:s6+$0x7120] =	vst v0  }
0xf1: {  	[tilespmem:s6+$0x7130] =	vst v0;
	_ =	sdelay $0x1  }
0xf2: {  	s6 =	sshra.s32 s19, $0x2  }
0xf3: {  	[tilespmem:s6+$0x7150] =	vst v0  }
0xf4: {  	[tilespmem:s6+$0x7140] =	vst v0  }
0xf5: {  	[tilespmem:s6+$0x7120] =	vst v0  }
0xf6: {  	[tilespmem:s6+$0x7130] =	vst v0;
	s31 =	simm.s32 $0x2710;
	s23 =	simm.s32 $0x0  }
0xf7: {  	[spmem:s3] =	stream.indirect.scatter.add.f32 [tilespmem:s29], [sflag:$0x2], $0x40, s31, s28, $0xb8;
	[tilespmem:$0x17520] =	vst v63  }
.LBB2_16:
0xf8: {  	s6 =	smul.u32 $0x50, s23;
	_ =	sdelay $0x1  }
0xf9: {  	[tilespmem:s20], [sflag:$0x1] =	stream.indirect.gather [hbm4b:s8+s28], $0x10, s6, s28, $0xb8;
	[tilespmem:$0x17520] =	vst v63  }
0xfa: {  	s25 =	sadd.s32 $0x2710, s6  }
0xfb: {  	[tilespmem:s22], [sflag:$0x1] =	stream.indirect.gather [hbm4b:s10+s28], $0x10, s25, s28, $0xb8;
	[tilespmem:$0x17520] =	vst v63  }
0xfc: {  	_ = 	snop  }
0xfd: {  	[tilespmem:s24], [sflag:$0x1] =	stream.indirect.gather [hbm4b:s9+s28], $0x40, s6, s28, $0xb8;
	[tilespmem:$0x17520] =	vst v63  }
0xfe: {  	_ =	swait.ge [sflag:s5], $0x500  }
0xff: {  	[sflag:s5] =	ssyncset.done $0x0  }
0x100: {  	[sflag:s5] =	ssyncadd.s32 $0xFFFFFB00  }
0x101: {  	_ =	swait.ge [sflag:s5], $0x500  }
0x102: {  	[sflag:s5] =	ssyncset.done $0x0  }
0x103: {  	s21 =	simm.s32 $0x0;
	[sflag:s5] =	ssyncadd.s32 $0xFFFFFB00  }
0x104: {  	v1 =	vld [tilespmem:s21+$0x4E20]  }
0x105: {  	v2 =	vld [tilespmem:s21+$0x5320];
	_ =	sdelay $0x4  }
0x106: {  	v1 =	vadd.f32 v2, v1;
	_ =	sdelay $0x1  }
0x107: {  	s6 =	simm.s32 $0x10;
	v2 =	vmul.f32 $2.000000030e-01, v1  }
0x108: {  	v3 =	vld [tilespmem:s6+$0x4E20]  }
0x109: {  	v4 =	vld [tilespmem:s6+$0x5320];
	v1 =	vmax.f32 v1, v2  }
0x10a: {  	s26 =	simm.s32 $0x20;
	v1 =	vmul.f32 $1.442695020e+00, v1  }
0x10b: {  	v2 =	vld [tilespmem:s26+$0x4E20]  }
0x10c: {  	(erf) = vpow2.f32 v1;
	v1 =	vld [tilespmem:s26+$0x5320];
	_ =	sdelay $0x1  }
0x10d: {  	v3 =	vadd.f32 v4, v3;
	_ =	sdelay $0x1  }
0x10e: {  	v4 =	vmul.f32 $2.000000030e-01, v3  }
0x10f: {  	v5 =	vadd.f32 v1, v2  }
0x110: {  	v1 =	vmax.f32 v3, v4  }
0x111: {  	s17 =	simm.s32 $0x30;
	v2 =	vmul.f32 $1.442695020e+00, v1;
	v3 =	vmul.f32 $2.000000030e-01, v5  }
0x112: {  	v1 =	vld [tilespmem:s17+$0x4E20]  }
0x113: {  	(erf) = vpow2.f32 v2;
	v2 =	vld [tilespmem:s17+$0x5320];
	_ =	sdelay $0x1  }
0x114: {  	s19 =	simm.s32 $0x100;
	v4 =	vmax.f32 v5, v3;
	v3 =	vpop (erf)  }
.LBB2_17:
0x115: {  	s31 =	sshra.s32 s19, $0x2  }
0x116: {  	v4 =	vmul.f32 $1.442695020e+00, v4;
	[tilespmem:s21+$0x5820] =	vst v3;
	s21 =	smov.u32 s6;
	s6 =	smov.u32 s26;
	p0 =	sne.s32 s19, $0x13C0  }
.Ltmp7:
0x117: {  	s19 =	sadd.s32 $0x40, s19;
	v3 =	vadd.f32 v2, v1;
	v1 =	vld [tilespmem:s31+$0x4E20];
	(pc) =	sbr.rel @p0 .LBB2_17-.Ltmp7, $3  }
0x118: {  	s26 =	smov.u32 s17;
	s17 =	smov.u32 s31;
	v2 =	vld [tilespmem:s31+$0x5320];
	(erf) = vpow2.f32 v4  }
0x119: {  	v4 =	vmul.f32 $2.000000030e-01, v3;
	_ =	sdelay $0x1  }
0x11a: {  	v4 =	vmax.f32 v3, v4;
	v3 =	vpop (erf)  }
0x11b: {  	_ = 	snop  }
0x11c: {  	v1 =	vadd.f32 v2, v1;
	_ =	sdelay $0x1  }
0x11d: {  	v2 =	vmul.f32 $2.000000030e-01, v1;
	_ =	sdelay $0x1  }
0x11e: {  	v4 =	vmul.f32 $1.442695020e+00, v4;
	v1 =	vmax.f32 v1, v2  }
0x11f: {  	v1 =	vmul.f32 $1.442695020e+00, v1  }
0x120: {  	(erf) = vpow2.f32 v4  }
0x121: {  	(erf) = vpow2.f32 v1;
	_ =	sdelay $0x6  }
0x122: {  	[tilespmem:s21+$0x5820] =	vst v3;
	v1 =	vpop (erf)  }
0x123: {  	[tilespmem:s6+$0x5820] =	vst v1;
	v1 =	vpop (erf)  }
0x124: {  	[tilespmem:s26+$0x5820] =	vst v1;
	v1 =	vpop (erf)  }
0x125: {  	[tilespmem:s17+$0x5820] =	vst v1  }
0x126: {  	_ =	swait.ge [sflag:s5], $0x1400  }
0x127: {  	[sflag:s5] =	ssyncset.done $0x0  }
0x128: {  	[sflag:s5] =	ssyncadd.s32 $0xFFFFEC00  }
0x129: {  	_ =	swait.ge [sflag:s18], $0x1400  }
0x12a: {  	[sflag:s18] =	ssyncset.done $0x0  }
0x12b: {  	s6 =	simm.s32 $0x0;
	[sflag:s18] =	ssyncadd.s32 $0xFFFFEC00  }
0x12c: {  	s17 =	simm.s32 $0x5820;
	v1 =	vld [tilespmem:s6+$0x5D20]  }
0x12d: {  	s21 =	simm.s32 $0x100;
	v2 =	vld [tilespmem:s17+$0x0]  }
.LBB2_19:
0x12e: {  	p0 =	sne.s32 s21, $0x4F00;
	v3 =	vld [tilespmem:s6+$0x5D30]  }
0x12f: {  	v4 =	vld [tilespmem:s6+$0x5D40]  }
0x130: {  	v5 =	vld [tilespmem:s6+$0x5D50];
	_ =	sdelay $0x1  }
0x131: {  	v6 =	vbroadcast v2, $0x4;
	v7 =	vbroadcast v2, $0x5  }
0x132: {  	v8 =	vbroadcast v2, $0x6;
	v2 =	vbroadcast v2, $0x7  }
0x133: {  	v1 =	vmul.f32 v6, v1;
	v3 =	vmul.f32 v3, v7  }
0x134: {  	v4 =	vmul.f32 v4, v8;
	v2 =	vmul.f32 v5, v2  }
.Ltmp8:
0x135: {  	[tilespmem:s6+$0x7120] =	vst v1;
	(pc) =	sbr.rel @p0 .LBB2_19-.Ltmp8, $4  }
0x136: {  	[tilespmem:s6+$0x7130] =	vst v3  }
0x137: {  	s19 =	sshra.s32 s21, $0x2;
	[tilespmem:s6+$0x7140] =	vst v4  }
0x138: {  	s17 =	sadd.s32 $0x10, s17;
	v1 =	vld [tilespmem:s19+$0x5D20];
	[tilespmem:s6+$0x7150] =	vst v2;
	s6 =	smov.u32 s19  }
0x139: {  	s21 =	sadd.s32 $0x100, s21;
	v2 =	vld [tilespmem:s17+$0x0]  }
0x13a: {  	_ =	sdelay $0x1  }
0x13b: {  	v3 =	vld [tilespmem:s6+$0x5D30]  }
0x13c: {  	v4 =	vld [tilespmem:s6+$0x5D40]  }
0x13d: {  	v5 =	vld [tilespmem:s6+$0x5D50];
	v6 =	vbroadcast v2, $0x4  }
0x13e: {  	v7 =	vbroadcast v2, $0x5  }
0x13f: {  	s23 =	sadd.s32 $0x1, s23;
	v8 =	vbroadcast v2, $0x6;
	v1 =	vmul.f32 v6, v1  }
0x140: {  	p0 =	sne.s32 s23, $0x7D;
	v2 =	vbroadcast v2, $0x7;
	v3 =	vmul.f32 v3, v7  }
.Ltmp9:
0x141: {  	v4 =	vmul.f32 v4, v8;
	[tilespmem:s6+$0x7120] =	vst v1;
	(pc) =	sbr.rel @p0 .LBB2_16-.Ltmp9, $4  }
0x142: {  	v1 =	vmul.f32 v5, v2;
	[tilespmem:s6+$0x7130] =	vst v3  }
0x143: {  	[tilespmem:s6+$0x7140] =	vst v4  }
0x144: {  	[tilespmem:s6+$0x7150] =	vst v1  }
0x145: {  	[spmem:s3] =	stream.indirect.scatter.add.f32 [tilespmem:s29], [sflag:$0x2], $0x40, s25, s28, $0xb8;
	[tilespmem:$0x17520] =	vst v63  }
0x146: {  	_ =	swait.ge [sflag:s18], $0x1400  }
0x147: {  	[sflag:s18] =	ssyncset.done $0x0  }
0x148: {  	[sflag:s18] =	ssyncadd.s32 $0xFFFFEC00  }
0x149: {  	[bflag:$0x0] =	sbarrier.arrive $0xFFFF  }
0x14a: {  	s17 =	sld [smem:$0x7FB]  }
0x14b: {  	s19 =	sld [smem:$0x7FA];
	_ =	sdelay $0x1  }
0x14c: {  	s6 =	rddreg [dreg:$0x1a]  }
0x14d: {  	[hbm:s6], [sflag:s17] =	dma.local [spmem:s19], $0x1400  }
0x14e: {  	_ =	swait.ge [sflag:s30], $0x1400  }
0x14f: {  	[sflag:s30] =	ssyncset.done $0x0  }
0x150: {  	[sflag:s30] =	ssyncadd.s32 $0xFFFFEC00  }
0x151: {  	[bflag:$0x0] =	sbarrier.arrive $0xFFFF  }
0x152: {  	s26 =	simm.s32 $0x0;
	s31 =	rddreg [dreg:$0x12]  }
0x153: {  	[tilespmem:s26], [sflag:$0x3] =	stream.linear.gather [hbm4b:s31+s26], $0x2710, $0x38;
	[tilespmem:$0x17520] =	vst v63  }
0x154: {  	_ =	swait.ge [sflag:s30], $0x2710  }
0x155: {  	[sflag:s30] =	ssyncset.done $0x0  }
0x156: {  	s21 =	simm.s32 $0x2710;
	s19 =	rddreg [dreg:$0x13];
	[sflag:s30] =	ssyncadd.s32 $0xFFFFD8F0  }
0x157: {  	[tilespmem:s21], [sflag:$0x3] =	stream.linear.gather [hbm4b:s19+s26], $0x2710, $0x38;
	[tilespmem:$0x17520] =	vst v63  }
0x158: {  	_ =	swait.ge [sflag:s30], $0x2710  }
0x159: {  	[sflag:s30] =	ssyncset.done $0x0  }
0x15a: {  	s23 =	rddreg [dreg:$0x7];
	[sflag:s30] =	ssyncadd.s32 $0xFFFFD8F0  }
0x15b: {  	[spmem:s23] =	stream.linear.scatter [tilespmem:s0], [sflag:$0x3], $0x2000, $0x38;
	[tilespmem:$0x17520] =	vst v63  }
0x15c: {  	_ =	swait.ge [sflag:s30], $0x2000  }
0x15d: {  	[sflag:s30] =	ssyncset.done $0x0  }
0x15e: {  	s17 =	simm.s32 $0xA520;
	s25 =	rddreg [dreg:$0x8];
	[sflag:s30] =	ssyncadd.s32 $0xFFFFE000  }
0x15f: {  	[spmem:s25] =	stream.linear.scatter [tilespmem:s17], [sflag:$0x3], $0x800, $0x38;
	[tilespmem:$0x17520] =	vst v63  }
0x160: {  	_ =	swait.ge [sflag:s30], $0x800  }
0x161: {  	[sflag:s30] =	ssyncset.done $0x0  }
0x162: {  	s26 =	rddreg [dreg:$0x9];
	[sflag:s30] =	ssyncadd.s32 $0xFFFFF800  }
0x163: {  	[spmem:s26] =	stream.linear.scatter [tilespmem:s0], [sflag:$0x3], $0x2000, $0x38;
	[tilespmem:$0x17520] =	vst v63  }
0x164: {  	_ =	swait.ge [sflag:s30], $0x2000  }
0x165: {  	[sflag:s30] =	ssyncset.done $0x0  }
0x166: {  	s31 =	rddreg [dreg:$0xa];
	[sflag:s30] =	ssyncadd.s32 $0xFFFFE000  }
0x167: {  	[spmem:s31] =	stream.linear.scatter [tilespmem:s17], [sflag:$0x3], $0x800, $0x38;
	[tilespmem:$0x17520] =	vst v63  }
0x168: {  	_ =	swait.ge [sflag:s30], $0x800  }
0x169: {  	[sflag:s30] =	ssyncset.done $0x0  }
0x16a: {  	s19 =	rddreg [dreg:$0xb];
	[sflag:s30] =	ssyncadd.s32 $0xFFFFF800  }
0x16b: {  	[spmem:s19] =	stream.linear.scatter [tilespmem:s0], [sflag:$0x3], $0x2000, $0x38;
	[tilespmem:$0x17520] =	vst v63  }
0x16c: {  	_ =	swait.ge [sflag:s30], $0x2000  }
0x16d: {  	[sflag:s30] =	ssyncset.done $0x0  }
0x16e: {  	s21 =	rddreg [dreg:$0xc];
	[sflag:s30] =	ssyncadd.s32 $0xFFFFE000  }
0x16f: {  	[spmem:s21] =	stream.linear.scatter [tilespmem:s17], [sflag:$0x3], $0x800, $0x38;
	[tilespmem:$0x17520] =	vst v63  }
0x170: {  	_ =	swait.ge [sflag:s30], $0x800  }
0x171: {  	[sflag:s30] =	ssyncset.done $0x0  }
0x172: {  	s23 =	rddreg [dreg:$0xd];
	[sflag:s30] =	ssyncadd.s32 $0xFFFFF800  }
0x173: {  	[spmem:s23] =	stream.linear.scatter [tilespmem:s0], [sflag:$0x3], $0x2000, $0x38;
	[tilespmem:$0x17520] =	vst v63  }
0x174: {  	_ =	swait.ge [sflag:s30], $0x2000  }
0x175: {  	[sflag:s30] =	ssyncset.done $0x0  }
0x176: {  	s25 =	rddreg [dreg:$0xe];
	[sflag:s30] =	ssyncadd.s32 $0xFFFFE000  }
0x177: {  	[spmem:s25] =	stream.linear.scatter [tilespmem:s17], [sflag:$0x3], $0x800, $0x38;
	[tilespmem:$0x17520] =	vst v63  }
0x178: {  	_ =	swait.ge [sflag:s30], $0x800  }
0x179: {  	[sflag:s30] =	ssyncset.done $0x0  }
0x17a: {  	s26 =	rddreg [dreg:$0xf];
	[sflag:s30] =	ssyncadd.s32 $0xFFFFF800  }
0x17b: {  	[spmem:s26] =	stream.linear.scatter [tilespmem:s0], [sflag:$0x3], $0x2000, $0x38;
	[tilespmem:$0x17520] =	vst v63  }
0x17c: {  	_ =	swait.ge [sflag:s30], $0x2000  }
0x17d: {  	[sflag:s30] =	ssyncset.done $0x0  }
0x17e: {  	s31 =	rddreg [dreg:$0x1d];
	[sflag:s30] =	ssyncadd.s32 $0xFFFFE000  }
0x17f: {  	[spmem:s31] =	stream.linear.scatter [tilespmem:s17], [sflag:$0x3], $0x800, $0x38;
	[tilespmem:$0x17520] =	vst v63  }
0x180: {  	_ =	swait.ge [sflag:s30], $0x800  }
0x181: {  	[sflag:s30] =	ssyncset.done $0x0  }
0x182: {  	[sflag:s30] =	ssyncadd.s32 $0xFFFFF800  }
0x183: {  	s6 =	simm.s32 $0x0;
	s17 =	simm.s32 $0x100;
	[bflag:$0x0] =	sbarrier.arrive $0xFFFF  }
.LBB2_22:
0x184: {  	p0 =	sne.s32 s17, $0x4F00;
	[tilespmem:s6+$0x7150] =	vst v0;
	s19 =	smov.u32 s17;
	s17 =	sadd.s32 $0x100, s17  }
.Ltmp10:
0x185: {  	[tilespmem:s6+$0x7140] =	vst v0;
	(pc) =	sbr.rel @p0 .LBB2_22-.Ltmp10, $3  }
0x186: {  	[tilespmem:s6+$0x7120] =	vst v0  }
0x187: {  	[tilespmem:s6+$0x7130] =	vst v0;
	_ =	sdelay $0x1  }
0x188: {  	s6 =	sshra.s32 s19, $0x2  }
0x189: {  	[tilespmem:s6+$0x7150] =	vst v0  }
0x18a: {  	[tilespmem:s6+$0x7140] =	vst v0  }
0x18b: {  	[tilespmem:s6+$0x7120] =	vst v0  }
0x18c: {  	[tilespmem:s6+$0x7130] =	vst v0;
	s31 =	simm.s32 $0x2710;
	s23 =	simm.s32 $0x0  }
0x18d: {  	[spmem:s3] =	stream.indirect.scatter.add.f32 [tilespmem:s29], [sflag:$0x2], $0x40, s31, s28, $0xb8;
	[tilespmem:$0x17520] =	vst v63  }
.LBB2_24:
0x18e: {  	s6 =	smul.u32 $0x50, s23;
	_ =	sdelay $0x1  }
0x18f: {  	[tilespmem:s20], [sflag:$0x1] =	stream.indirect.gather [hbm4b:s11+s28], $0x10, s6, s28, $0xb8;
	[tilespmem:$0x17520] =	vst v63  }
0x190: {  	s25 =	sadd.s32 $0x2710, s6  }
0x191: {  	[tilespmem:s22], [sflag:$0x1] =	stream.indirect.gather [hbm4b:s12+s28], $0x10, s25, s28, $0xb8;
	[tilespmem:$0x17520] =	vst v63  }
0x192: {  	_ = 	snop  }
0x193: {  	[tilespmem:s24], [sflag:$0x1] =	stream.indirect.gather [hbm4b:s1+s28], $0x40, s6, s28, $0xb8;
	[tilespmem:$0x17520] =	vst v63  }
0x194: {  	_ =	swait.ge [sflag:s5], $0x500  }
0x195: {  	[sflag:s5] =	ssyncset.done $0x0  }
0x196: {  	[sflag:s5] =	ssyncadd.s32 $0xFFFFFB00  }
0x197: {  	_ =	swait.ge [sflag:s5], $0x500  }
0x198: {  	[sflag:s5] =	ssyncset.done $0x0  }
0x199: {  	s21 =	simm.s32 $0x0;
	[sflag:s5] =	ssyncadd.s32 $0xFFFFFB00  }
0x19a: {  	v1 =	vld [tilespmem:s21+$0x4E20]  }
0x19b: {  	v2 =	vld [tilespmem:s21+$0x5320];
	_ =	sdelay $0x4  }
0x19c: {  	v1 =	vadd.f32 v2, v1;
	_ =	sdelay $0x1  }
0x19d: {  	s6 =	simm.s32 $0x10;
	v2 =	vmul.f32 $2.000000030e-01, v1  }
0x19e: {  	v3 =	vld [tilespmem:s6+$0x4E20]  }
0x19f: {  	v4 =	vld [tilespmem:s6+$0x5320];
	v1 =	vmax.f32 v1, v2  }
0x1a0: {  	s26 =	simm.s32 $0x20;
	v1 =	vmul.f32 $1.442695020e+00, v1  }
0x1a1: {  	v2 =	vld [tilespmem:s26+$0x4E20]  }
0x1a2: {  	(erf) = vpow2.f32 v1;
	v1 =	vld [tilespmem:s26+$0x5320];
	_ =	sdelay $0x1  }
0x1a3: {  	v3 =	vadd.f32 v4, v3;
	_ =	sdelay $0x1  }
0x1a4: {  	v4 =	vmul.f32 $2.000000030e-01, v3  }
0x1a5: {  	v5 =	vadd.f32 v1, v2  }
0x1a6: {  	v1 =	vmax.f32 v3, v4  }
0x1a7: {  	s17 =	simm.s32 $0x30;
	v2 =	vmul.f32 $1.442695020e+00, v1;
	v3 =	vmul.f32 $2.000000030e-01, v5  }
0x1a8: {  	v1 =	vld [tilespmem:s17+$0x4E20]  }
0x1a9: {  	(erf) = vpow2.f32 v2;
	v2 =	vld [tilespmem:s17+$0x5320];
	_ =	sdelay $0x1  }
0x1aa: {  	s19 =	simm.s32 $0x100;
	v4 =	vmax.f32 v5, v3;
	v3 =	vpop (erf)  }
.LBB2_25:
0x1ab: {  	s31 =	sshra.s32 s19, $0x2  }
0x1ac: {  	v4 =	vmul.f32 $1.442695020e+00, v4;
	[tilespmem:s21+$0x5820] =	vst v3;
	s21 =	smov.u32 s6;
	s6 =	smov.u32 s26;
	p0 =	sne.s32 s19, $0x13C0  }
.Ltmp11:
0x1ad: {  	s19 =	sadd.s32 $0x40, s19;
	v3 =	vadd.f32 v2, v1;
	v1 =	vld [tilespmem:s31+$0x4E20];
	(pc) =	sbr.rel @p0 .LBB2_25-.Ltmp11, $3  }
0x1ae: {  	s26 =	smov.u32 s17;
	s17 =	smov.u32 s31;
	v2 =	vld [tilespmem:s31+$0x5320];
	(erf) = vpow2.f32 v4  }
0x1af: {  	v4 =	vmul.f32 $2.000000030e-01, v3;
	_ =	sdelay $0x1  }
0x1b0: {  	v4 =	vmax.f32 v3, v4;
	v3 =	vpop (erf)  }
0x1b1: {  	_ = 	snop  }
0x1b2: {  	v1 =	vadd.f32 v2, v1;
	_ =	sdelay $0x1  }
0x1b3: {  	v2 =	vmul.f32 $2.000000030e-01, v1;
	_ =	sdelay $0x1  }
0x1b4: {  	v4 =	vmul.f32 $1.442695020e+00, v4;
	v1 =	vmax.f32 v1, v2  }
0x1b5: {  	v1 =	vmul.f32 $1.442695020e+00, v1  }
0x1b6: {  	(erf) = vpow2.f32 v4  }
0x1b7: {  	(erf) = vpow2.f32 v1;
	_ =	sdelay $0x6  }
0x1b8: {  	[tilespmem:s21+$0x5820] =	vst v3;
	v1 =	vpop (erf)  }
0x1b9: {  	[tilespmem:s6+$0x5820] =	vst v1;
	v1 =	vpop (erf)  }
0x1ba: {  	[tilespmem:s26+$0x5820] =	vst v1;
	v1 =	vpop (erf)  }
0x1bb: {  	[tilespmem:s17+$0x5820] =	vst v1  }
0x1bc: {  	_ =	swait.ge [sflag:s5], $0x1400  }
0x1bd: {  	[sflag:s5] =	ssyncset.done $0x0  }
0x1be: {  	[sflag:s5] =	ssyncadd.s32 $0xFFFFEC00  }
0x1bf: {  	_ =	swait.ge [sflag:s18], $0x1400  }
0x1c0: {  	[sflag:s18] =	ssyncset.done $0x0  }
0x1c1: {  	s6 =	simm.s32 $0x0;
	s17 =	simm.s32 $0x5820;
	[sflag:s18] =	ssyncadd.s32 $0xFFFFEC00  }
0x1c2: {  	[spmem:s4] =	stream.indirect.scatter.add.f32 [tilespmem:s17], [sflag:$0x1], $0x10, s25, s28, $0xb8;
	[tilespmem:$0x17520] =	vst v63  }
0x1c3: {  	v1 =	vld [tilespmem:s6+$0x5D20]  }
0x1c4: {  	s21 =	simm.s32 $0x100;
	v2 =	vld [tilespmem:s17+$0x0]  }
.LBB2_27:
0x1c5: {  	p0 =	sne.s32 s21, $0x4F00;
	v3 =	vld [tilespmem:s6+$0x5D30]  }
0x1c6: {  	v4 =	vld [tilespmem:s6+$0x5D40]  }
0x1c7: {  	v5 =	vld [tilespmem:s6+$0x5D50];
	_ =	sdelay $0x1  }
0x1c8: {  	v6 =	vbroadcast v2, $0x0;
	v7 =	vbroadcast v2, $0x1  }
0x1c9: {  	v8 =	vbroadcast v2, $0x2;
	v2 =	vbroadcast v2, $0x3  }
0x1ca: {  	v1 =	vmul.f32 v6, v1;
	v3 =	vmul.f32 v3, v7  }
0x1cb: {  	v4 =	vmul.f32 v4, v8;
	v2 =	vmul.f32 v5, v2  }
.Ltmp12:
0x1cc: {  	[tilespmem:s6+$0x7120] =	vst v1;
	(pc) =	sbr.rel @p0 .LBB2_27-.Ltmp12, $4  }
0x1cd: {  	[tilespmem:s6+$0x7130] =	vst v3  }
0x1ce: {  	s19 =	sshra.s32 s21, $0x2;
	[tilespmem:s6+$0x7140] =	vst v4  }
0x1cf: {  	s17 =	sadd.s32 $0x10, s17;
	v1 =	vld [tilespmem:s19+$0x5D20];
	[tilespmem:s6+$0x7150] =	vst v2;
	s6 =	smov.u32 s19  }
0x1d0: {  	s21 =	sadd.s32 $0x100, s21;
	v2 =	vld [tilespmem:s17+$0x0]  }
0x1d1: {  	_ =	sdelay $0x1  }
0x1d2: {  	v3 =	vld [tilespmem:s6+$0x5D30]  }
0x1d3: {  	v4 =	vld [tilespmem:s6+$0x5D40]  }
0x1d4: {  	v5 =	vld [tilespmem:s6+$0x5D50];
	v6 =	vbroadcast v2, $0x0  }
0x1d5: {  	v7 =	vbroadcast v2, $0x1  }
0x1d6: {  	v8 =	vbroadcast v2, $0x2;
	v1 =	vmul.f32 v6, v1  }
0x1d7: {  	v2 =	vbroadcast v2, $0x3;
	v3 =	vmul.f32 v3, v7  }
0x1d8: {  	v4 =	vmul.f32 v4, v8;
	[tilespmem:s6+$0x7120] =	vst v1  }
0x1d9: {  	s23 =	sadd.s32 $0x1, s23;
	v1 =	vmul.f32 v5, v2;
	[tilespmem:s6+$0x7130] =	vst v3  }
0x1da: {  	p0 =	sne.s32 s23, $0x7D;
	[tilespmem:s6+$0x7140] =	vst v4  }
.Ltmp13:
0x1db: {  	[tilespmem:s6+$0x7150] =	vst v1;
	(pc) =	sbr.rel @p0 .LBB2_24-.Ltmp13, $4  }
0x1dc: {  	[spmem:s3] =	stream.indirect.scatter.add.f32 [tilespmem:s29], [sflag:$0x2], $0x40, s25, s28, $0xb8;
	[tilespmem:$0x17520] =	vst v63  }
0x1dd: {  	_ =	swait.ge [sflag:s5], $0x500  }
0x1de: {  	[sflag:s5] =	ssyncset.done $0x0  }
0x1df: {  	[sflag:s5] =	ssyncadd.s32 $0xFFFFFB00  }
0x1e0: {  	_ =	swait.ge [sflag:s18], $0x1400  }
0x1e1: {  	[sflag:s18] =	ssyncset.done $0x0  }
0x1e2: {  	[sflag:s18] =	ssyncadd.s32 $0xFFFFEC00  }
0x1e3: {  	[bflag:$0x0] =	sbarrier.arrive $0xFFFF  }
0x1e4: {  	s17 =	sld [smem:$0x7FB]  }
0x1e5: {  	s19 =	sld [smem:$0x7FA];
	_ =	sdelay $0x1  }
0x1e6: {  	s6 =	rddreg [dreg:$0x1b]  }
0x1e7: {  	[hbm:s6], [sflag:s17] =	dma.local [spmem:s19], $0x1400  }
0x1e8: {  	_ =	swait.ge [sflag:s30], $0x1400  }
0x1e9: {  	s31 =	sld [smem:$0x7FC]  }
0x1ea: {  	[sflag:s30] =	ssyncset.done $0x0  }
0x1eb: {  	s26 =	rddreg [dreg:$0x16];
	[sflag:s30] =	ssyncadd.s32 $0xFFFFEC00  }
0x1ec: {  	[hbm:s26], [sflag:s17] =	dma.local [spmem:s31], $0x500  }
0x1ed: {  	_ =	swait.ge [sflag:s30], $0x500  }
0x1ee: {  	[sflag:s30] =	ssyncset.done $0x0  }
0x1ef: {  	[sflag:s30] =	ssyncadd.s32 $0xFFFFFB00  }
0x1f0: {  	[bflag:$0x0] =	sbarrier.arrive $0xFFFF  }
0x1f1: {  	s21 =	rddreg [dreg:$0x7]  }
0x1f2: {  	[spmem:s21] =	stream.linear.scatter [tilespmem:s0], [sflag:$0x3], $0x2000, $0x38;
	[tilespmem:$0x17520] =	vst v63  }
0x1f3: {  	_ =	swait.ge [sflag:s30], $0x2000  }
0x1f4: {  	[sflag:s30] =	ssyncset.done $0x0  }
0x1f5: {  	s23 =	rddreg [dreg:$0x9];
	[sflag:s30] =	ssyncadd.s32 $0xFFFFE000  }
0x1f6: {  	[spmem:s23] =	stream.linear.scatter [tilespmem:s0], [sflag:$0x3], $0x2000, $0x38;
	[tilespmem:$0x17520] =	vst v63  }
0x1f7: {  	_ =	swait.ge [sflag:s30], $0x2000  }
0x1f8: {  	[sflag:s30] =	ssyncset.done $0x0  }
0x1f9: {  	s25 =	rddreg [dreg:$0xb];
	[sflag:s30] =	ssyncadd.s32 $0xFFFFE000  }
0x1fa: {  	[spmem:s25] =	stream.linear.scatter [tilespmem:s0], [sflag:$0x3], $0x2000, $0x38;
	[tilespmem:$0x17520] =	vst v63  }
0x1fb: {  	_ =	swait.ge [sflag:s30], $0x2000  }
0x1fc: {  	[sflag:s30] =	ssyncset.done $0x0  }
0x1fd: {  	s26 =	rddreg [dreg:$0xd];
	[sflag:s30] =	ssyncadd.s32 $0xFFFFE000  }
0x1fe: {  	[spmem:s26] =	stream.linear.scatter [tilespmem:s0], [sflag:$0x3], $0x2000, $0x38;
	[tilespmem:$0x17520] =	vst v63  }
0x1ff: {  	_ =	swait.ge [sflag:s30], $0x2000  }
0x200: {  	[sflag:s30] =	ssyncset.done $0x0  }
0x201: {  	s31 =	rddreg [dreg:$0xf];
	[sflag:s30] =	ssyncadd.s32 $0xFFFFE000  }
0x202: {  	[spmem:s31] =	stream.linear.scatter [tilespmem:s0], [sflag:$0x3], $0x2000, $0x38;
	[tilespmem:$0x17520] =	vst v63  }
0x203: {  	_ =	swait.ge [sflag:s30], $0x2000  }
0x204: {  	[sflag:s30] =	ssyncset.done $0x0  }
0x205: {  	[sflag:s30] =	ssyncadd.s32 $0xFFFFE000  }
0x206: {  	s6 =	simm.s32 $0x0;
	s17 =	simm.s32 $0x100;
	[bflag:$0x0] =	sbarrier.arrive $0xFFFF  }
.LBB2_30:
0x207: {  	p0 =	sne.s32 s17, $0x4F00;
	[tilespmem:s6+$0x7150] =	vst v0;
	s19 =	smov.u32 s17;
	s17 =	sadd.s32 $0x100, s17  }
.Ltmp14:
0x208: {  	[tilespmem:s6+$0x7140] =	vst v0;
	(pc) =	sbr.rel @p0 .LBB2_30-.Ltmp14, $3  }
0x209: {  	[tilespmem:s6+$0x7120] =	vst v0  }
0x20a: {  	[tilespmem:s6+$0x7130] =	vst v0;
	_ =	sdelay $0x1  }
0x20b: {  	s6 =	sshra.s32 s19, $0x2  }
0x20c: {  	[tilespmem:s6+$0x7150] =	vst v0  }
0x20d: {  	[tilespmem:s6+$0x7140] =	vst v0  }
0x20e: {  	[tilespmem:s6+$0x7120] =	vst v0  }
0x20f: {  	[tilespmem:s6+$0x7130] =	vst v0;
	s31 =	simm.s32 $0x2710;
	s23 =	simm.s32 $0x0  }
0x210: {  	[spmem:s3] =	stream.indirect.scatter.add.f32 [tilespmem:s29], [sflag:$0x2], $0x40, s31, s28, $0xb8;
	[tilespmem:$0x17520] =	vst v63  }
.LBB2_32:
0x211: {  	s6 =	smul.u32 $0x50, s23;
	_ =	sdelay $0x1  }
0x212: {  	[tilespmem:s20], [sflag:$0x1] =	stream.indirect.gather [hbm4b:s11+s28], $0x10, s6, s28, $0xb8;
	[tilespmem:$0x17520] =	vst v63  }
0x213: {  	s25 =	sadd.s32 $0x2710, s6  }
0x214: {  	[tilespmem:s22], [sflag:$0x1] =	stream.indirect.gather [hbm4b:s12+s28], $0x10, s25, s28, $0xb8;
	[tilespmem:$0x17520] =	vst v63  }
0x215: {  	_ = 	snop  }
0x216: {  	[tilespmem:s24], [sflag:$0x1] =	stream.indirect.gather [hbm4b:s2+s28], $0x40, s6, s28, $0xb8;
	[tilespmem:$0x17520] =	vst v63  }
0x217: {  	_ =	swait.ge [sflag:s5], $0x500  }
0x218: {  	[sflag:s5] =	ssyncset.done $0x0  }
0x219: {  	[sflag:s5] =	ssyncadd.s32 $0xFFFFFB00  }
0x21a: {  	_ =	swait.ge [sflag:s5], $0x500  }
0x21b: {  	[sflag:s5] =	ssyncset.done $0x0  }
0x21c: {  	s21 =	simm.s32 $0x0;
	[sflag:s5] =	ssyncadd.s32 $0xFFFFFB00  }
0x21d: {  	v1 =	vld [tilespmem:s21+$0x4E20]  }
0x21e: {  	v2 =	vld [tilespmem:s21+$0x5320];
	_ =	sdelay $0x4  }
0x21f: {  	v1 =	vadd.f32 v2, v1;
	_ =	sdelay $0x1  }
0x220: {  	s6 =	simm.s32 $0x10;
	v2 =	vmul.f32 $2.000000030e-01, v1  }
0x221: {  	v3 =	vld [tilespmem:s6+$0x4E20]  }
0x222: {  	v4 =	vld [tilespmem:s6+$0x5320];
	v1 =	vmax.f32 v1, v2  }
0x223: {  	s26 =	simm.s32 $0x20;
	v1 =	vmul.f32 $1.442695020e+00, v1  }
0x224: {  	v2 =	vld [tilespmem:s26+$0x4E20]  }
0x225: {  	(erf) = vpow2.f32 v1;
	v1 =	vld [tilespmem:s26+$0x5320];
	_ =	sdelay $0x1  }
0x226: {  	v3 =	vadd.f32 v4, v3;
	_ =	sdelay $0x1  }
0x227: {  	v4 =	vmul.f32 $2.000000030e-01, v3  }
0x228: {  	v5 =	vadd.f32 v1, v2  }
0x229: {  	v1 =	vmax.f32 v3, v4  }
0x22a: {  	s17 =	simm.s32 $0x30;
	v2 =	vmul.f32 $1.442695020e+00, v1;
	v3 =	vmul.f32 $2.000000030e-01, v5  }
0x22b: {  	v1 =	vld [tilespmem:s17+$0x4E20]  }
0x22c: {  	(erf) = vpow2.f32 v2;
	v2 =	vld [tilespmem:s17+$0x5320];
	_ =	sdelay $0x1  }
0x22d: {  	s19 =	simm.s32 $0x100;
	v4 =	vmax.f32 v5, v3;
	v3 =	vpop (erf)  }
.LBB2_33:
0x22e: {  	s31 =	sshra.s32 s19, $0x2  }
0x22f: {  	v4 =	vmul.f32 $1.442695020e+00, v4;
	[tilespmem:s21+$0x5820] =	vst v3;
	s21 =	smov.u32 s6;
	s6 =	smov.u32 s26;
	p0 =	sne.s32 s19, $0x13C0  }
.Ltmp15:
0x230: {  	s19 =	sadd.s32 $0x40, s19;
	v3 =	vadd.f32 v2, v1;
	v1 =	vld [tilespmem:s31+$0x4E20];
	(pc) =	sbr.rel @p0 .LBB2_33-.Ltmp15, $3  }
0x231: {  	s26 =	smov.u32 s17;
	s17 =	smov.u32 s31;
	v2 =	vld [tilespmem:s31+$0x5320];
	(erf) = vpow2.f32 v4  }
0x232: {  	v4 =	vmul.f32 $2.000000030e-01, v3;
	_ =	sdelay $0x1  }
0x233: {  	v4 =	vmax.f32 v3, v4;
	v3 =	vpop (erf)  }
0x234: {  	_ = 	snop  }
0x235: {  	v1 =	vadd.f32 v2, v1;
	_ =	sdelay $0x1  }
0x236: {  	v2 =	vmul.f32 $2.000000030e-01, v1;
	_ =	sdelay $0x1  }
0x237: {  	v4 =	vmul.f32 $1.442695020e+00, v4;
	v1 =	vmax.f32 v1, v2  }
0x238: {  	v1 =	vmul.f32 $1.442695020e+00, v1  }
0x239: {  	(erf) = vpow2.f32 v4  }
0x23a: {  	(erf) = vpow2.f32 v1;
	_ =	sdelay $0x6  }
0x23b: {  	[tilespmem:s21+$0x5820] =	vst v3;
	v1 =	vpop (erf)  }
0x23c: {  	[tilespmem:s6+$0x5820] =	vst v1;
	v1 =	vpop (erf)  }
0x23d: {  	[tilespmem:s26+$0x5820] =	vst v1;
	v1 =	vpop (erf)  }
0x23e: {  	[tilespmem:s17+$0x5820] =	vst v1  }
0x23f: {  	_ =	swait.ge [sflag:s5], $0x1400  }
0x240: {  	[sflag:s5] =	ssyncset.done $0x0  }
0x241: {  	[sflag:s5] =	ssyncadd.s32 $0xFFFFEC00  }
0x242: {  	_ =	swait.ge [sflag:s18], $0x1400  }
0x243: {  	[sflag:s18] =	ssyncset.done $0x0  }
0x244: {  	s6 =	simm.s32 $0x0;
	[sflag:s18] =	ssyncadd.s32 $0xFFFFEC00  }
0x245: {  	s17 =	simm.s32 $0x5820;
	v1 =	vld [tilespmem:s6+$0x5D20]  }
0x246: {  	s21 =	simm.s32 $0x100;
	v2 =	vld [tilespmem:s17+$0x0]  }
.LBB2_35:
0x247: {  	p0 =	sne.s32 s21, $0x4F00;
	v3 =	vld [tilespmem:s6+$0x5D30]  }
0x248: {  	v4 =	vld [tilespmem:s6+$0x5D40]  }
0x249: {  	v5 =	vld [tilespmem:s6+$0x5D50];
	_ =	sdelay $0x1  }
0x24a: {  	v6 =	vbroadcast v2, $0x4;
	v7 =	vbroadcast v2, $0x5  }
0x24b: {  	v8 =	vbroadcast v2, $0x6;
	v2 =	vbroadcast v2, $0x7  }
0x24c: {  	v1 =	vmul.f32 v6, v1;
	v3 =	vmul.f32 v3, v7  }
0x24d: {  	v4 =	vmul.f32 v4, v8;
	v2 =	vmul.f32 v5, v2  }
.Ltmp16:
0x24e: {  	[tilespmem:s6+$0x7120] =	vst v1;
	(pc) =	sbr.rel @p0 .LBB2_35-.Ltmp16, $4  }
0x24f: {  	[tilespmem:s6+$0x7130] =	vst v3  }
0x250: {  	s19 =	sshra.s32 s21, $0x2;
	[tilespmem:s6+$0x7140] =	vst v4  }
0x251: {  	s17 =	sadd.s32 $0x10, s17;
	v1 =	vld [tilespmem:s19+$0x5D20];
	[tilespmem:s6+$0x7150] =	vst v2;
	s6 =	smov.u32 s19  }
0x252: {  	s21 =	sadd.s32 $0x100, s21;
	v2 =	vld [tilespmem:s17+$0x0]  }
0x253: {  	_ =	sdelay $0x1  }
0x254: {  	v3 =	vld [tilespmem:s6+$0x5D30]  }
0x255: {  	v4 =	vld [tilespmem:s6+$0x5D40]  }
0x256: {  	v5 =	vld [tilespmem:s6+$0x5D50];
	v6 =	vbroadcast v2, $0x4  }
0x257: {  	v7 =	vbroadcast v2, $0x5  }
0x258: {  	s23 =	sadd.s32 $0x1, s23;
	v8 =	vbroadcast v2, $0x6;
	v1 =	vmul.f32 v6, v1  }
0x259: {  	p0 =	sne.s32 s23, $0x7D;
	v2 =	vbroadcast v2, $0x7;
	v3 =	vmul.f32 v3, v7  }
.Ltmp17:
0x25a: {  	v4 =	vmul.f32 v4, v8;
	[tilespmem:s6+$0x7120] =	vst v1;
	(pc) =	sbr.rel @p0 .LBB2_32-.Ltmp17, $4  }
0x25b: {  	v1 =	vmul.f32 v5, v2;
	[tilespmem:s6+$0x7130] =	vst v3  }
0x25c: {  	[tilespmem:s6+$0x7140] =	vst v4  }
0x25d: {  	[tilespmem:s6+$0x7150] =	vst v1  }
0x25e: {  	[spmem:s3] =	stream.indirect.scatter.add.f32 [tilespmem:s29], [sflag:$0x2], $0x40, s25, s28, $0xb8;
	[tilespmem:$0x17520] =	vst v63  }
0x25f: {  	_ =	swait.ge [sflag:s18], $0x1400  }
0x260: {  	[sflag:s18] =	ssyncset.done $0x0  }
0x261: {  	[sflag:s18] =	ssyncadd.s32 $0xFFFFEC00  }
0x262: {  	[bflag:$0x0] =	sbarrier.arrive $0xFFFF  }
0x263: {  	s17 =	sld [smem:$0x7FB]  }
0x264: {  	s19 =	sld [smem:$0x7FA];
	_ =	sdelay $0x1  }
0x265: {  	s6 =	rddreg [dreg:$0x1c]  }
0x266: {  	[hbm:s6], [sflag:s17] =	dma.local [spmem:s19], $0x1400  }
0x267: {  	_ =	swait.ge [sflag:s30], $0x1400  }
0x268: {  	[sflag:s30] =	ssyncset.done $0x0  }
0x269: {  	[sflag:s30] =	ssyncadd.s32 $0xFFFFEC00  }
0x26a: {  	[bflag:$0x0] =	sbarrier.arrive $0xFFFF  }
0x26b: {  	s26 =	simm.s32 $0x0;
	s31 =	rddreg [dreg:$0x14]  }
0x26c: {  	[tilespmem:s26], [sflag:$0x3] =	stream.linear.gather [hbm4b:s31+s26], $0x2710, $0x38;
	[tilespmem:$0x17520] =	vst v63  }
0x26d: {  	_ =	swait.ge [sflag:s30], $0x2710  }
0x26e: {  	[sflag:s30] =	ssyncset.done $0x0  }
0x26f: {  	s21 =	simm.s32 $0x2710;
	s19 =	rddreg [dreg:$0x15];
	[sflag:s30] =	ssyncadd.s32 $0xFFFFD8F0  }
0x270: {  	[tilespmem:s21], [sflag:$0x3] =	stream.linear.gather [hbm4b:s19+s26], $0x2710, $0x38;
	[tilespmem:$0x17520] =	vst v63  }
0x271: {  	_ =	swait.ge [sflag:s30], $0x2710  }
0x272: {  	[sflag:s30] =	ssyncset.done $0x0  }
0x273: {  	s23 =	rddreg [dreg:$0x7];
	[sflag:s30] =	ssyncadd.s32 $0xFFFFD8F0  }
0x274: {  	[spmem:s23] =	stream.linear.scatter [tilespmem:s0], [sflag:$0x3], $0x2000, $0x38;
	[tilespmem:$0x17520] =	vst v63  }
0x275: {  	_ =	swait.ge [sflag:s30], $0x2000  }
0x276: {  	[sflag:s30] =	ssyncset.done $0x0  }
0x277: {  	s17 =	simm.s32 $0xA520;
	s25 =	rddreg [dreg:$0x8];
	[sflag:s30] =	ssyncadd.s32 $0xFFFFE000  }
0x278: {  	[spmem:s25] =	stream.linear.scatter [tilespmem:s17], [sflag:$0x3], $0x800, $0x38;
	[tilespmem:$0x17520] =	vst v63  }
0x279: {  	_ =	swait.ge [sflag:s30], $0x800  }
0x27a: {  	[sflag:s30] =	ssyncset.done $0x0  }
0x27b: {  	s26 =	rddreg [dreg:$0x9];
	[sflag:s30] =	ssyncadd.s32 $0xFFFFF800  }
0x27c: {  	[spmem:s26] =	stream.linear.scatter [tilespmem:s0], [sflag:$0x3], $0x2000, $0x38;
	[tilespmem:$0x17520] =	vst v63  }
0x27d: {  	_ =	swait.ge [sflag:s30], $0x2000  }
0x27e: {  	[sflag:s30] =	ssyncset.done $0x0  }
0x27f: {  	s31 =	rddreg [dreg:$0xa];
	[sflag:s30] =	ssyncadd.s32 $0xFFFFE000  }
0x280: {  	[spmem:s31] =	stream.linear.scatter [tilespmem:s17], [sflag:$0x3], $0x800, $0x38;
	[tilespmem:$0x17520] =	vst v63  }
0x281: {  	_ =	swait.ge [sflag:s30], $0x800  }
0x282: {  	[sflag:s30] =	ssyncset.done $0x0  }
0x283: {  	s19 =	rddreg [dreg:$0xb];
	[sflag:s30] =	ssyncadd.s32 $0xFFFFF800  }
0x284: {  	[spmem:s19] =	stream.linear.scatter [tilespmem:s0], [sflag:$0x3], $0x2000, $0x38;
	[tilespmem:$0x17520] =	vst v63  }
0x285: {  	_ =	swait.ge [sflag:s30], $0x2000  }
0x286: {  	[sflag:s30] =	ssyncset.done $0x0  }
0x287: {  	s21 =	rddreg [dreg:$0xc];
	[sflag:s30] =	ssyncadd.s32 $0xFFFFE000  }
0x288: {  	[spmem:s21] =	stream.linear.scatter [tilespmem:s17], [sflag:$0x3], $0x800, $0x38;
	[tilespmem:$0x17520] =	vst v63  }
0x289: {  	_ =	swait.ge [sflag:s30], $0x800  }
0x28a: {  	[sflag:s30] =	ssyncset.done $0x0  }
0x28b: {  	s23 =	rddreg [dreg:$0xd];
	[sflag:s30] =	ssyncadd.s32 $0xFFFFF800  }
0x28c: {  	[spmem:s23] =	stream.linear.scatter [tilespmem:s0], [sflag:$0x3], $0x2000, $0x38;
	[tilespmem:$0x17520] =	vst v63  }
0x28d: {  	_ =	swait.ge [sflag:s30], $0x2000  }
0x28e: {  	[sflag:s30] =	ssyncset.done $0x0  }
0x28f: {  	s25 =	rddreg [dreg:$0xe];
	[sflag:s30] =	ssyncadd.s32 $0xFFFFE000  }
0x290: {  	[spmem:s25] =	stream.linear.scatter [tilespmem:s17], [sflag:$0x3], $0x800, $0x38;
	[tilespmem:$0x17520] =	vst v63  }
0x291: {  	_ =	swait.ge [sflag:s30], $0x800  }
0x292: {  	[sflag:s30] =	ssyncset.done $0x0  }
0x293: {  	s26 =	rddreg [dreg:$0xf];
	[sflag:s30] =	ssyncadd.s32 $0xFFFFF800  }
0x294: {  	[spmem:s26] =	stream.linear.scatter [tilespmem:s0], [sflag:$0x3], $0x2000, $0x38;
	[tilespmem:$0x17520] =	vst v63  }
0x295: {  	_ =	swait.ge [sflag:s30], $0x2000  }
0x296: {  	[sflag:s30] =	ssyncset.done $0x0  }
0x297: {  	s31 =	rddreg [dreg:$0x1d];
	[sflag:s30] =	ssyncadd.s32 $0xFFFFE000  }
0x298: {  	[spmem:s31] =	stream.linear.scatter [tilespmem:s17], [sflag:$0x3], $0x800, $0x38;
	[tilespmem:$0x17520] =	vst v63  }
0x299: {  	_ =	swait.ge [sflag:s30], $0x800  }
0x29a: {  	[sflag:s30] =	ssyncset.done $0x0  }
0x29b: {  	[sflag:s30] =	ssyncadd.s32 $0xFFFFF800  }
0x29c: {  	s6 =	simm.s32 $0x0;
	s17 =	simm.s32 $0x100;
	[bflag:$0x0] =	sbarrier.arrive $0xFFFF  }
.LBB2_38:
0x29d: {  	p0 =	sne.s32 s17, $0x4F00;
	[tilespmem:s6+$0x7150] =	vst v0;
	s19 =	smov.u32 s17;
	s17 =	sadd.s32 $0x100, s17  }
.Ltmp18:
0x29e: {  	[tilespmem:s6+$0x7140] =	vst v0;
	(pc) =	sbr.rel @p0 .LBB2_38-.Ltmp18, $3  }
0x29f: {  	[tilespmem:s6+$0x7120] =	vst v0  }
0x2a0: {  	[tilespmem:s6+$0x7130] =	vst v0;
	_ =	sdelay $0x1  }
0x2a1: {  	s6 =	sshra.s32 s19, $0x2  }
0x2a2: {  	[tilespmem:s6+$0x7150] =	vst v0  }
0x2a3: {  	[tilespmem:s6+$0x7140] =	vst v0  }
0x2a4: {  	[tilespmem:s6+$0x7120] =	vst v0  }
0x2a5: {  	[tilespmem:s6+$0x7130] =	vst v0;
	s31 =	simm.s32 $0x2710;
	s23 =	simm.s32 $0x0  }
0x2a6: {  	[spmem:s3] =	stream.indirect.scatter.add.f32 [tilespmem:s29], [sflag:$0x2], $0x40, s31, s28, $0xb8;
	[tilespmem:$0x17520] =	vst v63  }
.LBB2_40:
0x2a7: {  	s6 =	smul.u32 $0x50, s23;
	_ =	sdelay $0x1  }
0x2a8: {  	[tilespmem:s20], [sflag:$0x1] =	stream.indirect.gather [hbm4b:s15+s28], $0x10, s6, s28, $0xb8;
	[tilespmem:$0x17520] =	vst v63  }
0x2a9: {  	s25 =	sadd.s32 $0x2710, s6  }
0x2aa: {  	[tilespmem:s22], [sflag:$0x1] =	stream.indirect.gather [hbm4b:s16+s28], $0x10, s25, s28, $0xb8;
	[tilespmem:$0x17520] =	vst v63  }
0x2ab: {  	_ = 	snop  }
0x2ac: {  	[tilespmem:s24], [sflag:$0x1] =	stream.indirect.gather [hbm4b:s13+s28], $0x40, s6, s28, $0xb8;
	[tilespmem:$0x17520] =	vst v63  }
0x2ad: {  	_ =	swait.ge [sflag:s5], $0x500  }
0x2ae: {  	[sflag:s5] =	ssyncset.done $0x0  }
0x2af: {  	[sflag:s5] =	ssyncadd.s32 $0xFFFFFB00  }
0x2b0: {  	_ =	swait.ge [sflag:s5], $0x500  }
0x2b1: {  	[sflag:s5] =	ssyncset.done $0x0  }
0x2b2: {  	s21 =	simm.s32 $0x0;
	[sflag:s5] =	ssyncadd.s32 $0xFFFFFB00  }
0x2b3: {  	v1 =	vld [tilespmem:s21+$0x4E20]  }
0x2b4: {  	v2 =	vld [tilespmem:s21+$0x5320];
	_ =	sdelay $0x4  }
0x2b5: {  	v1 =	vadd.f32 v2, v1;
	_ =	sdelay $0x1  }
0x2b6: {  	s6 =	simm.s32 $0x10;
	v2 =	vmul.f32 $2.000000030e-01, v1  }
0x2b7: {  	v3 =	vld [tilespmem:s6+$0x4E20]  }
0x2b8: {  	v4 =	vld [tilespmem:s6+$0x5320];
	v1 =	vmax.f32 v1, v2  }
0x2b9: {  	s26 =	simm.s32 $0x20;
	v1 =	vmul.f32 $1.442695020e+00, v1  }
0x2ba: {  	v2 =	vld [tilespmem:s26+$0x4E20]  }
0x2bb: {  	(erf) = vpow2.f32 v1;
	v1 =	vld [tilespmem:s26+$0x5320];
	_ =	sdelay $0x1  }
0x2bc: {  	v3 =	vadd.f32 v4, v3;
	_ =	sdelay $0x1  }
0x2bd: {  	v4 =	vmul.f32 $2.000000030e-01, v3  }
0x2be: {  	v5 =	vadd.f32 v1, v2  }
0x2bf: {  	v1 =	vmax.f32 v3, v4  }
0x2c0: {  	s17 =	simm.s32 $0x30;
	v2 =	vmul.f32 $1.442695020e+00, v1;
	v3 =	vmul.f32 $2.000000030e-01, v5  }
0x2c1: {  	v1 =	vld [tilespmem:s17+$0x4E20]  }
0x2c2: {  	(erf) = vpow2.f32 v2;
	v2 =	vld [tilespmem:s17+$0x5320];
	_ =	sdelay $0x1  }
0x2c3: {  	s19 =	simm.s32 $0x100;
	v4 =	vmax.f32 v5, v3;
	v3 =	vpop (erf)  }
.LBB2_41:
0x2c4: {  	s31 =	sshra.s32 s19, $0x2  }
0x2c5: {  	v4 =	vmul.f32 $1.442695020e+00, v4;
	[tilespmem:s21+$0x5820] =	vst v3;
	s21 =	smov.u32 s6;
	s6 =	smov.u32 s26;
	p0 =	sne.s32 s19, $0x13C0  }
.Ltmp19:
0x2c6: {  	s19 =	sadd.s32 $0x40, s19;
	v3 =	vadd.f32 v2, v1;
	v1 =	vld [tilespmem:s31+$0x4E20];
	(pc) =	sbr.rel @p0 .LBB2_41-.Ltmp19, $3  }
0x2c7: {  	s26 =	smov.u32 s17;
	s17 =	smov.u32 s31;
	v2 =	vld [tilespmem:s31+$0x5320];
	(erf) = vpow2.f32 v4  }
0x2c8: {  	v4 =	vmul.f32 $2.000000030e-01, v3;
	_ =	sdelay $0x1  }
0x2c9: {  	v4 =	vmax.f32 v3, v4;
	v3 =	vpop (erf)  }
0x2ca: {  	_ = 	snop  }
0x2cb: {  	v1 =	vadd.f32 v2, v1;
	_ =	sdelay $0x1  }
0x2cc: {  	v2 =	vmul.f32 $2.000000030e-01, v1;
	_ =	sdelay $0x1  }
0x2cd: {  	v4 =	vmul.f32 $1.442695020e+00, v4;
	v1 =	vmax.f32 v1, v2  }
0x2ce: {  	v1 =	vmul.f32 $1.442695020e+00, v1  }
0x2cf: {  	(erf) = vpow2.f32 v4  }
0x2d0: {  	(erf) = vpow2.f32 v1;
	_ =	sdelay $0x6  }
0x2d1: {  	[tilespmem:s21+$0x5820] =	vst v3;
	v1 =	vpop (erf)  }
0x2d2: {  	[tilespmem:s6+$0x5820] =	vst v1;
	v1 =	vpop (erf)  }
0x2d3: {  	[tilespmem:s26+$0x5820] =	vst v1;
	v1 =	vpop (erf)  }
0x2d4: {  	[tilespmem:s17+$0x5820] =	vst v1  }
0x2d5: {  	_ =	swait.ge [sflag:s5], $0x1400  }
0x2d6: {  	[sflag:s5] =	ssyncset.done $0x0  }
0x2d7: {  	[sflag:s5] =	ssyncadd.s32 $0xFFFFEC00  }
0x2d8: {  	_ =	swait.ge [sflag:s18], $0x1400  }
0x2d9: {  	[sflag:s18] =	ssyncset.done $0x0  }
0x2da: {  	s6 =	simm.s32 $0x0;
	s17 =	simm.s32 $0x5820;
	[sflag:s18] =	ssyncadd.s32 $0xFFFFEC00  }
0x2db: {  	[spmem:s4] =	stream.indirect.scatter.add.f32 [tilespmem:s17], [sflag:$0x1], $0x10, s25, s28, $0xb8;
	[tilespmem:$0x17520] =	vst v63  }
0x2dc: {  	v1 =	vld [tilespmem:s6+$0x5D20]  }
0x2dd: {  	s21 =	simm.s32 $0x100;
	v2 =	vld [tilespmem:s17+$0x0]  }
.LBB2_43:
0x2de: {  	p0 =	sne.s32 s21, $0x4F00;
	v3 =	vld [tilespmem:s6+$0x5D30]  }
0x2df: {  	v4 =	vld [tilespmem:s6+$0x5D40]  }
0x2e0: {  	v5 =	vld [tilespmem:s6+$0x5D50];
	_ =	sdelay $0x1  }
0x2e1: {  	v6 =	vbroadcast v2, $0x0;
	v7 =	vbroadcast v2, $0x1  }
0x2e2: {  	v8 =	vbroadcast v2, $0x2;
	v2 =	vbroadcast v2, $0x3  }
0x2e3: {  	v1 =	vmul.f32 v6, v1;
	v3 =	vmul.f32 v3, v7  }
0x2e4: {  	v4 =	vmul.f32 v4, v8;
	v2 =	vmul.f32 v5, v2  }
.Ltmp20:
0x2e5: {  	[tilespmem:s6+$0x7120] =	vst v1;
	(pc) =	sbr.rel @p0 .LBB2_43-.Ltmp20, $4  }
0x2e6: {  	[tilespmem:s6+$0x7130] =	vst v3  }
0x2e7: {  	s19 =	sshra.s32 s21, $0x2;
	[tilespmem:s6+$0x7140] =	vst v4  }
0x2e8: {  	s17 =	sadd.s32 $0x10, s17;
	v1 =	vld [tilespmem:s19+$0x5D20];
	[tilespmem:s6+$0x7150] =	vst v2;
	s6 =	smov.u32 s19  }
0x2e9: {  	s21 =	sadd.s32 $0x100, s21;
	v2 =	vld [tilespmem:s17+$0x0]  }
0x2ea: {  	_ =	sdelay $0x1  }
0x2eb: {  	v3 =	vld [tilespmem:s6+$0x5D30]  }
0x2ec: {  	v4 =	vld [tilespmem:s6+$0x5D40]  }
0x2ed: {  	v5 =	vld [tilespmem:s6+$0x5D50];
	v6 =	vbroadcast v2, $0x0  }
0x2ee: {  	v7 =	vbroadcast v2, $0x1  }
0x2ef: {  	v8 =	vbroadcast v2, $0x2;
	v1 =	vmul.f32 v6, v1  }
0x2f0: {  	v2 =	vbroadcast v2, $0x3;
	v3 =	vmul.f32 v3, v7  }
0x2f1: {  	v4 =	vmul.f32 v4, v8;
	[tilespmem:s6+$0x7120] =	vst v1  }
0x2f2: {  	s23 =	sadd.s32 $0x1, s23;
	v1 =	vmul.f32 v5, v2;
	[tilespmem:s6+$0x7130] =	vst v3  }
0x2f3: {  	p0 =	sne.s32 s23, $0x7D;
	[tilespmem:s6+$0x7140] =	vst v4  }
.Ltmp21:
0x2f4: {  	[tilespmem:s6+$0x7150] =	vst v1;
	(pc) =	sbr.rel @p0 .LBB2_40-.Ltmp21, $4  }
0x2f5: {  	[spmem:s3] =	stream.indirect.scatter.add.f32 [tilespmem:s29], [sflag:$0x2], $0x40, s25, s28, $0xb8;
	[tilespmem:$0x17520] =	vst v63  }
0x2f6: {  	_ =	swait.ge [sflag:s5], $0x500  }
0x2f7: {  	[sflag:s5] =	ssyncset.done $0x0  }
0x2f8: {  	[sflag:s5] =	ssyncadd.s32 $0xFFFFFB00  }
0x2f9: {  	_ =	swait.ge [sflag:s18], $0x1400  }
0x2fa: {  	[sflag:s18] =	ssyncset.done $0x0  }
0x2fb: {  	[sflag:s18] =	ssyncadd.s32 $0xFFFFEC00  }
0x2fc: {  	[bflag:$0x0] =	sbarrier.arrive $0xFFFF  }
0x2fd: {  	s17 =	sld [smem:$0x7FB]  }
0x2fe: {  	s19 =	sld [smem:$0x7FA];
	_ =	sdelay $0x1  }
0x2ff: {  	s6 =	rddreg [dreg:$0x1e]  }
0x300: {  	[hbm:s6], [sflag:s17] =	dma.local [spmem:s19], $0x1400  }
0x301: {  	_ =	swait.ge [sflag:s30], $0x1400  }
0x302: {  	s31 =	sld [smem:$0x7FC]  }
0x303: {  	[sflag:s30] =	ssyncset.done $0x0  }
0x304: {  	s26 =	rddreg [dreg:$0x18];
	[sflag:s30] =	ssyncadd.s32 $0xFFFFEC00  }
0x305: {  	[hbm:s26], [sflag:s17] =	dma.local [spmem:s31], $0x500  }
0x306: {  	_ =	swait.ge [sflag:s30], $0x500  }
0x307: {  	[sflag:s30] =	ssyncset.done $0x0  }
0x308: {  	[sflag:s30] =	ssyncadd.s32 $0xFFFFFB00  }
0x309: {  	[bflag:$0x0] =	sbarrier.arrive $0xFFFF  }
0x30a: {  	s21 =	rddreg [dreg:$0x7]  }
0x30b: {  	[spmem:s21] =	stream.linear.scatter [tilespmem:s0], [sflag:$0x3], $0x2000, $0x38;
	[tilespmem:$0x17520] =	vst v63  }
0x30c: {  	_ =	swait.ge [sflag:s30], $0x2000  }
0x30d: {  	[sflag:s30] =	ssyncset.done $0x0  }
0x30e: {  	s23 =	rddreg [dreg:$0x9];
	[sflag:s30] =	ssyncadd.s32 $0xFFFFE000  }
0x30f: {  	[spmem:s23] =	stream.linear.scatter [tilespmem:s0], [sflag:$0x3], $0x2000, $0x38;
	[tilespmem:$0x17520] =	vst v63  }
0x310: {  	_ =	swait.ge [sflag:s30], $0x2000  }
0x311: {  	[sflag:s30] =	ssyncset.done $0x0  }
0x312: {  	s25 =	rddreg [dreg:$0xb];
	[sflag:s30] =	ssyncadd.s32 $0xFFFFE000  }
0x313: {  	[spmem:s25] =	stream.linear.scatter [tilespmem:s0], [sflag:$0x3], $0x2000, $0x38;
	[tilespmem:$0x17520] =	vst v63  }
0x314: {  	_ =	swait.ge [sflag:s30], $0x2000  }
0x315: {  	[sflag:s30] =	ssyncset.done $0x0  }
0x316: {  	s26 =	rddreg [dreg:$0xd];
	[sflag:s30] =	ssyncadd.s32 $0xFFFFE000  }
0x317: {  	[spmem:s26] =	stream.linear.scatter [tilespmem:s0], [sflag:$0x3], $0x2000, $0x38;
	[tilespmem:$0x17520] =	vst v63  }
0x318: {  	_ =	swait.ge [sflag:s30], $0x2000  }
0x319: {  	[sflag:s30] =	ssyncset.done $0x0  }
0x31a: {  	s31 =	rddreg [dreg:$0xf];
	[sflag:s30] =	ssyncadd.s32 $0xFFFFE000  }
0x31b: {  	[spmem:s31] =	stream.linear.scatter [tilespmem:s0], [sflag:$0x3], $0x2000, $0x38;
	[tilespmem:$0x17520] =	vst v63  }
0x31c: {  	_ =	swait.ge [sflag:s30], $0x2000  }
0x31d: {  	[sflag:s30] =	ssyncset.done $0x0  }
0x31e: {  	[sflag:s30] =	ssyncadd.s32 $0xFFFFE000  }
0x31f: {  	s6 =	simm.s32 $0x0;
	s17 =	simm.s32 $0x100;
	[bflag:$0x0] =	sbarrier.arrive $0xFFFF  }
.LBB2_46:
0x320: {  	p0 =	sne.s32 s17, $0x4F00;
	[tilespmem:s6+$0x7150] =	vst v0;
	s19 =	smov.u32 s17;
	s17 =	sadd.s32 $0x100, s17  }
.Ltmp22:
0x321: {  	[tilespmem:s6+$0x7140] =	vst v0;
	(pc) =	sbr.rel @p0 .LBB2_46-.Ltmp22, $3  }
0x322: {  	[tilespmem:s6+$0x7120] =	vst v0  }
0x323: {  	[tilespmem:s6+$0x7130] =	vst v0;
	_ =	sdelay $0x1  }
0x324: {  	s6 =	sshra.s32 s19, $0x2  }
0x325: {  	[tilespmem:s6+$0x7150] =	vst v0  }
0x326: {  	[tilespmem:s6+$0x7140] =	vst v0  }
0x327: {  	[tilespmem:s6+$0x7120] =	vst v0  }
0x328: {  	[tilespmem:s6+$0x7130] =	vst v0;
	s31 =	simm.s32 $0x2710;
	s21 =	simm.s32 $0x0  }
0x329: {  	[spmem:s3] =	stream.indirect.scatter.add.f32 [tilespmem:s29], [sflag:$0x2], $0x40, s31, s28, $0xb8;
	[tilespmem:$0x17520] =	vst v63  }
.LBB2_48:
0x32a: {  	s6 =	smul.u32 $0x50, s21;
	_ =	sdelay $0x1  }
0x32b: {  	[tilespmem:s20], [sflag:$0x1] =	stream.indirect.gather [hbm4b:s15+s28], $0x10, s6, s28, $0xb8;
	[tilespmem:$0x17520] =	vst v63  }
0x32c: {  	s23 =	sadd.s32 $0x2710, s6  }
0x32d: {  	[tilespmem:s22], [sflag:$0x1] =	stream.indirect.gather [hbm4b:s16+s28], $0x10, s23, s28, $0xb8;
	[tilespmem:$0x17520] =	vst v63  }
0x32e: {  	_ = 	snop  }
0x32f: {  	[tilespmem:s24], [sflag:$0x1] =	stream.indirect.gather [hbm4b:s14+s28], $0x40, s6, s28, $0xb8;
	[tilespmem:$0x17520] =	vst v63  }
0x330: {  	_ =	swait.ge [sflag:s5], $0x500  }
0x331: {  	[sflag:s5] =	ssyncset.done $0x0  }
0x332: {  	[sflag:s5] =	ssyncadd.s32 $0xFFFFFB00  }
0x333: {  	_ =	swait.ge [sflag:s5], $0x500  }
0x334: {  	[sflag:s5] =	ssyncset.done $0x0  }
0x335: {  	s25 =	simm.s32 $0x0;
	[sflag:s5] =	ssyncadd.s32 $0xFFFFFB00  }
0x336: {  	v1 =	vld [tilespmem:s25+$0x4E20]  }
0x337: {  	v2 =	vld [tilespmem:s25+$0x5320];
	_ =	sdelay $0x4  }
0x338: {  	v1 =	vadd.f32 v2, v1;
	_ =	sdelay $0x1  }
0x339: {  	s6 =	simm.s32 $0x10;
	v2 =	vmul.f32 $2.000000030e-01, v1  }
0x33a: {  	v3 =	vld [tilespmem:s6+$0x4E20]  }
0x33b: {  	v4 =	vld [tilespmem:s6+$0x5320];
	v1 =	vmax.f32 v1, v2  }
0x33c: {  	s26 =	simm.s32 $0x20;
	v1 =	vmul.f32 $1.442695020e+00, v1  }
0x33d: {  	v2 =	vld [tilespmem:s26+$0x4E20]  }
0x33e: {  	(erf) = vpow2.f32 v1;
	v1 =	vld [tilespmem:s26+$0x5320];
	_ =	sdelay $0x1  }
0x33f: {  	v3 =	vadd.f32 v4, v3;
	_ =	sdelay $0x1  }
0x340: {  	v4 =	vmul.f32 $2.000000030e-01, v3  }
0x341: {  	v5 =	vadd.f32 v1, v2  }
0x342: {  	v1 =	vmax.f32 v3, v4  }
0x343: {  	s17 =	simm.s32 $0x30;
	v2 =	vmul.f32 $1.442695020e+00, v1;
	v3 =	vmul.f32 $2.000000030e-01, v5  }
0x344: {  	v1 =	vld [tilespmem:s17+$0x4E20]  }
0x345: {  	(erf) = vpow2.f32 v2;
	v2 =	vld [tilespmem:s17+$0x5320];
	_ =	sdelay $0x1  }
0x346: {  	s19 =	simm.s32 $0x100;
	v4 =	vmax.f32 v5, v3;
	v3 =	vpop (erf)  }
.LBB2_49:
0x347: {  	s31 =	sshra.s32 s19, $0x2  }
0x348: {  	v4 =	vmul.f32 $1.442695020e+00, v4;
	[tilespmem:s25+$0x5820] =	vst v3;
	s25 =	smov.u32 s6;
	s6 =	smov.u32 s26;
	p0 =	sne.s32 s19, $0x13C0  }
.Ltmp23:
0x349: {  	s19 =	sadd.s32 $0x40, s19;
	v3 =	vadd.f32 v2, v1;
	v1 =	vld [tilespmem:s31+$0x4E20];
	(pc) =	sbr.rel @p0 .LBB2_49-.Ltmp23, $3  }
0x34a: {  	s26 =	smov.u32 s17;
	s17 =	smov.u32 s31;
	v2 =	vld [tilespmem:s31+$0x5320];
	(erf) = vpow2.f32 v4  }
0x34b: {  	v4 =	vmul.f32 $2.000000030e-01, v3;
	_ =	sdelay $0x1  }
0x34c: {  	v4 =	vmax.f32 v3, v4;
	v3 =	vpop (erf)  }
0x34d: {  	_ = 	snop  }
0x34e: {  	v1 =	vadd.f32 v2, v1;
	_ =	sdelay $0x1  }
0x34f: {  	v2 =	vmul.f32 $2.000000030e-01, v1;
	_ =	sdelay $0x1  }
0x350: {  	v4 =	vmul.f32 $1.442695020e+00, v4;
	v1 =	vmax.f32 v1, v2  }
0x351: {  	v1 =	vmul.f32 $1.442695020e+00, v1  }
0x352: {  	(erf) = vpow2.f32 v4  }
0x353: {  	(erf) = vpow2.f32 v1;
	_ =	sdelay $0x6  }
0x354: {  	[tilespmem:s25+$0x5820] =	vst v3;
	v1 =	vpop (erf)  }
0x355: {  	[tilespmem:s6+$0x5820] =	vst v1;
	v1 =	vpop (erf)  }
0x356: {  	[tilespmem:s26+$0x5820] =	vst v1;
	v1 =	vpop (erf)  }
0x357: {  	[tilespmem:s17+$0x5820] =	vst v1  }
0x358: {  	_ =	swait.ge [sflag:s5], $0x1400  }
0x359: {  	[sflag:s5] =	ssyncset.done $0x0  }
0x35a: {  	[sflag:s5] =	ssyncadd.s32 $0xFFFFEC00  }
0x35b: {  	_ =	swait.ge [sflag:s18], $0x1400  }
0x35c: {  	[sflag:s18] =	ssyncset.done $0x0  }
0x35d: {  	s6 =	simm.s32 $0x0;
	[sflag:s18] =	ssyncadd.s32 $0xFFFFEC00  }
0x35e: {  	s17 =	simm.s32 $0x5820;
	v1 =	vld [tilespmem:s6+$0x5D20]  }
0x35f: {  	s25 =	simm.s32 $0x100;
	v2 =	vld [tilespmem:s17+$0x0]  }
.LBB2_51:
0x360: {  	p0 =	sne.s32 s25, $0x4F00;
	v3 =	vld [tilespmem:s6+$0x5D30]  }
0x361: {  	v4 =	vld [tilespmem:s6+$0x5D40]  }
0x362: {  	v5 =	vld [tilespmem:s6+$0x5D50];
	_ =	sdelay $0x1  }
0x363: {  	v6 =	vbroadcast v2, $0x4;
	v7 =	vbroadcast v2, $0x5  }
0x364: {  	v8 =	vbroadcast v2, $0x6;
	v2 =	vbroadcast v2, $0x7  }
0x365: {  	v1 =	vmul.f32 v6, v1;
	v3 =	vmul.f32 v3, v7  }
0x366: {  	v4 =	vmul.f32 v4, v8;
	v2 =	vmul.f32 v5, v2  }
.Ltmp24:
0x367: {  	[tilespmem:s6+$0x7120] =	vst v1;
	(pc) =	sbr.rel @p0 .LBB2_51-.Ltmp24, $4  }
0x368: {  	[tilespmem:s6+$0x7130] =	vst v3  }
0x369: {  	s19 =	sshra.s32 s25, $0x2;
	[tilespmem:s6+$0x7140] =	vst v4  }
0x36a: {  	s17 =	sadd.s32 $0x10, s17;
	v1 =	vld [tilespmem:s19+$0x5D20];
	[tilespmem:s6+$0x7150] =	vst v2;
	s6 =	smov.u32 s19  }
0x36b: {  	s25 =	sadd.s32 $0x100, s25;
	v2 =	vld [tilespmem:s17+$0x0]  }
0x36c: {  	_ =	sdelay $0x1  }
0x36d: {  	v3 =	vld [tilespmem:s6+$0x5D30]  }
0x36e: {  	v4 =	vld [tilespmem:s6+$0x5D40]  }
0x36f: {  	v5 =	vld [tilespmem:s6+$0x5D50];
	v6 =	vbroadcast v2, $0x4  }
0x370: {  	v7 =	vbroadcast v2, $0x5  }
0x371: {  	s21 =	sadd.s32 $0x1, s21;
	v8 =	vbroadcast v2, $0x6;
	v1 =	vmul.f32 v6, v1  }
0x372: {  	p0 =	sne.s32 s21, $0x7D;
	v2 =	vbroadcast v2, $0x7;
	v3 =	vmul.f32 v3, v7  }
.Ltmp25:
0x373: {  	v4 =	vmul.f32 v4, v8;
	[tilespmem:s6+$0x7120] =	vst v1;
	(pc) =	sbr.rel @p0 .LBB2_48-.Ltmp25, $4  }
0x374: {  	v1 =	vmul.f32 v5, v2;
	[tilespmem:s6+$0x7130] =	vst v3  }
0x375: {  	[tilespmem:s6+$0x7140] =	vst v4  }
0x376: {  	[tilespmem:s6+$0x7150] =	vst v1  }
0x377: {  	[spmem:s3] =	stream.indirect.scatter.add.f32 [tilespmem:s29], [sflag:$0x2], $0x40, s23, s28, $0xb8;
	[tilespmem:$0x17520] =	vst v63  }
0x378: {  	_ =	swait.ge [sflag:s18], $0x1400  }
0x379: {  	[sflag:s18] =	ssyncset.done $0x0  }
0x37a: {  	[sflag:s18] =	ssyncadd.s32 $0xFFFFEC00  }
0x37b: {  	[bflag:$0x0] =	sbarrier.arrive $0xFFFF  }
0x37c: {  	s17 =	sld [smem:$0x7FB]  }
0x37d: {  	s19 =	sld [smem:$0x7FA];
	_ =	sdelay $0x1  }
0x37e: {  	s6 =	rddreg [dreg:$0x1f]  }
0x37f: {  	[hbm:s6], [sflag:s17] =	dma.local [spmem:s19], $0x1400  }
0x380: {  	_ =	swait.ge [sflag:s30], $0x1400  }
0x381: {  	s31 =	sld [smem:$0x7FD]  }
0x382: {  	s23 =	rddreg [dreg:$0x6]  }
0x383: {  	s23 =	sadd.s32 $0x1, s23  }
0x384: {  	p0 =	sne.s32 s23, s31  }
.Ltmp26:
0x385: {  	_ = 	snop;
	(pc) =	sbr.rel @p0 .LBB2_1-.Ltmp26, $3  }
0x386: {  	[sflag:s30] =	ssyncset.done $0x0  }
0x387: {  	[sflag:s30] =	ssyncadd.s32 $0xFFFFEC00  }
0x388: {  	[bflag:$0x0] =	sbarrier.arrive $0xFFFF;
	_ =	sdelay $0x1  }
0x389: {  	_ =	sfence.sel $0x180000  }
0x38a: {  	[bflag:$0x0] =	sbarrier.arrive $0xFFFF  }
0x38b: {  	_ =	strace $0x90000047  }
0x38c: {  	s0 =	stileid.u32;
	[bflag:$0x2] =	sbarrier.arrive $0xFFFF  }
0x38d: {  	p0 =	sne.s32 s0, $0x0;
	s0 =	rddreg [dreg:$0x5]  }
0x38e: {  	s0 =	sadd.s32 @!p0 $0x100000, s0  }
0x38f: {  	[sflag:s0] =	ssyncadd.tile.s32 @!p0 $0x1;
	_ =	shalt  }
.Lfunc_end2:
_tile_overlayer_lowered:
.L_overlay_start_2:
0x390: {  	(tag) =	ssettag $0x2  }
0x391: {  	s0 =	rddreg [dreg:$0x0];
	s2 =	stileid.u32  }
0x392: {  	s1 =	rddreg [dreg:$0x1];
	p0 =	sne.s32 s2, $0x0  }
0x393: {  	s3 =	rddreg [dreg:$0x2];
	[bflag:$0x3] =	sbarrier.arrive $0xFFFF;
	s2 =	simm.s32 @!p0 $0x1C03  }
0x394: {  	[timem:s3], [sflag:s2] =	dma.local @!p0 [hbm:s0], s1  }
0x395: {  	s0 =	simm.s32 @!p0 $0x3  }
0x396: {  	_ =	swait.ge @!p0 [sflag:s0], s1  }
0x397: {  	s1 =	ssub.s32 @!p0 $0x0, s1;
	[sflag:s0] =	ssyncset.done @!p0 $0x0  }
0x398: {  	[sflag:s0] =	ssyncadd.s32 @!p0 s1  }
0x399: {  	[bflag:$0x3] =	sbarrier.arrive $0xFFFF  }
0x39a: {  	_ =	shalt  }

</sc_bundles>
